<compile_context>
chip_gen: v7x
topology: tpu7x:2x2x1
jax: 0.10.2.dev20260603
libtpu: 0.0.44.dev20260713+nightly
codegen_flags: <defaults>
</compile_context>

<pallas_src>
import functools

import jax
import jax.numpy as jnp
from jax import lax
from jax.experimental import pallas as pl
from jax.experimental.pallas import tpu as pltpu
from jax.experimental.pallas import tpu_sc as plsc

N = 5000
NPAD = 5120
D = 128
NE = 160000
NEPAD = 163840
NC = 2
NS = 16
NW = NC * NS
CH = 128
NCH = NEPAD // (NW * CH)
RT = NPAD // NS
BLK = 128
GRID = NPAD // BLK

_f32 = jnp.float32


@functools.lru_cache(maxsize=None)
def _sc_mesh():
    return plsc.VectorSubcoreMesh(core_axis_name="c", subcore_axis_name="s")


def _hist_body(su_h, du_h, si_h, di_h, ones_h, zeros_h,
               o_su, o_du, o_si, o_di,
               su_v, du_v, si_v, di_v, ones_v,
               sem_0, sem_1,
               h_s):
    cid = lax.axis_index("c")
    sid = lax.axis_index("s")
    wid = cid * NS + sid
    pltpu.sync_copy(su_h.at[wid], su_v)
    pltpu.sync_copy(du_h.at[wid], du_v)
    pltpu.sync_copy(si_h.at[wid], si_v)
    pltpu.sync_copy(di_h.at[wid], di_v)
    pltpu.sync_copy(ones_h, ones_v)
    sems = (sem_0, sem_1)
    for idx_v, out in ((su_v, o_su), (du_v, o_du), (si_v, o_si), (di_v, o_di)):
        pltpu.sync_copy(zeros_h, h_s.at[pl.ds(sid * RT, RT)])
        plsc.subcore_barrier()

        @pl.loop(0, NCH // 2)
        def _outer(t, idx_v=idx_v):
            for p in range(2):
                j = t * 2 + p

                @pl.when(j >= 2)
                def _drain(p=p, j=j, idx_v=idx_v):
                    pltpu.make_async_copy(
                        ones_v, h_s.at[idx_v.at[j - 2]], sems[p]).wait()

                pltpu.async_copy(ones_v, h_s.at[idx_v.at[j]], sems[p],
                                 add=True)

        for p in range(2):
            pltpu.make_async_copy(
                ones_v, h_s.at[idx_v.at[NCH - 2 + p]], sems[p]).wait()
        plsc.subcore_barrier()
        base = cid * NPAD + sid * RT
        pltpu.sync_copy(h_s.at[pl.ds(sid * RT, RT)], out.at[pl.ds(base, RT)])
        plsc.subcore_barrier()


@functools.lru_cache(maxsize=None)
def _hist_kernel():
    return pl.kernel(
        _hist_body,
        out_type=[jax.ShapeDtypeStruct((NC * NPAD, D), _f32)] * 4,
        mesh=_sc_mesh(),
        scratch_types=(
            [pltpu.VMEM((NCH, CH), jnp.int32)] * 4
            + [pltpu.VMEM((CH, D), _f32)]
            + [pltpu.SemaphoreType.DMA] * 2
            + [pltpu.VMEM_SHARED((NPAD, D), _f32)]
        ),
    )


def _hist_call(*args):
    return _hist_kernel()(*args)


def _scatter_body(xnu_h, xni_h, su_h, du_h, si_h, di_h, zeros_h,
                  o_aggi, o_aggu,
                  su_v, du_v, si_v, di_v,
                  buf_0, buf_1, buf_2, buf_3,
                  sg_0, sg_1, sg_2, sg_3,
                  sa_0, sa_1, sa_2, sa_3,
                  agg_s):
    cid = lax.axis_index("c")
    sid = lax.axis_index("s")
    wid = cid * NS + sid
    pltpu.sync_copy(su_h.at[wid], su_v)
    pltpu.sync_copy(du_h.at[wid], du_v)
    pltpu.sync_copy(si_h.at[wid], si_v)
    pltpu.sync_copy(di_h.at[wid], di_v)
    base = cid * NPAD + sid * RT
    bufs = (buf_0, buf_1, buf_2, buf_3)
    sg = (sg_0, sg_1, sg_2, sg_3)
    sa = (sa_0, sa_1, sa_2, sa_3)
    for src_h, sidx_v, didx_v, out in (
        (xnu_h, su_v, du_v, o_aggi),
        (xni_h, si_v, di_v, o_aggu),
    ):
        pltpu.sync_copy(zeros_h, agg_s.at[pl.ds(sid * RT, RT)])
        plsc.subcore_barrier()
        for p0 in range(2):
            pltpu.async_copy(src_h.at[sidx_v.at[p0]], bufs[p0], sg[p0])

        @pl.loop(0, NCH // 4)
        def _outer(t, src_h=src_h, sidx_v=sidx_v, didx_v=didx_v):
            for p in range(4):
                j = t * 4 + p
                q = (p + 2) % 4

                @pl.when(j >= 2)
                def _drain_add(j=j, q=q, didx_v=didx_v):
                    pltpu.make_async_copy(
                        bufs[q], agg_s.at[didx_v.at[j - 2]], sa[q]).wait()

                @pl.when(j + 2 < NCH)
                def _gather(j=j, q=q, src_h=src_h, sidx_v=sidx_v):
                    pltpu.async_copy(src_h.at[sidx_v.at[j + 2]], bufs[q], sg[q])

                pltpu.make_async_copy(
                    src_h.at[sidx_v.at[j]], bufs[p], sg[p]).wait()
                pltpu.async_copy(bufs[p], agg_s.at[didx_v.at[j]], sa[p],
                                 add=True)

        for pe in range(NCH - 2, NCH):
            pltpu.make_async_copy(
                bufs[pe % 4], agg_s.at[didx_v.at[pe]], sa[pe % 4]).wait()
        plsc.subcore_barrier()
        pltpu.sync_copy(agg_s.at[pl.ds(sid * RT, RT)], out.at[pl.ds(base, RT)])
        plsc.subcore_barrier()


@functools.lru_cache(maxsize=None)
def _scatter_kernel():
    return pl.kernel(
        _scatter_body,
        out_type=[jax.ShapeDtypeStruct((NC * NPAD, D), _f32)] * 2,
        mesh=_sc_mesh(),
        scratch_types=(
            [pltpu.VMEM((NCH, CH), jnp.int32)] * 4
            + [pltpu.VMEM((CH, D), _f32)] * 4
            + [pltpu.SemaphoreType.DMA] * 8
            + [pltpu.VMEM_SHARED((NPAD, D), _f32)]
        ),
    )


def _scatter_call(*args):
    return _scatter_kernel()(*args)


def _ln(x, g, b):
    mu = jnp.mean(x, axis=-1, keepdims=True)
    xc = x - mu
    var = jnp.mean(xc * xc, axis=-1, keepdims=True)
    return xc * lax.rsqrt(var + 1e-5) * g + b


def _prep_body(xu, xi, hsu0, hsu1, hdu0, hdu1, hsi0, hsi1, hdi0, hdi1,
               xnu, xni, dsu, ddu, dsi, ddi):
    def dn(h0, h1):
        return lax.rsqrt(jnp.maximum(h0[:, 0:1] + h1[:, 0:1], 1.0))

    a = dn(hsu0[...], hsu1[...])
    c = dn(hsi0[...], hsi1[...])
    dsu[...] = a
    ddu[...] = dn(hdu0[...], hdu1[...])
    dsi[...] = c
    ddi[...] = dn(hdi0[...], hdi1[...])
    xnu[...] = xu[...] * a
    xni[...] = xi[...] * c


def _tc_prep(xu, xi, hsu, hdu, hsi, hdi):
    row = pl.BlockSpec((BLK, D), lambda i: (i, 0))
    hist = pl.BlockSpec((BLK, D), lambda i: (i, 0))
    col = pl.BlockSpec((BLK, 1), lambda i: (i, 0))
    hists = []
    for h in (hsu, hdu, hsi, hdi):
        hists += [h[:NPAD], h[NPAD:]]
    return pl.pallas_call(
        _prep_body,
        grid=(GRID,),
        in_specs=[row, row] + [hist] * 8,
        out_specs=[row, row, col, col, col, col],
        out_shape=[jax.ShapeDtypeStruct((NPAD, D), _f32)] * 2
        + [jax.ShapeDtypeStruct((NPAD, 1), _f32)] * 4,
    )(xu, xi, *hists)


def _mm_body(xu, xi, wui, wiu, yu, yi):
    yu[...] = jnp.dot(xu[...], wui[...], preferred_element_type=_f32,
                      precision=lax.Precision.HIGHEST)
    yi[...] = jnp.dot(xi[...], wiu[...], preferred_element_type=_f32,
                      precision=lax.Precision.HIGHEST)


def _tc_mm(xu, xi, wui, wiu):
    row = pl.BlockSpec((BLK, D), lambda i: (i, 0))
    full = pl.BlockSpec((D, D), lambda i: (0, 0))
    return pl.pallas_call(
        _mm_body,
        grid=(GRID,),
        in_specs=[row, row, full, full],
        out_specs=[row, row],
        out_shape=[jax.ShapeDtypeStruct((NPAD, D), _f32)] * 2,
    )(xu, xi, wui, wiu)


def _mid_body(ai0, ai1, au0, au1, w1ui, w1iu, bui, biu,
              gi, bei, gu, beu, ddu, ddi, dsu, dsi,
              out_u, out_i):
    hi = jnp.maximum((ai0[...] + ai1[...]) * ddu[...] + bui[...], 0.0)
    hi = _ln(hi, gi[...], bei[...])
    hu = jnp.maximum((au0[...] + au1[...]) * ddi[...] + biu[...], 0.0)
    hu = _ln(hu, gu[...], beu[...])
    out_u[...] = jnp.dot(hu * dsu[...], w1ui[...],
                         preferred_element_type=_f32,
                         precision=lax.Precision.HIGHEST)
    out_i[...] = jnp.dot(hi * dsi[...], w1iu[...],
                         preferred_element_type=_f32,
                         precision=lax.Precision.HIGHEST)


def _tc_mid(aggi, aggu, w1ui, w1iu, bui, biu,
            gi, bei, gu, beu, ddu, ddi, dsu, dsi):
    row = pl.BlockSpec((BLK, D), lambda i: (i, 0))
    full = pl.BlockSpec((D, D), lambda i: (0, 0))
    vec = pl.BlockSpec((1, D), lambda i: (0, 0))
    col = pl.BlockSpec((BLK, 1), lambda i: (i, 0))
    return pl.pallas_call(
        _mid_body,
        grid=(GRID,),
        in_specs=[row] * 4 + [full] * 2 + [vec] * 6 + [col] * 4,
        out_specs=[row, row],
        out_shape=[jax.ShapeDtypeStruct((NPAD, D), _f32)] * 2,
    )(aggi[:NPAD], aggi[NPAD:], aggu[:NPAD], aggu[NPAD:],
      w1ui, w1iu, bui, biu, gi, bei, gu, beu, ddu, ddi, dsu, dsi)


def _final_body(ai0, ai1, au0, au1, bui, biu, gi, bei, gu, beu, ddu, ddi,
                out_i, out_u):
    hi = (ai0[...] + ai1[...]) * ddu[...] + bui[...]
    out_i[...] = _ln(hi, gi[...], bei[...])
    hu = (au0[...] + au1[...]) * ddi[...] + biu[...]
    out_u[...] = _ln(hu, gu[...], beu[...])


def _tc_final(aggi, aggu, bui, biu, gi, bei, gu, beu, ddu, ddi):
    row = pl.BlockSpec((BLK, D), lambda i: (i, 0))
    vec = pl.BlockSpec((1, D), lambda i: (0, 0))
    col = pl.BlockSpec((BLK, 1), lambda i: (i, 0))
    return pl.pallas_call(
        _final_body,
        grid=(GRID,),
        in_specs=[row] * 4 + [vec] * 6 + [col] * 2,
        out_specs=[row, row],
        out_shape=[jax.ShapeDtypeStruct((NPAD, D), _f32)] * 2,
    )(aggi[:NPAD], aggi[NPAD:], aggu[:NPAD], aggu[NPAD:],
      bui, biu, gi, bei, gu, beu, ddu, ddi)


def _prep_idx(e):
    pad = N + (jnp.arange(NEPAD - NE, dtype=jnp.int32) % (NPAD - N))
    out = []
    for r in range(2):
        v = jnp.concatenate([e[r].astype(jnp.int32), pad])
        out.append(v.reshape(NW, NCH, CH))
    return out


def kernel(x_user, x_item, eidx_ui, eidx_iu,
           W0_ui, b0_ui, W0_iu, b0_iu, g0_u, be0_u, g0_i, be0_i,
           W1_ui, b1_ui, W1_iu, b1_iu, g1_u, be1_u, g1_i, be1_i):
    su, du = _prep_idx(eidx_ui)
    si, di = _prep_idx(eidx_iu)
    zpad = jnp.zeros((NPAD - N, D), _f32)
    xu = jnp.concatenate([x_user, zpad])
    xi = jnp.concatenate([x_item, zpad])
    ones_h = jnp.ones((CH, D), _f32)
    zeros_d = jnp.zeros((RT, D), _f32)

    h_su, h_du, h_si, h_di = _hist_call(su, du, si, di, ones_h, zeros_d)
    y_u, y_i = _tc_mm(xu, xi, W0_ui, W0_iu)
    xn_u, xn_i, dsu, ddu, dsi, ddi = _tc_prep(y_u, y_i, h_su, h_du, h_si, h_di)

    r2 = lambda v: v.reshape(1, -1)
    aggi, aggu = _scatter_call(xn_u, xn_i, su, du, si, di, zeros_d)
    xn1_u, xn1_i = _tc_mid(
        aggi, aggu, W1_ui, W1_iu, r2(b0_ui), r2(b0_iu),
        r2(g0_i), r2(be0_i), r2(g0_u), r2(be0_u), ddu, ddi, dsu, dsi)

    aggi2, aggu2 = _scatter_call(xn1_u, xn1_i, su, du, si, di, zeros_d)
    hi2, hu2 = _tc_final(
        aggi2, aggu2, r2(b1_ui), r2(b1_iu),
        r2(g1_i), r2(be1_i), r2(g1_u), r2(be1_u), ddu, ddi)

    return hu2[:N], hi2[:N]

# --- scband reference (transcript-rebuilt; emitter-appended) ---
"""Pipeline reference for scband-rgcn-40200893891113 (READ-ONLY COPY).

The authoritative reference and input builder live on the scoring server;
editing this copy changes nothing except your own understanding.
"""

import jax, jax.numpy as jnp
import numpy as np

NU = 5000
NI = 5000
E = 160000
D = 128
H = 128


def setup_inputs(seed: int = 0) -> dict:
    key = jax.random.key(seed)
    ks = jax.random.split(key, 12)
    inp = {}
    inp["x_user"] = jax.random.normal(ks[0], (NU, D), dtype=jnp.float32)
    inp["x_item"] = jax.random.normal(ks[1], (NI, D), dtype=jnp.float32)
    # edge type 'clicks': user -> item ; edge type 'clicked_by': item -> user
    inp["eidx_ui"] = jax.random.randint(ks[2], (2, E), 0, NU, dtype=jnp.int64)
    inp["eidx_iu"] = jax.random.randint(ks[3], (2, E), 0, NI, dtype=jnp.int64)
    # layer 0 GraphConv weights (per etype), DGL GraphConv: weight [in, out], bias [out]
    inp["W0_ui"] = jax.random.normal(ks[4], (D, H), dtype=jnp.float32) * 0.05
    inp["b0_ui"] = jnp.zeros((H,), dtype=jnp.float32)
    inp["W0_iu"] = jax.random.normal(ks[5], (D, H), dtype=jnp.float32) * 0.05
    inp["b0_iu"] = jnp.zeros((H,), dtype=jnp.float32)
    # layer 0 LayerNorm params per ntype
    inp["g0_u"] = jnp.ones((H,), dtype=jnp.float32)
    inp["be0_u"] = jnp.zeros((H,), dtype=jnp.float32)
    inp["g0_i"] = jnp.ones((H,), dtype=jnp.float32)
    inp["be0_i"] = jnp.zeros((H,), dtype=jnp.float32)
    # layer 1 GraphConv weights
    inp["W1_ui"] = jax.random.normal(ks[6], (H, H), dtype=jnp.float32) * 0.05
    inp["b1_ui"] = jnp.zeros((H,), dtype=jnp.float32)
    inp["W1_iu"] = jax.random.normal(ks[7], (H, H), dtype=jnp.float32) * 0.05
    inp["b1_iu"] = jnp.zeros((H,), dtype=jnp.float32)
    # layer 1 LayerNorm params per ntype
    inp["g1_u"] = jnp.ones((H,), dtype=jnp.float32)
    inp["be1_u"] = jnp.zeros((H,), dtype=jnp.float32)
    inp["g1_i"] = jnp.ones((H,), dtype=jnp.float32)
    inp["be1_i"] = jnp.zeros((H,), dtype=jnp.float32)
    return inp


def _gconv(x_src, W, b, src, dst, n_src, n_dst, act):
    # DGL GraphConv with norm='both' on a bipartite relation:
    # h = relu( D_dst^{-1/2} * A * D_src^{-1/2} * (X W) + b )
    deg_out = jnp.clip(jnp.zeros((n_src,), jnp.float32).at[src].add(1.0), 1.0, None)
    deg_in = jnp.clip(jnp.zeros((n_dst,), jnp.float32).at[dst].add(1.0), 1.0, None)
    h = x_src * (deg_out ** -0.5)[:, None]
    h = h @ W
    agg = jnp.zeros((n_dst, h.shape[1]), jnp.float32).at[dst].add(jnp.take(h, src, axis=0))
    out = agg * (deg_in ** -0.5)[:, None] + b
    if act:
        out = jax.nn.relu(out)
    return out


def _ln(x, g, b):
    mu = jnp.mean(x, axis=-1, keepdims=True)
    var = jnp.var(x, axis=-1, keepdims=True)
    return (x - mu) / jnp.sqrt(var + 1e-5) * g + b


def reference(x_user, x_item, eidx_ui, eidx_iu,
              W0_ui, b0_ui, W0_iu, b0_iu, g0_u, be0_u, g0_i, be0_i,
              W1_ui, b1_ui, W1_iu, b1_iu, g1_u, be1_u, g1_i, be1_i):
    su, du = eidx_ui[0], eidx_ui[1]
    si, di = eidx_iu[0], eidx_iu[1]
    # ---- layer 0: HeteroGraphConv (aggregate='sum'), relu activation ----
    hi = _gconv(x_user, W0_ui, b0_ui, su, du, NU, NI, True)   # clicks: user->item
    hu = _gconv(x_item, W0_iu, b0_iu, si, di, NI, NU, True)   # clicked_by: item->user
    # per-ntype LayerNorm
    hu = _ln(hu, g0_u, be0_u)
    hi = _ln(hi, g0_i, be0_i)
    # dropout p=0.0 -> identity
    # ---- layer 1: final layer, no activation ----
    hi2 = _gconv(hu, W1_ui, b1_ui, su, du, NU, NI, False)
    hu2 = _gconv(hi, W1_iu, b1_iu, si, di, NI, NU, False)
    hu2 = _ln(hu2, g1_u, be1_u)
    hi2 = _ln(hi2, g1_i, be1_i)
    return hu2, hi2

if __name__ == "__main__":
    import jax
    _d = setup_inputs()
    print(jax.jit(kernel)(*tuple(_d.values())))

</pallas_src>

<mosaic_0001>
#map = affine_map<(d0, d1) -> (0, 0, 0)>
#map1 = affine_map<(d0, d1) -> (0, 0)>
module attributes {stable_mosaic.version = 14 : i64} {
  func.func @_hist_body(%arg0: i32, %arg1: i32, %arg2: memref<32x40x128xi32, #tpu.memory_space<hbm>>, %arg3: memref<32x40x128xi32, #tpu.memory_space<hbm>>, %arg4: memref<32x40x128xi32, #tpu.memory_space<hbm>>, %arg5: memref<32x40x128xi32, #tpu.memory_space<hbm>>, %arg6: memref<128x128xf32, #tpu.memory_space<hbm>>, %arg7: memref<320x128xf32, #tpu.memory_space<hbm>>, %arg8: memref<10240x128xf32, #tpu.memory_space<hbm>>, %arg9: memref<10240x128xf32, #tpu.memory_space<hbm>>, %arg10: memref<10240x128xf32, #tpu.memory_space<hbm>>, %arg11: memref<10240x128xf32, #tpu.memory_space<hbm>>, %arg12: memref<40x128xi32, #tpu.memory_space<vmem>>, %arg13: memref<40x128xi32, #tpu.memory_space<vmem>>, %arg14: memref<40x128xi32, #tpu.memory_space<vmem>>, %arg15: memref<40x128xi32, #tpu.memory_space<vmem>>, %arg16: memref<128x128xf32, #tpu.memory_space<vmem>>, %arg17: memref<!tpu.dma_semaphore, #tpu.memory_space<semaphore_mem>>, %arg18: memref<!tpu.dma_semaphore, #tpu.memory_space<semaphore_mem>>, %arg19: memref<5120x128xf32, #tpu.memory_space<vmem_shared>>) attributes {dimension_semantics = [#tpu.dimension_semantics<core_parallel>, #tpu.dimension_semantics<subcore_parallel>], iteration_bounds = array<i64: 2, 16>, scalar_prefetch = 0 : i64, scratch_operands = 8 : i64, tpu.core_type = #tpu.core_type<sc_vector_subcore>, window_params = [{transform_indices = #map}, {transform_indices = #map}, {transform_indices = #map}, {transform_indices = #map}, {transform_indices = #map1}, {transform_indices = #map1}, {transform_indices = #map1}, {transform_indices = #map1}, {transform_indices = #map1}, {transform_indices = #map1}]} {
    %mul3A = arith.constant 16 : i32
    %mul3A_0 = arith.muli %arg0, %mul3A : i32
    %add3A = arith.addi %mul3A_0, %arg1 : i32
    "tpu.region"() ({
      %run_scoped3A = tpu.sem_alloc : memref<!tpu.dma_semaphore, #tpu.memory_space<semaphore_mem>>
      %dma_start3A = arith.constant 0 : i32
      %dma_start3A_122 = arith.constant 0 : i32
      %dma_start3A_123 = tpu.memref_slice %arg2[%add3A, %dma_start3A, %dma_start3A_122] : memref<32x40x128xi32, #tpu.memory_space<hbm>> -> memref<1x40x128xi32, #tpu.memory_space<hbm>>
      %dma_start3A_124 = tpu.memref_squeeze %dma_start3A_123 : memref<1x40x128xi32, #tpu.memory_space<hbm>> -> memref<40x128xi32, #tpu.memory_space<hbm>>
      %dma_start3A_125 = arith.constant 0 : i32
      %dma_start3A_126 = arith.constant 0 : i32
      %dma_start3A_127 = tpu.memref_slice %arg2[%add3A, %dma_start3A_125, %dma_start3A_126] : memref<32x40x128xi32, #tpu.memory_space<hbm>> -> memref<1x40x128xi32, #tpu.memory_space<hbm>>
      %dma_start3A_128 = tpu.memref_squeeze %dma_start3A_127 : memref<1x40x128xi32, #tpu.memory_space<hbm>> -> memref<40x128xi32, #tpu.memory_space<hbm>>
      tpu.enqueue_dma source(%dma_start3A_128 : memref<40x128xi32, #tpu.memory_space<hbm>>) target(%arg12 : memref<40x128xi32, #tpu.memory_space<vmem>>) target_semaphore(%run_scoped3A : memref<!tpu.dma_semaphore, #tpu.memory_space<semaphore_mem>>)
      %dma_wait3A_129 = arith.constant 0 : i32
      %dma_wait3A_130 = arith.constant 0 : i32
      %dma_wait3A_131 = tpu.memref_slice %arg2[%add3A, %dma_wait3A_129, %dma_wait3A_130] : memref<32x40x128xi32, #tpu.memory_space<hbm>> -> memref<1x40x128xi32, #tpu.memory_space<hbm>>
      %dma_wait3A_132 = tpu.memref_squeeze %dma_wait3A_131 : memref<1x40x128xi32, #tpu.memory_space<hbm>> -> memref<40x128xi32, #tpu.memory_space<hbm>>
      %dma_wait3A_133 = arith.constant 0 : i32
      %dma_wait3A_134 = arith.constant 0 : i32
      %dma_wait3A_135 = tpu.memref_slice %arg2[%add3A, %dma_wait3A_133, %dma_wait3A_134] : memref<32x40x128xi32, #tpu.memory_space<hbm>> -> memref<1x40x128xi32, #tpu.memory_space<hbm>>
      %dma_wait3A_136 = tpu.memref_squeeze %dma_wait3A_135 : memref<1x40x128xi32, #tpu.memory_space<hbm>> -> memref<40x128xi32, #tpu.memory_space<hbm>>
      tpu.wait_dma2 semaphore(%run_scoped3A : memref<!tpu.dma_semaphore, #tpu.memory_space<semaphore_mem>>) src(%dma_wait3A_136 : memref<40x128xi32, #tpu.memory_space<hbm>>) dst(%arg12 : memref<40x128xi32, #tpu.memory_space<vmem>>)
      tpu.yield
    }) : () -> ()
    "tpu.region"() ({
      %run_scoped3A = tpu.sem_alloc : memref<!tpu.dma_semaphore, #tpu.memory_space<semaphore_mem>>
      %dma_start3A = arith.constant 0 : i32
      %dma_start3A_122 = arith.constant 0 : i32
      %dma_start3A_123 = tpu.memref_slice %arg3[%add3A, %dma_start3A, %dma_start3A_122] : memref<32x40x128xi32, #tpu.memory_space<hbm>> -> memref<1x40x128xi32, #tpu.memory_space<hbm>>
      %dma_start3A_124 = tpu.memref_squeeze %dma_start3A_123 : memref<1x40x128xi32, #tpu.memory_space<hbm>> -> memref<40x128xi32, #tpu.memory_space<hbm>>
      %dma_start3A_125 = arith.constant 0 : i32
      %dma_start3A_126 = arith.constant 0 : i32
      %dma_start3A_127 = tpu.memref_slice %arg3[%add3A, %dma_start3A_125, %dma_start3A_126] : memref<32x40x128xi32, #tpu.memory_space<hbm>> -> memref<1x40x128xi32, #tpu.memory_space<hbm>>
      %dma_start3A_128 = tpu.memref_squeeze %dma_start3A_127 : memref<1x40x128xi32, #tpu.memory_space<hbm>> -> memref<40x128xi32, #tpu.memory_space<hbm>>
      tpu.enqueue_dma source(%dma_start3A_128 : memref<40x128xi32, #tpu.memory_space<hbm>>) target(%arg13 : memref<40x128xi32, #tpu.memory_space<vmem>>) target_semaphore(%run_scoped3A : memref<!tpu.dma_semaphore, #tpu.memory_space<semaphore_mem>>)
      %dma_wait3A_129 = arith.constant 0 : i32
      %dma_wait3A_130 = arith.constant 0 : i32
      %dma_wait3A_131 = tpu.memref_slice %arg3[%add3A, %dma_wait3A_129, %dma_wait3A_130] : memref<32x40x128xi32, #tpu.memory_space<hbm>> -> memref<1x40x128xi32, #tpu.memory_space<hbm>>
      %dma_wait3A_132 = tpu.memref_squeeze %dma_wait3A_131 : memref<1x40x128xi32, #tpu.memory_space<hbm>> -> memref<40x128xi32, #tpu.memory_space<hbm>>
      %dma_wait3A_133 = arith.constant 0 : i32
      %dma_wait3A_134 = arith.constant 0 : i32
      %dma_wait3A_135 = tpu.memref_slice %arg3[%add3A, %dma_wait3A_133, %dma_wait3A_134] : memref<32x40x128xi32, #tpu.memory_space<hbm>> -> memref<1x40x128xi32, #tpu.memory_space<hbm>>
      %dma_wait3A_136 = tpu.memref_squeeze %dma_wait3A_135 : memref<1x40x128xi32, #tpu.memory_space<hbm>> -> memref<40x128xi32, #tpu.memory_space<hbm>>
      tpu.wait_dma2 semaphore(%run_scoped3A : memref<!tpu.dma_semaphore, #tpu.memory_space<semaphore_mem>>) src(%dma_wait3A_136 : memref<40x128xi32, #tpu.memory_space<hbm>>) dst(%arg13 : memref<40x128xi32, #tpu.memory_space<vmem>>)
      tpu.yield
    }) : () -> ()
    "tpu.region"() ({
      %run_scoped3A = tpu.sem_alloc : memref<!tpu.dma_semaphore, #tpu.memory_space<semaphore_mem>>
      %dma_start3A = arith.constant 0 : i32
      %dma_start3A_122 = arith.constant 0 : i32
      %dma_start3A_123 = tpu.memref_slice %arg4[%add3A, %dma_start3A, %dma_start3A_122] : memref<32x40x128xi32, #tpu.memory_space<hbm>> -> memref<1x40x128xi32, #tpu.memory_space<hbm>>
      %dma_start3A_124 = tpu.memref_squeeze %dma_start3A_123 : memref<1x40x128xi32, #tpu.memory_space<hbm>> -> memref<40x128xi32, #tpu.memory_space<hbm>>
      %dma_start3A_125 = arith.constant 0 : i32
      %dma_start3A_126 = arith.constant 0 : i32
      %dma_start3A_127 = tpu.memref_slice %arg4[%add3A, %dma_start3A_125, %dma_start3A_126] : memref<32x40x128xi32, #tpu.memory_space<hbm>> -> memref<1x40x128xi32, #tpu.memory_space<hbm>>
      %dma_start3A_128 = tpu.memref_squeeze %dma_start3A_127 : memref<1x40x128xi32, #tpu.memory_space<hbm>> -> memref<40x128xi32, #tpu.memory_space<hbm>>
      tpu.enqueue_dma source(%dma_start3A_128 : memref<40x128xi32, #tpu.memory_space<hbm>>) target(%arg14 : memref<40x128xi32, #tpu.memory_space<vmem>>) target_semaphore(%run_scoped3A : memref<!tpu.dma_semaphore, #tpu.memory_space<semaphore_mem>>)
      %dma_wait3A_129 = arith.constant 0 : i32
      %dma_wait3A_130 = arith.constant 0 : i32
      %dma_wait3A_131 = tpu.memref_slice %arg4[%add3A, %dma_wait3A_129, %dma_wait3A_130] : memref<32x40x128xi32, #tpu.memory_space<hbm>> -> memref<1x40x128xi32, #tpu.memory_space<hbm>>
      %dma_wait3A_132 = tpu.memref_squeeze %dma_wait3A_131 : memref<1x40x128xi32, #tpu.memory_space<hbm>> -> memref<40x128xi32, #tpu.memory_space<hbm>>
      %dma_wait3A_133 = arith.constant 0 : i32
      %dma_wait3A_134 = arith.constant 0 : i32
      %dma_wait3A_135 = tpu.memref_slice %arg4[%add3A, %dma_wait3A_133, %dma_wait3A_134] : memref<32x40x128xi32, #tpu.memory_space<hbm>> -> memref<1x40x128xi32, #tpu.memory_space<hbm>>
      %dma_wait3A_136 = tpu.memref_squeeze %dma_wait3A_135 : memref<1x40x128xi32, #tpu.memory_space<hbm>> -> memref<40x128xi32, #tpu.memory_space<hbm>>
      tpu.wait_dma2 semaphore(%run_scoped3A : memref<!tpu.dma_semaphore, #tpu.memory_space<semaphore_mem>>) src(%dma_wait3A_136 : memref<40x128xi32, #tpu.memory_space<hbm>>) dst(%arg14 : memref<40x128xi32, #tpu.memory_space<vmem>>)
      tpu.yield
    }) : () -> ()
    "tpu.region"() ({
      %run_scoped3A = tpu.sem_alloc : memref<!tpu.dma_semaphore, #tpu.memory_space<semaphore_mem>>
      %dma_start3A = arith.constant 0 : i32
      %dma_start3A_122 = arith.constant 0 : i32
      %dma_start3A_123 = tpu.memref_slice %arg5[%add3A, %dma_start3A, %dma_start3A_122] : memref<32x40x128xi32, #tpu.memory_space<hbm>> -> memref<1x40x128xi32, #tpu.memory_space<hbm>>
      %dma_start3A_124 = tpu.memref_squeeze %dma_start3A_123 : memref<1x40x128xi32, #tpu.memory_space<hbm>> -> memref<40x128xi32, #tpu.memory_space<hbm>>
      %dma_start3A_125 = arith.constant 0 : i32
      %dma_start3A_126 = arith.constant 0 : i32
      %dma_start3A_127 = tpu.memref_slice %arg5[%add3A, %dma_start3A_125, %dma_start3A_126] : memref<32x40x128xi32, #tpu.memory_space<hbm>> -> memref<1x40x128xi32, #tpu.memory_space<hbm>>
      %dma_start3A_128 = tpu.memref_squeeze %dma_start3A_127 : memref<1x40x128xi32, #tpu.memory_space<hbm>> -> memref<40x128xi32, #tpu.memory_space<hbm>>
      tpu.enqueue_dma source(%dma_start3A_128 : memref<40x128xi32, #tpu.memory_space<hbm>>) target(%arg15 : memref<40x128xi32, #tpu.memory_space<vmem>>) target_semaphore(%run_scoped3A : memref<!tpu.dma_semaphore, #tpu.memory_space<semaphore_mem>>)
      %dma_wait3A_129 = arith.constant 0 : i32
      %dma_wait3A_130 = arith.constant 0 : i32
      %dma_wait3A_131 = tpu.memref_slice %arg5[%add3A, %dma_wait3A_129, %dma_wait3A_130] : memref<32x40x128xi32, #tpu.memory_space<hbm>> -> memref<1x40x128xi32, #tpu.memory_space<hbm>>
      %dma_wait3A_132 = tpu.memref_squeeze %dma_wait3A_131 : memref<1x40x128xi32, #tpu.memory_space<hbm>> -> memref<40x128xi32, #tpu.memory_space<hbm>>
      %dma_wait3A_133 = arith.constant 0 : i32
      %dma_wait3A_134 = arith.constant 0 : i32
      %dma_wait3A_135 = tpu.memref_slice %arg5[%add3A, %dma_wait3A_133, %dma_wait3A_134] : memref<32x40x128xi32, #tpu.memory_space<hbm>> -> memref<1x40x128xi32, #tpu.memory_space<hbm>>
      %dma_wait3A_136 = tpu.memref_squeeze %dma_wait3A_135 : memref<1x40x128xi32, #tpu.memory_space<hbm>> -> memref<40x128xi32, #tpu.memory_space<hbm>>
      tpu.wait_dma2 semaphore(%run_scoped3A : memref<!tpu.dma_semaphore, #tpu.memory_space<semaphore_mem>>) src(%dma_wait3A_136 : memref<40x128xi32, #tpu.memory_space<hbm>>) dst(%arg15 : memref<40x128xi32, #tpu.memory_space<vmem>>)
      tpu.yield
    }) : () -> ()
    "tpu.region"() ({
      %run_scoped3A = tpu.sem_alloc : memref<!tpu.dma_semaphore, #tpu.memory_space<semaphore_mem>>
      tpu.enqueue_dma source(%arg6 : memref<128x128xf32, #tpu.memory_space<hbm>>) target(%arg16 : memref<128x128xf32, #tpu.memory_space<vmem>>) target_semaphore(%run_scoped3A : memref<!tpu.dma_semaphore, #tpu.memory_space<semaphore_mem>>)
      tpu.wait_dma2 semaphore(%run_scoped3A : memref<!tpu.dma_semaphore, #tpu.memory_space<semaphore_mem>>) src(%arg6 : memref<128x128xf32, #tpu.memory_space<hbm>>) dst(%arg16 : memref<128x128xf32, #tpu.memory_space<vmem>>)
      tpu.yield
    }) : () -> ()
    %mul3A_1 = arith.constant 320 : i32
    %mul3A_2 = arith.muli %arg1, %mul3A_1 : i32
    "tpu.region"() ({
      %run_scoped3A = tpu.sem_alloc : memref<!tpu.dma_semaphore, #tpu.memory_space<semaphore_mem>>
      %dma_start3A = arith.constant 0 : i32
      %dma_start3A_122 = tpu.memref_slice %arg19[%mul3A_2, %dma_start3A] : memref<5120x128xf32, #tpu.memory_space<vmem_shared>> -> memref<320x128xf32, #tpu.memory_space<vmem_shared>>
      tpu.enqueue_dma source(%arg7 : memref<320x128xf32, #tpu.memory_space<hbm>>) target(%dma_start3A_122 : memref<320x128xf32, #tpu.memory_space<vmem_shared>>) target_semaphore(%run_scoped3A : memref<!tpu.dma_semaphore, #tpu.memory_space<semaphore_mem>>)
      %dma_wait3A_123 = arith.constant 0 : i32
      %dma_wait3A_124 = tpu.memref_slice %arg19[%mul3A_2, %dma_wait3A_123] : memref<5120x128xf32, #tpu.memory_space<vmem_shared>> -> memref<320x128xf32, #tpu.memory_space<vmem_shared>>
      tpu.wait_dma2 semaphore(%run_scoped3A : memref<!tpu.dma_semaphore, #tpu.memory_space<semaphore_mem>>) src(%arg7 : memref<320x128xf32, #tpu.memory_space<hbm>>) dst(%dma_wait3A_124 : memref<320x128xf32, #tpu.memory_space<vmem_shared>>)
      tpu.yield
    }) : () -> ()
    %barrier3A = arith.constant 0 : index
    tpu.barrier barrier_id(%barrier3A)
    %scan3A = arith.constant 0 : i32
    %scan3A_3 = arith.constant 20 : i32
    %scan3A_4 = arith.addi %scan3A, %scan3A_3 : i32
    %scan3A_5 = arith.constant 1 : i32
    scf.for %scan3A_122 = %scan3A to %scan3A_4 step %scan3A_5  : i32 {
      %mul3A_123 = arith.constant 1 : i32
      %mul3A_124 = arith.muli %scan3A_122, %mul3A_123 : i32
      %add3A_125 = arith.constant 0 : i32
      %add3A_126 = arith.addi %add3A_125, %mul3A_124 : i32
      %mul3A_127 = arith.constant 2 : i32
      %mul3A_128 = arith.muli %add3A_126, %mul3A_127 : i32
      %add3A_129 = arith.constant 0 : i32
      %add3A_130 = arith.addi %mul3A_128, %add3A_129 : i32
      %ge3A = arith.constant 2 : i32
      %ge3A_131 = arith.cmpi sge, %add3A_130, %ge3A : i32
      %convert_element_type3A = arith.extui %ge3A_131 : i1 to i32
      %cond3A = arith.constant 0 : i32
      %cond3A_132 = arith.cmpi ne, %convert_element_type3A, %cond3A : i32
      scf.if %cond3A_132 {
        %sub3A = arith.constant 2 : i32
        %sub3A_153 = arith.subi %add3A_130, %sub3A : i32
        %dma_wait3A_154 = arith.constant 0 : i32
        %dma_wait3A_155 = tpu.memref_slice %arg12[%sub3A_153, %dma_wait3A_154] : memref<40x128xi32, #tpu.memory_space<vmem>> -> memref<1x128xi32, #tpu.memory_space<vmem>>
        %dma_wait3A_156 = tpu.memref_squeeze %dma_wait3A_155 : memref<1x128xi32, #tpu.memory_space<vmem>> -> memref<128xi32, #tpu.memory_space<vmem>>
        %dma_wait3A_157 = arith.constant 0 : i32
        %dma_wait3A_158 = arith.constant 0 : i32
        %dma_wait3A_159 = tpu.memref_slice %arg19[%dma_wait3A_157, %dma_wait3A_158] : memref<5120x128xf32, #tpu.memory_space<vmem_shared>> -> memref<5120x128xf32, #tpu.memory_space<vmem_shared>>
        tpu.wait_indirect_dma semaphore(%arg17 : memref<!tpu.dma_semaphore, #tpu.memory_space<semaphore_mem>>) src(%arg16 : memref<128x128xf32, #tpu.memory_space<vmem>>) dst(%dma_wait3A_159 : memref<5120x128xf32, #tpu.memory_space<vmem_shared>>)
      } else {
      }
      %dma_start3A = arith.constant 0 : i32
      %dma_start3A_133 = tpu.memref_slice %arg12[%add3A_130, %dma_start3A] : memref<40x128xi32, #tpu.memory_space<vmem>> -> memref<1x128xi32, #tpu.memory_space<vmem>>
      %dma_start3A_134 = tpu.memref_squeeze %dma_start3A_133 : memref<1x128xi32, #tpu.memory_space<vmem>> -> memref<128xi32, #tpu.memory_space<vmem>>
      %dma_start3A_135 = arith.constant 0 : i32
      %dma_start3A_136 = arith.constant 0 : i32
      %dma_start3A_137 = tpu.memref_slice %arg19[%dma_start3A_135, %dma_start3A_136] : memref<5120x128xf32, #tpu.memory_space<vmem_shared>> -> memref<5120x128xf32, #tpu.memory_space<vmem_shared>>
      tpu.enqueue_indirect_dma source(%arg16 : memref<128x128xf32, #tpu.memory_space<vmem>>) target(%dma_start3A_137 : memref<5120x128xf32, #tpu.memory_space<vmem_shared>>) offsets(%dma_start3A_134 : memref<128xi32, #tpu.memory_space<vmem>>) semaphore(%arg17 : memref<!tpu.dma_semaphore, #tpu.memory_space<semaphore_mem>>) {add = true}
      %mul3A_138 = arith.constant 2 : i32
      %mul3A_139 = arith.muli %add3A_126, %mul3A_138 : i32
      %add3A_140 = arith.constant 1 : i32
      %add3A_141 = arith.addi %mul3A_139, %add3A_140 : i32
      %ge3A_142 = arith.constant 2 : i32
      %ge3A_143 = arith.cmpi sge, %add3A_141, %ge3A_142 : i32
      %convert_element_type3A_144 = arith.extui %ge3A_143 : i1 to i32
      %cond3A_145 = arith.constant 0 : i32
      %cond3A_146 = arith.cmpi ne, %convert_element_type3A_144, %cond3A_145 : i32
      scf.if %cond3A_146 {
        %sub3A = arith.constant 2 : i32
        %sub3A_153 = arith.subi %add3A_141, %sub3A : i32
        %dma_wait3A_154 = arith.constant 0 : i32
        %dma_wait3A_155 = tpu.memref_slice %arg12[%sub3A_153, %dma_wait3A_154] : memref<40x128xi32, #tpu.memory_space<vmem>> -> memref<1x128xi32, #tpu.memory_space<vmem>>
        %dma_wait3A_156 = tpu.memref_squeeze %dma_wait3A_155 : memref<1x128xi32, #tpu.memory_space<vmem>> -> memref<128xi32, #tpu.memory_space<vmem>>
        %dma_wait3A_157 = arith.constant 0 : i32
        %dma_wait3A_158 = arith.constant 0 : i32
        %dma_wait3A_159 = tpu.memref_slice %arg19[%dma_wait3A_157, %dma_wait3A_158] : memref<5120x128xf32, #tpu.memory_space<vmem_shared>> -> memref<5120x128xf32, #tpu.memory_space<vmem_shared>>
        tpu.wait_indirect_dma semaphore(%arg18 : memref<!tpu.dma_semaphore, #tpu.memory_space<semaphore_mem>>) src(%arg16 : memref<128x128xf32, #tpu.memory_space<vmem>>) dst(%dma_wait3A_159 : memref<5120x128xf32, #tpu.memory_space<vmem_shared>>)
      } else {
      }
      %dma_start3A_147 = arith.constant 0 : i32
      %dma_start3A_148 = tpu.memref_slice %arg12[%add3A_141, %dma_start3A_147] : memref<40x128xi32, #tpu.memory_space<vmem>> -> memref<1x128xi32, #tpu.memory_space<vmem>>
      %dma_start3A_149 = tpu.memref_squeeze %dma_start3A_148 : memref<1x128xi32, #tpu.memory_space<vmem>> -> memref<128xi32, #tpu.memory_space<vmem>>
      %dma_start3A_150 = arith.constant 0 : i32
      %dma_start3A_151 = arith.constant 0 : i32
      %dma_start3A_152 = tpu.memref_slice %arg19[%dma_start3A_150, %dma_start3A_151] : memref<5120x128xf32, #tpu.memory_space<vmem_shared>> -> memref<5120x128xf32, #tpu.memory_space<vmem_shared>>
      tpu.enqueue_indirect_dma source(%arg16 : memref<128x128xf32, #tpu.memory_space<vmem>>) target(%dma_start3A_152 : memref<5120x128xf32, #tpu.memory_space<vmem_shared>>) offsets(%dma_start3A_149 : memref<128xi32, #tpu.memory_space<vmem>>) semaphore(%arg18 : memref<!tpu.dma_semaphore, #tpu.memory_space<semaphore_mem>>) {add = true}
    }
    %scan3A_6 = arith.constant 20 : i32
    %dma_wait3A = arith.constant 38 : i32
    %dma_wait3A_7 = arith.constant 0 : i32
    %dma_wait3A_8 = tpu.memref_slice %arg12[%dma_wait3A, %dma_wait3A_7] : memref<40x128xi32, #tpu.memory_space<vmem>> -> memref<1x128xi32, #tpu.memory_space<vmem>>
    %dma_wait3A_9 = tpu.memref_squeeze %dma_wait3A_8 : memref<1x128xi32, #tpu.memory_space<vmem>> -> memref<128xi32, #tpu.memory_space<vmem>>
    %dma_wait3A_10 = arith.constant 0 : i32
    %dma_wait3A_11 = arith.constant 0 : i32
    %dma_wait3A_12 = tpu.memref_slice %arg19[%dma_wait3A_10, %dma_wait3A_11] : memref<5120x128xf32, #tpu.memory_space<vmem_shared>> -> memref<5120x128xf32, #tpu.memory_space<vmem_shared>>
    tpu.wait_indirect_dma semaphore(%arg17 : memref<!tpu.dma_semaphore, #tpu.memory_space<semaphore_mem>>) src(%arg16 : memref<128x128xf32, #tpu.memory_space<vmem>>) dst(%dma_wait3A_12 : memref<5120x128xf32, #tpu.memory_space<vmem_shared>>)
    %dma_wait3A_13 = arith.constant 39 : i32
    %dma_wait3A_14 = arith.constant 0 : i32
    %dma_wait3A_15 = tpu.memref_slice %arg12[%dma_wait3A_13, %dma_wait3A_14] : memref<40x128xi32, #tpu.memory_space<vmem>> -> memref<1x128xi32, #tpu.memory_space<vmem>>
    %dma_wait3A_16 = tpu.memref_squeeze %dma_wait3A_15 : memref<1x128xi32, #tpu.memory_space<vmem>> -> memref<128xi32, #tpu.memory_space<vmem>>
    %dma_wait3A_17 = arith.constant 0 : i32
    %dma_wait3A_18 = arith.constant 0 : i32
    %dma_wait3A_19 = tpu.memref_slice %arg19[%dma_wait3A_17, %dma_wait3A_18] : memref<5120x128xf32, #tpu.memory_space<vmem_shared>> -> memref<5120x128xf32, #tpu.memory_space<vmem_shared>>
    tpu.wait_indirect_dma semaphore(%arg18 : memref<!tpu.dma_semaphore, #tpu.memory_space<semaphore_mem>>) src(%arg16 : memref<128x128xf32, #tpu.memory_space<vmem>>) dst(%dma_wait3A_19 : memref<5120x128xf32, #tpu.memory_space<vmem_shared>>)
    %barrier3A_20 = arith.constant 0 : index
    tpu.barrier barrier_id(%barrier3A_20)
    %mul3A_21 = arith.constant 5120 : i32
    %mul3A_22 = arith.muli %arg0, %mul3A_21 : i32
    %mul3A_23 = arith.constant 320 : i32
    %mul3A_24 = arith.muli %arg1, %mul3A_23 : i32
    %add3A_25 = arith.addi %mul3A_22, %mul3A_24 : i32
    %mul3A_26 = arith.constant 320 : i32
    %mul3A_27 = arith.muli %arg1, %mul3A_26 : i32
    "tpu.region"() ({
      %run_scoped3A = tpu.sem_alloc : memref<!tpu.dma_semaphore, #tpu.memory_space<semaphore_mem>>
      %dma_start3A = arith.constant 0 : i32
      %dma_start3A_122 = tpu.memref_slice %arg8[%add3A_25, %dma_start3A] : memref<10240x128xf32, #tpu.memory_space<hbm>> -> memref<320x128xf32, #tpu.memory_space<hbm>>
      %dma_start3A_123 = arith.constant 0 : i32
      %dma_start3A_124 = tpu.memref_slice %arg19[%mul3A_27, %dma_start3A_123] : memref<5120x128xf32, #tpu.memory_space<vmem_shared>> -> memref<320x128xf32, #tpu.memory_space<vmem_shared>>
      tpu.enqueue_dma source(%dma_start3A_124 : memref<320x128xf32, #tpu.memory_space<vmem_shared>>) target(%dma_start3A_122 : memref<320x128xf32, #tpu.memory_space<hbm>>) target_semaphore(%run_scoped3A : memref<!tpu.dma_semaphore, #tpu.memory_space<semaphore_mem>>)
      %dma_wait3A_125 = arith.constant 0 : i32
      %dma_wait3A_126 = tpu.memref_slice %arg8[%add3A_25, %dma_wait3A_125] : memref<10240x128xf32, #tpu.memory_space<hbm>> -> memref<320x128xf32, #tpu.memory_space<hbm>>
      %dma_wait3A_127 = arith.constant 0 : i32
      %dma_wait3A_128 = tpu.memref_slice %arg19[%mul3A_27, %dma_wait3A_127] : memref<5120x128xf32, #tpu.memory_space<vmem_shared>> -> memref<320x128xf32, #tpu.memory_space<vmem_shared>>
      tpu.wait_dma2 semaphore(%run_scoped3A : memref<!tpu.dma_semaphore, #tpu.memory_space<semaphore_mem>>) src(%dma_wait3A_128 : memref<320x128xf32, #tpu.memory_space<vmem_shared>>) dst(%dma_wait3A_126 : memref<320x128xf32, #tpu.memory_space<hbm>>)
      tpu.yield
    }) : () -> ()
    %barrier3A_28 = arith.constant 0 : index
    tpu.barrier barrier_id(%barrier3A_28)
    %mul3A_29 = arith.constant 320 : i32
    %mul3A_30 = arith.muli %arg1, %mul3A_29 : i32
    "tpu.region"() ({
      %run_scoped3A = tpu.sem_alloc : memref<!tpu.dma_semaphore, #tpu.memory_space<semaphore_mem>>
      %dma_start3A = arith.constant 0 : i32
      %dma_start3A_122 = tpu.memref_slice %arg19[%mul3A_30, %dma_start3A] : memref<5120x128xf32, #tpu.memory_space<vmem_shared>> -> memref<320x128xf32, #tpu.memory_space<vmem_shared>>
      tpu.enqueue_dma source(%arg7 : memref<320x128xf32, #tpu.memory_space<hbm>>) target(%dma_start3A_122 : memref<320x128xf32, #tpu.memory_space<vmem_shared>>) target_semaphore(%run_scoped3A : memref<!tpu.dma_semaphore, #tpu.memory_space<semaphore_mem>>)
      %dma_wait3A_123 = arith.constant 0 : i32
      %dma_wait3A_124 = tpu.memref_slice %arg19[%mul3A_30, %dma_wait3A_123] : memref<5120x128xf32, #tpu.memory_space<vmem_shared>> -> memref<320x128xf32, #tpu.memory_space<vmem_shared>>
      tpu.wait_dma2 semaphore(%run_scoped3A : memref<!tpu.dma_semaphore, #tpu.memory_space<semaphore_mem>>) src(%arg7 : memref<320x128xf32, #tpu.memory_space<hbm>>) dst(%dma_wait3A_124 : memref<320x128xf32, #tpu.memory_space<vmem_shared>>)
      tpu.yield
    }) : () -> ()
    %barrier3A_31 = arith.constant 0 : index
    tpu.barrier barrier_id(%barrier3A_31)
    %scan3A_32 = arith.constant 0 : i32
    %scan3A_33 = arith.constant 20 : i32
    %scan3A_34 = arith.addi %scan3A_32, %scan3A_33 : i32
    %scan3A_35 = arith.constant 1 : i32
    scf.for %scan3A_122 = %scan3A_32 to %scan3A_34 step %scan3A_35  : i32 {
      %mul3A_123 = arith.constant 1 : i32
      %mul3A_124 = arith.muli %scan3A_122, %mul3A_123 : i32
      %add3A_125 = arith.constant 0 : i32
      %add3A_126 = arith.addi %add3A_125, %mul3A_124 : i32
      %mul3A_127 = arith.constant 2 : i32
      %mul3A_128 = arith.muli %add3A_126, %mul3A_127 : i32
      %add3A_129 = arith.constant 0 : i32
      %add3A_130 = arith.addi %mul3A_128, %add3A_129 : i32
      %ge3A = arith.constant 2 : i32
      %ge3A_131 = arith.cmpi sge, %add3A_130, %ge3A : i32
      %convert_element_type3A = arith.extui %ge3A_131 : i1 to i32
      %cond3A = arith.constant 0 : i32
      %cond3A_132 = arith.cmpi ne, %convert_element_type3A, %cond3A : i32
      scf.if %cond3A_132 {
        %sub3A = arith.constant 2 : i32
        %sub3A_153 = arith.subi %add3A_130, %sub3A : i32
        %dma_wait3A_154 = arith.constant 0 : i32
        %dma_wait3A_155 = tpu.memref_slice %arg13[%sub3A_153, %dma_wait3A_154] : memref<40x128xi32, #tpu.memory_space<vmem>> -> memref<1x128xi32, #tpu.memory_space<vmem>>
        %dma_wait3A_156 = tpu.memref_squeeze %dma_wait3A_155 : memref<1x128xi32, #tpu.memory_space<vmem>> -> memref<128xi32, #tpu.memory_space<vmem>>
        %dma_wait3A_157 = arith.constant 0 : i32
        %dma_wait3A_158 = arith.constant 0 : i32
        %dma_wait3A_159 = tpu.memref_slice %arg19[%dma_wait3A_157, %dma_wait3A_158] : memref<5120x128xf32, #tpu.memory_space<vmem_shared>> -> memref<5120x128xf32, #tpu.memory_space<vmem_shared>>
        tpu.wait_indirect_dma semaphore(%arg17 : memref<!tpu.dma_semaphore, #tpu.memory_space<semaphore_mem>>) src(%arg16 : memref<128x128xf32, #tpu.memory_space<vmem>>) dst(%dma_wait3A_159 : memref<5120x128xf32, #tpu.memory_space<vmem_shared>>)
      } else {
      }
      %dma_start3A = arith.constant 0 : i32
      %dma_start3A_133 = tpu.memref_slice %arg13[%add3A_130, %dma_start3A] : memref<40x128xi32, #tpu.memory_space<vmem>> -> memref<1x128xi32, #tpu.memory_space<vmem>>
      %dma_start3A_134 = tpu.memref_squeeze %dma_start3A_133 : memref<1x128xi32, #tpu.memory_space<vmem>> -> memref<128xi32, #tpu.memory_space<vmem>>
      %dma_start3A_135 = arith.constant 0 : i32
      %dma_start3A_136 = arith.constant 0 : i32
      %dma_start3A_137 = tpu.memref_slice %arg19[%dma_start3A_135, %dma_start3A_136] : memref<5120x128xf32, #tpu.memory_space<vmem_shared>> -> memref<5120x128xf32, #tpu.memory_space<vmem_shared>>
      tpu.enqueue_indirect_dma source(%arg16 : memref<128x128xf32, #tpu.memory_space<vmem>>) target(%dma_start3A_137 : memref<5120x128xf32, #tpu.memory_space<vmem_shared>>) offsets(%dma_start3A_134 : memref<128xi32, #tpu.memory_space<vmem>>) semaphore(%arg17 : memref<!tpu.dma_semaphore, #tpu.memory_space<semaphore_mem>>) {add = true}
      %mul3A_138 = arith.constant 2 : i32
      %mul3A_139 = arith.muli %add3A_126, %mul3A_138 : i32
      %add3A_140 = arith.constant 1 : i32
      %add3A_141 = arith.addi %mul3A_139, %add3A_140 : i32
      %ge3A_142 = arith.constant 2 : i32
      %ge3A_143 = arith.cmpi sge, %add3A_141, %ge3A_142 : i32
      %convert_element_type3A_144 = arith.extui %ge3A_143 : i1 to i32
      %cond3A_145 = arith.constant 0 : i32
      %cond3A_146 = arith.cmpi ne, %convert_element_type3A_144, %cond3A_145 : i32
      scf.if %cond3A_146 {
        %sub3A = arith.constant 2 : i32
        %sub3A_153 = arith.subi %add3A_141, %sub3A : i32
        %dma_wait3A_154 = arith.constant 0 : i32
        %dma_wait3A_155 = tpu.memref_slice %arg13[%sub3A_153, %dma_wait3A_154] : memref<40x128xi32, #tpu.memory_space<vmem>> -> memref<1x128xi32, #tpu.memory_space<vmem>>
        %dma_wait3A_156 = tpu.memref_squeeze %dma_wait3A_155 : memref<1x128xi32, #tpu.memory_space<vmem>> -> memref<128xi32, #tpu.memory_space<vmem>>
        %dma_wait3A_157 = arith.constant 0 : i32
        %dma_wait3A_158 = arith.constant 0 : i32
        %dma_wait3A_159 = tpu.memref_slice %arg19[%dma_wait3A_157, %dma_wait3A_158] : memref<5120x128xf32, #tpu.memory_space<vmem_shared>> -> memref<5120x128xf32, #tpu.memory_space<vmem_shared>>
        tpu.wait_indirect_dma semaphore(%arg18 : memref<!tpu.dma_semaphore, #tpu.memory_space<semaphore_mem>>) src(%arg16 : memref<128x128xf32, #tpu.memory_space<vmem>>) dst(%dma_wait3A_159 : memref<5120x128xf32, #tpu.memory_space<vmem_shared>>)
      } else {
      }
      %dma_start3A_147 = arith.constant 0 : i32
      %dma_start3A_148 = tpu.memref_slice %arg13[%add3A_141, %dma_start3A_147] : memref<40x128xi32, #tpu.memory_space<vmem>> -> memref<1x128xi32, #tpu.memory_space<vmem>>
      %dma_start3A_149 = tpu.memref_squeeze %dma_start3A_148 : memref<1x128xi32, #tpu.memory_space<vmem>> -> memref<128xi32, #tpu.memory_space<vmem>>
      %dma_start3A_150 = arith.constant 0 : i32
      %dma_start3A_151 = arith.constant 0 : i32
      %dma_start3A_152 = tpu.memref_slice %arg19[%dma_start3A_150, %dma_start3A_151] : memref<5120x128xf32, #tpu.memory_space<vmem_shared>> -> memref<5120x128xf32, #tpu.memory_space<vmem_shared>>
      tpu.enqueue_indirect_dma source(%arg16 : memref<128x128xf32, #tpu.memory_space<vmem>>) target(%dma_start3A_152 : memref<5120x128xf32, #tpu.memory_space<vmem_shared>>) offsets(%dma_start3A_149 : memref<128xi32, #tpu.memory_space<vmem>>) semaphore(%arg18 : memref<!tpu.dma_semaphore, #tpu.memory_space<semaphore_mem>>) {add = true}
    }
    %scan3A_36 = arith.constant 20 : i32
    %dma_wait3A_37 = arith.constant 38 : i32
    %dma_wait3A_38 = arith.constant 0 : i32
    %dma_wait3A_39 = tpu.memref_slice %arg13[%dma_wait3A_37, %dma_wait3A_38] : memref<40x128xi32, #tpu.memory_space<vmem>> -> memref<1x128xi32, #tpu.memory_space<vmem>>
    %dma_wait3A_40 = tpu.memref_squeeze %dma_wait3A_39 : memref<1x128xi32, #tpu.memory_space<vmem>> -> memref<128xi32, #tpu.memory_space<vmem>>
    %dma_wait3A_41 = arith.constant 0 : i32
    %dma_wait3A_42 = arith.constant 0 : i32
    %dma_wait3A_43 = tpu.memref_slice %arg19[%dma_wait3A_41, %dma_wait3A_42] : memref<5120x128xf32, #tpu.memory_space<vmem_shared>> -> memref<5120x128xf32, #tpu.memory_space<vmem_shared>>
    tpu.wait_indirect_dma semaphore(%arg17 : memref<!tpu.dma_semaphore, #tpu.memory_space<semaphore_mem>>) src(%arg16 : memref<128x128xf32, #tpu.memory_space<vmem>>) dst(%dma_wait3A_43 : memref<5120x128xf32, #tpu.memory_space<vmem_shared>>)
    %dma_wait3A_44 = arith.constant 39 : i32
    %dma_wait3A_45 = arith.constant 0 : i32
    %dma_wait3A_46 = tpu.memref_slice %arg13[%dma_wait3A_44, %dma_wait3A_45] : memref<40x128xi32, #tpu.memory_space<vmem>> -> memref<1x128xi32, #tpu.memory_space<vmem>>
    %dma_wait3A_47 = tpu.memref_squeeze %dma_wait3A_46 : memref<1x128xi32, #tpu.memory_space<vmem>> -> memref<128xi32, #tpu.memory_space<vmem>>
    %dma_wait3A_48 = arith.constant 0 : i32
    %dma_wait3A_49 = arith.constant 0 : i32
    %dma_wait3A_50 = tpu.memref_slice %arg19[%dma_wait3A_48, %dma_wait3A_49] : memref<5120x128xf32, #tpu.memory_space<vmem_shared>> -> memref<5120x128xf32, #tpu.memory_space<vmem_shared>>
    tpu.wait_indirect_dma semaphore(%arg18 : memref<!tpu.dma_semaphore, #tpu.memory_space<semaphore_mem>>) src(%arg16 : memref<128x128xf32, #tpu.memory_space<vmem>>) dst(%dma_wait3A_50 : memref<5120x128xf32, #tpu.memory_space<vmem_shared>>)
    %barrier3A_51 = arith.constant 0 : index
    tpu.barrier barrier_id(%barrier3A_51)
    %mul3A_52 = arith.constant 5120 : i32
    %mul3A_53 = arith.muli %arg0, %mul3A_52 : i32
    %mul3A_54 = arith.constant 320 : i32
    %mul3A_55 = arith.muli %arg1, %mul3A_54 : i32
    %add3A_56 = arith.addi %mul3A_53, %mul3A_55 : i32
    %mul3A_57 = arith.constant 320 : i32
    %mul3A_58 = arith.muli %arg1, %mul3A_57 : i32
    "tpu.region"() ({
      %run_scoped3A = tpu.sem_alloc : memref<!tpu.dma_semaphore, #tpu.memory_space<semaphore_mem>>
      %dma_start3A = arith.constant 0 : i32
      %dma_start3A_122 = tpu.memref_slice %arg9[%add3A_56, %dma_start3A] : memref<10240x128xf32, #tpu.memory_space<hbm>> -> memref<320x128xf32, #tpu.memory_space<hbm>>
      %dma_start3A_123 = arith.constant 0 : i32
      %dma_start3A_124 = tpu.memref_slice %arg19[%mul3A_58, %dma_start3A_123] : memref<5120x128xf32, #tpu.memory_space<vmem_shared>> -> memref<320x128xf32, #tpu.memory_space<vmem_shared>>
      tpu.enqueue_dma source(%dma_start3A_124 : memref<320x128xf32, #tpu.memory_space<vmem_shared>>) target(%dma_start3A_122 : memref<320x128xf32, #tpu.memory_space<hbm>>) target_semaphore(%run_scoped3A : memref<!tpu.dma_semaphore, #tpu.memory_space<semaphore_mem>>)
      %dma_wait3A_125 = arith.constant 0 : i32
      %dma_wait3A_126 = tpu.memref_slice %arg9[%add3A_56, %dma_wait3A_125] : memref<10240x128xf32, #tpu.memory_space<hbm>> -> memref<320x128xf32, #tpu.memory_space<hbm>>
      %dma_wait3A_127 = arith.constant 0 : i32
      %dma_wait3A_128 = tpu.memref_slice %arg19[%mul3A_58, %dma_wait3A_127] : memref<5120x128xf32, #tpu.memory_space<vmem_shared>> -> memref<320x128xf32, #tpu.memory_space<vmem_shared>>
      tpu.wait_dma2 semaphore(%run_scoped3A : memref<!tpu.dma_semaphore, #tpu.memory_space<semaphore_mem>>) src(%dma_wait3A_128 : memref<320x128xf32, #tpu.memory_space<vmem_shared>>) dst(%dma_wait3A_126 : memref<320x128xf32, #tpu.memory_space<hbm>>)
      tpu.yield
    }) : () -> ()
    %barrier3A_59 = arith.constant 0 : index
    tpu.barrier barrier_id(%barrier3A_59)
    %mul3A_60 = arith.constant 320 : i32
    %mul3A_61 = arith.muli %arg1, %mul3A_60 : i32
    "tpu.region"() ({
      %run_scoped3A = tpu.sem_alloc : memref<!tpu.dma_semaphore, #tpu.memory_space<semaphore_mem>>
      %dma_start3A = arith.constant 0 : i32
      %dma_start3A_122 = tpu.memref_slice %arg19[%mul3A_61, %dma_start3A] : memref<5120x128xf32, #tpu.memory_space<vmem_shared>> -> memref<320x128xf32, #tpu.memory_space<vmem_shared>>
      tpu.enqueue_dma source(%arg7 : memref<320x128xf32, #tpu.memory_space<hbm>>) target(%dma_start3A_122 : memref<320x128xf32, #tpu.memory_space<vmem_shared>>) target_semaphore(%run_scoped3A : memref<!tpu.dma_semaphore, #tpu.memory_space<semaphore_mem>>)
      %dma_wait3A_123 = arith.constant 0 : i32
      %dma_wait3A_124 = tpu.memref_slice %arg19[%mul3A_61, %dma_wait3A_123] : memref<5120x128xf32, #tpu.memory_space<vmem_shared>> -> memref<320x128xf32, #tpu.memory_space<vmem_shared>>
      tpu.wait_dma2 semaphore(%run_scoped3A : memref<!tpu.dma_semaphore, #tpu.memory_space<semaphore_mem>>) src(%arg7 : memref<320x128xf32, #tpu.memory_space<hbm>>) dst(%dma_wait3A_124 : memref<320x128xf32, #tpu.memory_space<vmem_shared>>)
      tpu.yield
    }) : () -> ()
    %barrier3A_62 = arith.constant 0 : index
    tpu.barrier barrier_id(%barrier3A_62)
    %scan3A_63 = arith.constant 0 : i32
    %scan3A_64 = arith.constant 20 : i32
    %scan3A_65 = arith.addi %scan3A_63, %scan3A_64 : i32
    %scan3A_66 = arith.constant 1 : i32
    scf.for %scan3A_122 = %scan3A_63 to %scan3A_65 step %scan3A_66  : i32 {
      %mul3A_123 = arith.constant 1 : i32
      %mul3A_124 = arith.muli %scan3A_122, %mul3A_123 : i32
      %add3A_125 = arith.constant 0 : i32
      %add3A_126 = arith.addi %add3A_125, %mul3A_124 : i32
      %mul3A_127 = arith.constant 2 : i32
      %mul3A_128 = arith.muli %add3A_126, %mul3A_127 : i32
      %add3A_129 = arith.constant 0 : i32
      %add3A_130 = arith.addi %mul3A_128, %add3A_129 : i32
      %ge3A = arith.constant 2 : i32
      %ge3A_131 = arith.cmpi sge, %add3A_130, %ge3A : i32
      %convert_element_type3A = arith.extui %ge3A_131 : i1 to i32
      %cond3A = arith.constant 0 : i32
      %cond3A_132 = arith.cmpi ne, %convert_element_type3A, %cond3A : i32
      scf.if %cond3A_132 {
        %sub3A = arith.constant 2 : i32
        %sub3A_153 = arith.subi %add3A_130, %sub3A : i32
        %dma_wait3A_154 = arith.constant 0 : i32
        %dma_wait3A_155 = tpu.memref_slice %arg14[%sub3A_153, %dma_wait3A_154] : memref<40x128xi32, #tpu.memory_space<vmem>> -> memref<1x128xi32, #tpu.memory_space<vmem>>
        %dma_wait3A_156 = tpu.memref_squeeze %dma_wait3A_155 : memref<1x128xi32, #tpu.memory_space<vmem>> -> memref<128xi32, #tpu.memory_space<vmem>>
        %dma_wait3A_157 = arith.constant 0 : i32
        %dma_wait3A_158 = arith.constant 0 : i32
        %dma_wait3A_159 = tpu.memref_slice %arg19[%dma_wait3A_157, %dma_wait3A_158] : memref<5120x128xf32, #tpu.memory_space<vmem_shared>> -> memref<5120x128xf32, #tpu.memory_space<vmem_shared>>
        tpu.wait_indirect_dma semaphore(%arg17 : memref<!tpu.dma_semaphore, #tpu.memory_space<semaphore_mem>>) src(%arg16 : memref<128x128xf32, #tpu.memory_space<vmem>>) dst(%dma_wait3A_159 : memref<5120x128xf32, #tpu.memory_space<vmem_shared>>)
      } else {
      }
      %dma_start3A = arith.constant 0 : i32
      %dma_start3A_133 = tpu.memref_slice %arg14[%add3A_130, %dma_start3A] : memref<40x128xi32, #tpu.memory_space<vmem>> -> memref<1x128xi32, #tpu.memory_space<vmem>>
      %dma_start3A_134 = tpu.memref_squeeze %dma_start3A_133 : memref<1x128xi32, #tpu.memory_space<vmem>> -> memref<128xi32, #tpu.memory_space<vmem>>
      %dma_start3A_135 = arith.constant 0 : i32
      %dma_start3A_136 = arith.constant 0 : i32
      %dma_start3A_137 = tpu.memref_slice %arg19[%dma_start3A_135, %dma_start3A_136] : memref<5120x128xf32, #tpu.memory_space<vmem_shared>> -> memref<5120x128xf32, #tpu.memory_space<vmem_shared>>
      tpu.enqueue_indirect_dma source(%arg16 : memref<128x128xf32, #tpu.memory_space<vmem>>) target(%dma_start3A_137 : memref<5120x128xf32, #tpu.memory_space<vmem_shared>>) offsets(%dma_start3A_134 : memref<128xi32, #tpu.memory_space<vmem>>) semaphore(%arg17 : memref<!tpu.dma_semaphore, #tpu.memory_space<semaphore_mem>>) {add = true}
      %mul3A_138 = arith.constant 2 : i32
      %mul3A_139 = arith.muli %add3A_126, %mul3A_138 : i32
      %add3A_140 = arith.constant 1 : i32
      %add3A_141 = arith.addi %mul3A_139, %add3A_140 : i32
      %ge3A_142 = arith.constant 2 : i32
      %ge3A_143 = arith.cmpi sge, %add3A_141, %ge3A_142 : i32
      %convert_element_type3A_144 = arith.extui %ge3A_143 : i1 to i32
      %cond3A_145 = arith.constant 0 : i32
      %cond3A_146 = arith.cmpi ne, %convert_element_type3A_144, %cond3A_145 : i32
      scf.if %cond3A_146 {
        %sub3A = arith.constant 2 : i32
        %sub3A_153 = arith.subi %add3A_141, %sub3A : i32
        %dma_wait3A_154 = arith.constant 0 : i32
        %dma_wait3A_155 = tpu.memref_slice %arg14[%sub3A_153, %dma_wait3A_154] : memref<40x128xi32, #tpu.memory_space<vmem>> -> memref<1x128xi32, #tpu.memory_space<vmem>>
        %dma_wait3A_156 = tpu.memref_squeeze %dma_wait3A_155 : memref<1x128xi32, #tpu.memory_space<vmem>> -> memref<128xi32, #tpu.memory_space<vmem>>
        %dma_wait3A_157 = arith.constant 0 : i32
        %dma_wait3A_158 = arith.constant 0 : i32
        %dma_wait3A_159 = tpu.memref_slice %arg19[%dma_wait3A_157, %dma_wait3A_158] : memref<5120x128xf32, #tpu.memory_space<vmem_shared>> -> memref<5120x128xf32, #tpu.memory_space<vmem_shared>>
        tpu.wait_indirect_dma semaphore(%arg18 : memref<!tpu.dma_semaphore, #tpu.memory_space<semaphore_mem>>) src(%arg16 : memref<128x128xf32, #tpu.memory_space<vmem>>) dst(%dma_wait3A_159 : memref<5120x128xf32, #tpu.memory_space<vmem_shared>>)
      } else {
      }
      %dma_start3A_147 = arith.constant 0 : i32
      %dma_start3A_148 = tpu.memref_slice %arg14[%add3A_141, %dma_start3A_147] : memref<40x128xi32, #tpu.memory_space<vmem>> -> memref<1x128xi32, #tpu.memory_space<vmem>>
      %dma_start3A_149 = tpu.memref_squeeze %dma_start3A_148 : memref<1x128xi32, #tpu.memory_space<vmem>> -> memref<128xi32, #tpu.memory_space<vmem>>
      %dma_start3A_150 = arith.constant 0 : i32
      %dma_start3A_151 = arith.constant 0 : i32
      %dma_start3A_152 = tpu.memref_slice %arg19[%dma_start3A_150, %dma_start3A_151] : memref<5120x128xf32, #tpu.memory_space<vmem_shared>> -> memref<5120x128xf32, #tpu.memory_space<vmem_shared>>
      tpu.enqueue_indirect_dma source(%arg16 : memref<128x128xf32, #tpu.memory_space<vmem>>) target(%dma_start3A_152 : memref<5120x128xf32, #tpu.memory_space<vmem_shared>>) offsets(%dma_start3A_149 : memref<128xi32, #tpu.memory_space<vmem>>) semaphore(%arg18 : memref<!tpu.dma_semaphore, #tpu.memory_space<semaphore_mem>>) {add = true}
    }
    %scan3A_67 = arith.constant 20 : i32
    %dma_wait3A_68 = arith.constant 38 : i32
    %dma_wait3A_69 = arith.constant 0 : i32
    %dma_wait3A_70 = tpu.memref_slice %arg14[%dma_wait3A_68, %dma_wait3A_69] : memref<40x128xi32, #tpu.memory_space<vmem>> -> memref<1x128xi32, #tpu.memory_space<vmem>>
    %dma_wait3A_71 = tpu.memref_squeeze %dma_wait3A_70 : memref<1x128xi32, #tpu.memory_space<vmem>> -> memref<128xi32, #tpu.memory_space<vmem>>
    %dma_wait3A_72 = arith.constant 0 : i32
    %dma_wait3A_73 = arith.constant 0 : i32
    %dma_wait3A_74 = tpu.memref_slice %arg19[%dma_wait3A_72, %dma_wait3A_73] : memref<5120x128xf32, #tpu.memory_space<vmem_shared>> -> memref<5120x128xf32, #tpu.memory_space<vmem_shared>>
    tpu.wait_indirect_dma semaphore(%arg17 : memref<!tpu.dma_semaphore, #tpu.memory_space<semaphore_mem>>) src(%arg16 : memref<128x128xf32, #tpu.memory_space<vmem>>) dst(%dma_wait3A_74 : memref<5120x128xf32, #tpu.memory_space<vmem_shared>>)
    %dma_wait3A_75 = arith.constant 39 : i32
    %dma_wait3A_76 = arith.constant 0 : i32
    %dma_wait3A_77 = tpu.memref_slice %arg14[%dma_wait3A_75, %dma_wait3A_76] : memref<40x128xi32, #tpu.memory_space<vmem>> -> memref<1x128xi32, #tpu.memory_space<vmem>>
    %dma_wait3A_78 = tpu.memref_squeeze %dma_wait3A_77 : memref<1x128xi32, #tpu.memory_space<vmem>> -> memref<128xi32, #tpu.memory_space<vmem>>
    %dma_wait3A_79 = arith.constant 0 : i32
    %dma_wait3A_80 = arith.constant 0 : i32
    %dma_wait3A_81 = tpu.memref_slice %arg19[%dma_wait3A_79, %dma_wait3A_80] : memref<5120x128xf32, #tpu.memory_space<vmem_shared>> -> memref<5120x128xf32, #tpu.memory_space<vmem_shared>>
    tpu.wait_indirect_dma semaphore(%arg18 : memref<!tpu.dma_semaphore, #tpu.memory_space<semaphore_mem>>) src(%arg16 : memref<128x128xf32, #tpu.memory_space<vmem>>) dst(%dma_wait3A_81 : memref<5120x128xf32, #tpu.memory_space<vmem_shared>>)
    %barrier3A_82 = arith.constant 0 : index
    tpu.barrier barrier_id(%barrier3A_82)
    %mul3A_83 = arith.constant 5120 : i32
    %mul3A_84 = arith.muli %arg0, %mul3A_83 : i32
    %mul3A_85 = arith.constant 320 : i32
    %mul3A_86 = arith.muli %arg1, %mul3A_85 : i32
    %add3A_87 = arith.addi %mul3A_84, %mul3A_86 : i32
    %mul3A_88 = arith.constant 320 : i32
    %mul3A_89 = arith.muli %arg1, %mul3A_88 : i32
    "tpu.region"() ({
      %run_scoped3A = tpu.sem_alloc : memref<!tpu.dma_semaphore, #tpu.memory_space<semaphore_mem>>
      %dma_start3A = arith.constant 0 : i32
      %dma_start3A_122 = tpu.memref_slice %arg10[%add3A_87, %dma_start3A] : memref<10240x128xf32, #tpu.memory_space<hbm>> -> memref<320x128xf32, #tpu.memory_space<hbm>>
      %dma_start3A_123 = arith.constant 0 : i32
      %dma_start3A_124 = tpu.memref_slice %arg19[%mul3A_89, %dma_start3A_123] : memref<5120x128xf32, #tpu.memory_space<vmem_shared>> -> memref<320x128xf32, #tpu.memory_space<vmem_shared>>
      tpu.enqueue_dma source(%dma_start3A_124 : memref<320x128xf32, #tpu.memory_space<vmem_shared>>) target(%dma_start3A_122 : memref<320x128xf32, #tpu.memory_space<hbm>>) target_semaphore(%run_scoped3A : memref<!tpu.dma_semaphore, #tpu.memory_space<semaphore_mem>>)
      %dma_wait3A_125 = arith.constant 0 : i32
      %dma_wait3A_126 = tpu.memref_slice %arg10[%add3A_87, %dma_wait3A_125] : memref<10240x128xf32, #tpu.memory_space<hbm>> -> memref<320x128xf32, #tpu.memory_space<hbm>>
      %dma_wait3A_127 = arith.constant 0 : i32
      %dma_wait3A_128 = tpu.memref_slice %arg19[%mul3A_89, %dma_wait3A_127] : memref<5120x128xf32, #tpu.memory_space<vmem_shared>> -> memref<320x128xf32, #tpu.memory_space<vmem_shared>>
      tpu.wait_dma2 semaphore(%run_scoped3A : memref<!tpu.dma_semaphore, #tpu.memory_space<semaphore_mem>>) src(%dma_wait3A_128 : memref<320x128xf32, #tpu.memory_space<vmem_shared>>) dst(%dma_wait3A_126 : memref<320x128xf32, #tpu.memory_space<hbm>>)
      tpu.yield
    }) : () -> ()
    %barrier3A_90 = arith.constant 0 : index
    tpu.barrier barrier_id(%barrier3A_90)
    %mul3A_91 = arith.constant 320 : i32
    %mul3A_92 = arith.muli %arg1, %mul3A_91 : i32
    "tpu.region"() ({
      %run_scoped3A = tpu.sem_alloc : memref<!tpu.dma_semaphore, #tpu.memory_space<semaphore_mem>>
      %dma_start3A = arith.constant 0 : i32
      %dma_start3A_122 = tpu.memref_slice %arg19[%mul3A_92, %dma_start3A] : memref<5120x128xf32, #tpu.memory_space<vmem_shared>> -> memref<320x128xf32, #tpu.memory_space<vmem_shared>>
      tpu.enqueue_dma source(%arg7 : memref<320x128xf32, #tpu.memory_space<hbm>>) target(%dma_start3A_122 : memref<320x128xf32, #tpu.memory_space<vmem_shared>>) target_semaphore(%run_scoped3A : memref<!tpu.dma_semaphore, #tpu.memory_space<semaphore_mem>>)
      %dma_wait3A_123 = arith.constant 0 : i32
      %dma_wait3A_124 = tpu.memref_slice %arg19[%mul3A_92, %dma_wait3A_123] : memref<5120x128xf32, #tpu.memory_space<vmem_shared>> -> memref<320x128xf32, #tpu.memory_space<vmem_shared>>
      tpu.wait_dma2 semaphore(%run_scoped3A : memref<!tpu.dma_semaphore, #tpu.memory_space<semaphore_mem>>) src(%arg7 : memref<320x128xf32, #tpu.memory_space<hbm>>) dst(%dma_wait3A_124 : memref<320x128xf32, #tpu.memory_space<vmem_shared>>)
      tpu.yield
    }) : () -> ()
    %barrier3A_93 = arith.constant 0 : index
    tpu.barrier barrier_id(%barrier3A_93)
    %scan3A_94 = arith.constant 0 : i32
    %scan3A_95 = arith.constant 20 : i32
    %scan3A_96 = arith.addi %scan3A_94, %scan3A_95 : i32
    %scan3A_97 = arith.constant 1 : i32
    scf.for %scan3A_122 = %scan3A_94 to %scan3A_96 step %scan3A_97  : i32 {
      %mul3A_123 = arith.constant 1 : i32
      %mul3A_124 = arith.muli %scan3A_122, %mul3A_123 : i32
      %add3A_125 = arith.constant 0 : i32
      %add3A_126 = arith.addi %add3A_125, %mul3A_124 : i32
      %mul3A_127 = arith.constant 2 : i32
      %mul3A_128 = arith.muli %add3A_126, %mul3A_127 : i32
      %add3A_129 = arith.constant 0 : i32
      %add3A_130 = arith.addi %mul3A_128, %add3A_129 : i32
      %ge3A = arith.constant 2 : i32
      %ge3A_131 = arith.cmpi sge, %add3A_130, %ge3A : i32
      %convert_element_type3A = arith.extui %ge3A_131 : i1 to i32
      %cond3A = arith.constant 0 : i32
      %cond3A_132 = arith.cmpi ne, %convert_element_type3A, %cond3A : i32
      scf.if %cond3A_132 {
        %sub3A = arith.constant 2 : i32
        %sub3A_153 = arith.subi %add3A_130, %sub3A : i32
        %dma_wait3A_154 = arith.constant 0 : i32
        %dma_wait3A_155 = tpu.memref_slice %arg15[%sub3A_153, %dma_wait3A_154] : memref<40x128xi32, #tpu.memory_space<vmem>> -> memref<1x128xi32, #tpu.memory_space<vmem>>
        %dma_wait3A_156 = tpu.memref_squeeze %dma_wait3A_155 : memref<1x128xi32, #tpu.memory_space<vmem>> -> memref<128xi32, #tpu.memory_space<vmem>>
        %dma_wait3A_157 = arith.constant 0 : i32
        %dma_wait3A_158 = arith.constant 0 : i32
        %dma_wait3A_159 = tpu.memref_slice %arg19[%dma_wait3A_157, %dma_wait3A_158] : memref<5120x128xf32, #tpu.memory_space<vmem_shared>> -> memref<5120x128xf32, #tpu.memory_space<vmem_shared>>
        tpu.wait_indirect_dma semaphore(%arg17 : memref<!tpu.dma_semaphore, #tpu.memory_space<semaphore_mem>>) src(%arg16 : memref<128x128xf32, #tpu.memory_space<vmem>>) dst(%dma_wait3A_159 : memref<5120x128xf32, #tpu.memory_space<vmem_shared>>)
      } else {
      }
      %dma_start3A = arith.constant 0 : i32
      %dma_start3A_133 = tpu.memref_slice %arg15[%add3A_130, %dma_start3A] : memref<40x128xi32, #tpu.memory_space<vmem>> -> memref<1x128xi32, #tpu.memory_space<vmem>>
      %dma_start3A_134 = tpu.memref_squeeze %dma_start3A_133 : memref<1x128xi32, #tpu.memory_space<vmem>> -> memref<128xi32, #tpu.memory_space<vmem>>
      %dma_start3A_135 = arith.constant 0 : i32
      %dma_start3A_136 = arith.constant 0 : i32
      %dma_start3A_137 = tpu.memref_slice %arg19[%dma_start3A_135, %dma_start3A_136] : memref<5120x128xf32, #tpu.memory_space<vmem_shared>> -> memref<5120x128xf32, #tpu.memory_space<vmem_shared>>
      tpu.enqueue_indirect_dma source(%arg16 : memref<128x128xf32, #tpu.memory_space<vmem>>) target(%dma_start3A_137 : memref<5120x128xf32, #tpu.memory_space<vmem_shared>>) offsets(%dma_start3A_134 : memref<128xi32, #tpu.memory_space<vmem>>) semaphore(%arg17 : memref<!tpu.dma_semaphore, #tpu.memory_space<semaphore_mem>>) {add = true}
      %mul3A_138 = arith.constant 2 : i32
      %mul3A_139 = arith.muli %add3A_126, %mul3A_138 : i32
      %add3A_140 = arith.constant 1 : i32
      %add3A_141 = arith.addi %mul3A_139, %add3A_140 : i32
      %ge3A_142 = arith.constant 2 : i32
      %ge3A_143 = arith.cmpi sge, %add3A_141, %ge3A_142 : i32
      %convert_element_type3A_144 = arith.extui %ge3A_143 : i1 to i32
      %cond3A_145 = arith.constant 0 : i32
      %cond3A_146 = arith.cmpi ne, %convert_element_type3A_144, %cond3A_145 : i32
      scf.if %cond3A_146 {
        %sub3A = arith.constant 2 : i32
        %sub3A_153 = arith.subi %add3A_141, %sub3A : i32
        %dma_wait3A_154 = arith.constant 0 : i32
        %dma_wait3A_155 = tpu.memref_slice %arg15[%sub3A_153, %dma_wait3A_154] : memref<40x128xi32, #tpu.memory_space<vmem>> -> memref<1x128xi32, #tpu.memory_space<vmem>>
        %dma_wait3A_156 = tpu.memref_squeeze %dma_wait3A_155 : memref<1x128xi32, #tpu.memory_space<vmem>> -> memref<128xi32, #tpu.memory_space<vmem>>
        %dma_wait3A_157 = arith.constant 0 : i32
        %dma_wait3A_158 = arith.constant 0 : i32
        %dma_wait3A_159 = tpu.memref_slice %arg19[%dma_wait3A_157, %dma_wait3A_158] : memref<5120x128xf32, #tpu.memory_space<vmem_shared>> -> memref<5120x128xf32, #tpu.memory_space<vmem_shared>>
        tpu.wait_indirect_dma semaphore(%arg18 : memref<!tpu.dma_semaphore, #tpu.memory_space<semaphore_mem>>) src(%arg16 : memref<128x128xf32, #tpu.memory_space<vmem>>) dst(%dma_wait3A_159 : memref<5120x128xf32, #tpu.memory_space<vmem_shared>>)
      } else {
      }
      %dma_start3A_147 = arith.constant 0 : i32
      %dma_start3A_148 = tpu.memref_slice %arg15[%add3A_141, %dma_start3A_147] : memref<40x128xi32, #tpu.memory_space<vmem>> -> memref<1x128xi32, #tpu.memory_space<vmem>>
      %dma_start3A_149 = tpu.memref_squeeze %dma_start3A_148 : memref<1x128xi32, #tpu.memory_space<vmem>> -> memref<128xi32, #tpu.memory_space<vmem>>
      %dma_start3A_150 = arith.constant 0 : i32
      %dma_start3A_151 = arith.constant 0 : i32
      %dma_start3A_152 = tpu.memref_slice %arg19[%dma_start3A_150, %dma_start3A_151] : memref<5120x128xf32, #tpu.memory_space<vmem_shared>> -> memref<5120x128xf32, #tpu.memory_space<vmem_shared>>
      tpu.enqueue_indirect_dma source(%arg16 : memref<128x128xf32, #tpu.memory_space<vmem>>) target(%dma_start3A_152 : memref<5120x128xf32, #tpu.memory_space<vmem_shared>>) offsets(%dma_start3A_149 : memref<128xi32, #tpu.memory_space<vmem>>) semaphore(%arg18 : memref<!tpu.dma_semaphore, #tpu.memory_space<semaphore_mem>>) {add = true}
    }
    %scan3A_98 = arith.constant 20 : i32
    %dma_wait3A_99 = arith.constant 38 : i32
    %dma_wait3A_100 = arith.constant 0 : i32
    %dma_wait3A_101 = tpu.memref_slice %arg15[%dma_wait3A_99, %dma_wait3A_100] : memref<40x128xi32, #tpu.memory_space<vmem>> -> memref<1x128xi32, #tpu.memory_space<vmem>>
    %dma_wait3A_102 = tpu.memref_squeeze %dma_wait3A_101 : memref<1x128xi32, #tpu.memory_space<vmem>> -> memref<128xi32, #tpu.memory_space<vmem>>
    %dma_wait3A_103 = arith.constant 0 : i32
    %dma_wait3A_104 = arith.constant 0 : i32
    %dma_wait3A_105 = tpu.memref_slice %arg19[%dma_wait3A_103, %dma_wait3A_104] : memref<5120x128xf32, #tpu.memory_space<vmem_shared>> -> memref<5120x128xf32, #tpu.memory_space<vmem_shared>>
    tpu.wait_indirect_dma semaphore(%arg17 : memref<!tpu.dma_semaphore, #tpu.memory_space<semaphore_mem>>) src(%arg16 : memref<128x128xf32, #tpu.memory_space<vmem>>) dst(%dma_wait3A_105 : memref<5120x128xf32, #tpu.memory_space<vmem_shared>>)
    %dma_wait3A_106 = arith.constant 39 : i32
    %dma_wait3A_107 = arith.constant 0 : i32
    %dma_wait3A_108 = tpu.memref_slice %arg15[%dma_wait3A_106, %dma_wait3A_107] : memref<40x128xi32, #tpu.memory_space<vmem>> -> memref<1x128xi32, #tpu.memory_space<vmem>>
    %dma_wait3A_109 = tpu.memref_squeeze %dma_wait3A_108 : memref<1x128xi32, #tpu.memory_space<vmem>> -> memref<128xi32, #tpu.memory_space<vmem>>
    %dma_wait3A_110 = arith.constant 0 : i32
    %dma_wait3A_111 = arith.constant 0 : i32
    %dma_wait3A_112 = tpu.memref_slice %arg19[%dma_wait3A_110, %dma_wait3A_111] : memref<5120x128xf32, #tpu.memory_space<vmem_shared>> -> memref<5120x128xf32, #tpu.memory_space<vmem_shared>>
    tpu.wait_indirect_dma semaphore(%arg18 : memref<!tpu.dma_semaphore, #tpu.memory_space<semaphore_mem>>) src(%arg16 : memref<128x128xf32, #tpu.memory_space<vmem>>) dst(%dma_wait3A_112 : memref<5120x128xf32, #tpu.memory_space<vmem_shared>>)
    %barrier3A_113 = arith.constant 0 : index
    tpu.barrier barrier_id(%barrier3A_113)
    %mul3A_114 = arith.constant 5120 : i32
    %mul3A_115 = arith.muli %arg0, %mul3A_114 : i32
    %mul3A_116 = arith.constant 320 : i32
    %mul3A_117 = arith.muli %arg1, %mul3A_116 : i32
    %add3A_118 = arith.addi %mul3A_115, %mul3A_117 : i32
    %mul3A_119 = arith.constant 320 : i32
    %mul3A_120 = arith.muli %arg1, %mul3A_119 : i32
    "tpu.region"() ({
      %run_scoped3A = tpu.sem_alloc : memref<!tpu.dma_semaphore, #tpu.memory_space<semaphore_mem>>
      %dma_start3A = arith.constant 0 : i32
      %dma_start3A_122 = tpu.memref_slice %arg11[%add3A_118, %dma_start3A] : memref<10240x128xf32, #tpu.memory_space<hbm>> -> memref<320x128xf32, #tpu.memory_space<hbm>>
      %dma_start3A_123 = arith.constant 0 : i32
      %dma_start3A_124 = tpu.memref_slice %arg19[%mul3A_120, %dma_start3A_123] : memref<5120x128xf32, #tpu.memory_space<vmem_shared>> -> memref<320x128xf32, #tpu.memory_space<vmem_shared>>
      tpu.enqueue_dma source(%dma_start3A_124 : memref<320x128xf32, #tpu.memory_space<vmem_shared>>) target(%dma_start3A_122 : memref<320x128xf32, #tpu.memory_space<hbm>>) target_semaphore(%run_scoped3A : memref<!tpu.dma_semaphore, #tpu.memory_space<semaphore_mem>>)
      %dma_wait3A_125 = arith.constant 0 : i32
      %dma_wait3A_126 = tpu.memref_slice %arg11[%add3A_118, %dma_wait3A_125] : memref<10240x128xf32, #tpu.memory_space<hbm>> -> memref<320x128xf32, #tpu.memory_space<hbm>>
      %dma_wait3A_127 = arith.constant 0 : i32
      %dma_wait3A_128 = tpu.memref_slice %arg19[%mul3A_120, %dma_wait3A_127] : memref<5120x128xf32, #tpu.memory_space<vmem_shared>> -> memref<320x128xf32, #tpu.memory_space<vmem_shared>>
      tpu.wait_dma2 semaphore(%run_scoped3A : memref<!tpu.dma_semaphore, #tpu.memory_space<semaphore_mem>>) src(%dma_wait3A_128 : memref<320x128xf32, #tpu.memory_space<vmem_shared>>) dst(%dma_wait3A_126 : memref<320x128xf32, #tpu.memory_space<hbm>>)
      tpu.yield
    }) : () -> ()
    %barrier3A_121 = arith.constant 0 : index
    tpu.barrier barrier_id(%barrier3A_121)
    return
  }
}

#map = affine_map<(d0, d1) -> (0, 0)>
#map1 = affine_map<(d0, d1) -> (0, 0, 0)>
module attributes {stable_mosaic.version = 14 : i64} {
  func.func @_scatter_body(%arg0: i32, %arg1: i32, %arg2: memref<5120x128xf32, #tpu.memory_space<hbm>>, %arg3: memref<5120x128xf32, #tpu.memory_space<hbm>>, %arg4: memref<32x40x128xi32, #tpu.memory_space<hbm>>, %arg5: memref<32x40x128xi32, #tpu.memory_space<hbm>>, %arg6: memref<32x40x128xi32, #tpu.memory_space<hbm>>, %arg7: memref<32x40x128xi32, #tpu.memory_space<hbm>>, %arg8: memref<320x128xf32, #tpu.memory_space<hbm>>, %arg9: memref<10240x128xf32, #tpu.memory_space<hbm>>, %arg10: memref<10240x128xf32, #tpu.memory_space<hbm>>, %arg11: memref<40x128xi32, #tpu.memory_space<vmem>>, %arg12: memref<40x128xi32, #tpu.memory_space<vmem>>, %arg13: memref<40x128xi32, #tpu.memory_space<vmem>>, %arg14: memref<40x128xi32, #tpu.memory_space<vmem>>, %arg15: memref<128x128xf32, #tpu.memory_space<vmem>>, %arg16: memref<128x128xf32, #tpu.memory_space<vmem>>, %arg17: memref<128x128xf32, #tpu.memory_space<vmem>>, %arg18: memref<128x128xf32, #tpu.memory_space<vmem>>, %arg19: memref<!tpu.dma_semaphore, #tpu.memory_space<semaphore_mem>>, %arg20: memref<!tpu.dma_semaphore, #tpu.memory_space<semaphore_mem>>, %arg21: memref<!tpu.dma_semaphore, #tpu.memory_space<semaphore_mem>>, %arg22: memref<!tpu.dma_semaphore, #tpu.memory_space<semaphore_mem>>, %arg23: memref<!tpu.dma_semaphore, #tpu.memory_space<semaphore_mem>>, %arg24: memref<!tpu.dma_semaphore, #tpu.memory_space<semaphore_mem>>, %arg25: memref<!tpu.dma_semaphore, #tpu.memory_space<semaphore_mem>>, %arg26: memref<!tpu.dma_semaphore, #tpu.memory_space<semaphore_mem>>, %arg27: memref<5120x128xf32, #tpu.memory_space<vmem_shared>>) attributes {dimension_semantics = [#tpu.dimension_semantics<core_parallel>, #tpu.dimension_semantics<subcore_parallel>], iteration_bounds = array<i64: 2, 16>, scalar_prefetch = 0 : i64, scratch_operands = 17 : i64, tpu.core_type = #tpu.core_type<sc_vector_subcore>, window_params = [{transform_indices = #map}, {transform_indices = #map}, {transform_indices = #map1}, {transform_indices = #map1}, {transform_indices = #map1}, {transform_indices = #map1}, {transform_indices = #map}, {transform_indices = #map}, {transform_indices = #map}]} {
    %mul3A = arith.constant 16 : i32
    %mul3A_0 = arith.muli %arg0, %mul3A : i32
    %add3A = arith.addi %mul3A_0, %arg1 : i32
    "tpu.region"() ({
      %run_scoped3A = tpu.sem_alloc : memref<!tpu.dma_semaphore, #tpu.memory_space<semaphore_mem>>
      %dma_start3A_82 = arith.constant 0 : i32
      %dma_start3A_83 = arith.constant 0 : i32
      %dma_start3A_84 = tpu.memref_slice %arg4[%add3A, %dma_start3A_82, %dma_start3A_83] : memref<32x40x128xi32, #tpu.memory_space<hbm>> -> memref<1x40x128xi32, #tpu.memory_space<hbm>>
      %dma_start3A_85 = tpu.memref_squeeze %dma_start3A_84 : memref<1x40x128xi32, #tpu.memory_space<hbm>> -> memref<40x128xi32, #tpu.memory_space<hbm>>
      %dma_start3A_86 = arith.constant 0 : i32
      %dma_start3A_87 = arith.constant 0 : i32
      %dma_start3A_88 = tpu.memref_slice %arg4[%add3A, %dma_start3A_86, %dma_start3A_87] : memref<32x40x128xi32, #tpu.memory_space<hbm>> -> memref<1x40x128xi32, #tpu.memory_space<hbm>>
      %dma_start3A_89 = tpu.memref_squeeze %dma_start3A_88 : memref<1x40x128xi32, #tpu.memory_space<hbm>> -> memref<40x128xi32, #tpu.memory_space<hbm>>
      tpu.enqueue_dma source(%dma_start3A_89 : memref<40x128xi32, #tpu.memory_space<hbm>>) target(%arg11 : memref<40x128xi32, #tpu.memory_space<vmem>>) target_semaphore(%run_scoped3A : memref<!tpu.dma_semaphore, #tpu.memory_space<semaphore_mem>>)
      %dma_wait3A_90 = arith.constant 0 : i32
      %dma_wait3A_91 = arith.constant 0 : i32
      %dma_wait3A_92 = tpu.memref_slice %arg4[%add3A, %dma_wait3A_90, %dma_wait3A_91] : memref<32x40x128xi32, #tpu.memory_space<hbm>> -> memref<1x40x128xi32, #tpu.memory_space<hbm>>
      %dma_wait3A_93 = tpu.memref_squeeze %dma_wait3A_92 : memref<1x40x128xi32, #tpu.memory_space<hbm>> -> memref<40x128xi32, #tpu.memory_space<hbm>>
      %dma_wait3A_94 = arith.constant 0 : i32
      %dma_wait3A_95 = arith.constant 0 : i32
      %dma_wait3A_96 = tpu.memref_slice %arg4[%add3A, %dma_wait3A_94, %dma_wait3A_95] : memref<32x40x128xi32, #tpu.memory_space<hbm>> -> memref<1x40x128xi32, #tpu.memory_space<hbm>>
      %dma_wait3A_97 = tpu.memref_squeeze %dma_wait3A_96 : memref<1x40x128xi32, #tpu.memory_space<hbm>> -> memref<40x128xi32, #tpu.memory_space<hbm>>
      tpu.wait_dma2 semaphore(%run_scoped3A : memref<!tpu.dma_semaphore, #tpu.memory_space<semaphore_mem>>) src(%dma_wait3A_97 : memref<40x128xi32, #tpu.memory_space<hbm>>) dst(%arg11 : memref<40x128xi32, #tpu.memory_space<vmem>>)
      tpu.yield
    }) : () -> ()
    "tpu.region"() ({
      %run_scoped3A = tpu.sem_alloc : memref<!tpu.dma_semaphore, #tpu.memory_space<semaphore_mem>>
      %dma_start3A_82 = arith.constant 0 : i32
      %dma_start3A_83 = arith.constant 0 : i32
      %dma_start3A_84 = tpu.memref_slice %arg5[%add3A, %dma_start3A_82, %dma_start3A_83] : memref<32x40x128xi32, #tpu.memory_space<hbm>> -> memref<1x40x128xi32, #tpu.memory_space<hbm>>
      %dma_start3A_85 = tpu.memref_squeeze %dma_start3A_84 : memref<1x40x128xi32, #tpu.memory_space<hbm>> -> memref<40x128xi32, #tpu.memory_space<hbm>>
      %dma_start3A_86 = arith.constant 0 : i32
      %dma_start3A_87 = arith.constant 0 : i32
      %dma_start3A_88 = tpu.memref_slice %arg5[%add3A, %dma_start3A_86, %dma_start3A_87] : memref<32x40x128xi32, #tpu.memory_space<hbm>> -> memref<1x40x128xi32, #tpu.memory_space<hbm>>
      %dma_start3A_89 = tpu.memref_squeeze %dma_start3A_88 : memref<1x40x128xi32, #tpu.memory_space<hbm>> -> memref<40x128xi32, #tpu.memory_space<hbm>>
      tpu.enqueue_dma source(%dma_start3A_89 : memref<40x128xi32, #tpu.memory_space<hbm>>) target(%arg12 : memref<40x128xi32, #tpu.memory_space<vmem>>) target_semaphore(%run_scoped3A : memref<!tpu.dma_semaphore, #tpu.memory_space<semaphore_mem>>)
      %dma_wait3A_90 = arith.constant 0 : i32
      %dma_wait3A_91 = arith.constant 0 : i32
      %dma_wait3A_92 = tpu.memref_slice %arg5[%add3A, %dma_wait3A_90, %dma_wait3A_91] : memref<32x40x128xi32, #tpu.memory_space<hbm>> -> memref<1x40x128xi32, #tpu.memory_space<hbm>>
      %dma_wait3A_93 = tpu.memref_squeeze %dma_wait3A_92 : memref<1x40x128xi32, #tpu.memory_space<hbm>> -> memref<40x128xi32, #tpu.memory_space<hbm>>
      %dma_wait3A_94 = arith.constant 0 : i32
      %dma_wait3A_95 = arith.constant 0 : i32
      %dma_wait3A_96 = tpu.memref_slice %arg5[%add3A, %dma_wait3A_94, %dma_wait3A_95] : memref<32x40x128xi32, #tpu.memory_space<hbm>> -> memref<1x40x128xi32, #tpu.memory_space<hbm>>
      %dma_wait3A_97 = tpu.memref_squeeze %dma_wait3A_96 : memref<1x40x128xi32, #tpu.memory_space<hbm>> -> memref<40x128xi32, #tpu.memory_space<hbm>>
      tpu.wait_dma2 semaphore(%run_scoped3A : memref<!tpu.dma_semaphore, #tpu.memory_space<semaphore_mem>>) src(%dma_wait3A_97 : memref<40x128xi32, #tpu.memory_space<hbm>>) dst(%arg12 : memref<40x128xi32, #tpu.memory_space<vmem>>)
      tpu.yield
    }) : () -> ()
    "tpu.region"() ({
      %run_scoped3A = tpu.sem_alloc : memref<!tpu.dma_semaphore, #tpu.memory_space<semaphore_mem>>
      %dma_start3A_82 = arith.constant 0 : i32
      %dma_start3A_83 = arith.constant 0 : i32
      %dma_start3A_84 = tpu.memref_slice %arg6[%add3A, %dma_start3A_82, %dma_start3A_83] : memref<32x40x128xi32, #tpu.memory_space<hbm>> -> memref<1x40x128xi32, #tpu.memory_space<hbm>>
      %dma_start3A_85 = tpu.memref_squeeze %dma_start3A_84 : memref<1x40x128xi32, #tpu.memory_space<hbm>> -> memref<40x128xi32, #tpu.memory_space<hbm>>
      %dma_start3A_86 = arith.constant 0 : i32
      %dma_start3A_87 = arith.constant 0 : i32
      %dma_start3A_88 = tpu.memref_slice %arg6[%add3A, %dma_start3A_86, %dma_start3A_87] : memref<32x40x128xi32, #tpu.memory_space<hbm>> -> memref<1x40x128xi32, #tpu.memory_space<hbm>>
      %dma_start3A_89 = tpu.memref_squeeze %dma_start3A_88 : memref<1x40x128xi32, #tpu.memory_space<hbm>> -> memref<40x128xi32, #tpu.memory_space<hbm>>
      tpu.enqueue_dma source(%dma_start3A_89 : memref<40x128xi32, #tpu.memory_space<hbm>>) target(%arg13 : memref<40x128xi32, #tpu.memory_space<vmem>>) target_semaphore(%run_scoped3A : memref<!tpu.dma_semaphore, #tpu.memory_space<semaphore_mem>>)
      %dma_wait3A_90 = arith.constant 0 : i32
      %dma_wait3A_91 = arith.constant 0 : i32
      %dma_wait3A_92 = tpu.memref_slice %arg6[%add3A, %dma_wait3A_90, %dma_wait3A_91] : memref<32x40x128xi32, #tpu.memory_space<hbm>> -> memref<1x40x128xi32, #tpu.memory_space<hbm>>
      %dma_wait3A_93 = tpu.memref_squeeze %dma_wait3A_92 : memref<1x40x128xi32, #tpu.memory_space<hbm>> -> memref<40x128xi32, #tpu.memory_space<hbm>>
      %dma_wait3A_94 = arith.constant 0 : i32
      %dma_wait3A_95 = arith.constant 0 : i32
      %dma_wait3A_96 = tpu.memref_slice %arg6[%add3A, %dma_wait3A_94, %dma_wait3A_95] : memref<32x40x128xi32, #tpu.memory_space<hbm>> -> memref<1x40x128xi32, #tpu.memory_space<hbm>>
      %dma_wait3A_97 = tpu.memref_squeeze %dma_wait3A_96 : memref<1x40x128xi32, #tpu.memory_space<hbm>> -> memref<40x128xi32, #tpu.memory_space<hbm>>
      tpu.wait_dma2 semaphore(%run_scoped3A : memref<!tpu.dma_semaphore, #tpu.memory_space<semaphore_mem>>) src(%dma_wait3A_97 : memref<40x128xi32, #tpu.memory_space<hbm>>) dst(%arg13 : memref<40x128xi32, #tpu.memory_space<vmem>>)
      tpu.yield
    }) : () -> ()
    "tpu.region"() ({
      %run_scoped3A = tpu.sem_alloc : memref<!tpu.dma_semaphore, #tpu.memory_space<semaphore_mem>>
      %dma_start3A_82 = arith.constant 0 : i32
      %dma_start3A_83 = arith.constant 0 : i32
      %dma_start3A_84 = tpu.memref_slice %arg7[%add3A, %dma_start3A_82, %dma_start3A_83] : memref<32x40x128xi32, #tpu.memory_space<hbm>> -> memref<1x40x128xi32, #tpu.memory_space<hbm>>
      %dma_start3A_85 = tpu.memref_squeeze %dma_start3A_84 : memref<1x40x128xi32, #tpu.memory_space<hbm>> -> memref<40x128xi32, #tpu.memory_space<hbm>>
      %dma_start3A_86 = arith.constant 0 : i32
      %dma_start3A_87 = arith.constant 0 : i32
      %dma_start3A_88 = tpu.memref_slice %arg7[%add3A, %dma_start3A_86, %dma_start3A_87] : memref<32x40x128xi32, #tpu.memory_space<hbm>> -> memref<1x40x128xi32, #tpu.memory_space<hbm>>
      %dma_start3A_89 = tpu.memref_squeeze %dma_start3A_88 : memref<1x40x128xi32, #tpu.memory_space<hbm>> -> memref<40x128xi32, #tpu.memory_space<hbm>>
      tpu.enqueue_dma source(%dma_start3A_89 : memref<40x128xi32, #tpu.memory_space<hbm>>) target(%arg14 : memref<40x128xi32, #tpu.memory_space<vmem>>) target_semaphore(%run_scoped3A : memref<!tpu.dma_semaphore, #tpu.memory_space<semaphore_mem>>)
      %dma_wait3A_90 = arith.constant 0 : i32
      %dma_wait3A_91 = arith.constant 0 : i32
      %dma_wait3A_92 = tpu.memref_slice %arg7[%add3A, %dma_wait3A_90, %dma_wait3A_91] : memref<32x40x128xi32, #tpu.memory_space<hbm>> -> memref<1x40x128xi32, #tpu.memory_space<hbm>>
      %dma_wait3A_93 = tpu.memref_squeeze %dma_wait3A_92 : memref<1x40x128xi32, #tpu.memory_space<hbm>> -> memref<40x128xi32, #tpu.memory_space<hbm>>
      %dma_wait3A_94 = arith.constant 0 : i32
      %dma_wait3A_95 = arith.constant 0 : i32
      %dma_wait3A_96 = tpu.memref_slice %arg7[%add3A, %dma_wait3A_94, %dma_wait3A_95] : memref<32x40x128xi32, #tpu.memory_space<hbm>> -> memref<1x40x128xi32, #tpu.memory_space<hbm>>
      %dma_wait3A_97 = tpu.memref_squeeze %dma_wait3A_96 : memref<1x40x128xi32, #tpu.memory_space<hbm>> -> memref<40x128xi32, #tpu.memory_space<hbm>>
      tpu.wait_dma2 semaphore(%run_scoped3A : memref<!tpu.dma_semaphore, #tpu.memory_space<semaphore_mem>>) src(%dma_wait3A_97 : memref<40x128xi32, #tpu.memory_space<hbm>>) dst(%arg14 : memref<40x128xi32, #tpu.memory_space<vmem>>)
      tpu.yield
    }) : () -> ()
    %mul3A_1 = arith.constant 5120 : i32
    %mul3A_2 = arith.muli %arg0, %mul3A_1 : i32
    %mul3A_3 = arith.constant 320 : i32
    %mul3A_4 = arith.muli %arg1, %mul3A_3 : i32
    %add3A_5 = arith.addi %mul3A_2, %mul3A_4 : i32
    %mul3A_6 = arith.constant 320 : i32
    %mul3A_7 = arith.muli %arg1, %mul3A_6 : i32
    "tpu.region"() ({
      %run_scoped3A = tpu.sem_alloc : memref<!tpu.dma_semaphore, #tpu.memory_space<semaphore_mem>>
      %dma_start3A_82 = arith.constant 0 : i32
      %dma_start3A_83 = tpu.memref_slice %arg27[%mul3A_7, %dma_start3A_82] : memref<5120x128xf32, #tpu.memory_space<vmem_shared>> -> memref<320x128xf32, #tpu.memory_space<vmem_shared>>
      tpu.enqueue_dma source(%arg8 : memref<320x128xf32, #tpu.memory_space<hbm>>) target(%dma_start3A_83 : memref<320x128xf32, #tpu.memory_space<vmem_shared>>) target_semaphore(%run_scoped3A : memref<!tpu.dma_semaphore, #tpu.memory_space<semaphore_mem>>)
      %dma_wait3A_84 = arith.constant 0 : i32
      %dma_wait3A_85 = tpu.memref_slice %arg27[%mul3A_7, %dma_wait3A_84] : memref<5120x128xf32, #tpu.memory_space<vmem_shared>> -> memref<320x128xf32, #tpu.memory_space<vmem_shared>>
      tpu.wait_dma2 semaphore(%run_scoped3A : memref<!tpu.dma_semaphore, #tpu.memory_space<semaphore_mem>>) src(%arg8 : memref<320x128xf32, #tpu.memory_space<hbm>>) dst(%dma_wait3A_85 : memref<320x128xf32, #tpu.memory_space<vmem_shared>>)
      tpu.yield
    }) : () -> ()
    %barrier3A = arith.constant 0 : index
    tpu.barrier barrier_id(%barrier3A)
    %dma_start3A = arith.constant 0 : i32
    %dma_start3A_8 = arith.constant 0 : i32
    %dma_start3A_9 = tpu.memref_slice %arg11[%dma_start3A, %dma_start3A_8] : memref<40x128xi32, #tpu.memory_space<vmem>> -> memref<1x128xi32, #tpu.memory_space<vmem>>
    %dma_start3A_10 = tpu.memref_squeeze %dma_start3A_9 : memref<1x128xi32, #tpu.memory_space<vmem>> -> memref<128xi32, #tpu.memory_space<vmem>>
    %dma_start3A_11 = arith.constant 0 : i32
    %dma_start3A_12 = arith.constant 0 : i32
    %dma_start3A_13 = tpu.memref_slice %arg2[%dma_start3A_11, %dma_start3A_12] : memref<5120x128xf32, #tpu.memory_space<hbm>> -> memref<5120x128xf32, #tpu.memory_space<hbm>>
    tpu.enqueue_indirect_dma source(%dma_start3A_13 : memref<5120x128xf32, #tpu.memory_space<hbm>>) target(%arg15 : memref<128x128xf32, #tpu.memory_space<vmem>>) offsets(%dma_start3A_10 : memref<128xi32, #tpu.memory_space<vmem>>) semaphore(%arg19 : memref<!tpu.dma_semaphore, #tpu.memory_space<semaphore_mem>>)
    %dma_start3A_14 = arith.constant 1 : i32
    %dma_start3A_15 = arith.constant 0 : i32
    %dma_start3A_16 = tpu.memref_slice %arg11[%dma_start3A_14, %dma_start3A_15] : memref<40x128xi32, #tpu.memory_space<vmem>> -> memref<1x128xi32, #tpu.memory_space<vmem>>
    %dma_start3A_17 = tpu.memref_squeeze %dma_start3A_16 : memref<1x128xi32, #tpu.memory_space<vmem>> -> memref<128xi32, #tpu.memory_space<vmem>>
    %dma_start3A_18 = arith.constant 0 : i32
    %dma_start3A_19 = arith.constant 0 : i32
    %dma_start3A_20 = tpu.memref_slice %arg2[%dma_start3A_18, %dma_start3A_19] : memref<5120x128xf32, #tpu.memory_space<hbm>> -> memref<5120x128xf32, #tpu.memory_space<hbm>>
    tpu.enqueue_indirect_dma source(%dma_start3A_20 : memref<5120x128xf32, #tpu.memory_space<hbm>>) target(%arg16 : memref<128x128xf32, #tpu.memory_space<vmem>>) offsets(%dma_start3A_17 : memref<128xi32, #tpu.memory_space<vmem>>) semaphore(%arg20 : memref<!tpu.dma_semaphore, #tpu.memory_space<semaphore_mem>>)
    %scan3A = arith.constant 0 : i32
    %scan3A_21 = arith.constant 10 : i32
    %scan3A_22 = arith.addi %scan3A, %scan3A_21 : i32
    %scan3A_23 = arith.constant 1 : i32
    scf.for %scan3A_82 = %scan3A to %scan3A_22 step %scan3A_23  : i32 {
      %mul3A_83 = arith.constant 1 : i32
      %mul3A_84 = arith.muli %scan3A_82, %mul3A_83 : i32
      %add3A_85 = arith.constant 0 : i32
      %add3A_86 = arith.addi %add3A_85, %mul3A_84 : i32
      %mul3A_87 = arith.constant 4 : i32
      %mul3A_88 = arith.muli %add3A_86, %mul3A_87 : i32
      %add3A_89 = arith.constant 0 : i32
      %add3A_90 = arith.addi %mul3A_88, %add3A_89 : i32
      %ge3A = arith.constant 2 : i32
      %ge3A_91 = arith.cmpi sge, %add3A_90, %ge3A : i32
      %convert_element_type3A = arith.extui %ge3A_91 : i1 to i32
      %cond3A = arith.constant 0 : i32
      %cond3A_92 = arith.cmpi ne, %convert_element_type3A, %cond3A : i32
      scf.if %cond3A_92 {
        %sub3A = arith.constant 2 : i32
        %sub3A_195 = arith.subi %add3A_90, %sub3A : i32
        %dma_wait3A_196 = arith.constant 0 : i32
        %dma_wait3A_197 = tpu.memref_slice %arg12[%sub3A_195, %dma_wait3A_196] : memref<40x128xi32, #tpu.memory_space<vmem>> -> memref<1x128xi32, #tpu.memory_space<vmem>>
        %dma_wait3A_198 = tpu.memref_squeeze %dma_wait3A_197 : memref<1x128xi32, #tpu.memory_space<vmem>> -> memref<128xi32, #tpu.memory_space<vmem>>
        %dma_wait3A_199 = arith.constant 0 : i32
        %dma_wait3A_200 = arith.constant 0 : i32
        %dma_wait3A_201 = tpu.memref_slice %arg27[%dma_wait3A_199, %dma_wait3A_200] : memref<5120x128xf32, #tpu.memory_space<vmem_shared>> -> memref<5120x128xf32, #tpu.memory_space<vmem_shared>>
        tpu.wait_indirect_dma semaphore(%arg25 : memref<!tpu.dma_semaphore, #tpu.memory_space<semaphore_mem>>) src(%arg17 : memref<128x128xf32, #tpu.memory_space<vmem>>) dst(%dma_wait3A_201 : memref<5120x128xf32, #tpu.memory_space<vmem_shared>>)
      } else {
      }
      %add3A_93 = arith.constant 2 : i32
      %add3A_94 = arith.addi %add3A_90, %add3A_93 : i32
      %lt3A = arith.constant 40 : i32
      %lt3A_95 = arith.cmpi slt, %add3A_94, %lt3A : i32
      %convert_element_type3A_96 = arith.extui %lt3A_95 : i1 to i32
      %cond3A_97 = arith.constant 0 : i32
      %cond3A_98 = arith.cmpi ne, %convert_element_type3A_96, %cond3A_97 : i32
      scf.if %cond3A_98 {
        %add3A_195 = arith.constant 2 : i32
        %add3A_196 = arith.addi %add3A_90, %add3A_195 : i32
        %dma_start3A_197 = arith.constant 0 : i32
        %dma_start3A_198 = tpu.memref_slice %arg11[%add3A_196, %dma_start3A_197] : memref<40x128xi32, #tpu.memory_space<vmem>> -> memref<1x128xi32, #tpu.memory_space<vmem>>
        %dma_start3A_199 = tpu.memref_squeeze %dma_start3A_198 : memref<1x128xi32, #tpu.memory_space<vmem>> -> memref<128xi32, #tpu.memory_space<vmem>>
        %dma_start3A_200 = arith.constant 0 : i32
        %dma_start3A_201 = arith.constant 0 : i32
        %dma_start3A_202 = tpu.memref_slice %arg2[%dma_start3A_200, %dma_start3A_201] : memref<5120x128xf32, #tpu.memory_space<hbm>> -> memref<5120x128xf32, #tpu.memory_space<hbm>>
        tpu.enqueue_indirect_dma source(%dma_start3A_202 : memref<5120x128xf32, #tpu.memory_space<hbm>>) target(%arg17 : memref<128x128xf32, #tpu.memory_space<vmem>>) offsets(%dma_start3A_199 : memref<128xi32, #tpu.memory_space<vmem>>) semaphore(%arg21 : memref<!tpu.dma_semaphore, #tpu.memory_space<semaphore_mem>>)
      } else {
      }
      %dma_wait3A_99 = arith.constant 0 : i32
      %dma_wait3A_100 = tpu.memref_slice %arg11[%add3A_90, %dma_wait3A_99] : memref<40x128xi32, #tpu.memory_space<vmem>> -> memref<1x128xi32, #tpu.memory_space<vmem>>
      %dma_wait3A_101 = tpu.memref_squeeze %dma_wait3A_100 : memref<1x128xi32, #tpu.memory_space<vmem>> -> memref<128xi32, #tpu.memory_space<vmem>>
      %dma_wait3A_102 = arith.constant 0 : i32
      %dma_wait3A_103 = arith.constant 0 : i32
      %dma_wait3A_104 = tpu.memref_slice %arg2[%dma_wait3A_102, %dma_wait3A_103] : memref<5120x128xf32, #tpu.memory_space<hbm>> -> memref<5120x128xf32, #tpu.memory_space<hbm>>
      tpu.wait_indirect_dma semaphore(%arg19 : memref<!tpu.dma_semaphore, #tpu.memory_space<semaphore_mem>>) src(%dma_wait3A_104 : memref<5120x128xf32, #tpu.memory_space<hbm>>) dst(%arg15 : memref<128x128xf32, #tpu.memory_space<vmem>>)
      %dma_start3A_105 = arith.constant 0 : i32
      %dma_start3A_106 = tpu.memref_slice %arg12[%add3A_90, %dma_start3A_105] : memref<40x128xi32, #tpu.memory_space<vmem>> -> memref<1x128xi32, #tpu.memory_space<vmem>>
      %dma_start3A_107 = tpu.memref_squeeze %dma_start3A_106 : memref<1x128xi32, #tpu.memory_space<vmem>> -> memref<128xi32, #tpu.memory_space<vmem>>
      %dma_start3A_108 = arith.constant 0 : i32
      %dma_start3A_109 = arith.constant 0 : i32
      %dma_start3A_110 = tpu.memref_slice %arg27[%dma_start3A_108, %dma_start3A_109] : memref<5120x128xf32, #tpu.memory_space<vmem_shared>> -> memref<5120x128xf32, #tpu.memory_space<vmem_shared>>
      tpu.enqueue_indirect_dma source(%arg15 : memref<128x128xf32, #tpu.memory_space<vmem>>) target(%dma_start3A_110 : memref<5120x128xf32, #tpu.memory_space<vmem_shared>>) offsets(%dma_start3A_107 : memref<128xi32, #tpu.memory_space<vmem>>) semaphore(%arg23 : memref<!tpu.dma_semaphore, #tpu.memory_space<semaphore_mem>>) {add = true}
      %mul3A_111 = arith.constant 4 : i32
      %mul3A_112 = arith.muli %add3A_86, %mul3A_111 : i32
      %add3A_113 = arith.constant 1 : i32
      %add3A_114 = arith.addi %mul3A_112, %add3A_113 : i32
      %ge3A_115 = arith.constant 2 : i32
      %ge3A_116 = arith.cmpi sge, %add3A_114, %ge3A_115 : i32
      %convert_element_type3A_117 = arith.extui %ge3A_116 : i1 to i32
      %cond3A_118 = arith.constant 0 : i32
      %cond3A_119 = arith.cmpi ne, %convert_element_type3A_117, %cond3A_118 : i32
      scf.if %cond3A_119 {
        %sub3A = arith.constant 2 : i32
        %sub3A_195 = arith.subi %add3A_114, %sub3A : i32
        %dma_wait3A_196 = arith.constant 0 : i32
        %dma_wait3A_197 = tpu.memref_slice %arg12[%sub3A_195, %dma_wait3A_196] : memref<40x128xi32, #tpu.memory_space<vmem>> -> memref<1x128xi32, #tpu.memory_space<vmem>>
        %dma_wait3A_198 = tpu.memref_squeeze %dma_wait3A_197 : memref<1x128xi32, #tpu.memory_space<vmem>> -> memref<128xi32, #tpu.memory_space<vmem>>
        %dma_wait3A_199 = arith.constant 0 : i32
        %dma_wait3A_200 = arith.constant 0 : i32
        %dma_wait3A_201 = tpu.memref_slice %arg27[%dma_wait3A_199, %dma_wait3A_200] : memref<5120x128xf32, #tpu.memory_space<vmem_shared>> -> memref<5120x128xf32, #tpu.memory_space<vmem_shared>>
        tpu.wait_indirect_dma semaphore(%arg26 : memref<!tpu.dma_semaphore, #tpu.memory_space<semaphore_mem>>) src(%arg18 : memref<128x128xf32, #tpu.memory_space<vmem>>) dst(%dma_wait3A_201 : memref<5120x128xf32, #tpu.memory_space<vmem_shared>>)
      } else {
      }
      %add3A_120 = arith.constant 2 : i32
      %add3A_121 = arith.addi %add3A_114, %add3A_120 : i32
      %lt3A_122 = arith.constant 40 : i32
      %lt3A_123 = arith.cmpi slt, %add3A_121, %lt3A_122 : i32
      %convert_element_type3A_124 = arith.extui %lt3A_123 : i1 to i32
      %cond3A_125 = arith.constant 0 : i32
      %cond3A_126 = arith.cmpi ne, %convert_element_type3A_124, %cond3A_125 : i32
      scf.if %cond3A_126 {
        %add3A_195 = arith.constant 2 : i32
        %add3A_196 = arith.addi %add3A_114, %add3A_195 : i32
        %dma_start3A_197 = arith.constant 0 : i32
        %dma_start3A_198 = tpu.memref_slice %arg11[%add3A_196, %dma_start3A_197] : memref<40x128xi32, #tpu.memory_space<vmem>> -> memref<1x128xi32, #tpu.memory_space<vmem>>
        %dma_start3A_199 = tpu.memref_squeeze %dma_start3A_198 : memref<1x128xi32, #tpu.memory_space<vmem>> -> memref<128xi32, #tpu.memory_space<vmem>>
        %dma_start3A_200 = arith.constant 0 : i32
        %dma_start3A_201 = arith.constant 0 : i32
        %dma_start3A_202 = tpu.memref_slice %arg2[%dma_start3A_200, %dma_start3A_201] : memref<5120x128xf32, #tpu.memory_space<hbm>> -> memref<5120x128xf32, #tpu.memory_space<hbm>>
        tpu.enqueue_indirect_dma source(%dma_start3A_202 : memref<5120x128xf32, #tpu.memory_space<hbm>>) target(%arg18 : memref<128x128xf32, #tpu.memory_space<vmem>>) offsets(%dma_start3A_199 : memref<128xi32, #tpu.memory_space<vmem>>) semaphore(%arg22 : memref<!tpu.dma_semaphore, #tpu.memory_space<semaphore_mem>>)
      } else {
      }
      %dma_wait3A_127 = arith.constant 0 : i32
      %dma_wait3A_128 = tpu.memref_slice %arg11[%add3A_114, %dma_wait3A_127] : memref<40x128xi32, #tpu.memory_space<vmem>> -> memref<1x128xi32, #tpu.memory_space<vmem>>
      %dma_wait3A_129 = tpu.memref_squeeze %dma_wait3A_128 : memref<1x128xi32, #tpu.memory_space<vmem>> -> memref<128xi32, #tpu.memory_space<vmem>>
      %dma_wait3A_130 = arith.constant 0 : i32
      %dma_wait3A_131 = arith.constant 0 : i32
      %dma_wait3A_132 = tpu.memref_slice %arg2[%dma_wait3A_130, %dma_wait3A_131] : memref<5120x128xf32, #tpu.memory_space<hbm>> -> memref<5120x128xf32, #tpu.memory_space<hbm>>
      tpu.wait_indirect_dma semaphore(%arg20 : memref<!tpu.dma_semaphore, #tpu.memory_space<semaphore_mem>>) src(%dma_wait3A_132 : memref<5120x128xf32, #tpu.memory_space<hbm>>) dst(%arg16 : memref<128x128xf32, #tpu.memory_space<vmem>>)
      %dma_start3A_133 = arith.constant 0 : i32
      %dma_start3A_134 = tpu.memref_slice %arg12[%add3A_114, %dma_start3A_133] : memref<40x128xi32, #tpu.memory_space<vmem>> -> memref<1x128xi32, #tpu.memory_space<vmem>>
      %dma_start3A_135 = tpu.memref_squeeze %dma_start3A_134 : memref<1x128xi32, #tpu.memory_space<vmem>> -> memref<128xi32, #tpu.memory_space<vmem>>
      %dma_start3A_136 = arith.constant 0 : i32
      %dma_start3A_137 = arith.constant 0 : i32
      %dma_start3A_138 = tpu.memref_slice %arg27[%dma_start3A_136, %dma_start3A_137] : memref<5120x128xf32, #tpu.memory_space<vmem_shared>> -> memref<5120x128xf32, #tpu.memory_space<vmem_shared>>
      tpu.enqueue_indirect_dma source(%arg16 : memref<128x128xf32, #tpu.memory_space<vmem>>) target(%dma_start3A_138 : memref<5120x128xf32, #tpu.memory_space<vmem_shared>>) offsets(%dma_start3A_135 : memref<128xi32, #tpu.memory_space<vmem>>) semaphore(%arg24 : memref<!tpu.dma_semaphore, #tpu.memory_space<semaphore_mem>>) {add = true}
      %mul3A_139 = arith.constant 4 : i32
      %mul3A_140 = arith.muli %add3A_86, %mul3A_139 : i32
      %add3A_141 = arith.constant 2 : i32
      %add3A_142 = arith.addi %mul3A_140, %add3A_141 : i32
      %ge3A_143 = arith.constant 2 : i32
      %ge3A_144 = arith.cmpi sge, %add3A_142, %ge3A_143 : i32
      %convert_element_type3A_145 = arith.extui %ge3A_144 : i1 to i32
      %cond3A_146 = arith.constant 0 : i32
      %cond3A_147 = arith.cmpi ne, %convert_element_type3A_145, %cond3A_146 : i32
      scf.if %cond3A_147 {
        %sub3A = arith.constant 2 : i32
        %sub3A_195 = arith.subi %add3A_142, %sub3A : i32
        %dma_wait3A_196 = arith.constant 0 : i32
        %dma_wait3A_197 = tpu.memref_slice %arg12[%sub3A_195, %dma_wait3A_196] : memref<40x128xi32, #tpu.memory_space<vmem>> -> memref<1x128xi32, #tpu.memory_space<vmem>>
        %dma_wait3A_198 = tpu.memref_squeeze %dma_wait3A_197 : memref<1x128xi32, #tpu.memory_space<vmem>> -> memref<128xi32, #tpu.memory_space<vmem>>
        %dma_wait3A_199 = arith.constant 0 : i32
        %dma_wait3A_200 = arith.constant 0 : i32
        %dma_wait3A_201 = tpu.memref_slice %arg27[%dma_wait3A_199, %dma_wait3A_200] : memref<5120x128xf32, #tpu.memory_space<vmem_shared>> -> memref<5120x128xf32, #tpu.memory_space<vmem_shared>>
        tpu.wait_indirect_dma semaphore(%arg23 : memref<!tpu.dma_semaphore, #tpu.memory_space<semaphore_mem>>) src(%arg15 : memref<128x128xf32, #tpu.memory_space<vmem>>) dst(%dma_wait3A_201 : memref<5120x128xf32, #tpu.memory_space<vmem_shared>>)
      } else {
      }
      %add3A_148 = arith.constant 2 : i32
      %add3A_149 = arith.addi %add3A_142, %add3A_148 : i32
      %lt3A_150 = arith.constant 40 : i32
      %lt3A_151 = arith.cmpi slt, %add3A_149, %lt3A_150 : i32
      %convert_element_type3A_152 = arith.extui %lt3A_151 : i1 to i32
      %cond3A_153 = arith.constant 0 : i32
      %cond3A_154 = arith.cmpi ne, %convert_element_type3A_152, %cond3A_153 : i32
      scf.if %cond3A_154 {
        %add3A_195 = arith.constant 2 : i32
        %add3A_196 = arith.addi %add3A_142, %add3A_195 : i32
        %dma_start3A_197 = arith.constant 0 : i32
        %dma_start3A_198 = tpu.memref_slice %arg11[%add3A_196, %dma_start3A_197] : memref<40x128xi32, #tpu.memory_space<vmem>> -> memref<1x128xi32, #tpu.memory_space<vmem>>
        %dma_start3A_199 = tpu.memref_squeeze %dma_start3A_198 : memref<1x128xi32, #tpu.memory_space<vmem>> -> memref<128xi32, #tpu.memory_space<vmem>>
        %dma_start3A_200 = arith.constant 0 : i32
        %dma_start3A_201 = arith.constant 0 : i32
        %dma_start3A_202 = tpu.memref_slice %arg2[%dma_start3A_200, %dma_start3A_201] : memref<5120x128xf32, #tpu.memory_space<hbm>> -> memref<5120x128xf32, #tpu.memory_space<hbm>>
        tpu.enqueue_indirect_dma source(%dma_start3A_202 : memref<5120x128xf32, #tpu.memory_space<hbm>>) target(%arg15 : memref<128x128xf32, #tpu.memory_space<vmem>>) offsets(%dma_start3A_199 : memref<128xi32, #tpu.memory_space<vmem>>) semaphore(%arg19 : memref<!tpu.dma_semaphore, #tpu.memory_space<semaphore_mem>>)
      } else {
      }
      %dma_wait3A_155 = arith.constant 0 : i32
      %dma_wait3A_156 = tpu.memref_slice %arg11[%add3A_142, %dma_wait3A_155] : memref<40x128xi32, #tpu.memory_space<vmem>> -> memref<1x128xi32, #tpu.memory_space<vmem>>
      %dma_wait3A_157 = tpu.memref_squeeze %dma_wait3A_156 : memref<1x128xi32, #tpu.memory_space<vmem>> -> memref<128xi32, #tpu.memory_space<vmem>>
      %dma_wait3A_158 = arith.constant 0 : i32
      %dma_wait3A_159 = arith.constant 0 : i32
      %dma_wait3A_160 = tpu.memref_slice %arg2[%dma_wait3A_158, %dma_wait3A_159] : memref<5120x128xf32, #tpu.memory_space<hbm>> -> memref<5120x128xf32, #tpu.memory_space<hbm>>
      tpu.wait_indirect_dma semaphore(%arg21 : memref<!tpu.dma_semaphore, #tpu.memory_space<semaphore_mem>>) src(%dma_wait3A_160 : memref<5120x128xf32, #tpu.memory_space<hbm>>) dst(%arg17 : memref<128x128xf32, #tpu.memory_space<vmem>>)
      %dma_start3A_161 = arith.constant 0 : i32
      %dma_start3A_162 = tpu.memref_slice %arg12[%add3A_142, %dma_start3A_161] : memref<40x128xi32, #tpu.memory_space<vmem>> -> memref<1x128xi32, #tpu.memory_space<vmem>>
      %dma_start3A_163 = tpu.memref_squeeze %dma_start3A_162 : memref<1x128xi32, #tpu.memory_space<vmem>> -> memref<128xi32, #tpu.memory_space<vmem>>
      %dma_start3A_164 = arith.constant 0 : i32
      %dma_start3A_165 = arith.constant 0 : i32
      %dma_start3A_166 = tpu.memref_slice %arg27[%dma_start3A_164, %dma_start3A_165] : memref<5120x128xf32, #tpu.memory_space<vmem_shared>> -> memref<5120x128xf32, #tpu.memory_space<vmem_shared>>
      tpu.enqueue_indirect_dma source(%arg17 : memref<128x128xf32, #tpu.memory_space<vmem>>) target(%dma_start3A_166 : memref<5120x128xf32, #tpu.memory_space<vmem_shared>>) offsets(%dma_start3A_163 : memref<128xi32, #tpu.memory_space<vmem>>) semaphore(%arg25 : memref<!tpu.dma_semaphore, #tpu.memory_space<semaphore_mem>>) {add = true}
      %mul3A_167 = arith.constant 4 : i32
      %mul3A_168 = arith.muli %add3A_86, %mul3A_167 : i32
      %add3A_169 = arith.constant 3 : i32
      %add3A_170 = arith.addi %mul3A_168, %add3A_169 : i32
      %ge3A_171 = arith.constant 2 : i32
      %ge3A_172 = arith.cmpi sge, %add3A_170, %ge3A_171 : i32
      %convert_element_type3A_173 = arith.extui %ge3A_172 : i1 to i32
      %cond3A_174 = arith.constant 0 : i32
      %cond3A_175 = arith.cmpi ne, %convert_element_type3A_173, %cond3A_174 : i32
      scf.if %cond3A_175 {
        %sub3A = arith.constant 2 : i32
        %sub3A_195 = arith.subi %add3A_170, %sub3A : i32
        %dma_wait3A_196 = arith.constant 0 : i32
        %dma_wait3A_197 = tpu.memref_slice %arg12[%sub3A_195, %dma_wait3A_196] : memref<40x128xi32, #tpu.memory_space<vmem>> -> memref<1x128xi32, #tpu.memory_space<vmem>>
        %dma_wait3A_198 = tpu.memref_squeeze %dma_wait3A_197 : memref<1x128xi32, #tpu.memory_space<vmem>> -> memref<128xi32, #tpu.memory_space<vmem>>
        %dma_wait3A_199 = arith.constant 0 : i32
        %dma_wait3A_200 = arith.constant 0 : i32
        %dma_wait3A_201 = tpu.memref_slice %arg27[%dma_wait3A_199, %dma_wait3A_200] : memref<5120x128xf32, #tpu.memory_space<vmem_shared>> -> memref<5120x128xf32, #tpu.memory_space<vmem_shared>>
        tpu.wait_indirect_dma semaphore(%arg24 : memref<!tpu.dma_semaphore, #tpu.memory_space<semaphore_mem>>) src(%arg16 : memref<128x128xf32, #tpu.memory_space<vmem>>) dst(%dma_wait3A_201 : memref<5120x128xf32, #tpu.memory_space<vmem_shared>>)
      } else {
      }
      %add3A_176 = arith.constant 2 : i32
      %add3A_177 = arith.addi %add3A_170, %add3A_176 : i32
      %lt3A_178 = arith.constant 40 : i32
      %lt3A_179 = arith.cmpi slt, %add3A_177, %lt3A_178 : i32
      %convert_element_type3A_180 = arith.extui %lt3A_179 : i1 to i32
      %cond3A_181 = arith.constant 0 : i32
      %cond3A_182 = arith.cmpi ne, %convert_element_type3A_180, %cond3A_181 : i32
      scf.if %cond3A_182 {
        %add3A_195 = arith.constant 2 : i32
        %add3A_196 = arith.addi %add3A_170, %add3A_195 : i32
        %dma_start3A_197 = arith.constant 0 : i32
        %dma_start3A_198 = tpu.memref_slice %arg11[%add3A_196, %dma_start3A_197] : memref<40x128xi32, #tpu.memory_space<vmem>> -> memref<1x128xi32, #tpu.memory_space<vmem>>
        %dma_start3A_199 = tpu.memref_squeeze %dma_start3A_198 : memref<1x128xi32, #tpu.memory_space<vmem>> -> memref<128xi32, #tpu.memory_space<vmem>>
        %dma_start3A_200 = arith.constant 0 : i32
        %dma_start3A_201 = arith.constant 0 : i32
        %dma_start3A_202 = tpu.memref_slice %arg2[%dma_start3A_200, %dma_start3A_201] : memref<5120x128xf32, #tpu.memory_space<hbm>> -> memref<5120x128xf32, #tpu.memory_space<hbm>>
        tpu.enqueue_indirect_dma source(%dma_start3A_202 : memref<5120x128xf32, #tpu.memory_space<hbm>>) target(%arg16 : memref<128x128xf32, #tpu.memory_space<vmem>>) offsets(%dma_start3A_199 : memref<128xi32, #tpu.memory_space<vmem>>) semaphore(%arg20 : memref<!tpu.dma_semaphore, #tpu.memory_space<semaphore_mem>>)
      } else {
      }
      %dma_wait3A_183 = arith.constant 0 : i32
      %dma_wait3A_184 = tpu.memref_slice %arg11[%add3A_170, %dma_wait3A_183] : memref<40x128xi32, #tpu.memory_space<vmem>> -> memref<1x128xi32, #tpu.memory_space<vmem>>
      %dma_wait3A_185 = tpu.memref_squeeze %dma_wait3A_184 : memref<1x128xi32, #tpu.memory_space<vmem>> -> memref<128xi32, #tpu.memory_space<vmem>>
      %dma_wait3A_186 = arith.constant 0 : i32
      %dma_wait3A_187 = arith.constant 0 : i32
      %dma_wait3A_188 = tpu.memref_slice %arg2[%dma_wait3A_186, %dma_wait3A_187] : memref<5120x128xf32, #tpu.memory_space<hbm>> -> memref<5120x128xf32, #tpu.memory_space<hbm>>
      tpu.wait_indirect_dma semaphore(%arg22 : memref<!tpu.dma_semaphore, #tpu.memory_space<semaphore_mem>>) src(%dma_wait3A_188 : memref<5120x128xf32, #tpu.memory_space<hbm>>) dst(%arg18 : memref<128x128xf32, #tpu.memory_space<vmem>>)
      %dma_start3A_189 = arith.constant 0 : i32
      %dma_start3A_190 = tpu.memref_slice %arg12[%add3A_170, %dma_start3A_189] : memref<40x128xi32, #tpu.memory_space<vmem>> -> memref<1x128xi32, #tpu.memory_space<vmem>>
      %dma_start3A_191 = tpu.memref_squeeze %dma_start3A_190 : memref<1x128xi32, #tpu.memory_space<vmem>> -> memref<128xi32, #tpu.memory_space<vmem>>
      %dma_start3A_192 = arith.constant 0 : i32
      %dma_start3A_193 = arith.constant 0 : i32
      %dma_start3A_194 = tpu.memref_slice %arg27[%dma_start3A_192, %dma_start3A_193] : memref<5120x128xf32, #tpu.memory_space<vmem_shared>> -> memref<5120x128xf32, #tpu.memory_space<vmem_shared>>
      tpu.enqueue_indirect_dma source(%arg18 : memref<128x128xf32, #tpu.memory_space<vmem>>) target(%dma_start3A_194 : memref<5120x128xf32, #tpu.memory_space<vmem_shared>>) offsets(%dma_start3A_191 : memref<128xi32, #tpu.memory_space<vmem>>) semaphore(%arg26 : memref<!tpu.dma_semaphore, #tpu.memory_space<semaphore_mem>>) {add = true}
    }
    %scan3A_24 = arith.constant 10 : i32
    %dma_wait3A = arith.constant 38 : i32
    %dma_wait3A_25 = arith.constant 0 : i32
    %dma_wait3A_26 = tpu.memref_slice %arg12[%dma_wait3A, %dma_wait3A_25] : memref<40x128xi32, #tpu.memory_space<vmem>> -> memref<1x128xi32, #tpu.memory_space<vmem>>
    %dma_wait3A_27 = tpu.memref_squeeze %dma_wait3A_26 : memref<1x128xi32, #tpu.memory_space<vmem>> -> memref<128xi32, #tpu.memory_space<vmem>>
    %dma_wait3A_28 = arith.constant 0 : i32
    %dma_wait3A_29 = arith.constant 0 : i32
    %dma_wait3A_30 = tpu.memref_slice %arg27[%dma_wait3A_28, %dma_wait3A_29] : memref<5120x128xf32, #tpu.memory_space<vmem_shared>> -> memref<5120x128xf32, #tpu.memory_space<vmem_shared>>
    tpu.wait_indirect_dma semaphore(%arg25 : memref<!tpu.dma_semaphore, #tpu.memory_space<semaphore_mem>>) src(%arg17 : memref<128x128xf32, #tpu.memory_space<vmem>>) dst(%dma_wait3A_30 : memref<5120x128xf32, #tpu.memory_space<vmem_shared>>)
    %dma_wait3A_31 = arith.constant 39 : i32
    %dma_wait3A_32 = arith.constant 0 : i32
    %dma_wait3A_33 = tpu.memref_slice %arg12[%dma_wait3A_31, %dma_wait3A_32] : memref<40x128xi32, #tpu.memory_space<vmem>> -> memref<1x128xi32, #tpu.memory_space<vmem>>
    %dma_wait3A_34 = tpu.memref_squeeze %dma_wait3A_33 : memref<1x128xi32, #tpu.memory_space<vmem>> -> memref<128xi32, #tpu.memory_space<vmem>>
    %dma_wait3A_35 = arith.constant 0 : i32
    %dma_wait3A_36 = arith.constant 0 : i32
    %dma_wait3A_37 = tpu.memref_slice %arg27[%dma_wait3A_35, %dma_wait3A_36] : memref<5120x128xf32, #tpu.memory_space<vmem_shared>> -> memref<5120x128xf32, #tpu.memory_space<vmem_shared>>
    tpu.wait_indirect_dma semaphore(%arg26 : memref<!tpu.dma_semaphore, #tpu.memory_space<semaphore_mem>>) src(%arg18 : memref<128x128xf32, #tpu.memory_space<vmem>>) dst(%dma_wait3A_37 : memref<5120x128xf32, #tpu.memory_space<vmem_shared>>)
    %barrier3A_38 = arith.constant 0 : index
    tpu.barrier barrier_id(%barrier3A_38)
    %mul3A_39 = arith.constant 320 : i32
    %mul3A_40 = arith.muli %arg1, %mul3A_39 : i32
    "tpu.region"() ({
      %run_scoped3A = tpu.sem_alloc : memref<!tpu.dma_semaphore, #tpu.memory_space<semaphore_mem>>
      %dma_start3A_82 = arith.constant 0 : i32
      %dma_start3A_83 = tpu.memref_slice %arg9[%add3A_5, %dma_start3A_82] : memref<10240x128xf32, #tpu.memory_space<hbm>> -> memref<320x128xf32, #tpu.memory_space<hbm>>
      %dma_start3A_84 = arith.constant 0 : i32
      %dma_start3A_85 = tpu.memref_slice %arg27[%mul3A_40, %dma_start3A_84] : memref<5120x128xf32, #tpu.memory_space<vmem_shared>> -> memref<320x128xf32, #tpu.memory_space<vmem_shared>>
      tpu.enqueue_dma source(%dma_start3A_85 : memref<320x128xf32, #tpu.memory_space<vmem_shared>>) target(%dma_start3A_83 : memref<320x128xf32, #tpu.memory_space<hbm>>) target_semaphore(%run_scoped3A : memref<!tpu.dma_semaphore, #tpu.memory_space<semaphore_mem>>)
      %dma_wait3A_86 = arith.constant 0 : i32
      %dma_wait3A_87 = tpu.memref_slice %arg9[%add3A_5, %dma_wait3A_86] : memref<10240x128xf32, #tpu.memory_space<hbm>> -> memref<320x128xf32, #tpu.memory_space<hbm>>
      %dma_wait3A_88 = arith.constant 0 : i32
      %dma_wait3A_89 = tpu.memref_slice %arg27[%mul3A_40, %dma_wait3A_88] : memref<5120x128xf32, #tpu.memory_space<vmem_shared>> -> memref<320x128xf32, #tpu.memory_space<vmem_shared>>
      tpu.wait_dma2 semaphore(%run_scoped3A : memref<!tpu.dma_semaphore, #tpu.memory_space<semaphore_mem>>) src(%dma_wait3A_89 : memref<320x128xf32, #tpu.memory_space<vmem_shared>>) dst(%dma_wait3A_87 : memref<320x128xf32, #tpu.memory_space<hbm>>)
      tpu.yield
    }) : () -> ()
    %barrier3A_41 = arith.constant 0 : index
    tpu.barrier barrier_id(%barrier3A_41)
    %mul3A_42 = arith.constant 320 : i32
    %mul3A_43 = arith.muli %arg1, %mul3A_42 : i32
    "tpu.region"() ({
      %run_scoped3A = tpu.sem_alloc : memref<!tpu.dma_semaphore, #tpu.memory_space<semaphore_mem>>
      %dma_start3A_82 = arith.constant 0 : i32
      %dma_start3A_83 = tpu.memref_slice %arg27[%mul3A_43, %dma_start3A_82] : memref<5120x128xf32, #tpu.memory_space<vmem_shared>> -> memref<320x128xf32, #tpu.memory_space<vmem_shared>>
      tpu.enqueue_dma source(%arg8 : memref<320x128xf32, #tpu.memory_space<hbm>>) target(%dma_start3A_83 : memref<320x128xf32, #tpu.memory_space<vmem_shared>>) target_semaphore(%run_scoped3A : memref<!tpu.dma_semaphore, #tpu.memory_space<semaphore_mem>>)
      %dma_wait3A_84 = arith.constant 0 : i32
      %dma_wait3A_85 = tpu.memref_slice %arg27[%mul3A_43, %dma_wait3A_84] : memref<5120x128xf32, #tpu.memory_space<vmem_shared>> -> memref<320x128xf32, #tpu.memory_space<vmem_shared>>
      tpu.wait_dma2 semaphore(%run_scoped3A : memref<!tpu.dma_semaphore, #tpu.memory_space<semaphore_mem>>) src(%arg8 : memref<320x128xf32, #tpu.memory_space<hbm>>) dst(%dma_wait3A_85 : memref<320x128xf32, #tpu.memory_space<vmem_shared>>)
      tpu.yield
    }) : () -> ()
    %barrier3A_44 = arith.constant 0 : index
    tpu.barrier barrier_id(%barrier3A_44)
    %dma_start3A_45 = arith.constant 0 : i32
    %dma_start3A_46 = arith.constant 0 : i32
    %dma_start3A_47 = tpu.memref_slice %arg13[%dma_start3A_45, %dma_start3A_46] : memref<40x128xi32, #tpu.memory_space<vmem>> -> memref<1x128xi32, #tpu.memory_space<vmem>>
    %dma_start3A_48 = tpu.memref_squeeze %dma_start3A_47 : memref<1x128xi32, #tpu.memory_space<vmem>> -> memref<128xi32, #tpu.memory_space<vmem>>
    %dma_start3A_49 = arith.constant 0 : i32
    %dma_start3A_50 = arith.constant 0 : i32
    %dma_start3A_51 = tpu.memref_slice %arg3[%dma_start3A_49, %dma_start3A_50] : memref<5120x128xf32, #tpu.memory_space<hbm>> -> memref<5120x128xf32, #tpu.memory_space<hbm>>
    tpu.enqueue_indirect_dma source(%dma_start3A_51 : memref<5120x128xf32, #tpu.memory_space<hbm>>) target(%arg15 : memref<128x128xf32, #tpu.memory_space<vmem>>) offsets(%dma_start3A_48 : memref<128xi32, #tpu.memory_space<vmem>>) semaphore(%arg19 : memref<!tpu.dma_semaphore, #tpu.memory_space<semaphore_mem>>)
    %dma_start3A_52 = arith.constant 1 : i32
    %dma_start3A_53 = arith.constant 0 : i32
    %dma_start3A_54 = tpu.memref_slice %arg13[%dma_start3A_52, %dma_start3A_53] : memref<40x128xi32, #tpu.memory_space<vmem>> -> memref<1x128xi32, #tpu.memory_space<vmem>>
    %dma_start3A_55 = tpu.memref_squeeze %dma_start3A_54 : memref<1x128xi32, #tpu.memory_space<vmem>> -> memref<128xi32, #tpu.memory_space<vmem>>
    %dma_start3A_56 = arith.constant 0 : i32
    %dma_start3A_57 = arith.constant 0 : i32
    %dma_start3A_58 = tpu.memref_slice %arg3[%dma_start3A_56, %dma_start3A_57] : memref<5120x128xf32, #tpu.memory_space<hbm>> -> memref<5120x128xf32, #tpu.memory_space<hbm>>
    tpu.enqueue_indirect_dma source(%dma_start3A_58 : memref<5120x128xf32, #tpu.memory_space<hbm>>) target(%arg16 : memref<128x128xf32, #tpu.memory_space<vmem>>) offsets(%dma_start3A_55 : memref<128xi32, #tpu.memory_space<vmem>>) semaphore(%arg20 : memref<!tpu.dma_semaphore, #tpu.memory_space<semaphore_mem>>)
    %scan3A_59 = arith.constant 0 : i32
    %scan3A_60 = arith.constant 10 : i32
    %scan3A_61 = arith.addi %scan3A_59, %scan3A_60 : i32
    %scan3A_62 = arith.constant 1 : i32
    scf.for %scan3A_82 = %scan3A_59 to %scan3A_61 step %scan3A_62  : i32 {
      %mul3A_83 = arith.constant 1 : i32
      %mul3A_84 = arith.muli %scan3A_82, %mul3A_83 : i32
      %add3A_85 = arith.constant 0 : i32
      %add3A_86 = arith.addi %add3A_85, %mul3A_84 : i32
      %mul3A_87 = arith.constant 4 : i32
      %mul3A_88 = arith.muli %add3A_86, %mul3A_87 : i32
      %add3A_89 = arith.constant 0 : i32
      %add3A_90 = arith.addi %mul3A_88, %add3A_89 : i32
      %ge3A = arith.constant 2 : i32
      %ge3A_91 = arith.cmpi sge, %add3A_90, %ge3A : i32
      %convert_element_type3A = arith.extui %ge3A_91 : i1 to i32
      %cond3A = arith.constant 0 : i32
      %cond3A_92 = arith.cmpi ne, %convert_element_type3A, %cond3A : i32
      scf.if %cond3A_92 {
        %sub3A = arith.constant 2 : i32
        %sub3A_195 = arith.subi %add3A_90, %sub3A : i32
        %dma_wait3A_196 = arith.constant 0 : i32
        %dma_wait3A_197 = tpu.memref_slice %arg14[%sub3A_195, %dma_wait3A_196] : memref<40x128xi32, #tpu.memory_space<vmem>> -> memref<1x128xi32, #tpu.memory_space<vmem>>
        %dma_wait3A_198 = tpu.memref_squeeze %dma_wait3A_197 : memref<1x128xi32, #tpu.memory_space<vmem>> -> memref<128xi32, #tpu.memory_space<vmem>>
        %dma_wait3A_199 = arith.constant 0 : i32
        %dma_wait3A_200 = arith.constant 0 : i32
        %dma_wait3A_201 = tpu.memref_slice %arg27[%dma_wait3A_199, %dma_wait3A_200] : memref<5120x128xf32, #tpu.memory_space<vmem_shared>> -> memref<5120x128xf32, #tpu.memory_space<vmem_shared>>
        tpu.wait_indirect_dma semaphore(%arg25 : memref<!tpu.dma_semaphore, #tpu.memory_space<semaphore_mem>>) src(%arg17 : memref<128x128xf32, #tpu.memory_space<vmem>>) dst(%dma_wait3A_201 : memref<5120x128xf32, #tpu.memory_space<vmem_shared>>)
      } else {
      }
      %add3A_93 = arith.constant 2 : i32
      %add3A_94 = arith.addi %add3A_90, %add3A_93 : i32
      %lt3A = arith.constant 40 : i32
      %lt3A_95 = arith.cmpi slt, %add3A_94, %lt3A : i32
      %convert_element_type3A_96 = arith.extui %lt3A_95 : i1 to i32
      %cond3A_97 = arith.constant 0 : i32
      %cond3A_98 = arith.cmpi ne, %convert_element_type3A_96, %cond3A_97 : i32
      scf.if %cond3A_98 {
        %add3A_195 = arith.constant 2 : i32
        %add3A_196 = arith.addi %add3A_90, %add3A_195 : i32
        %dma_start3A_197 = arith.constant 0 : i32
        %dma_start3A_198 = tpu.memref_slice %arg13[%add3A_196, %dma_start3A_197] : memref<40x128xi32, #tpu.memory_space<vmem>> -> memref<1x128xi32, #tpu.memory_space<vmem>>
        %dma_start3A_199 = tpu.memref_squeeze %dma_start3A_198 : memref<1x128xi32, #tpu.memory_space<vmem>> -> memref<128xi32, #tpu.memory_space<vmem>>
        %dma_start3A_200 = arith.constant 0 : i32
        %dma_start3A_201 = arith.constant 0 : i32
        %dma_start3A_202 = tpu.memref_slice %arg3[%dma_start3A_200, %dma_start3A_201] : memref<5120x128xf32, #tpu.memory_space<hbm>> -> memref<5120x128xf32, #tpu.memory_space<hbm>>
        tpu.enqueue_indirect_dma source(%dma_start3A_202 : memref<5120x128xf32, #tpu.memory_space<hbm>>) target(%arg17 : memref<128x128xf32, #tpu.memory_space<vmem>>) offsets(%dma_start3A_199 : memref<128xi32, #tpu.memory_space<vmem>>) semaphore(%arg21 : memref<!tpu.dma_semaphore, #tpu.memory_space<semaphore_mem>>)
      } else {
      }
      %dma_wait3A_99 = arith.constant 0 : i32
      %dma_wait3A_100 = tpu.memref_slice %arg13[%add3A_90, %dma_wait3A_99] : memref<40x128xi32, #tpu.memory_space<vmem>> -> memref<1x128xi32, #tpu.memory_space<vmem>>
      %dma_wait3A_101 = tpu.memref_squeeze %dma_wait3A_100 : memref<1x128xi32, #tpu.memory_space<vmem>> -> memref<128xi32, #tpu.memory_space<vmem>>
      %dma_wait3A_102 = arith.constant 0 : i32
      %dma_wait3A_103 = arith.constant 0 : i32
      %dma_wait3A_104 = tpu.memref_slice %arg3[%dma_wait3A_102, %dma_wait3A_103] : memref<5120x128xf32, #tpu.memory_space<hbm>> -> memref<5120x128xf32, #tpu.memory_space<hbm>>
      tpu.wait_indirect_dma semaphore(%arg19 : memref<!tpu.dma_semaphore, #tpu.memory_space<semaphore_mem>>) src(%dma_wait3A_104 : memref<5120x128xf32, #tpu.memory_space<hbm>>) dst(%arg15 : memref<128x128xf32, #tpu.memory_space<vmem>>)
      %dma_start3A_105 = arith.constant 0 : i32
      %dma_start3A_106 = tpu.memref_slice %arg14[%add3A_90, %dma_start3A_105] : memref<40x128xi32, #tpu.memory_space<vmem>> -> memref<1x128xi32, #tpu.memory_space<vmem>>
      %dma_start3A_107 = tpu.memref_squeeze %dma_start3A_106 : memref<1x128xi32, #tpu.memory_space<vmem>> -> memref<128xi32, #tpu.memory_space<vmem>>
      %dma_start3A_108 = arith.constant 0 : i32
      %dma_start3A_109 = arith.constant 0 : i32
      %dma_start3A_110 = tpu.memref_slice %arg27[%dma_start3A_108, %dma_start3A_109] : memref<5120x128xf32, #tpu.memory_space<vmem_shared>> -> memref<5120x128xf32, #tpu.memory_space<vmem_shared>>
      tpu.enqueue_indirect_dma source(%arg15 : memref<128x128xf32, #tpu.memory_space<vmem>>) target(%dma_start3A_110 : memref<5120x128xf32, #tpu.memory_space<vmem_shared>>) offsets(%dma_start3A_107 : memref<128xi32, #tpu.memory_space<vmem>>) semaphore(%arg23 : memref<!tpu.dma_semaphore, #tpu.memory_space<semaphore_mem>>) {add = true}
      %mul3A_111 = arith.constant 4 : i32
      %mul3A_112 = arith.muli %add3A_86, %mul3A_111 : i32
      %add3A_113 = arith.constant 1 : i32
      %add3A_114 = arith.addi %mul3A_112, %add3A_113 : i32
      %ge3A_115 = arith.constant 2 : i32
      %ge3A_116 = arith.cmpi sge, %add3A_114, %ge3A_115 : i32
      %convert_element_type3A_117 = arith.extui %ge3A_116 : i1 to i32
      %cond3A_118 = arith.constant 0 : i32
      %cond3A_119 = arith.cmpi ne, %convert_element_type3A_117, %cond3A_118 : i32
      scf.if %cond3A_119 {
        %sub3A = arith.constant 2 : i32
        %sub3A_195 = arith.subi %add3A_114, %sub3A : i32
        %dma_wait3A_196 = arith.constant 0 : i32
        %dma_wait3A_197 = tpu.memref_slice %arg14[%sub3A_195, %dma_wait3A_196] : memref<40x128xi32, #tpu.memory_space<vmem>> -> memref<1x128xi32, #tpu.memory_space<vmem>>
        %dma_wait3A_198 = tpu.memref_squeeze %dma_wait3A_197 : memref<1x128xi32, #tpu.memory_space<vmem>> -> memref<128xi32, #tpu.memory_space<vmem>>
        %dma_wait3A_199 = arith.constant 0 : i32
        %dma_wait3A_200 = arith.constant 0 : i32
        %dma_wait3A_201 = tpu.memref_slice %arg27[%dma_wait3A_199, %dma_wait3A_200] : memref<5120x128xf32, #tpu.memory_space<vmem_shared>> -> memref<5120x128xf32, #tpu.memory_space<vmem_shared>>
        tpu.wait_indirect_dma semaphore(%arg26 : memref<!tpu.dma_semaphore, #tpu.memory_space<semaphore_mem>>) src(%arg18 : memref<128x128xf32, #tpu.memory_space<vmem>>) dst(%dma_wait3A_201 : memref<5120x128xf32, #tpu.memory_space<vmem_shared>>)
      } else {
      }
      %add3A_120 = arith.constant 2 : i32
      %add3A_121 = arith.addi %add3A_114, %add3A_120 : i32
      %lt3A_122 = arith.constant 40 : i32
      %lt3A_123 = arith.cmpi slt, %add3A_121, %lt3A_122 : i32
      %convert_element_type3A_124 = arith.extui %lt3A_123 : i1 to i32
      %cond3A_125 = arith.constant 0 : i32
      %cond3A_126 = arith.cmpi ne, %convert_element_type3A_124, %cond3A_125 : i32
      scf.if %cond3A_126 {
        %add3A_195 = arith.constant 2 : i32
        %add3A_196 = arith.addi %add3A_114, %add3A_195 : i32
        %dma_start3A_197 = arith.constant 0 : i32
        %dma_start3A_198 = tpu.memref_slice %arg13[%add3A_196, %dma_start3A_197] : memref<40x128xi32, #tpu.memory_space<vmem>> -> memref<1x128xi32, #tpu.memory_space<vmem>>
        %dma_start3A_199 = tpu.memref_squeeze %dma_start3A_198 : memref<1x128xi32, #tpu.memory_space<vmem>> -> memref<128xi32, #tpu.memory_space<vmem>>
        %dma_start3A_200 = arith.constant 0 : i32
        %dma_start3A_201 = arith.constant 0 : i32
        %dma_start3A_202 = tpu.memref_slice %arg3[%dma_start3A_200, %dma_start3A_201] : memref<5120x128xf32, #tpu.memory_space<hbm>> -> memref<5120x128xf32, #tpu.memory_space<hbm>>
        tpu.enqueue_indirect_dma source(%dma_start3A_202 : memref<5120x128xf32, #tpu.memory_space<hbm>>) target(%arg18 : memref<128x128xf32, #tpu.memory_space<vmem>>) offsets(%dma_start3A_199 : memref<128xi32, #tpu.memory_space<vmem>>) semaphore(%arg22 : memref<!tpu.dma_semaphore, #tpu.memory_space<semaphore_mem>>)
      } else {
      }
      %dma_wait3A_127 = arith.constant 0 : i32
      %dma_wait3A_128 = tpu.memref_slice %arg13[%add3A_114, %dma_wait3A_127] : memref<40x128xi32, #tpu.memory_space<vmem>> -> memref<1x128xi32, #tpu.memory_space<vmem>>
      %dma_wait3A_129 = tpu.memref_squeeze %dma_wait3A_128 : memref<1x128xi32, #tpu.memory_space<vmem>> -> memref<128xi32, #tpu.memory_space<vmem>>
      %dma_wait3A_130 = arith.constant 0 : i32
      %dma_wait3A_131 = arith.constant 0 : i32
      %dma_wait3A_132 = tpu.memref_slice %arg3[%dma_wait3A_130, %dma_wait3A_131] : memref<5120x128xf32, #tpu.memory_space<hbm>> -> memref<5120x128xf32, #tpu.memory_space<hbm>>
      tpu.wait_indirect_dma semaphore(%arg20 : memref<!tpu.dma_semaphore, #tpu.memory_space<semaphore_mem>>) src(%dma_wait3A_132 : memref<5120x128xf32, #tpu.memory_space<hbm>>) dst(%arg16 : memref<128x128xf32, #tpu.memory_space<vmem>>)
      %dma_start3A_133 = arith.constant 0 : i32
      %dma_start3A_134 = tpu.memref_slice %arg14[%add3A_114, %dma_start3A_133] : memref<40x128xi32, #tpu.memory_space<vmem>> -> memref<1x128xi32, #tpu.memory_space<vmem>>
      %dma_start3A_135 = tpu.memref_squeeze %dma_start3A_134 : memref<1x128xi32, #tpu.memory_space<vmem>> -> memref<128xi32, #tpu.memory_space<vmem>>
      %dma_start3A_136 = arith.constant 0 : i32
      %dma_start3A_137 = arith.constant 0 : i32
      %dma_start3A_138 = tpu.memref_slice %arg27[%dma_start3A_136, %dma_start3A_137] : memref<5120x128xf32, #tpu.memory_space<vmem_shared>> -> memref<5120x128xf32, #tpu.memory_space<vmem_shared>>
      tpu.enqueue_indirect_dma source(%arg16 : memref<128x128xf32, #tpu.memory_space<vmem>>) target(%dma_start3A_138 : memref<5120x128xf32, #tpu.memory_space<vmem_shared>>) offsets(%dma_start3A_135 : memref<128xi32, #tpu.memory_space<vmem>>) semaphore(%arg24 : memref<!tpu.dma_semaphore, #tpu.memory_space<semaphore_mem>>) {add = true}
      %mul3A_139 = arith.constant 4 : i32
      %mul3A_140 = arith.muli %add3A_86, %mul3A_139 : i32
      %add3A_141 = arith.constant 2 : i32
      %add3A_142 = arith.addi %mul3A_140, %add3A_141 : i32
      %ge3A_143 = arith.constant 2 : i32
      %ge3A_144 = arith.cmpi sge, %add3A_142, %ge3A_143 : i32
      %convert_element_type3A_145 = arith.extui %ge3A_144 : i1 to i32
      %cond3A_146 = arith.constant 0 : i32
      %cond3A_147 = arith.cmpi ne, %convert_element_type3A_145, %cond3A_146 : i32
      scf.if %cond3A_147 {
        %sub3A = arith.constant 2 : i32
        %sub3A_195 = arith.subi %add3A_142, %sub3A : i32
        %dma_wait3A_196 = arith.constant 0 : i32
        %dma_wait3A_197 = tpu.memref_slice %arg14[%sub3A_195, %dma_wait3A_196] : memref<40x128xi32, #tpu.memory_space<vmem>> -> memref<1x128xi32, #tpu.memory_space<vmem>>
        %dma_wait3A_198 = tpu.memref_squeeze %dma_wait3A_197 : memref<1x128xi32, #tpu.memory_space<vmem>> -> memref<128xi32, #tpu.memory_space<vmem>>
        %dma_wait3A_199 = arith.constant 0 : i32
        %dma_wait3A_200 = arith.constant 0 : i32
        %dma_wait3A_201 = tpu.memref_slice %arg27[%dma_wait3A_199, %dma_wait3A_200] : memref<5120x128xf32, #tpu.memory_space<vmem_shared>> -> memref<5120x128xf32, #tpu.memory_space<vmem_shared>>
        tpu.wait_indirect_dma semaphore(%arg23 : memref<!tpu.dma_semaphore, #tpu.memory_space<semaphore_mem>>) src(%arg15 : memref<128x128xf32, #tpu.memory_space<vmem>>) dst(%dma_wait3A_201 : memref<5120x128xf32, #tpu.memory_space<vmem_shared>>)
      } else {
      }
      %add3A_148 = arith.constant 2 : i32
      %add3A_149 = arith.addi %add3A_142, %add3A_148 : i32
      %lt3A_150 = arith.constant 40 : i32
      %lt3A_151 = arith.cmpi slt, %add3A_149, %lt3A_150 : i32
      %convert_element_type3A_152 = arith.extui %lt3A_151 : i1 to i32
      %cond3A_153 = arith.constant 0 : i32
      %cond3A_154 = arith.cmpi ne, %convert_element_type3A_152, %cond3A_153 : i32
      scf.if %cond3A_154 {
        %add3A_195 = arith.constant 2 : i32
        %add3A_196 = arith.addi %add3A_142, %add3A_195 : i32
        %dma_start3A_197 = arith.constant 0 : i32
        %dma_start3A_198 = tpu.memref_slice %arg13[%add3A_196, %dma_start3A_197] : memref<40x128xi32, #tpu.memory_space<vmem>> -> memref<1x128xi32, #tpu.memory_space<vmem>>
        %dma_start3A_199 = tpu.memref_squeeze %dma_start3A_198 : memref<1x128xi32, #tpu.memory_space<vmem>> -> memref<128xi32, #tpu.memory_space<vmem>>
        %dma_start3A_200 = arith.constant 0 : i32
        %dma_start3A_201 = arith.constant 0 : i32
        %dma_start3A_202 = tpu.memref_slice %arg3[%dma_start3A_200, %dma_start3A_201] : memref<5120x128xf32, #tpu.memory_space<hbm>> -> memref<5120x128xf32, #tpu.memory_space<hbm>>
        tpu.enqueue_indirect_dma source(%dma_start3A_202 : memref<5120x128xf32, #tpu.memory_space<hbm>>) target(%arg15 : memref<128x128xf32, #tpu.memory_space<vmem>>) offsets(%dma_start3A_199 : memref<128xi32, #tpu.memory_space<vmem>>) semaphore(%arg19 : memref<!tpu.dma_semaphore, #tpu.memory_space<semaphore_mem>>)
      } else {
      }
      %dma_wait3A_155 = arith.constant 0 : i32
      %dma_wait3A_156 = tpu.memref_slice %arg13[%add3A_142, %dma_wait3A_155] : memref<40x128xi32, #tpu.memory_space<vmem>> -> memref<1x128xi32, #tpu.memory_space<vmem>>
      %dma_wait3A_157 = tpu.memref_squeeze %dma_wait3A_156 : memref<1x128xi32, #tpu.memory_space<vmem>> -> memref<128xi32, #tpu.memory_space<vmem>>
      %dma_wait3A_158 = arith.constant 0 : i32
      %dma_wait3A_159 = arith.constant 0 : i32
      %dma_wait3A_160 = tpu.memref_slice %arg3[%dma_wait3A_158, %dma_wait3A_159] : memref<5120x128xf32, #tpu.memory_space<hbm>> -> memref<5120x128xf32, #tpu.memory_space<hbm>>
      tpu.wait_indirect_dma semaphore(%arg21 : memref<!tpu.dma_semaphore, #tpu.memory_space<semaphore_mem>>) src(%dma_wait3A_160 : memref<5120x128xf32, #tpu.memory_space<hbm>>) dst(%arg17 : memref<128x128xf32, #tpu.memory_space<vmem>>)
      %dma_start3A_161 = arith.constant 0 : i32
      %dma_start3A_162 = tpu.memref_slice %arg14[%add3A_142, %dma_start3A_161] : memref<40x128xi32, #tpu.memory_space<vmem>> -> memref<1x128xi32, #tpu.memory_space<vmem>>
      %dma_start3A_163 = tpu.memref_squeeze %dma_start3A_162 : memref<1x128xi32, #tpu.memory_space<vmem>> -> memref<128xi32, #tpu.memory_space<vmem>>
      %dma_start3A_164 = arith.constant 0 : i32
      %dma_start3A_165 = arith.constant 0 : i32
      %dma_start3A_166 = tpu.memref_slice %arg27[%dma_start3A_164, %dma_start3A_165] : memref<5120x128xf32, #tpu.memory_space<vmem_shared>> -> memref<5120x128xf32, #tpu.memory_space<vmem_shared>>
      tpu.enqueue_indirect_dma source(%arg17 : memref<128x128xf32, #tpu.memory_space<vmem>>) target(%dma_start3A_166 : memref<5120x128xf32, #tpu.memory_space<vmem_shared>>) offsets(%dma_start3A_163 : memref<128xi32, #tpu.memory_space<vmem>>) semaphore(%arg25 : memref<!tpu.dma_semaphore, #tpu.memory_space<semaphore_mem>>) {add = true}
      %mul3A_167 = arith.constant 4 : i32
      %mul3A_168 = arith.muli %add3A_86, %mul3A_167 : i32
      %add3A_169 = arith.constant 3 : i32
      %add3A_170 = arith.addi %mul3A_168, %add3A_169 : i32
      %ge3A_171 = arith.constant 2 : i32
      %ge3A_172 = arith.cmpi sge, %add3A_170, %ge3A_171 : i32
      %convert_element_type3A_173 = arith.extui %ge3A_172 : i1 to i32
      %cond3A_174 = arith.constant 0 : i32
      %cond3A_175 = arith.cmpi ne, %convert_element_type3A_173, %cond3A_174 : i32
      scf.if %cond3A_175 {
        %sub3A = arith.constant 2 : i32
        %sub3A_195 = arith.subi %add3A_170, %sub3A : i32
        %dma_wait3A_196 = arith.constant 0 : i32
        %dma_wait3A_197 = tpu.memref_slice %arg14[%sub3A_195, %dma_wait3A_196] : memref<40x128xi32, #tpu.memory_space<vmem>> -> memref<1x128xi32, #tpu.memory_space<vmem>>
        %dma_wait3A_198 = tpu.memref_squeeze %dma_wait3A_197 : memref<1x128xi32, #tpu.memory_space<vmem>> -> memref<128xi32, #tpu.memory_space<vmem>>
        %dma_wait3A_199 = arith.constant 0 : i32
        %dma_wait3A_200 = arith.constant 0 : i32
        %dma_wait3A_201 = tpu.memref_slice %arg27[%dma_wait3A_199, %dma_wait3A_200] : memref<5120x128xf32, #tpu.memory_space<vmem_shared>> -> memref<5120x128xf32, #tpu.memory_space<vmem_shared>>
        tpu.wait_indirect_dma semaphore(%arg24 : memref<!tpu.dma_semaphore, #tpu.memory_space<semaphore_mem>>) src(%arg16 : memref<128x128xf32, #tpu.memory_space<vmem>>) dst(%dma_wait3A_201 : memref<5120x128xf32, #tpu.memory_space<vmem_shared>>)
      } else {
      }
      %add3A_176 = arith.constant 2 : i32
      %add3A_177 = arith.addi %add3A_170, %add3A_176 : i32
      %lt3A_178 = arith.constant 40 : i32
      %lt3A_179 = arith.cmpi slt, %add3A_177, %lt3A_178 : i32
      %convert_element_type3A_180 = arith.extui %lt3A_179 : i1 to i32
      %cond3A_181 = arith.constant 0 : i32
      %cond3A_182 = arith.cmpi ne, %convert_element_type3A_180, %cond3A_181 : i32
      scf.if %cond3A_182 {
        %add3A_195 = arith.constant 2 : i32
        %add3A_196 = arith.addi %add3A_170, %add3A_195 : i32
        %dma_start3A_197 = arith.constant 0 : i32
        %dma_start3A_198 = tpu.memref_slice %arg13[%add3A_196, %dma_start3A_197] : memref<40x128xi32, #tpu.memory_space<vmem>> -> memref<1x128xi32, #tpu.memory_space<vmem>>
        %dma_start3A_199 = tpu.memref_squeeze %dma_start3A_198 : memref<1x128xi32, #tpu.memory_space<vmem>> -> memref<128xi32, #tpu.memory_space<vmem>>
        %dma_start3A_200 = arith.constant 0 : i32
        %dma_start3A_201 = arith.constant 0 : i32
        %dma_start3A_202 = tpu.memref_slice %arg3[%dma_start3A_200, %dma_start3A_201] : memref<5120x128xf32, #tpu.memory_space<hbm>> -> memref<5120x128xf32, #tpu.memory_space<hbm>>
        tpu.enqueue_indirect_dma source(%dma_start3A_202 : memref<5120x128xf32, #tpu.memory_space<hbm>>) target(%arg16 : memref<128x128xf32, #tpu.memory_space<vmem>>) offsets(%dma_start3A_199 : memref<128xi32, #tpu.memory_space<vmem>>) semaphore(%arg20 : memref<!tpu.dma_semaphore, #tpu.memory_space<semaphore_mem>>)
      } else {
      }
      %dma_wait3A_183 = arith.constant 0 : i32
      %dma_wait3A_184 = tpu.memref_slice %arg13[%add3A_170, %dma_wait3A_183] : memref<40x128xi32, #tpu.memory_space<vmem>> -> memref<1x128xi32, #tpu.memory_space<vmem>>
      %dma_wait3A_185 = tpu.memref_squeeze %dma_wait3A_184 : memref<1x128xi32, #tpu.memory_space<vmem>> -> memref<128xi32, #tpu.memory_space<vmem>>
      %dma_wait3A_186 = arith.constant 0 : i32
      %dma_wait3A_187 = arith.constant 0 : i32
      %dma_wait3A_188 = tpu.memref_slice %arg3[%dma_wait3A_186, %dma_wait3A_187] : memref<5120x128xf32, #tpu.memory_space<hbm>> -> memref<5120x128xf32, #tpu.memory_space<hbm>>
      tpu.wait_indirect_dma semaphore(%arg22 : memref<!tpu.dma_semaphore, #tpu.memory_space<semaphore_mem>>) src(%dma_wait3A_188 : memref<5120x128xf32, #tpu.memory_space<hbm>>) dst(%arg18 : memref<128x128xf32, #tpu.memory_space<vmem>>)
      %dma_start3A_189 = arith.constant 0 : i32
      %dma_start3A_190 = tpu.memref_slice %arg14[%add3A_170, %dma_start3A_189] : memref<40x128xi32, #tpu.memory_space<vmem>> -> memref<1x128xi32, #tpu.memory_space<vmem>>
      %dma_start3A_191 = tpu.memref_squeeze %dma_start3A_190 : memref<1x128xi32, #tpu.memory_space<vmem>> -> memref<128xi32, #tpu.memory_space<vmem>>
      %dma_start3A_192 = arith.constant 0 : i32
      %dma_start3A_193 = arith.constant 0 : i32
      %dma_start3A_194 = tpu.memref_slice %arg27[%dma_start3A_192, %dma_start3A_193] : memref<5120x128xf32, #tpu.memory_space<vmem_shared>> -> memref<5120x128xf32, #tpu.memory_space<vmem_shared>>
      tpu.enqueue_indirect_dma source(%arg18 : memref<128x128xf32, #tpu.memory_space<vmem>>) target(%dma_start3A_194 : memref<5120x128xf32, #tpu.memory_space<vmem_shared>>) offsets(%dma_start3A_191 : memref<128xi32, #tpu.memory_space<vmem>>) semaphore(%arg26 : memref<!tpu.dma_semaphore, #tpu.memory_space<semaphore_mem>>) {add = true}
    }
    %scan3A_63 = arith.constant 10 : i32
    %dma_wait3A_64 = arith.constant 38 : i32
    %dma_wait3A_65 = arith.constant 0 : i32
    %dma_wait3A_66 = tpu.memref_slice %arg14[%dma_wait3A_64, %dma_wait3A_65] : memref<40x128xi32, #tpu.memory_space<vmem>> -> memref<1x128xi32, #tpu.memory_space<vmem>>
    %dma_wait3A_67 = tpu.memref_squeeze %dma_wait3A_66 : memref<1x128xi32, #tpu.memory_space<vmem>> -> memref<128xi32, #tpu.memory_space<vmem>>
    %dma_wait3A_68 = arith.constant 0 : i32
    %dma_wait3A_69 = arith.constant 0 : i32
    %dma_wait3A_70 = tpu.memref_slice %arg27[%dma_wait3A_68, %dma_wait3A_69] : memref<5120x128xf32, #tpu.memory_space<vmem_shared>> -> memref<5120x128xf32, #tpu.memory_space<vmem_shared>>
    tpu.wait_indirect_dma semaphore(%arg25 : memref<!tpu.dma_semaphore, #tpu.memory_space<semaphore_mem>>) src(%arg17 : memref<128x128xf32, #tpu.memory_space<vmem>>) dst(%dma_wait3A_70 : memref<5120x128xf32, #tpu.memory_space<vmem_shared>>)
    %dma_wait3A_71 = arith.constant 39 : i32
    %dma_wait3A_72 = arith.constant 0 : i32
    %dma_wait3A_73 = tpu.memref_slice %arg14[%dma_wait3A_71, %dma_wait3A_72] : memref<40x128xi32, #tpu.memory_space<vmem>> -> memref<1x128xi32, #tpu.memory_space<vmem>>
    %dma_wait3A_74 = tpu.memref_squeeze %dma_wait3A_73 : memref<1x128xi32, #tpu.memory_space<vmem>> -> memref<128xi32, #tpu.memory_space<vmem>>
    %dma_wait3A_75 = arith.constant 0 : i32
    %dma_wait3A_76 = arith.constant 0 : i32
    %dma_wait3A_77 = tpu.memref_slice %arg27[%dma_wait3A_75, %dma_wait3A_76] : memref<5120x128xf32, #tpu.memory_space<vmem_shared>> -> memref<5120x128xf32, #tpu.memory_space<vmem_shared>>
    tpu.wait_indirect_dma semaphore(%arg26 : memref<!tpu.dma_semaphore, #tpu.memory_space<semaphore_mem>>) src(%arg18 : memref<128x128xf32, #tpu.memory_space<vmem>>) dst(%dma_wait3A_77 : memref<5120x128xf32, #tpu.memory_space<vmem_shared>>)
    %barrier3A_78 = arith.constant 0 : index
    tpu.barrier barrier_id(%barrier3A_78)
    %mul3A_79 = arith.constant 320 : i32
    %mul3A_80 = arith.muli %arg1, %mul3A_79 : i32
    "tpu.region"() ({
      %run_scoped3A = tpu.sem_alloc : memref<!tpu.dma_semaphore, #tpu.memory_space<semaphore_mem>>
      %dma_start3A_82 = arith.constant 0 : i32
      %dma_start3A_83 = tpu.memref_slice %arg10[%add3A_5, %dma_start3A_82] : memref<10240x128xf32, #tpu.memory_space<hbm>> -> memref<320x128xf32, #tpu.memory_space<hbm>>
      %dma_start3A_84 = arith.constant 0 : i32
      %dma_start3A_85 = tpu.memref_slice %arg27[%mul3A_80, %dma_start3A_84] : memref<5120x128xf32, #tpu.memory_space<vmem_shared>> -> memref<320x128xf32, #tpu.memory_space<vmem_shared>>
      tpu.enqueue_dma source(%dma_start3A_85 : memref<320x128xf32, #tpu.memory_space<vmem_shared>>) target(%dma_start3A_83 : memref<320x128xf32, #tpu.memory_space<hbm>>) target_semaphore(%run_scoped3A : memref<!tpu.dma_semaphore, #tpu.memory_space<semaphore_mem>>)
      %dma_wait3A_86 = arith.constant 0 : i32
      %dma_wait3A_87 = tpu.memref_slice %arg10[%add3A_5, %dma_wait3A_86] : memref<10240x128xf32, #tpu.memory_space<hbm>> -> memref<320x128xf32, #tpu.memory_space<hbm>>
      %dma_wait3A_88 = arith.constant 0 : i32
      %dma_wait3A_89 = tpu.memref_slice %arg27[%mul3A_80, %dma_wait3A_88] : memref<5120x128xf32, #tpu.memory_space<vmem_shared>> -> memref<320x128xf32, #tpu.memory_space<vmem_shared>>
      tpu.wait_dma2 semaphore(%run_scoped3A : memref<!tpu.dma_semaphore, #tpu.memory_space<semaphore_mem>>) src(%dma_wait3A_89 : memref<320x128xf32, #tpu.memory_space<vmem_shared>>) dst(%dma_wait3A_87 : memref<320x128xf32, #tpu.memory_space<hbm>>)
      tpu.yield
    }) : () -> ()
    %barrier3A_81 = arith.constant 0 : index
    tpu.barrier barrier_id(%barrier3A_81)
    return
  }
}

#map = affine_map<(d0, d1) -> (0, 0)>
#map1 = affine_map<(d0, d1) -> (0, 0, 0)>
module attributes {stable_mosaic.version = 14 : i64} {
  func.func @_scatter_body(%arg0: i32, %arg1: i32, %arg2: memref<5120x128xf32, #tpu.memory_space<hbm>>, %arg3: memref<5120x128xf32, #tpu.memory_space<hbm>>, %arg4: memref<32x40x128xi32, #tpu.memory_space<hbm>>, %arg5: memref<32x40x128xi32, #tpu.memory_space<hbm>>, %arg6: memref<32x40x128xi32, #tpu.memory_space<hbm>>, %arg7: memref<32x40x128xi32, #tpu.memory_space<hbm>>, %arg8: memref<320x128xf32, #tpu.memory_space<hbm>>, %arg9: memref<10240x128xf32, #tpu.memory_space<hbm>>, %arg10: memref<10240x128xf32, #tpu.memory_space<hbm>>, %arg11: memref<40x128xi32, #tpu.memory_space<vmem>>, %arg12: memref<40x128xi32, #tpu.memory_space<vmem>>, %arg13: memref<40x128xi32, #tpu.memory_space<vmem>>, %arg14: memref<40x128xi32, #tpu.memory_space<vmem>>, %arg15: memref<128x128xf32, #tpu.memory_space<vmem>>, %arg16: memref<128x128xf32, #tpu.memory_space<vmem>>, %arg17: memref<128x128xf32, #tpu.memory_space<vmem>>, %arg18: memref<128x128xf32, #tpu.memory_space<vmem>>, %arg19: memref<!tpu.dma_semaphore, #tpu.memory_space<semaphore_mem>>, %arg20: memref<!tpu.dma_semaphore, #tpu.memory_space<semaphore_mem>>, %arg21: memref<!tpu.dma_semaphore, #tpu.memory_space<semaphore_mem>>, %arg22: memref<!tpu.dma_semaphore, #tpu.memory_space<semaphore_mem>>, %arg23: memref<!tpu.dma_semaphore, #tpu.memory_space<semaphore_mem>>, %arg24: memref<!tpu.dma_semaphore, #tpu.memory_space<semaphore_mem>>, %arg25: memref<!tpu.dma_semaphore, #tpu.memory_space<semaphore_mem>>, %arg26: memref<!tpu.dma_semaphore, #tpu.memory_space<semaphore_mem>>, %arg27: memref<5120x128xf32, #tpu.memory_space<vmem_shared>>) attributes {dimension_semantics = [#tpu.dimension_semantics<core_parallel>, #tpu.dimension_semantics<subcore_parallel>], iteration_bounds = array<i64: 2, 16>, scalar_prefetch = 0 : i64, scratch_operands = 17 : i64, tpu.core_type = #tpu.core_type<sc_vector_subcore>, window_params = [{transform_indices = #map}, {transform_indices = #map}, {transform_indices = #map1}, {transform_indices = #map1}, {transform_indices = #map1}, {transform_indices = #map1}, {transform_indices = #map}, {transform_indices = #map}, {transform_indices = #map}]} {
    %mul3A = arith.constant 16 : i32
    %mul3A_0 = arith.muli %arg0, %mul3A : i32
    %add3A = arith.addi %mul3A_0, %arg1 : i32
    "tpu.region"() ({
      %run_scoped3A = tpu.sem_alloc : memref<!tpu.dma_semaphore, #tpu.memory_space<semaphore_mem>>
      %dma_start3A_82 = arith.constant 0 : i32
      %dma_start3A_83 = arith.constant 0 : i32
      %dma_start3A_84 = tpu.memref_slice %arg4[%add3A, %dma_start3A_82, %dma_start3A_83] : memref<32x40x128xi32, #tpu.memory_space<hbm>> -> memref<1x40x128xi32, #tpu.memory_space<hbm>>
      %dma_start3A_85 = tpu.memref_squeeze %dma_start3A_84 : memref<1x40x128xi32, #tpu.memory_space<hbm>> -> memref<40x128xi32, #tpu.memory_space<hbm>>
      %dma_start3A_86 = arith.constant 0 : i32
      %dma_start3A_87 = arith.constant 0 : i32
      %dma_start3A_88 = tpu.memref_slice %arg4[%add3A, %dma_start3A_86, %dma_start3A_87] : memref<32x40x128xi32, #tpu.memory_space<hbm>> -> memref<1x40x128xi32, #tpu.memory_space<hbm>>
      %dma_start3A_89 = tpu.memref_squeeze %dma_start3A_88 : memref<1x40x128xi32, #tpu.memory_space<hbm>> -> memref<40x128xi32, #tpu.memory_space<hbm>>
      tpu.enqueue_dma source(%dma_start3A_89 : memref<40x128xi32, #tpu.memory_space<hbm>>) target(%arg11 : memref<40x128xi32, #tpu.memory_space<vmem>>) target_semaphore(%run_scoped3A : memref<!tpu.dma_semaphore, #tpu.memory_space<semaphore_mem>>)
      %dma_wait3A_90 = arith.constant 0 : i32
      %dma_wait3A_91 = arith.constant 0 : i32
      %dma_wait3A_92 = tpu.memref_slice %arg4[%add3A, %dma_wait3A_90, %dma_wait3A_91] : memref<32x40x128xi32, #tpu.memory_space<hbm>> -> memref<1x40x128xi32, #tpu.memory_space<hbm>>
      %dma_wait3A_93 = tpu.memref_squeeze %dma_wait3A_92 : memref<1x40x128xi32, #tpu.memory_space<hbm>> -> memref<40x128xi32, #tpu.memory_space<hbm>>
      %dma_wait3A_94 = arith.constant 0 : i32
      %dma_wait3A_95 = arith.constant 0 : i32
      %dma_wait3A_96 = tpu.memref_slice %arg4[%add3A, %dma_wait3A_94, %dma_wait3A_95] : memref<32x40x128xi32, #tpu.memory_space<hbm>> -> memref<1x40x128xi32, #tpu.memory_space<hbm>>
      %dma_wait3A_97 = tpu.memref_squeeze %dma_wait3A_96 : memref<1x40x128xi32, #tpu.memory_space<hbm>> -> memref<40x128xi32, #tpu.memory_space<hbm>>
      tpu.wait_dma2 semaphore(%run_scoped3A : memref<!tpu.dma_semaphore, #tpu.memory_space<semaphore_mem>>) src(%dma_wait3A_97 : memref<40x128xi32, #tpu.memory_space<hbm>>) dst(%arg11 : memref<40x128xi32, #tpu.memory_space<vmem>>)
      tpu.yield
    }) : () -> ()
    "tpu.region"() ({
      %run_scoped3A = tpu.sem_alloc : memref<!tpu.dma_semaphore, #tpu.memory_space<semaphore_mem>>
      %dma_start3A_82 = arith.constant 0 : i32
      %dma_start3A_83 = arith.constant 0 : i32
      %dma_start3A_84 = tpu.memref_slice %arg5[%add3A, %dma_start3A_82, %dma_start3A_83] : memref<32x40x128xi32, #tpu.memory_space<hbm>> -> memref<1x40x128xi32, #tpu.memory_space<hbm>>
      %dma_start3A_85 = tpu.memref_squeeze %dma_start3A_84 : memref<1x40x128xi32, #tpu.memory_space<hbm>> -> memref<40x128xi32, #tpu.memory_space<hbm>>
      %dma_start3A_86 = arith.constant 0 : i32
      %dma_start3A_87 = arith.constant 0 : i32
      %dma_start3A_88 = tpu.memref_slice %arg5[%add3A, %dma_start3A_86, %dma_start3A_87] : memref<32x40x128xi32, #tpu.memory_space<hbm>> -> memref<1x40x128xi32, #tpu.memory_space<hbm>>
      %dma_start3A_89 = tpu.memref_squeeze %dma_start3A_88 : memref<1x40x128xi32, #tpu.memory_space<hbm>> -> memref<40x128xi32, #tpu.memory_space<hbm>>
      tpu.enqueue_dma source(%dma_start3A_89 : memref<40x128xi32, #tpu.memory_space<hbm>>) target(%arg12 : memref<40x128xi32, #tpu.memory_space<vmem>>) target_semaphore(%run_scoped3A : memref<!tpu.dma_semaphore, #tpu.memory_space<semaphore_mem>>)
      %dma_wait3A_90 = arith.constant 0 : i32
      %dma_wait3A_91 = arith.constant 0 : i32
      %dma_wait3A_92 = tpu.memref_slice %arg5[%add3A, %dma_wait3A_90, %dma_wait3A_91] : memref<32x40x128xi32, #tpu.memory_space<hbm>> -> memref<1x40x128xi32, #tpu.memory_space<hbm>>
      %dma_wait3A_93 = tpu.memref_squeeze %dma_wait3A_92 : memref<1x40x128xi32, #tpu.memory_space<hbm>> -> memref<40x128xi32, #tpu.memory_space<hbm>>
      %dma_wait3A_94 = arith.constant 0 : i32
      %dma_wait3A_95 = arith.constant 0 : i32
      %dma_wait3A_96 = tpu.memref_slice %arg5[%add3A, %dma_wait3A_94, %dma_wait3A_95] : memref<32x40x128xi32, #tpu.memory_space<hbm>> -> memref<1x40x128xi32, #tpu.memory_space<hbm>>
      %dma_wait3A_97 = tpu.memref_squeeze %dma_wait3A_96 : memref<1x40x128xi32, #tpu.memory_space<hbm>> -> memref<40x128xi32, #tpu.memory_space<hbm>>
      tpu.wait_dma2 semaphore(%run_scoped3A : memref<!tpu.dma_semaphore, #tpu.memory_space<semaphore_mem>>) src(%dma_wait3A_97 : memref<40x128xi32, #tpu.memory_space<hbm>>) dst(%arg12 : memref<40x128xi32, #tpu.memory_space<vmem>>)
      tpu.yield
    }) : () -> ()
    "tpu.region"() ({
      %run_scoped3A = tpu.sem_alloc : memref<!tpu.dma_semaphore, #tpu.memory_space<semaphore_mem>>
      %dma_start3A_82 = arith.constant 0 : i32
      %dma_start3A_83 = arith.constant 0 : i32
      %dma_start3A_84 = tpu.memref_slice %arg6[%add3A, %dma_start3A_82, %dma_start3A_83] : memref<32x40x128xi32, #tpu.memory_space<hbm>> -> memref<1x40x128xi32, #tpu.memory_space<hbm>>
      %dma_start3A_85 = tpu.memref_squeeze %dma_start3A_84 : memref<1x40x128xi32, #tpu.memory_space<hbm>> -> memref<40x128xi32, #tpu.memory_space<hbm>>
      %dma_start3A_86 = arith.constant 0 : i32
      %dma_start3A_87 = arith.constant 0 : i32
      %dma_start3A_88 = tpu.memref_slice %arg6[%add3A, %dma_start3A_86, %dma_start3A_87] : memref<32x40x128xi32, #tpu.memory_space<hbm>> -> memref<1x40x128xi32, #tpu.memory_space<hbm>>
      %dma_start3A_89 = tpu.memref_squeeze %dma_start3A_88 : memref<1x40x128xi32, #tpu.memory_space<hbm>> -> memref<40x128xi32, #tpu.memory_space<hbm>>
      tpu.enqueue_dma source(%dma_start3A_89 : memref<40x128xi32, #tpu.memory_space<hbm>>) target(%arg13 : memref<40x128xi32, #tpu.memory_space<vmem>>) target_semaphore(%run_scoped3A : memref<!tpu.dma_semaphore, #tpu.memory_space<semaphore_mem>>)
      %dma_wait3A_90 = arith.constant 0 : i32
      %dma_wait3A_91 = arith.constant 0 : i32
      %dma_wait3A_92 = tpu.memref_slice %arg6[%add3A, %dma_wait3A_90, %dma_wait3A_91] : memref<32x40x128xi32, #tpu.memory_space<hbm>> -> memref<1x40x128xi32, #tpu.memory_space<hbm>>
      %dma_wait3A_93 = tpu.memref_squeeze %dma_wait3A_92 : memref<1x40x128xi32, #tpu.memory_space<hbm>> -> memref<40x128xi32, #tpu.memory_space<hbm>>
      %dma_wait3A_94 = arith.constant 0 : i32
      %dma_wait3A_95 = arith.constant 0 : i32
      %dma_wait3A_96 = tpu.memref_slice %arg6[%add3A, %dma_wait3A_94, %dma_wait3A_95] : memref<32x40x128xi32, #tpu.memory_space<hbm>> -> memref<1x40x128xi32, #tpu.memory_space<hbm>>
      %dma_wait3A_97 = tpu.memref_squeeze %dma_wait3A_96 : memref<1x40x128xi32, #tpu.memory_space<hbm>> -> memref<40x128xi32, #tpu.memory_space<hbm>>
      tpu.wait_dma2 semaphore(%run_scoped3A : memref<!tpu.dma_semaphore, #tpu.memory_space<semaphore_mem>>) src(%dma_wait3A_97 : memref<40x128xi32, #tpu.memory_space<hbm>>) dst(%arg13 : memref<40x128xi32, #tpu.memory_space<vmem>>)
      tpu.yield
    }) : () -> ()
    "tpu.region"() ({
      %run_scoped3A = tpu.sem_alloc : memref<!tpu.dma_semaphore, #tpu.memory_space<semaphore_mem>>
      %dma_start3A_82 = arith.constant 0 : i32
      %dma_start3A_83 = arith.constant 0 : i32
      %dma_start3A_84 = tpu.memref_slice %arg7[%add3A, %dma_start3A_82, %dma_start3A_83] : memref<32x40x128xi32, #tpu.memory_space<hbm>> -> memref<1x40x128xi32, #tpu.memory_space<hbm>>
      %dma_start3A_85 = tpu.memref_squeeze %dma_start3A_84 : memref<1x40x128xi32, #tpu.memory_space<hbm>> -> memref<40x128xi32, #tpu.memory_space<hbm>>
      %dma_start3A_86 = arith.constant 0 : i32
      %dma_start3A_87 = arith.constant 0 : i32
      %dma_start3A_88 = tpu.memref_slice %arg7[%add3A, %dma_start3A_86, %dma_start3A_87] : memref<32x40x128xi32, #tpu.memory_space<hbm>> -> memref<1x40x128xi32, #tpu.memory_space<hbm>>
      %dma_start3A_89 = tpu.memref_squeeze %dma_start3A_88 : memref<1x40x128xi32, #tpu.memory_space<hbm>> -> memref<40x128xi32, #tpu.memory_space<hbm>>
      tpu.enqueue_dma source(%dma_start3A_89 : memref<40x128xi32, #tpu.memory_space<hbm>>) target(%arg14 : memref<40x128xi32, #tpu.memory_space<vmem>>) target_semaphore(%run_scoped3A : memref<!tpu.dma_semaphore, #tpu.memory_space<semaphore_mem>>)
      %dma_wait3A_90 = arith.constant 0 : i32
      %dma_wait3A_91 = arith.constant 0 : i32
      %dma_wait3A_92 = tpu.memref_slice %arg7[%add3A, %dma_wait3A_90, %dma_wait3A_91] : memref<32x40x128xi32, #tpu.memory_space<hbm>> -> memref<1x40x128xi32, #tpu.memory_space<hbm>>
      %dma_wait3A_93 = tpu.memref_squeeze %dma_wait3A_92 : memref<1x40x128xi32, #tpu.memory_space<hbm>> -> memref<40x128xi32, #tpu.memory_space<hbm>>
      %dma_wait3A_94 = arith.constant 0 : i32
      %dma_wait3A_95 = arith.constant 0 : i32
      %dma_wait3A_96 = tpu.memref_slice %arg7[%add3A, %dma_wait3A_94, %dma_wait3A_95] : memref<32x40x128xi32, #tpu.memory_space<hbm>> -> memref<1x40x128xi32, #tpu.memory_space<hbm>>
      %dma_wait3A_97 = tpu.memref_squeeze %dma_wait3A_96 : memref<1x40x128xi32, #tpu.memory_space<hbm>> -> memref<40x128xi32, #tpu.memory_space<hbm>>
      tpu.wait_dma2 semaphore(%run_scoped3A : memref<!tpu.dma_semaphore, #tpu.memory_space<semaphore_mem>>) src(%dma_wait3A_97 : memref<40x128xi32, #tpu.memory_space<hbm>>) dst(%arg14 : memref<40x128xi32, #tpu.memory_space<vmem>>)
      tpu.yield
    }) : () -> ()
    %mul3A_1 = arith.constant 5120 : i32
    %mul3A_2 = arith.muli %arg0, %mul3A_1 : i32
    %mul3A_3 = arith.constant 320 : i32
    %mul3A_4 = arith.muli %arg1, %mul3A_3 : i32
    %add3A_5 = arith.addi %mul3A_2, %mul3A_4 : i32
    %mul3A_6 = arith.constant 320 : i32
    %mul3A_7 = arith.muli %arg1, %mul3A_6 : i32
    "tpu.region"() ({
      %run_scoped3A = tpu.sem_alloc : memref<!tpu.dma_semaphore, #tpu.memory_space<semaphore_mem>>
      %dma_start3A_82 = arith.constant 0 : i32
      %dma_start3A_83 = tpu.memref_slice %arg27[%mul3A_7, %dma_start3A_82] : memref<5120x128xf32, #tpu.memory_space<vmem_shared>> -> memref<320x128xf32, #tpu.memory_space<vmem_shared>>
      tpu.enqueue_dma source(%arg8 : memref<320x128xf32, #tpu.memory_space<hbm>>) target(%dma_start3A_83 : memref<320x128xf32, #tpu.memory_space<vmem_shared>>) target_semaphore(%run_scoped3A : memref<!tpu.dma_semaphore, #tpu.memory_space<semaphore_mem>>)
      %dma_wait3A_84 = arith.constant 0 : i32
      %dma_wait3A_85 = tpu.memref_slice %arg27[%mul3A_7, %dma_wait3A_84] : memref<5120x128xf32, #tpu.memory_space<vmem_shared>> -> memref<320x128xf32, #tpu.memory_space<vmem_shared>>
      tpu.wait_dma2 semaphore(%run_scoped3A : memref<!tpu.dma_semaphore, #tpu.memory_space<semaphore_mem>>) src(%arg8 : memref<320x128xf32, #tpu.memory_space<hbm>>) dst(%dma_wait3A_85 : memref<320x128xf32, #tpu.memory_space<vmem_shared>>)
      tpu.yield
    }) : () -> ()
    %barrier3A = arith.constant 0 : index
    tpu.barrier barrier_id(%barrier3A)
    %dma_start3A = arith.constant 0 : i32
    %dma_start3A_8 = arith.constant 0 : i32
    %dma_start3A_9 = tpu.memref_slice %arg11[%dma_start3A, %dma_start3A_8] : memref<40x128xi32, #tpu.memory_space<vmem>> -> memref<1x128xi32, #tpu.memory_space<vmem>>
    %dma_start3A_10 = tpu.memref_squeeze %dma_start3A_9 : memref<1x128xi32, #tpu.memory_space<vmem>> -> memref<128xi32, #tpu.memory_space<vmem>>
    %dma_start3A_11 = arith.constant 0 : i32
    %dma_start3A_12 = arith.constant 0 : i32
    %dma_start3A_13 = tpu.memref_slice %arg2[%dma_start3A_11, %dma_start3A_12] : memref<5120x128xf32, #tpu.memory_space<hbm>> -> memref<5120x128xf32, #tpu.memory_space<hbm>>
    tpu.enqueue_indirect_dma source(%dma_start3A_13 : memref<5120x128xf32, #tpu.memory_space<hbm>>) target(%arg15 : memref<128x128xf32, #tpu.memory_space<vmem>>) offsets(%dma_start3A_10 : memref<128xi32, #tpu.memory_space<vmem>>) semaphore(%arg19 : memref<!tpu.dma_semaphore, #tpu.memory_space<semaphore_mem>>)
    %dma_start3A_14 = arith.constant 1 : i32
    %dma_start3A_15 = arith.constant 0 : i32
    %dma_start3A_16 = tpu.memref_slice %arg11[%dma_start3A_14, %dma_start3A_15] : memref<40x128xi32, #tpu.memory_space<vmem>> -> memref<1x128xi32, #tpu.memory_space<vmem>>
    %dma_start3A_17 = tpu.memref_squeeze %dma_start3A_16 : memref<1x128xi32, #tpu.memory_space<vmem>> -> memref<128xi32, #tpu.memory_space<vmem>>
    %dma_start3A_18 = arith.constant 0 : i32
    %dma_start3A_19 = arith.constant 0 : i32
    %dma_start3A_20 = tpu.memref_slice %arg2[%dma_start3A_18, %dma_start3A_19] : memref<5120x128xf32, #tpu.memory_space<hbm>> -> memref<5120x128xf32, #tpu.memory_space<hbm>>
    tpu.enqueue_indirect_dma source(%dma_start3A_20 : memref<5120x128xf32, #tpu.memory_space<hbm>>) target(%arg16 : memref<128x128xf32, #tpu.memory_space<vmem>>) offsets(%dma_start3A_17 : memref<128xi32, #tpu.memory_space<vmem>>) semaphore(%arg20 : memref<!tpu.dma_semaphore, #tpu.memory_space<semaphore_mem>>)
    %scan3A = arith.constant 0 : i32
    %scan3A_21 = arith.constant 10 : i32
    %scan3A_22 = arith.addi %scan3A, %scan3A_21 : i32
    %scan3A_23 = arith.constant 1 : i32
    scf.for %scan3A_82 = %scan3A to %scan3A_22 step %scan3A_23  : i32 {
      %mul3A_83 = arith.constant 1 : i32
      %mul3A_84 = arith.muli %scan3A_82, %mul3A_83 : i32
      %add3A_85 = arith.constant 0 : i32
      %add3A_86 = arith.addi %add3A_85, %mul3A_84 : i32
      %mul3A_87 = arith.constant 4 : i32
      %mul3A_88 = arith.muli %add3A_86, %mul3A_87 : i32
      %add3A_89 = arith.constant 0 : i32
      %add3A_90 = arith.addi %mul3A_88, %add3A_89 : i32
      %ge3A = arith.constant 2 : i32
      %ge3A_91 = arith.cmpi sge, %add3A_90, %ge3A : i32
      %convert_element_type3A = arith.extui %ge3A_91 : i1 to i32
      %cond3A = arith.constant 0 : i32
      %cond3A_92 = arith.cmpi ne, %convert_element_type3A, %cond3A : i32
      scf.if %cond3A_92 {
        %sub3A = arith.constant 2 : i32
        %sub3A_195 = arith.subi %add3A_90, %sub3A : i32
        %dma_wait3A_196 = arith.constant 0 : i32
        %dma_wait3A_197 = tpu.memref_slice %arg12[%sub3A_195, %dma_wait3A_196] : memref<40x128xi32, #tpu.memory_space<vmem>> -> memref<1x128xi32, #tpu.memory_space<vmem>>
        %dma_wait3A_198 = tpu.memref_squeeze %dma_wait3A_197 : memref<1x128xi32, #tpu.memory_space<vmem>> -> memref<128xi32, #tpu.memory_space<vmem>>
        %dma_wait3A_199 = arith.constant 0 : i32
        %dma_wait3A_200 = arith.constant 0 : i32
        %dma_wait3A_201 = tpu.memref_slice %arg27[%dma_wait3A_199, %dma_wait3A_200] : memref<5120x128xf32, #tpu.memory_space<vmem_shared>> -> memref<5120x128xf32, #tpu.memory_space<vmem_shared>>
        tpu.wait_indirect_dma semaphore(%arg25 : memref<!tpu.dma_semaphore, #tpu.memory_space<semaphore_mem>>) src(%arg17 : memref<128x128xf32, #tpu.memory_space<vmem>>) dst(%dma_wait3A_201 : memref<5120x128xf32, #tpu.memory_space<vmem_shared>>)
      } else {
      }
      %add3A_93 = arith.constant 2 : i32
      %add3A_94 = arith.addi %add3A_90, %add3A_93 : i32
      %lt3A = arith.constant 40 : i32
      %lt3A_95 = arith.cmpi slt, %add3A_94, %lt3A : i32
      %convert_element_type3A_96 = arith.extui %lt3A_95 : i1 to i32
      %cond3A_97 = arith.constant 0 : i32
      %cond3A_98 = arith.cmpi ne, %convert_element_type3A_96, %cond3A_97 : i32
      scf.if %cond3A_98 {
        %add3A_195 = arith.constant 2 : i32
        %add3A_196 = arith.addi %add3A_90, %add3A_195 : i32
        %dma_start3A_197 = arith.constant 0 : i32
        %dma_start3A_198 = tpu.memref_slice %arg11[%add3A_196, %dma_start3A_197] : memref<40x128xi32, #tpu.memory_space<vmem>> -> memref<1x128xi32, #tpu.memory_space<vmem>>
        %dma_start3A_199 = tpu.memref_squeeze %dma_start3A_198 : memref<1x128xi32, #tpu.memory_space<vmem>> -> memref<128xi32, #tpu.memory_space<vmem>>
        %dma_start3A_200 = arith.constant 0 : i32
        %dma_start3A_201 = arith.constant 0 : i32
        %dma_start3A_202 = tpu.memref_slice %arg2[%dma_start3A_200, %dma_start3A_201] : memref<5120x128xf32, #tpu.memory_space<hbm>> -> memref<5120x128xf32, #tpu.memory_space<hbm>>
        tpu.enqueue_indirect_dma source(%dma_start3A_202 : memref<5120x128xf32, #tpu.memory_space<hbm>>) target(%arg17 : memref<128x128xf32, #tpu.memory_space<vmem>>) offsets(%dma_start3A_199 : memref<128xi32, #tpu.memory_space<vmem>>) semaphore(%arg21 : memref<!tpu.dma_semaphore, #tpu.memory_space<semaphore_mem>>)
      } else {
      }
      %dma_wait3A_99 = arith.constant 0 : i32
      %dma_wait3A_100 = tpu.memref_slice %arg11[%add3A_90, %dma_wait3A_99] : memref<40x128xi32, #tpu.memory_space<vmem>> -> memref<1x128xi32, #tpu.memory_space<vmem>>
      %dma_wait3A_101 = tpu.memref_squeeze %dma_wait3A_100 : memref<1x128xi32, #tpu.memory_space<vmem>> -> memref<128xi32, #tpu.memory_space<vmem>>
      %dma_wait3A_102 = arith.constant 0 : i32
      %dma_wait3A_103 = arith.constant 0 : i32
      %dma_wait3A_104 = tpu.memref_slice %arg2[%dma_wait3A_102, %dma_wait3A_103] : memref<5120x128xf32, #tpu.memory_space<hbm>> -> memref<5120x128xf32, #tpu.memory_space<hbm>>
      tpu.wait_indirect_dma semaphore(%arg19 : memref<!tpu.dma_semaphore, #tpu.memory_space<semaphore_mem>>) src(%dma_wait3A_104 : memref<5120x128xf32, #tpu.memory_space<hbm>>) dst(%arg15 : memref<128x128xf32, #tpu.memory_space<vmem>>)
      %dma_start3A_105 = arith.constant 0 : i32
      %dma_start3A_106 = tpu.memref_slice %arg12[%add3A_90, %dma_start3A_105] : memref<40x128xi32, #tpu.memory_space<vmem>> -> memref<1x128xi32, #tpu.memory_space<vmem>>
      %dma_start3A_107 = tpu.memref_squeeze %dma_start3A_106 : memref<1x128xi32, #tpu.memory_space<vmem>> -> memref<128xi32, #tpu.memory_space<vmem>>
      %dma_start3A_108 = arith.constant 0 : i32
      %dma_start3A_109 = arith.constant 0 : i32
      %dma_start3A_110 = tpu.memref_slice %arg27[%dma_start3A_108, %dma_start3A_109] : memref<5120x128xf32, #tpu.memory_space<vmem_shared>> -> memref<5120x128xf32, #tpu.memory_space<vmem_shared>>
      tpu.enqueue_indirect_dma source(%arg15 : memref<128x128xf32, #tpu.memory_space<vmem>>) target(%dma_start3A_110 : memref<5120x128xf32, #tpu.memory_space<vmem_shared>>) offsets(%dma_start3A_107 : memref<128xi32, #tpu.memory_space<vmem>>) semaphore(%arg23 : memref<!tpu.dma_semaphore, #tpu.memory_space<semaphore_mem>>) {add = true}
      %mul3A_111 = arith.constant 4 : i32
      %mul3A_112 = arith.muli %add3A_86, %mul3A_111 : i32
      %add3A_113 = arith.constant 1 : i32
      %add3A_114 = arith.addi %mul3A_112, %add3A_113 : i32
      %ge3A_115 = arith.constant 2 : i32
      %ge3A_116 = arith.cmpi sge, %add3A_114, %ge3A_115 : i32
      %convert_element_type3A_117 = arith.extui %ge3A_116 : i1 to i32
      %cond3A_118 = arith.constant 0 : i32
      %cond3A_119 = arith.cmpi ne, %convert_element_type3A_117, %cond3A_118 : i32
      scf.if %cond3A_119 {
        %sub3A = arith.constant 2 : i32
        %sub3A_195 = arith.subi %add3A_114, %sub3A : i32
        %dma_wait3A_196 = arith.constant 0 : i32
        %dma_wait3A_197 = tpu.memref_slice %arg12[%sub3A_195, %dma_wait3A_196] : memref<40x128xi32, #tpu.memory_space<vmem>> -> memref<1x128xi32, #tpu.memory_space<vmem>>
        %dma_wait3A_198 = tpu.memref_squeeze %dma_wait3A_197 : memref<1x128xi32, #tpu.memory_space<vmem>> -> memref<128xi32, #tpu.memory_space<vmem>>
        %dma_wait3A_199 = arith.constant 0 : i32
        %dma_wait3A_200 = arith.constant 0 : i32
        %dma_wait3A_201 = tpu.memref_slice %arg27[%dma_wait3A_199, %dma_wait3A_200] : memref<5120x128xf32, #tpu.memory_space<vmem_shared>> -> memref<5120x128xf32, #tpu.memory_space<vmem_shared>>
        tpu.wait_indirect_dma semaphore(%arg26 : memref<!tpu.dma_semaphore, #tpu.memory_space<semaphore_mem>>) src(%arg18 : memref<128x128xf32, #tpu.memory_space<vmem>>) dst(%dma_wait3A_201 : memref<5120x128xf32, #tpu.memory_space<vmem_shared>>)
      } else {
      }
      %add3A_120 = arith.constant 2 : i32
      %add3A_121 = arith.addi %add3A_114, %add3A_120 : i32
      %lt3A_122 = arith.constant 40 : i32
      %lt3A_123 = arith.cmpi slt, %add3A_121, %lt3A_122 : i32
      %convert_element_type3A_124 = arith.extui %lt3A_123 : i1 to i32
      %cond3A_125 = arith.constant 0 : i32
      %cond3A_126 = arith.cmpi ne, %convert_element_type3A_124, %cond3A_125 : i32
      scf.if %cond3A_126 {
        %add3A_195 = arith.constant 2 : i32
        %add3A_196 = arith.addi %add3A_114, %add3A_195 : i32
        %dma_start3A_197 = arith.constant 0 : i32
        %dma_start3A_198 = tpu.memref_slice %arg11[%add3A_196, %dma_start3A_197] : memref<40x128xi32, #tpu.memory_space<vmem>> -> memref<1x128xi32, #tpu.memory_space<vmem>>
        %dma_start3A_199 = tpu.memref_squeeze %dma_start3A_198 : memref<1x128xi32, #tpu.memory_space<vmem>> -> memref<128xi32, #tpu.memory_space<vmem>>
        %dma_start3A_200 = arith.constant 0 : i32
        %dma_start3A_201 = arith.constant 0 : i32
        %dma_start3A_202 = tpu.memref_slice %arg2[%dma_start3A_200, %dma_start3A_201] : memref<5120x128xf32, #tpu.memory_space<hbm>> -> memref<5120x128xf32, #tpu.memory_space<hbm>>
        tpu.enqueue_indirect_dma source(%dma_start3A_202 : memref<5120x128xf32, #tpu.memory_space<hbm>>) target(%arg18 : memref<128x128xf32, #tpu.memory_space<vmem>>) offsets(%dma_start3A_199 : memref<128xi32, #tpu.memory_space<vmem>>) semaphore(%arg22 : memref<!tpu.dma_semaphore, #tpu.memory_space<semaphore_mem>>)
      } else {
      }
      %dma_wait3A_127 = arith.constant 0 : i32
      %dma_wait3A_128 = tpu.memref_slice %arg11[%add3A_114, %dma_wait3A_127] : memref<40x128xi32, #tpu.memory_space<vmem>> -> memref<1x128xi32, #tpu.memory_space<vmem>>
      %dma_wait3A_129 = tpu.memref_squeeze %dma_wait3A_128 : memref<1x128xi32, #tpu.memory_space<vmem>> -> memref<128xi32, #tpu.memory_space<vmem>>
      %dma_wait3A_130 = arith.constant 0 : i32
      %dma_wait3A_131 = arith.constant 0 : i32
      %dma_wait3A_132 = tpu.memref_slice %arg2[%dma_wait3A_130, %dma_wait3A_131] : memref<5120x128xf32, #tpu.memory_space<hbm>> -> memref<5120x128xf32, #tpu.memory_space<hbm>>
      tpu.wait_indirect_dma semaphore(%arg20 : memref<!tpu.dma_semaphore, #tpu.memory_space<semaphore_mem>>) src(%dma_wait3A_132 : memref<5120x128xf32, #tpu.memory_space<hbm>>) dst(%arg16 : memref<128x128xf32, #tpu.memory_space<vmem>>)
      %dma_start3A_133 = arith.constant 0 : i32
      %dma_start3A_134 = tpu.memref_slice %arg12[%add3A_114, %dma_start3A_133] : memref<40x128xi32, #tpu.memory_space<vmem>> -> memref<1x128xi32, #tpu.memory_space<vmem>>
      %dma_start3A_135 = tpu.memref_squeeze %dma_start3A_134 : memref<1x128xi32, #tpu.memory_space<vmem>> -> memref<128xi32, #tpu.memory_space<vmem>>
      %dma_start3A_136 = arith.constant 0 : i32
      %dma_start3A_137 = arith.constant 0 : i32
      %dma_start3A_138 = tpu.memref_slice %arg27[%dma_start3A_136, %dma_start3A_137] : memref<5120x128xf32, #tpu.memory_space<vmem_shared>> -> memref<5120x128xf32, #tpu.memory_space<vmem_shared>>
      tpu.enqueue_indirect_dma source(%arg16 : memref<128x128xf32, #tpu.memory_space<vmem>>) target(%dma_start3A_138 : memref<5120x128xf32, #tpu.memory_space<vmem_shared>>) offsets(%dma_start3A_135 : memref<128xi32, #tpu.memory_space<vmem>>) semaphore(%arg24 : memref<!tpu.dma_semaphore, #tpu.memory_space<semaphore_mem>>) {add = true}
      %mul3A_139 = arith.constant 4 : i32
      %mul3A_140 = arith.muli %add3A_86, %mul3A_139 : i32
      %add3A_141 = arith.constant 2 : i32
      %add3A_142 = arith.addi %mul3A_140, %add3A_141 : i32
      %ge3A_143 = arith.constant 2 : i32
      %ge3A_144 = arith.cmpi sge, %add3A_142, %ge3A_143 : i32
      %convert_element_type3A_145 = arith.extui %ge3A_144 : i1 to i32
      %cond3A_146 = arith.constant 0 : i32
      %cond3A_147 = arith.cmpi ne, %convert_element_type3A_145, %cond3A_146 : i32
      scf.if %cond3A_147 {
        %sub3A = arith.constant 2 : i32
        %sub3A_195 = arith.subi %add3A_142, %sub3A : i32
        %dma_wait3A_196 = arith.constant 0 : i32
        %dma_wait3A_197 = tpu.memref_slice %arg12[%sub3A_195, %dma_wait3A_196] : memref<40x128xi32, #tpu.memory_space<vmem>> -> memref<1x128xi32, #tpu.memory_space<vmem>>
        %dma_wait3A_198 = tpu.memref_squeeze %dma_wait3A_197 : memref<1x128xi32, #tpu.memory_space<vmem>> -> memref<128xi32, #tpu.memory_space<vmem>>
        %dma_wait3A_199 = arith.constant 0 : i32
        %dma_wait3A_200 = arith.constant 0 : i32
        %dma_wait3A_201 = tpu.memref_slice %arg27[%dma_wait3A_199, %dma_wait3A_200] : memref<5120x128xf32, #tpu.memory_space<vmem_shared>> -> memref<5120x128xf32, #tpu.memory_space<vmem_shared>>
        tpu.wait_indirect_dma semaphore(%arg23 : memref<!tpu.dma_semaphore, #tpu.memory_space<semaphore_mem>>) src(%arg15 : memref<128x128xf32, #tpu.memory_space<vmem>>) dst(%dma_wait3A_201 : memref<5120x128xf32, #tpu.memory_space<vmem_shared>>)
      } else {
      }
      %add3A_148 = arith.constant 2 : i32
      %add3A_149 = arith.addi %add3A_142, %add3A_148 : i32
      %lt3A_150 = arith.constant 40 : i32
      %lt3A_151 = arith.cmpi slt, %add3A_149, %lt3A_150 : i32
      %convert_element_type3A_152 = arith.extui %lt3A_151 : i1 to i32
      %cond3A_153 = arith.constant 0 : i32
      %cond3A_154 = arith.cmpi ne, %convert_element_type3A_152, %cond3A_153 : i32
      scf.if %cond3A_154 {
        %add3A_195 = arith.constant 2 : i32
        %add3A_196 = arith.addi %add3A_142, %add3A_195 : i32
        %dma_start3A_197 = arith.constant 0 : i32
        %dma_start3A_198 = tpu.memref_slice %arg11[%add3A_196, %dma_start3A_197] : memref<40x128xi32, #tpu.memory_space<vmem>> -> memref<1x128xi32, #tpu.memory_space<vmem>>
        %dma_start3A_199 = tpu.memref_squeeze %dma_start3A_198 : memref<1x128xi32, #tpu.memory_space<vmem>> -> memref<128xi32, #tpu.memory_space<vmem>>
        %dma_start3A_200 = arith.constant 0 : i32
        %dma_start3A_201 = arith.constant 0 : i32
        %dma_start3A_202 = tpu.memref_slice %arg2[%dma_start3A_200, %dma_start3A_201] : memref<5120x128xf32, #tpu.memory_space<hbm>> -> memref<5120x128xf32, #tpu.memory_space<hbm>>
        tpu.enqueue_indirect_dma source(%dma_start3A_202 : memref<5120x128xf32, #tpu.memory_space<hbm>>) target(%arg15 : memref<128x128xf32, #tpu.memory_space<vmem>>) offsets(%dma_start3A_199 : memref<128xi32, #tpu.memory_space<vmem>>) semaphore(%arg19 : memref<!tpu.dma_semaphore, #tpu.memory_space<semaphore_mem>>)
      } else {
      }
      %dma_wait3A_155 = arith.constant 0 : i32
      %dma_wait3A_156 = tpu.memref_slice %arg11[%add3A_142, %dma_wait3A_155] : memref<40x128xi32, #tpu.memory_space<vmem>> -> memref<1x128xi32, #tpu.memory_space<vmem>>
      %dma_wait3A_157 = tpu.memref_squeeze %dma_wait3A_156 : memref<1x128xi32, #tpu.memory_space<vmem>> -> memref<128xi32, #tpu.memory_space<vmem>>
      %dma_wait3A_158 = arith.constant 0 : i32
      %dma_wait3A_159 = arith.constant 0 : i32
      %dma_wait3A_160 = tpu.memref_slice %arg2[%dma_wait3A_158, %dma_wait3A_159] : memref<5120x128xf32, #tpu.memory_space<hbm>> -> memref<5120x128xf32, #tpu.memory_space<hbm>>
      tpu.wait_indirect_dma semaphore(%arg21 : memref<!tpu.dma_semaphore, #tpu.memory_space<semaphore_mem>>) src(%dma_wait3A_160 : memref<5120x128xf32, #tpu.memory_space<hbm>>) dst(%arg17 : memref<128x128xf32, #tpu.memory_space<vmem>>)
      %dma_start3A_161 = arith.constant 0 : i32
      %dma_start3A_162 = tpu.memref_slice %arg12[%add3A_142, %dma_start3A_161] : memref<40x128xi32, #tpu.memory_space<vmem>> -> memref<1x128xi32, #tpu.memory_space<vmem>>
      %dma_start3A_163 = tpu.memref_squeeze %dma_start3A_162 : memref<1x128xi32, #tpu.memory_space<vmem>> -> memref<128xi32, #tpu.memory_space<vmem>>
      %dma_start3A_164 = arith.constant 0 : i32
      %dma_start3A_165 = arith.constant 0 : i32
      %dma_start3A_166 = tpu.memref_slice %arg27[%dma_start3A_164, %dma_start3A_165] : memref<5120x128xf32, #tpu.memory_space<vmem_shared>> -> memref<5120x128xf32, #tpu.memory_space<vmem_shared>>
      tpu.enqueue_indirect_dma source(%arg17 : memref<128x128xf32, #tpu.memory_space<vmem>>) target(%dma_start3A_166 : memref<5120x128xf32, #tpu.memory_space<vmem_shared>>) offsets(%dma_start3A_163 : memref<128xi32, #tpu.memory_space<vmem>>) semaphore(%arg25 : memref<!tpu.dma_semaphore, #tpu.memory_space<semaphore_mem>>) {add = true}
      %mul3A_167 = arith.constant 4 : i32
      %mul3A_168 = arith.muli %add3A_86, %mul3A_167 : i32
      %add3A_169 = arith.constant 3 : i32
      %add3A_170 = arith.addi %mul3A_168, %add3A_169 : i32
      %ge3A_171 = arith.constant 2 : i32
      %ge3A_172 = arith.cmpi sge, %add3A_170, %ge3A_171 : i32
      %convert_element_type3A_173 = arith.extui %ge3A_172 : i1 to i32
      %cond3A_174 = arith.constant 0 : i32
      %cond3A_175 = arith.cmpi ne, %convert_element_type3A_173, %cond3A_174 : i32
      scf.if %cond3A_175 {
        %sub3A = arith.constant 2 : i32
        %sub3A_195 = arith.subi %add3A_170, %sub3A : i32
        %dma_wait3A_196 = arith.constant 0 : i32
        %dma_wait3A_197 = tpu.memref_slice %arg12[%sub3A_195, %dma_wait3A_196] : memref<40x128xi32, #tpu.memory_space<vmem>> -> memref<1x128xi32, #tpu.memory_space<vmem>>
        %dma_wait3A_198 = tpu.memref_squeeze %dma_wait3A_197 : memref<1x128xi32, #tpu.memory_space<vmem>> -> memref<128xi32, #tpu.memory_space<vmem>>
        %dma_wait3A_199 = arith.constant 0 : i32
        %dma_wait3A_200 = arith.constant 0 : i32
        %dma_wait3A_201 = tpu.memref_slice %arg27[%dma_wait3A_199, %dma_wait3A_200] : memref<5120x128xf32, #tpu.memory_space<vmem_shared>> -> memref<5120x128xf32, #tpu.memory_space<vmem_shared>>
        tpu.wait_indirect_dma semaphore(%arg24 : memref<!tpu.dma_semaphore, #tpu.memory_space<semaphore_mem>>) src(%arg16 : memref<128x128xf32, #tpu.memory_space<vmem>>) dst(%dma_wait3A_201 : memref<5120x128xf32, #tpu.memory_space<vmem_shared>>)
      } else {
      }
      %add3A_176 = arith.constant 2 : i32
      %add3A_177 = arith.addi %add3A_170, %add3A_176 : i32
      %lt3A_178 = arith.constant 40 : i32
      %lt3A_179 = arith.cmpi slt, %add3A_177, %lt3A_178 : i32
      %convert_element_type3A_180 = arith.extui %lt3A_179 : i1 to i32
      %cond3A_181 = arith.constant 0 : i32
      %cond3A_182 = arith.cmpi ne, %convert_element_type3A_180, %cond3A_181 : i32
      scf.if %cond3A_182 {
        %add3A_195 = arith.constant 2 : i32
        %add3A_196 = arith.addi %add3A_170, %add3A_195 : i32
        %dma_start3A_197 = arith.constant 0 : i32
        %dma_start3A_198 = tpu.memref_slice %arg11[%add3A_196, %dma_start3A_197] : memref<40x128xi32, #tpu.memory_space<vmem>> -> memref<1x128xi32, #tpu.memory_space<vmem>>
        %dma_start3A_199 = tpu.memref_squeeze %dma_start3A_198 : memref<1x128xi32, #tpu.memory_space<vmem>> -> memref<128xi32, #tpu.memory_space<vmem>>
        %dma_start3A_200 = arith.constant 0 : i32
        %dma_start3A_201 = arith.constant 0 : i32
        %dma_start3A_202 = tpu.memref_slice %arg2[%dma_start3A_200, %dma_start3A_201] : memref<5120x128xf32, #tpu.memory_space<hbm>> -> memref<5120x128xf32, #tpu.memory_space<hbm>>
        tpu.enqueue_indirect_dma source(%dma_start3A_202 : memref<5120x128xf32, #tpu.memory_space<hbm>>) target(%arg16 : memref<128x128xf32, #tpu.memory_space<vmem>>) offsets(%dma_start3A_199 : memref<128xi32, #tpu.memory_space<vmem>>) semaphore(%arg20 : memref<!tpu.dma_semaphore, #tpu.memory_space<semaphore_mem>>)
      } else {
      }
      %dma_wait3A_183 = arith.constant 0 : i32
      %dma_wait3A_184 = tpu.memref_slice %arg11[%add3A_170, %dma_wait3A_183] : memref<40x128xi32, #tpu.memory_space<vmem>> -> memref<1x128xi32, #tpu.memory_space<vmem>>
      %dma_wait3A_185 = tpu.memref_squeeze %dma_wait3A_184 : memref<1x128xi32, #tpu.memory_space<vmem>> -> memref<128xi32, #tpu.memory_space<vmem>>
      %dma_wait3A_186 = arith.constant 0 : i32
      %dma_wait3A_187 = arith.constant 0 : i32
      %dma_wait3A_188 = tpu.memref_slice %arg2[%dma_wait3A_186, %dma_wait3A_187] : memref<5120x128xf32, #tpu.memory_space<hbm>> -> memref<5120x128xf32, #tpu.memory_space<hbm>>
      tpu.wait_indirect_dma semaphore(%arg22 : memref<!tpu.dma_semaphore, #tpu.memory_space<semaphore_mem>>) src(%dma_wait3A_188 : memref<5120x128xf32, #tpu.memory_space<hbm>>) dst(%arg18 : memref<128x128xf32, #tpu.memory_space<vmem>>)
      %dma_start3A_189 = arith.constant 0 : i32
      %dma_start3A_190 = tpu.memref_slice %arg12[%add3A_170, %dma_start3A_189] : memref<40x128xi32, #tpu.memory_space<vmem>> -> memref<1x128xi32, #tpu.memory_space<vmem>>
      %dma_start3A_191 = tpu.memref_squeeze %dma_start3A_190 : memref<1x128xi32, #tpu.memory_space<vmem>> -> memref<128xi32, #tpu.memory_space<vmem>>
      %dma_start3A_192 = arith.constant 0 : i32
      %dma_start3A_193 = arith.constant 0 : i32
      %dma_start3A_194 = tpu.memref_slice %arg27[%dma_start3A_192, %dma_start3A_193] : memref<5120x128xf32, #tpu.memory_space<vmem_shared>> -> memref<5120x128xf32, #tpu.memory_space<vmem_shared>>
      tpu.enqueue_indirect_dma source(%arg18 : memref<128x128xf32, #tpu.memory_space<vmem>>) target(%dma_start3A_194 : memref<5120x128xf32, #tpu.memory_space<vmem_shared>>) offsets(%dma_start3A_191 : memref<128xi32, #tpu.memory_space<vmem>>) semaphore(%arg26 : memref<!tpu.dma_semaphore, #tpu.memory_space<semaphore_mem>>) {add = true}
    }
    %scan3A_24 = arith.constant 10 : i32
    %dma_wait3A = arith.constant 38 : i32
    %dma_wait3A_25 = arith.constant 0 : i32
    %dma_wait3A_26 = tpu.memref_slice %arg12[%dma_wait3A, %dma_wait3A_25] : memref<40x128xi32, #tpu.memory_space<vmem>> -> memref<1x128xi32, #tpu.memory_space<vmem>>
    %dma_wait3A_27 = tpu.memref_squeeze %dma_wait3A_26 : memref<1x128xi32, #tpu.memory_space<vmem>> -> memref<128xi32, #tpu.memory_space<vmem>>
    %dma_wait3A_28 = arith.constant 0 : i32
    %dma_wait3A_29 = arith.constant 0 : i32
    %dma_wait3A_30 = tpu.memref_slice %arg27[%dma_wait3A_28, %dma_wait3A_29] : memref<5120x128xf32, #tpu.memory_space<vmem_shared>> -> memref<5120x128xf32, #tpu.memory_space<vmem_shared>>
    tpu.wait_indirect_dma semaphore(%arg25 : memref<!tpu.dma_semaphore, #tpu.memory_space<semaphore_mem>>) src(%arg17 : memref<128x128xf32, #tpu.memory_space<vmem>>) dst(%dma_wait3A_30 : memref<5120x128xf32, #tpu.memory_space<vmem_shared>>)
    %dma_wait3A_31 = arith.constant 39 : i32
    %dma_wait3A_32 = arith.constant 0 : i32
    %dma_wait3A_33 = tpu.memref_slice %arg12[%dma_wait3A_31, %dma_wait3A_32] : memref<40x128xi32, #tpu.memory_space<vmem>> -> memref<1x128xi32, #tpu.memory_space<vmem>>
    %dma_wait3A_34 = tpu.memref_squeeze %dma_wait3A_33 : memref<1x128xi32, #tpu.memory_space<vmem>> -> memref<128xi32, #tpu.memory_space<vmem>>
    %dma_wait3A_35 = arith.constant 0 : i32
    %dma_wait3A_36 = arith.constant 0 : i32
    %dma_wait3A_37 = tpu.memref_slice %arg27[%dma_wait3A_35, %dma_wait3A_36] : memref<5120x128xf32, #tpu.memory_space<vmem_shared>> -> memref<5120x128xf32, #tpu.memory_space<vmem_shared>>
    tpu.wait_indirect_dma semaphore(%arg26 : memref<!tpu.dma_semaphore, #tpu.memory_space<semaphore_mem>>) src(%arg18 : memref<128x128xf32, #tpu.memory_space<vmem>>) dst(%dma_wait3A_37 : memref<5120x128xf32, #tpu.memory_space<vmem_shared>>)
    %barrier3A_38 = arith.constant 0 : index
    tpu.barrier barrier_id(%barrier3A_38)
    %mul3A_39 = arith.constant 320 : i32
    %mul3A_40 = arith.muli %arg1, %mul3A_39 : i32
    "tpu.region"() ({
      %run_scoped3A = tpu.sem_alloc : memref<!tpu.dma_semaphore, #tpu.memory_space<semaphore_mem>>
      %dma_start3A_82 = arith.constant 0 : i32
      %dma_start3A_83 = tpu.memref_slice %arg9[%add3A_5, %dma_start3A_82] : memref<10240x128xf32, #tpu.memory_space<hbm>> -> memref<320x128xf32, #tpu.memory_space<hbm>>
      %dma_start3A_84 = arith.constant 0 : i32
      %dma_start3A_85 = tpu.memref_slice %arg27[%mul3A_40, %dma_start3A_84] : memref<5120x128xf32, #tpu.memory_space<vmem_shared>> -> memref<320x128xf32, #tpu.memory_space<vmem_shared>>
      tpu.enqueue_dma source(%dma_start3A_85 : memref<320x128xf32, #tpu.memory_space<vmem_shared>>) target(%dma_start3A_83 : memref<320x128xf32, #tpu.memory_space<hbm>>) target_semaphore(%run_scoped3A : memref<!tpu.dma_semaphore, #tpu.memory_space<semaphore_mem>>)
      %dma_wait3A_86 = arith.constant 0 : i32
      %dma_wait3A_87 = tpu.memref_slice %arg9[%add3A_5, %dma_wait3A_86] : memref<10240x128xf32, #tpu.memory_space<hbm>> -> memref<320x128xf32, #tpu.memory_space<hbm>>
      %dma_wait3A_88 = arith.constant 0 : i32
      %dma_wait3A_89 = tpu.memref_slice %arg27[%mul3A_40, %dma_wait3A_88] : memref<5120x128xf32, #tpu.memory_space<vmem_shared>> -> memref<320x128xf32, #tpu.memory_space<vmem_shared>>
      tpu.wait_dma2 semaphore(%run_scoped3A : memref<!tpu.dma_semaphore, #tpu.memory_space<semaphore_mem>>) src(%dma_wait3A_89 : memref<320x128xf32, #tpu.memory_space<vmem_shared>>) dst(%dma_wait3A_87 : memref<320x128xf32, #tpu.memory_space<hbm>>)
      tpu.yield
    }) : () -> ()
    %barrier3A_41 = arith.constant 0 : index
    tpu.barrier barrier_id(%barrier3A_41)
    %mul3A_42 = arith.constant 320 : i32
    %mul3A_43 = arith.muli %arg1, %mul3A_42 : i32
    "tpu.region"() ({
      %run_scoped3A = tpu.sem_alloc : memref<!tpu.dma_semaphore, #tpu.memory_space<semaphore_mem>>
      %dma_start3A_82 = arith.constant 0 : i32
      %dma_start3A_83 = tpu.memref_slice %arg27[%mul3A_43, %dma_start3A_82] : memref<5120x128xf32, #tpu.memory_space<vmem_shared>> -> memref<320x128xf32, #tpu.memory_space<vmem_shared>>
      tpu.enqueue_dma source(%arg8 : memref<320x128xf32, #tpu.memory_space<hbm>>) target(%dma_start3A_83 : memref<320x128xf32, #tpu.memory_space<vmem_shared>>) target_semaphore(%run_scoped3A : memref<!tpu.dma_semaphore, #tpu.memory_space<semaphore_mem>>)
      %dma_wait3A_84 = arith.constant 0 : i32
      %dma_wait3A_85 = tpu.memref_slice %arg27[%mul3A_43, %dma_wait3A_84] : memref<5120x128xf32, #tpu.memory_space<vmem_shared>> -> memref<320x128xf32, #tpu.memory_space<vmem_shared>>
      tpu.wait_dma2 semaphore(%run_scoped3A : memref<!tpu.dma_semaphore, #tpu.memory_space<semaphore_mem>>) src(%arg8 : memref<320x128xf32, #tpu.memory_space<hbm>>) dst(%dma_wait3A_85 : memref<320x128xf32, #tpu.memory_space<vmem_shared>>)
      tpu.yield
    }) : () -> ()
    %barrier3A_44 = arith.constant 0 : index
    tpu.barrier barrier_id(%barrier3A_44)
    %dma_start3A_45 = arith.constant 0 : i32
    %dma_start3A_46 = arith.constant 0 : i32
    %dma_start3A_47 = tpu.memref_slice %arg13[%dma_start3A_45, %dma_start3A_46] : memref<40x128xi32, #tpu.memory_space<vmem>> -> memref<1x128xi32, #tpu.memory_space<vmem>>
    %dma_start3A_48 = tpu.memref_squeeze %dma_start3A_47 : memref<1x128xi32, #tpu.memory_space<vmem>> -> memref<128xi32, #tpu.memory_space<vmem>>
    %dma_start3A_49 = arith.constant 0 : i32
    %dma_start3A_50 = arith.constant 0 : i32
    %dma_start3A_51 = tpu.memref_slice %arg3[%dma_start3A_49, %dma_start3A_50] : memref<5120x128xf32, #tpu.memory_space<hbm>> -> memref<5120x128xf32, #tpu.memory_space<hbm>>
    tpu.enqueue_indirect_dma source(%dma_start3A_51 : memref<5120x128xf32, #tpu.memory_space<hbm>>) target(%arg15 : memref<128x128xf32, #tpu.memory_space<vmem>>) offsets(%dma_start3A_48 : memref<128xi32, #tpu.memory_space<vmem>>) semaphore(%arg19 : memref<!tpu.dma_semaphore, #tpu.memory_space<semaphore_mem>>)
    %dma_start3A_52 = arith.constant 1 : i32
    %dma_start3A_53 = arith.constant 0 : i32
    %dma_start3A_54 = tpu.memref_slice %arg13[%dma_start3A_52, %dma_start3A_53] : memref<40x128xi32, #tpu.memory_space<vmem>> -> memref<1x128xi32, #tpu.memory_space<vmem>>
    %dma_start3A_55 = tpu.memref_squeeze %dma_start3A_54 : memref<1x128xi32, #tpu.memory_space<vmem>> -> memref<128xi32, #tpu.memory_space<vmem>>
    %dma_start3A_56 = arith.constant 0 : i32
    %dma_start3A_57 = arith.constant 0 : i32
    %dma_start3A_58 = tpu.memref_slice %arg3[%dma_start3A_56, %dma_start3A_57] : memref<5120x128xf32, #tpu.memory_space<hbm>> -> memref<5120x128xf32, #tpu.memory_space<hbm>>
    tpu.enqueue_indirect_dma source(%dma_start3A_58 : memref<5120x128xf32, #tpu.memory_space<hbm>>) target(%arg16 : memref<128x128xf32, #tpu.memory_space<vmem>>) offsets(%dma_start3A_55 : memref<128xi32, #tpu.memory_space<vmem>>) semaphore(%arg20 : memref<!tpu.dma_semaphore, #tpu.memory_space<semaphore_mem>>)
    %scan3A_59 = arith.constant 0 : i32
    %scan3A_60 = arith.constant 10 : i32
    %scan3A_61 = arith.addi %scan3A_59, %scan3A_60 : i32
    %scan3A_62 = arith.constant 1 : i32
    scf.for %scan3A_82 = %scan3A_59 to %scan3A_61 step %scan3A_62  : i32 {
      %mul3A_83 = arith.constant 1 : i32
      %mul3A_84 = arith.muli %scan3A_82, %mul3A_83 : i32
      %add3A_85 = arith.constant 0 : i32
      %add3A_86 = arith.addi %add3A_85, %mul3A_84 : i32
      %mul3A_87 = arith.constant 4 : i32
      %mul3A_88 = arith.muli %add3A_86, %mul3A_87 : i32
      %add3A_89 = arith.constant 0 : i32
      %add3A_90 = arith.addi %mul3A_88, %add3A_89 : i32
      %ge3A = arith.constant 2 : i32
      %ge3A_91 = arith.cmpi sge, %add3A_90, %ge3A : i32
      %convert_element_type3A = arith.extui %ge3A_91 : i1 to i32
      %cond3A = arith.constant 0 : i32
      %cond3A_92 = arith.cmpi ne, %convert_element_type3A, %cond3A : i32
      scf.if %cond3A_92 {
        %sub3A = arith.constant 2 : i32
        %sub3A_195 = arith.subi %add3A_90, %sub3A : i32
        %dma_wait3A_196 = arith.constant 0 : i32
        %dma_wait3A_197 = tpu.memref_slice %arg14[%sub3A_195, %dma_wait3A_196] : memref<40x128xi32, #tpu.memory_space<vmem>> -> memref<1x128xi32, #tpu.memory_space<vmem>>
        %dma_wait3A_198 = tpu.memref_squeeze %dma_wait3A_197 : memref<1x128xi32, #tpu.memory_space<vmem>> -> memref<128xi32, #tpu.memory_space<vmem>>
        %dma_wait3A_199 = arith.constant 0 : i32
        %dma_wait3A_200 = arith.constant 0 : i32
        %dma_wait3A_201 = tpu.memref_slice %arg27[%dma_wait3A_199, %dma_wait3A_200] : memref<5120x128xf32, #tpu.memory_space<vmem_shared>> -> memref<5120x128xf32, #tpu.memory_space<vmem_shared>>
        tpu.wait_indirect_dma semaphore(%arg25 : memref<!tpu.dma_semaphore, #tpu.memory_space<semaphore_mem>>) src(%arg17 : memref<128x128xf32, #tpu.memory_space<vmem>>) dst(%dma_wait3A_201 : memref<5120x128xf32, #tpu.memory_space<vmem_shared>>)
      } else {
      }
      %add3A_93 = arith.constant 2 : i32
      %add3A_94 = arith.addi %add3A_90, %add3A_93 : i32
      %lt3A = arith.constant 40 : i32
      %lt3A_95 = arith.cmpi slt, %add3A_94, %lt3A : i32
      %convert_element_type3A_96 = arith.extui %lt3A_95 : i1 to i32
      %cond3A_97 = arith.constant 0 : i32
      %cond3A_98 = arith.cmpi ne, %convert_element_type3A_96, %cond3A_97 : i32
      scf.if %cond3A_98 {
        %add3A_195 = arith.constant 2 : i32
        %add3A_196 = arith.addi %add3A_90, %add3A_195 : i32
        %dma_start3A_197 = arith.constant 0 : i32
        %dma_start3A_198 = tpu.memref_slice %arg13[%add3A_196, %dma_start3A_197] : memref<40x128xi32, #tpu.memory_space<vmem>> -> memref<1x128xi32, #tpu.memory_space<vmem>>
        %dma_start3A_199 = tpu.memref_squeeze %dma_start3A_198 : memref<1x128xi32, #tpu.memory_space<vmem>> -> memref<128xi32, #tpu.memory_space<vmem>>
        %dma_start3A_200 = arith.constant 0 : i32
        %dma_start3A_201 = arith.constant 0 : i32
        %dma_start3A_202 = tpu.memref_slice %arg3[%dma_start3A_200, %dma_start3A_201] : memref<5120x128xf32, #tpu.memory_space<hbm>> -> memref<5120x128xf32, #tpu.memory_space<hbm>>
        tpu.enqueue_indirect_dma source(%dma_start3A_202 : memref<5120x128xf32, #tpu.memory_space<hbm>>) target(%arg17 : memref<128x128xf32, #tpu.memory_space<vmem>>) offsets(%dma_start3A_199 : memref<128xi32, #tpu.memory_space<vmem>>) semaphore(%arg21 : memref<!tpu.dma_semaphore, #tpu.memory_space<semaphore_mem>>)
      } else {
      }
      %dma_wait3A_99 = arith.constant 0 : i32
      %dma_wait3A_100 = tpu.memref_slice %arg13[%add3A_90, %dma_wait3A_99] : memref<40x128xi32, #tpu.memory_space<vmem>> -> memref<1x128xi32, #tpu.memory_space<vmem>>
      %dma_wait3A_101 = tpu.memref_squeeze %dma_wait3A_100 : memref<1x128xi32, #tpu.memory_space<vmem>> -> memref<128xi32, #tpu.memory_space<vmem>>
      %dma_wait3A_102 = arith.constant 0 : i32
      %dma_wait3A_103 = arith.constant 0 : i32
      %dma_wait3A_104 = tpu.memref_slice %arg3[%dma_wait3A_102, %dma_wait3A_103] : memref<5120x128xf32, #tpu.memory_space<hbm>> -> memref<5120x128xf32, #tpu.memory_space<hbm>>
      tpu.wait_indirect_dma semaphore(%arg19 : memref<!tpu.dma_semaphore, #tpu.memory_space<semaphore_mem>>) src(%dma_wait3A_104 : memref<5120x128xf32, #tpu.memory_space<hbm>>) dst(%arg15 : memref<128x128xf32, #tpu.memory_space<vmem>>)
      %dma_start3A_105 = arith.constant 0 : i32
      %dma_start3A_106 = tpu.memref_slice %arg14[%add3A_90, %dma_start3A_105] : memref<40x128xi32, #tpu.memory_space<vmem>> -> memref<1x128xi32, #tpu.memory_space<vmem>>
      %dma_start3A_107 = tpu.memref_squeeze %dma_start3A_106 : memref<1x128xi32, #tpu.memory_space<vmem>> -> memref<128xi32, #tpu.memory_space<vmem>>
      %dma_start3A_108 = arith.constant 0 : i32
      %dma_start3A_109 = arith.constant 0 : i32
      %dma_start3A_110 = tpu.memref_slice %arg27[%dma_start3A_108, %dma_start3A_109] : memref<5120x128xf32, #tpu.memory_space<vmem_shared>> -> memref<5120x128xf32, #tpu.memory_space<vmem_shared>>
      tpu.enqueue_indirect_dma source(%arg15 : memref<128x128xf32, #tpu.memory_space<vmem>>) target(%dma_start3A_110 : memref<5120x128xf32, #tpu.memory_space<vmem_shared>>) offsets(%dma_start3A_107 : memref<128xi32, #tpu.memory_space<vmem>>) semaphore(%arg23 : memref<!tpu.dma_semaphore, #tpu.memory_space<semaphore_mem>>) {add = true}
      %mul3A_111 = arith.constant 4 : i32
      %mul3A_112 = arith.muli %add3A_86, %mul3A_111 : i32
      %add3A_113 = arith.constant 1 : i32
      %add3A_114 = arith.addi %mul3A_112, %add3A_113 : i32
      %ge3A_115 = arith.constant 2 : i32
      %ge3A_116 = arith.cmpi sge, %add3A_114, %ge3A_115 : i32
      %convert_element_type3A_117 = arith.extui %ge3A_116 : i1 to i32
      %cond3A_118 = arith.constant 0 : i32
      %cond3A_119 = arith.cmpi ne, %convert_element_type3A_117, %cond3A_118 : i32
      scf.if %cond3A_119 {
        %sub3A = arith.constant 2 : i32
        %sub3A_195 = arith.subi %add3A_114, %sub3A : i32
        %dma_wait3A_196 = arith.constant 0 : i32
        %dma_wait3A_197 = tpu.memref_slice %arg14[%sub3A_195, %dma_wait3A_196] : memref<40x128xi32, #tpu.memory_space<vmem>> -> memref<1x128xi32, #tpu.memory_space<vmem>>
        %dma_wait3A_198 = tpu.memref_squeeze %dma_wait3A_197 : memref<1x128xi32, #tpu.memory_space<vmem>> -> memref<128xi32, #tpu.memory_space<vmem>>
        %dma_wait3A_199 = arith.constant 0 : i32
        %dma_wait3A_200 = arith.constant 0 : i32
        %dma_wait3A_201 = tpu.memref_slice %arg27[%dma_wait3A_199, %dma_wait3A_200] : memref<5120x128xf32, #tpu.memory_space<vmem_shared>> -> memref<5120x128xf32, #tpu.memory_space<vmem_shared>>
        tpu.wait_indirect_dma semaphore(%arg26 : memref<!tpu.dma_semaphore, #tpu.memory_space<semaphore_mem>>) src(%arg18 : memref<128x128xf32, #tpu.memory_space<vmem>>) dst(%dma_wait3A_201 : memref<5120x128xf32, #tpu.memory_space<vmem_shared>>)
      } else {
      }
      %add3A_120 = arith.constant 2 : i32
      %add3A_121 = arith.addi %add3A_114, %add3A_120 : i32
      %lt3A_122 = arith.constant 40 : i32
      %lt3A_123 = arith.cmpi slt, %add3A_121, %lt3A_122 : i32
      %convert_element_type3A_124 = arith.extui %lt3A_123 : i1 to i32
      %cond3A_125 = arith.constant 0 : i32
      %cond3A_126 = arith.cmpi ne, %convert_element_type3A_124, %cond3A_125 : i32
      scf.if %cond3A_126 {
        %add3A_195 = arith.constant 2 : i32
        %add3A_196 = arith.addi %add3A_114, %add3A_195 : i32
        %dma_start3A_197 = arith.constant 0 : i32
        %dma_start3A_198 = tpu.memref_slice %arg13[%add3A_196, %dma_start3A_197] : memref<40x128xi32, #tpu.memory_space<vmem>> -> memref<1x128xi32, #tpu.memory_space<vmem>>
        %dma_start3A_199 = tpu.memref_squeeze %dma_start3A_198 : memref<1x128xi32, #tpu.memory_space<vmem>> -> memref<128xi32, #tpu.memory_space<vmem>>
        %dma_start3A_200 = arith.constant 0 : i32
        %dma_start3A_201 = arith.constant 0 : i32
        %dma_start3A_202 = tpu.memref_slice %arg3[%dma_start3A_200, %dma_start3A_201] : memref<5120x128xf32, #tpu.memory_space<hbm>> -> memref<5120x128xf32, #tpu.memory_space<hbm>>
        tpu.enqueue_indirect_dma source(%dma_start3A_202 : memref<5120x128xf32, #tpu.memory_space<hbm>>) target(%arg18 : memref<128x128xf32, #tpu.memory_space<vmem>>) offsets(%dma_start3A_199 : memref<128xi32, #tpu.memory_space<vmem>>) semaphore(%arg22 : memref<!tpu.dma_semaphore, #tpu.memory_space<semaphore_mem>>)
      } else {
      }
      %dma_wait3A_127 = arith.constant 0 : i32
      %dma_wait3A_128 = tpu.memref_slice %arg13[%add3A_114, %dma_wait3A_127] : memref<40x128xi32, #tpu.memory_space<vmem>> -> memref<1x128xi32, #tpu.memory_space<vmem>>
      %dma_wait3A_129 = tpu.memref_squeeze %dma_wait3A_128 : memref<1x128xi32, #tpu.memory_space<vmem>> -> memref<128xi32, #tpu.memory_space<vmem>>
      %dma_wait3A_130 = arith.constant 0 : i32
      %dma_wait3A_131 = arith.constant 0 : i32
      %dma_wait3A_132 = tpu.memref_slice %arg3[%dma_wait3A_130, %dma_wait3A_131] : memref<5120x128xf32, #tpu.memory_space<hbm>> -> memref<5120x128xf32, #tpu.memory_space<hbm>>
      tpu.wait_indirect_dma semaphore(%arg20 : memref<!tpu.dma_semaphore, #tpu.memory_space<semaphore_mem>>) src(%dma_wait3A_132 : memref<5120x128xf32, #tpu.memory_space<hbm>>) dst(%arg16 : memref<128x128xf32, #tpu.memory_space<vmem>>)
      %dma_start3A_133 = arith.constant 0 : i32
      %dma_start3A_134 = tpu.memref_slice %arg14[%add3A_114, %dma_start3A_133] : memref<40x128xi32, #tpu.memory_space<vmem>> -> memref<1x128xi32, #tpu.memory_space<vmem>>
      %dma_start3A_135 = tpu.memref_squeeze %dma_start3A_134 : memref<1x128xi32, #tpu.memory_space<vmem>> -> memref<128xi32, #tpu.memory_space<vmem>>
      %dma_start3A_136 = arith.constant 0 : i32
      %dma_start3A_137 = arith.constant 0 : i32
      %dma_start3A_138 = tpu.memref_slice %arg27[%dma_start3A_136, %dma_start3A_137] : memref<5120x128xf32, #tpu.memory_space<vmem_shared>> -> memref<5120x128xf32, #tpu.memory_space<vmem_shared>>
      tpu.enqueue_indirect_dma source(%arg16 : memref<128x128xf32, #tpu.memory_space<vmem>>) target(%dma_start3A_138 : memref<5120x128xf32, #tpu.memory_space<vmem_shared>>) offsets(%dma_start3A_135 : memref<128xi32, #tpu.memory_space<vmem>>) semaphore(%arg24 : memref<!tpu.dma_semaphore, #tpu.memory_space<semaphore_mem>>) {add = true}
      %mul3A_139 = arith.constant 4 : i32
      %mul3A_140 = arith.muli %add3A_86, %mul3A_139 : i32
      %add3A_141 = arith.constant 2 : i32
      %add3A_142 = arith.addi %mul3A_140, %add3A_141 : i32
      %ge3A_143 = arith.constant 2 : i32
      %ge3A_144 = arith.cmpi sge, %add3A_142, %ge3A_143 : i32
      %convert_element_type3A_145 = arith.extui %ge3A_144 : i1 to i32
      %cond3A_146 = arith.constant 0 : i32
      %cond3A_147 = arith.cmpi ne, %convert_element_type3A_145, %cond3A_146 : i32
      scf.if %cond3A_147 {
        %sub3A = arith.constant 2 : i32
        %sub3A_195 = arith.subi %add3A_142, %sub3A : i32
        %dma_wait3A_196 = arith.constant 0 : i32
        %dma_wait3A_197 = tpu.memref_slice %arg14[%sub3A_195, %dma_wait3A_196] : memref<40x128xi32, #tpu.memory_space<vmem>> -> memref<1x128xi32, #tpu.memory_space<vmem>>
        %dma_wait3A_198 = tpu.memref_squeeze %dma_wait3A_197 : memref<1x128xi32, #tpu.memory_space<vmem>> -> memref<128xi32, #tpu.memory_space<vmem>>
        %dma_wait3A_199 = arith.constant 0 : i32
        %dma_wait3A_200 = arith.constant 0 : i32
        %dma_wait3A_201 = tpu.memref_slice %arg27[%dma_wait3A_199, %dma_wait3A_200] : memref<5120x128xf32, #tpu.memory_space<vmem_shared>> -> memref<5120x128xf32, #tpu.memory_space<vmem_shared>>
        tpu.wait_indirect_dma semaphore(%arg23 : memref<!tpu.dma_semaphore, #tpu.memory_space<semaphore_mem>>) src(%arg15 : memref<128x128xf32, #tpu.memory_space<vmem>>) dst(%dma_wait3A_201 : memref<5120x128xf32, #tpu.memory_space<vmem_shared>>)
      } else {
      }
      %add3A_148 = arith.constant 2 : i32
      %add3A_149 = arith.addi %add3A_142, %add3A_148 : i32
      %lt3A_150 = arith.constant 40 : i32
      %lt3A_151 = arith.cmpi slt, %add3A_149, %lt3A_150 : i32
      %convert_element_type3A_152 = arith.extui %lt3A_151 : i1 to i32
      %cond3A_153 = arith.constant 0 : i32
      %cond3A_154 = arith.cmpi ne, %convert_element_type3A_152, %cond3A_153 : i32
      scf.if %cond3A_154 {
        %add3A_195 = arith.constant 2 : i32
        %add3A_196 = arith.addi %add3A_142, %add3A_195 : i32
        %dma_start3A_197 = arith.constant 0 : i32
        %dma_start3A_198 = tpu.memref_slice %arg13[%add3A_196, %dma_start3A_197] : memref<40x128xi32, #tpu.memory_space<vmem>> -> memref<1x128xi32, #tpu.memory_space<vmem>>
        %dma_start3A_199 = tpu.memref_squeeze %dma_start3A_198 : memref<1x128xi32, #tpu.memory_space<vmem>> -> memref<128xi32, #tpu.memory_space<vmem>>
        %dma_start3A_200 = arith.constant 0 : i32
        %dma_start3A_201 = arith.constant 0 : i32
        %dma_start3A_202 = tpu.memref_slice %arg3[%dma_start3A_200, %dma_start3A_201] : memref<5120x128xf32, #tpu.memory_space<hbm>> -> memref<5120x128xf32, #tpu.memory_space<hbm>>
        tpu.enqueue_indirect_dma source(%dma_start3A_202 : memref<5120x128xf32, #tpu.memory_space<hbm>>) target(%arg15 : memref<128x128xf32, #tpu.memory_space<vmem>>) offsets(%dma_start3A_199 : memref<128xi32, #tpu.memory_space<vmem>>) semaphore(%arg19 : memref<!tpu.dma_semaphore, #tpu.memory_space<semaphore_mem>>)
      } else {
      }
      %dma_wait3A_155 = arith.constant 0 : i32
      %dma_wait3A_156 = tpu.memref_slice %arg13[%add3A_142, %dma_wait3A_155] : memref<40x128xi32, #tpu.memory_space<vmem>> -> memref<1x128xi32, #tpu.memory_space<vmem>>
      %dma_wait3A_157 = tpu.memref_squeeze %dma_wait3A_156 : memref<1x128xi32, #tpu.memory_space<vmem>> -> memref<128xi32, #tpu.memory_space<vmem>>
      %dma_wait3A_158 = arith.constant 0 : i32
      %dma_wait3A_159 = arith.constant 0 : i32
      %dma_wait3A_160 = tpu.memref_slice %arg3[%dma_wait3A_158, %dma_wait3A_159] : memref<5120x128xf32, #tpu.memory_space<hbm>> -> memref<5120x128xf32, #tpu.memory_space<hbm>>
      tpu.wait_indirect_dma semaphore(%arg21 : memref<!tpu.dma_semaphore, #tpu.memory_space<semaphore_mem>>) src(%dma_wait3A_160 : memref<5120x128xf32, #tpu.memory_space<hbm>>) dst(%arg17 : memref<128x128xf32, #tpu.memory_space<vmem>>)
      %dma_start3A_161 = arith.constant 0 : i32
      %dma_start3A_162 = tpu.memref_slice %arg14[%add3A_142, %dma_start3A_161] : memref<40x128xi32, #tpu.memory_space<vmem>> -> memref<1x128xi32, #tpu.memory_space<vmem>>
      %dma_start3A_163 = tpu.memref_squeeze %dma_start3A_162 : memref<1x128xi32, #tpu.memory_space<vmem>> -> memref<128xi32, #tpu.memory_space<vmem>>
      %dma_start3A_164 = arith.constant 0 : i32
      %dma_start3A_165 = arith.constant 0 : i32
      %dma_start3A_166 = tpu.memref_slice %arg27[%dma_start3A_164, %dma_start3A_165] : memref<5120x128xf32, #tpu.memory_space<vmem_shared>> -> memref<5120x128xf32, #tpu.memory_space<vmem_shared>>
      tpu.enqueue_indirect_dma source(%arg17 : memref<128x128xf32, #tpu.memory_space<vmem>>) target(%dma_start3A_166 : memref<5120x128xf32, #tpu.memory_space<vmem_shared>>) offsets(%dma_start3A_163 : memref<128xi32, #tpu.memory_space<vmem>>) semaphore(%arg25 : memref<!tpu.dma_semaphore, #tpu.memory_space<semaphore_mem>>) {add = true}
      %mul3A_167 = arith.constant 4 : i32
      %mul3A_168 = arith.muli %add3A_86, %mul3A_167 : i32
      %add3A_169 = arith.constant 3 : i32
      %add3A_170 = arith.addi %mul3A_168, %add3A_169 : i32
      %ge3A_171 = arith.constant 2 : i32
      %ge3A_172 = arith.cmpi sge, %add3A_170, %ge3A_171 : i32
      %convert_element_type3A_173 = arith.extui %ge3A_172 : i1 to i32
      %cond3A_174 = arith.constant 0 : i32
      %cond3A_175 = arith.cmpi ne, %convert_element_type3A_173, %cond3A_174 : i32
      scf.if %cond3A_175 {
        %sub3A = arith.constant 2 : i32
        %sub3A_195 = arith.subi %add3A_170, %sub3A : i32
        %dma_wait3A_196 = arith.constant 0 : i32
        %dma_wait3A_197 = tpu.memref_slice %arg14[%sub3A_195, %dma_wait3A_196] : memref<40x128xi32, #tpu.memory_space<vmem>> -> memref<1x128xi32, #tpu.memory_space<vmem>>
        %dma_wait3A_198 = tpu.memref_squeeze %dma_wait3A_197 : memref<1x128xi32, #tpu.memory_space<vmem>> -> memref<128xi32, #tpu.memory_space<vmem>>
        %dma_wait3A_199 = arith.constant 0 : i32
        %dma_wait3A_200 = arith.constant 0 : i32
        %dma_wait3A_201 = tpu.memref_slice %arg27[%dma_wait3A_199, %dma_wait3A_200] : memref<5120x128xf32, #tpu.memory_space<vmem_shared>> -> memref<5120x128xf32, #tpu.memory_space<vmem_shared>>
        tpu.wait_indirect_dma semaphore(%arg24 : memref<!tpu.dma_semaphore, #tpu.memory_space<semaphore_mem>>) src(%arg16 : memref<128x128xf32, #tpu.memory_space<vmem>>) dst(%dma_wait3A_201 : memref<5120x128xf32, #tpu.memory_space<vmem_shared>>)
      } else {
      }
      %add3A_176 = arith.constant 2 : i32
      %add3A_177 = arith.addi %add3A_170, %add3A_176 : i32
      %lt3A_178 = arith.constant 40 : i32
      %lt3A_179 = arith.cmpi slt, %add3A_177, %lt3A_178 : i32
      %convert_element_type3A_180 = arith.extui %lt3A_179 : i1 to i32
      %cond3A_181 = arith.constant 0 : i32
      %cond3A_182 = arith.cmpi ne, %convert_element_type3A_180, %cond3A_181 : i32
      scf.if %cond3A_182 {
        %add3A_195 = arith.constant 2 : i32
        %add3A_196 = arith.addi %add3A_170, %add3A_195 : i32
        %dma_start3A_197 = arith.constant 0 : i32
        %dma_start3A_198 = tpu.memref_slice %arg13[%add3A_196, %dma_start3A_197] : memref<40x128xi32, #tpu.memory_space<vmem>> -> memref<1x128xi32, #tpu.memory_space<vmem>>
        %dma_start3A_199 = tpu.memref_squeeze %dma_start3A_198 : memref<1x128xi32, #tpu.memory_space<vmem>> -> memref<128xi32, #tpu.memory_space<vmem>>
        %dma_start3A_200 = arith.constant 0 : i32
        %dma_start3A_201 = arith.constant 0 : i32
        %dma_start3A_202 = tpu.memref_slice %arg3[%dma_start3A_200, %dma_start3A_201] : memref<5120x128xf32, #tpu.memory_space<hbm>> -> memref<5120x128xf32, #tpu.memory_space<hbm>>
        tpu.enqueue_indirect_dma source(%dma_start3A_202 : memref<5120x128xf32, #tpu.memory_space<hbm>>) target(%arg16 : memref<128x128xf32, #tpu.memory_space<vmem>>) offsets(%dma_start3A_199 : memref<128xi32, #tpu.memory_space<vmem>>) semaphore(%arg20 : memref<!tpu.dma_semaphore, #tpu.memory_space<semaphore_mem>>)
      } else {
      }
      %dma_wait3A_183 = arith.constant 0 : i32
      %dma_wait3A_184 = tpu.memref_slice %arg13[%add3A_170, %dma_wait3A_183] : memref<40x128xi32, #tpu.memory_space<vmem>> -> memref<1x128xi32, #tpu.memory_space<vmem>>
      %dma_wait3A_185 = tpu.memref_squeeze %dma_wait3A_184 : memref<1x128xi32, #tpu.memory_space<vmem>> -> memref<128xi32, #tpu.memory_space<vmem>>
      %dma_wait3A_186 = arith.constant 0 : i32
      %dma_wait3A_187 = arith.constant 0 : i32
      %dma_wait3A_188 = tpu.memref_slice %arg3[%dma_wait3A_186, %dma_wait3A_187] : memref<5120x128xf32, #tpu.memory_space<hbm>> -> memref<5120x128xf32, #tpu.memory_space<hbm>>
      tpu.wait_indirect_dma semaphore(%arg22 : memref<!tpu.dma_semaphore, #tpu.memory_space<semaphore_mem>>) src(%dma_wait3A_188 : memref<5120x128xf32, #tpu.memory_space<hbm>>) dst(%arg18 : memref<128x128xf32, #tpu.memory_space<vmem>>)
      %dma_start3A_189 = arith.constant 0 : i32
      %dma_start3A_190 = tpu.memref_slice %arg14[%add3A_170, %dma_start3A_189] : memref<40x128xi32, #tpu.memory_space<vmem>> -> memref<1x128xi32, #tpu.memory_space<vmem>>
      %dma_start3A_191 = tpu.memref_squeeze %dma_start3A_190 : memref<1x128xi32, #tpu.memory_space<vmem>> -> memref<128xi32, #tpu.memory_space<vmem>>
      %dma_start3A_192 = arith.constant 0 : i32
      %dma_start3A_193 = arith.constant 0 : i32
      %dma_start3A_194 = tpu.memref_slice %arg27[%dma_start3A_192, %dma_start3A_193] : memref<5120x128xf32, #tpu.memory_space<vmem_shared>> -> memref<5120x128xf32, #tpu.memory_space<vmem_shared>>
      tpu.enqueue_indirect_dma source(%arg18 : memref<128x128xf32, #tpu.memory_space<vmem>>) target(%dma_start3A_194 : memref<5120x128xf32, #tpu.memory_space<vmem_shared>>) offsets(%dma_start3A_191 : memref<128xi32, #tpu.memory_space<vmem>>) semaphore(%arg26 : memref<!tpu.dma_semaphore, #tpu.memory_space<semaphore_mem>>) {add = true}
    }
    %scan3A_63 = arith.constant 10 : i32
    %dma_wait3A_64 = arith.constant 38 : i32
    %dma_wait3A_65 = arith.constant 0 : i32
    %dma_wait3A_66 = tpu.memref_slice %arg14[%dma_wait3A_64, %dma_wait3A_65] : memref<40x128xi32, #tpu.memory_space<vmem>> -> memref<1x128xi32, #tpu.memory_space<vmem>>
    %dma_wait3A_67 = tpu.memref_squeeze %dma_wait3A_66 : memref<1x128xi32, #tpu.memory_space<vmem>> -> memref<128xi32, #tpu.memory_space<vmem>>
    %dma_wait3A_68 = arith.constant 0 : i32
    %dma_wait3A_69 = arith.constant 0 : i32
    %dma_wait3A_70 = tpu.memref_slice %arg27[%dma_wait3A_68, %dma_wait3A_69] : memref<5120x128xf32, #tpu.memory_space<vmem_shared>> -> memref<5120x128xf32, #tpu.memory_space<vmem_shared>>
    tpu.wait_indirect_dma semaphore(%arg25 : memref<!tpu.dma_semaphore, #tpu.memory_space<semaphore_mem>>) src(%arg17 : memref<128x128xf32, #tpu.memory_space<vmem>>) dst(%dma_wait3A_70 : memref<5120x128xf32, #tpu.memory_space<vmem_shared>>)
    %dma_wait3A_71 = arith.constant 39 : i32
    %dma_wait3A_72 = arith.constant 0 : i32
    %dma_wait3A_73 = tpu.memref_slice %arg14[%dma_wait3A_71, %dma_wait3A_72] : memref<40x128xi32, #tpu.memory_space<vmem>> -> memref<1x128xi32, #tpu.memory_space<vmem>>
    %dma_wait3A_74 = tpu.memref_squeeze %dma_wait3A_73 : memref<1x128xi32, #tpu.memory_space<vmem>> -> memref<128xi32, #tpu.memory_space<vmem>>
    %dma_wait3A_75 = arith.constant 0 : i32
    %dma_wait3A_76 = arith.constant 0 : i32
    %dma_wait3A_77 = tpu.memref_slice %arg27[%dma_wait3A_75, %dma_wait3A_76] : memref<5120x128xf32, #tpu.memory_space<vmem_shared>> -> memref<5120x128xf32, #tpu.memory_space<vmem_shared>>
    tpu.wait_indirect_dma semaphore(%arg26 : memref<!tpu.dma_semaphore, #tpu.memory_space<semaphore_mem>>) src(%arg18 : memref<128x128xf32, #tpu.memory_space<vmem>>) dst(%dma_wait3A_77 : memref<5120x128xf32, #tpu.memory_space<vmem_shared>>)
    %barrier3A_78 = arith.constant 0 : index
    tpu.barrier barrier_id(%barrier3A_78)
    %mul3A_79 = arith.constant 320 : i32
    %mul3A_80 = arith.muli %arg1, %mul3A_79 : i32
    "tpu.region"() ({
      %run_scoped3A = tpu.sem_alloc : memref<!tpu.dma_semaphore, #tpu.memory_space<semaphore_mem>>
      %dma_start3A_82 = arith.constant 0 : i32
      %dma_start3A_83 = tpu.memref_slice %arg10[%add3A_5, %dma_start3A_82] : memref<10240x128xf32, #tpu.memory_space<hbm>> -> memref<320x128xf32, #tpu.memory_space<hbm>>
      %dma_start3A_84 = arith.constant 0 : i32
      %dma_start3A_85 = tpu.memref_slice %arg27[%mul3A_80, %dma_start3A_84] : memref<5120x128xf32, #tpu.memory_space<vmem_shared>> -> memref<320x128xf32, #tpu.memory_space<vmem_shared>>
      tpu.enqueue_dma source(%dma_start3A_85 : memref<320x128xf32, #tpu.memory_space<vmem_shared>>) target(%dma_start3A_83 : memref<320x128xf32, #tpu.memory_space<hbm>>) target_semaphore(%run_scoped3A : memref<!tpu.dma_semaphore, #tpu.memory_space<semaphore_mem>>)
      %dma_wait3A_86 = arith.constant 0 : i32
      %dma_wait3A_87 = tpu.memref_slice %arg10[%add3A_5, %dma_wait3A_86] : memref<10240x128xf32, #tpu.memory_space<hbm>> -> memref<320x128xf32, #tpu.memory_space<hbm>>
      %dma_wait3A_88 = arith.constant 0 : i32
      %dma_wait3A_89 = tpu.memref_slice %arg27[%mul3A_80, %dma_wait3A_88] : memref<5120x128xf32, #tpu.memory_space<vmem_shared>> -> memref<320x128xf32, #tpu.memory_space<vmem_shared>>
      tpu.wait_dma2 semaphore(%run_scoped3A : memref<!tpu.dma_semaphore, #tpu.memory_space<semaphore_mem>>) src(%dma_wait3A_89 : memref<320x128xf32, #tpu.memory_space<vmem_shared>>) dst(%dma_wait3A_87 : memref<320x128xf32, #tpu.memory_space<hbm>>)
      tpu.yield
    }) : () -> ()
    %barrier3A_81 = arith.constant 0 : index
    tpu.barrier barrier_id(%barrier3A_81)
    return
  }
}

module attributes {stable_mosaic.version = 14 : i64} {
  func.func @_mm_body(%arg0: i32, %arg1: memref<128x128xf32, #tpu.memory_space<vmem>>, %arg2: memref<128x128xf32, #tpu.memory_space<vmem>>, %arg3: memref<128x128xf32, #tpu.memory_space<vmem>>, %arg4: memref<128x128xf32, #tpu.memory_space<vmem>>, %arg5: memref<128x128xf32, #tpu.memory_space<vmem>>, %arg6: memref<128x128xf32, #tpu.memory_space<vmem>>) attributes {dimension_semantics = [#tpu.dimension_semantics<arbitrary>], iteration_bounds = array<i64: 40>, scalar_prefetch = 0 : i64, scratch_operands = 0 : i64, tpu.core_type = #tpu.core_type<tc>, window_params = [{transform_indices = @transform_0, window_bounds = array<i64: 128, 128>}, {transform_indices = @transform_1, window_bounds = array<i64: 128, 128>}, {pipeline_mode = #tpu.pipeline_mode<synchronous>, transform_indices = @transform_2, window_bounds = array<i64: 128, 128>}, {pipeline_mode = #tpu.pipeline_mode<synchronous>, transform_indices = @transform_3, window_bounds = array<i64: 128, 128>}, {transform_indices = @transform_4, window_bounds = array<i64: 128, 128>}, {transform_indices = @transform_5, window_bounds = array<i64: 128, 128>}]} {
    %get3A = arith.constant 0 : index
    %get3A_0 = arith.constant 0 : index
    %get3A_1 = vector.load %arg1[%get3A, %get3A_0] : memref<128x128xf32, #tpu.memory_space<vmem>>, vector<128x128xf32>
    %get3A_2 = arith.constant 0 : index
    %get3A_3 = arith.constant 0 : index
    %get3A_4 = vector.load %arg3[%get3A_2, %get3A_3] : memref<128x128xf32, #tpu.memory_space<vmem>>, vector<128x128xf32>
    %dot_general3A = arith.constant dense<0.000000e+00> : vector<128x128xf32>
    %dot_general3A_5 = tpu.matmul %get3A_1, %get3A_4, %dot_general3A {dimension_numbers = #tpu.dot_dimension_numbers<[1], [0], [0], [1], [0, 0, 1, 1], [], []>, precision = #tpu.contract_precision<fp32>, transpose_lhs_hint = false} : vector<128x128xf32>, vector<128x128xf32>, vector<128x128xf32> -> vector<128x128xf32>
    %swap3A = arith.constant 0 : index
    %swap3A_6 = arith.constant 0 : index
    %swap3A_7 = vector.load %arg5[%swap3A, %swap3A_6] : memref<128x128xf32, #tpu.memory_space<vmem>>, vector<128x128xf32>
    tpu.vector_store %arg5[%swap3A, %swap3A_6], %dot_general3A_5 {strides = array<i32>} : memref<128x128xf32, #tpu.memory_space<vmem>>, vector<128x128xf32>,
    %get3A_8 = arith.constant 0 : index
    %get3A_9 = arith.constant 0 : index
    %get3A_10 = vector.load %arg2[%get3A_8, %get3A_9] : memref<128x128xf32, #tpu.memory_space<vmem>>, vector<128x128xf32>
    %get3A_11 = arith.constant 0 : index
    %get3A_12 = arith.constant 0 : index
    %get3A_13 = vector.load %arg4[%get3A_11, %get3A_12] : memref<128x128xf32, #tpu.memory_space<vmem>>, vector<128x128xf32>
    %dot_general3A_14 = arith.constant dense<0.000000e+00> : vector<128x128xf32>
    %dot_general3A_15 = tpu.matmul %get3A_10, %get3A_13, %dot_general3A_14 {dimension_numbers = #tpu.dot_dimension_numbers<[1], [0], [0], [1], [0, 0, 1, 1], [], []>, precision = #tpu.contract_precision<fp32>, transpose_lhs_hint = false} : vector<128x128xf32>, vector<128x128xf32>, vector<128x128xf32> -> vector<128x128xf32>
    %swap3A_16 = arith.constant 0 : index
    %swap3A_17 = arith.constant 0 : index
    %swap3A_18 = vector.load %arg6[%swap3A_16, %swap3A_17] : memref<128x128xf32, #tpu.memory_space<vmem>>, vector<128x128xf32>
    tpu.vector_store %arg6[%swap3A_16, %swap3A_17], %dot_general3A_15 {strides = array<i32>} : memref<128x128xf32, #tpu.memory_space<vmem>>, vector<128x128xf32>,
    return
  }
  func.func @transform_0(%arg0: i32) -> (i32, i32) {
    %c0_i32 = arith.constant 0 : i32
    %c0_i32_0 = arith.constant 0 : i32
    return %arg0, %c0_i32 : i32, i32
  }
  func.func @transform_1(%arg0: i32) -> (i32, i32) {
    %c0_i32 = arith.constant 0 : i32
    %c0_i32_0 = arith.constant 0 : i32
    return %arg0, %c0_i32 : i32, i32
  }
  func.func @transform_2(%arg0: i32) -> (i32, i32) {
    %c0_i32 = arith.constant 0 : i32
    %c0_i32_0 = arith.constant 0 : i32
    %c0_i32_1 = arith.constant 0 : i32
    return %c0_i32, %c0_i32_0 : i32, i32
  }
  func.func @transform_3(%arg0: i32) -> (i32, i32) {
    %c0_i32 = arith.constant 0 : i32
    %c0_i32_0 = arith.constant 0 : i32
    %c0_i32_1 = arith.constant 0 : i32
    return %c0_i32, %c0_i32_0 : i32, i32
  }
  func.func @transform_4(%arg0: i32) -> (i32, i32) {
    %c0_i32 = arith.constant 0 : i32
    %c0_i32_0 = arith.constant 0 : i32
    return %arg0, %c0_i32 : i32, i32
  }
  func.func @transform_5(%arg0: i32) -> (i32, i32) {
    %c0_i32 = arith.constant 0 : i32
    %c0_i32_0 = arith.constant 0 : i32
    return %arg0, %c0_i32 : i32, i32
  }
}

module attributes {stable_mosaic.version = 14 : i64} {
  func.func @_prep_body(%arg0: i32, %arg1: memref<128x128xf32, #tpu.memory_space<vmem>>, %arg2: memref<128x128xf32, #tpu.memory_space<vmem>>, %arg3: memref<128x128xf32, #tpu.memory_space<vmem>>, %arg4: memref<128x128xf32, #tpu.memory_space<vmem>>, %arg5: memref<128x128xf32, #tpu.memory_space<vmem>>, %arg6: memref<128x128xf32, #tpu.memory_space<vmem>>, %arg7: memref<128x128xf32, #tpu.memory_space<vmem>>, %arg8: memref<128x128xf32, #tpu.memory_space<vmem>>, %arg9: memref<128x128xf32, #tpu.memory_space<vmem>>, %arg10: memref<128x128xf32, #tpu.memory_space<vmem>>, %arg11: memref<128x128xf32, #tpu.memory_space<vmem>>, %arg12: memref<128x128xf32, #tpu.memory_space<vmem>>, %arg13: memref<128x1xf32, #tpu.memory_space<vmem>>, %arg14: memref<128x1xf32, #tpu.memory_space<vmem>>, %arg15: memref<128x1xf32, #tpu.memory_space<vmem>>, %arg16: memref<128x1xf32, #tpu.memory_space<vmem>>) attributes {dimension_semantics = [#tpu.dimension_semantics<arbitrary>], iteration_bounds = array<i64: 40>, scalar_prefetch = 0 : i64, scratch_operands = 0 : i64, tpu.core_type = #tpu.core_type<tc>, window_params = [{transform_indices = @transform_0, window_bounds = array<i64: 128, 128>}, {transform_indices = @transform_1, window_bounds = array<i64: 128, 128>}, {transform_indices = @transform_2, window_bounds = array<i64: 128, 128>}, {transform_indices = @transform_3, window_bounds = array<i64: 128, 128>}, {transform_indices = @transform_4, window_bounds = array<i64: 128, 128>}, {transform_indices = @transform_5, window_bounds = array<i64: 128, 128>}, {transform_indices = @transform_6, window_bounds = array<i64: 128, 128>}, {transform_indices = @transform_7, window_bounds = array<i64: 128, 128>}, {transform_indices = @transform_8, window_bounds = array<i64: 128, 128>}, {transform_indices = @transform_9, window_bounds = array<i64: 128, 128>}, {transform_indices = @transform_10, window_bounds = array<i64: 128, 128>}, {transform_indices = @transform_11, window_bounds = array<i64: 128, 128>}, {transform_indices = @transform_12, window_bounds = array<i64: 128, 1>}, {transform_indices = @transform_13, window_bounds = array<i64: 128, 1>}, {transform_indices = @transform_14, window_bounds = array<i64: 128, 1>}, {transform_indices = @transform_15, window_bounds = array<i64: 128, 1>}]} {
    %get3A = arith.constant 0 : index
    %get3A_0 = arith.constant 0 : index
    %get3A_1 = vector.load %arg3[%get3A, %get3A_0] : memref<128x128xf32, #tpu.memory_space<vmem>>, vector<128x128xf32>
    %get3A_2 = arith.constant 0 : index
    %get3A_3 = arith.constant 0 : index
    %get3A_4 = vector.load %arg4[%get3A_2, %get3A_3] : memref<128x128xf32, #tpu.memory_space<vmem>>, vector<128x128xf32>
    %slice3A = vector.extract_strided_slice %get3A_1 {offsets = [0, 0], sizes = [128, 1], strides = [1, 1]} : vector<128x128xf32> to vector<128x1xf32>
    %slice3A_5 = vector.extract_strided_slice %get3A_4 {offsets = [0, 0], sizes = [128, 1], strides = [1, 1]} : vector<128x128xf32> to vector<128x1xf32>
    %add3A = arith.addf %slice3A, %slice3A_5 : vector<128x1xf32>
    %max3A = arith.constant 1.000000e+00 : f32
    %max3A_6 = vector.broadcast %max3A : f32 to vector<128x1xf32>
    %max3A_7 = arith.maximumf %add3A, %max3A_6 : vector<128x1xf32>
    %rsqrt3A = math.rsqrt %max3A_7 : vector<128x1xf32>
    %get3A_8 = arith.constant 0 : index
    %get3A_9 = arith.constant 0 : index
    %get3A_10 = vector.load %arg7[%get3A_8, %get3A_9] : memref<128x128xf32, #tpu.memory_space<vmem>>, vector<128x128xf32>
    %get3A_11 = arith.constant 0 : index
    %get3A_12 = arith.constant 0 : index
    %get3A_13 = vector.load %arg8[%get3A_11, %get3A_12] : memref<128x128xf32, #tpu.memory_space<vmem>>, vector<128x128xf32>
    %slice3A_14 = vector.extract_strided_slice %get3A_10 {offsets = [0, 0], sizes = [128, 1], strides = [1, 1]} : vector<128x128xf32> to vector<128x1xf32>
    %slice3A_15 = vector.extract_strided_slice %get3A_13 {offsets = [0, 0], sizes = [128, 1], strides = [1, 1]} : vector<128x128xf32> to vector<128x1xf32>
    %add3A_16 = arith.addf %slice3A_14, %slice3A_15 : vector<128x1xf32>
    %max3A_17 = arith.constant 1.000000e+00 : f32
    %max3A_18 = vector.broadcast %max3A_17 : f32 to vector<128x1xf32>
    %max3A_19 = arith.maximumf %add3A_16, %max3A_18 : vector<128x1xf32>
    %rsqrt3A_20 = math.rsqrt %max3A_19 : vector<128x1xf32>
    %swap3A = arith.constant 0 : index
    %swap3A_21 = arith.constant 0 : index
    %swap3A_22 = vector.load %arg13[%swap3A, %swap3A_21] : memref<128x1xf32, #tpu.memory_space<vmem>>, vector<128x1xf32>
    tpu.vector_store %arg13[%swap3A, %swap3A_21], %rsqrt3A {strides = array<i32>} : memref<128x1xf32, #tpu.memory_space<vmem>>, vector<128x1xf32>,
    %get3A_23 = arith.constant 0 : index
    %get3A_24 = arith.constant 0 : index
    %get3A_25 = vector.load %arg5[%get3A_23, %get3A_24] : memref<128x128xf32, #tpu.memory_space<vmem>>, vector<128x128xf32>
    %get3A_26 = arith.constant 0 : index
    %get3A_27 = arith.constant 0 : index
    %get3A_28 = vector.load %arg6[%get3A_26, %get3A_27] : memref<128x128xf32, #tpu.memory_space<vmem>>, vector<128x128xf32>
    %slice3A_29 = vector.extract_strided_slice %get3A_25 {offsets = [0, 0], sizes = [128, 1], strides = [1, 1]} : vector<128x128xf32> to vector<128x1xf32>
    %slice3A_30 = vector.extract_strided_slice %get3A_28 {offsets = [0, 0], sizes = [128, 1], strides = [1, 1]} : vector<128x128xf32> to vector<128x1xf32>
    %add3A_31 = arith.addf %slice3A_29, %slice3A_30 : vector<128x1xf32>
    %max3A_32 = arith.constant 1.000000e+00 : f32
    %max3A_33 = vector.broadcast %max3A_32 : f32 to vector<128x1xf32>
    %max3A_34 = arith.maximumf %add3A_31, %max3A_33 : vector<128x1xf32>
    %rsqrt3A_35 = math.rsqrt %max3A_34 : vector<128x1xf32>
    %swap3A_36 = arith.constant 0 : index
    %swap3A_37 = arith.constant 0 : index
    %swap3A_38 = vector.load %arg14[%swap3A_36, %swap3A_37] : memref<128x1xf32, #tpu.memory_space<vmem>>, vector<128x1xf32>
    tpu.vector_store %arg14[%swap3A_36, %swap3A_37], %rsqrt3A_35 {strides = array<i32>} : memref<128x1xf32, #tpu.memory_space<vmem>>, vector<128x1xf32>,
    %swap3A_39 = arith.constant 0 : index
    %swap3A_40 = arith.constant 0 : index
    %swap3A_41 = vector.load %arg15[%swap3A_39, %swap3A_40] : memref<128x1xf32, #tpu.memory_space<vmem>>, vector<128x1xf32>
    tpu.vector_store %arg15[%swap3A_39, %swap3A_40], %rsqrt3A_20 {strides = array<i32>} : memref<128x1xf32, #tpu.memory_space<vmem>>, vector<128x1xf32>,
    %get3A_42 = arith.constant 0 : index
    %get3A_43 = arith.constant 0 : index
    %get3A_44 = vector.load %arg9[%get3A_42, %get3A_43] : memref<128x128xf32, #tpu.memory_space<vmem>>, vector<128x128xf32>
    %get3A_45 = arith.constant 0 : index
    %get3A_46 = arith.constant 0 : index
    %get3A_47 = vector.load %arg10[%get3A_45, %get3A_46] : memref<128x128xf32, #tpu.memory_space<vmem>>, vector<128x128xf32>
    %slice3A_48 = vector.extract_strided_slice %get3A_44 {offsets = [0, 0], sizes = [128, 1], strides = [1, 1]} : vector<128x128xf32> to vector<128x1xf32>
    %slice3A_49 = vector.extract_strided_slice %get3A_47 {offsets = [0, 0], sizes = [128, 1], strides = [1, 1]} : vector<128x128xf32> to vector<128x1xf32>
    %add3A_50 = arith.addf %slice3A_48, %slice3A_49 : vector<128x1xf32>
    %max3A_51 = arith.constant 1.000000e+00 : f32
    %max3A_52 = vector.broadcast %max3A_51 : f32 to vector<128x1xf32>
    %max3A_53 = arith.maximumf %add3A_50, %max3A_52 : vector<128x1xf32>
    %rsqrt3A_54 = math.rsqrt %max3A_53 : vector<128x1xf32>
    %swap3A_55 = arith.constant 0 : index
    %swap3A_56 = arith.constant 0 : index
    %swap3A_57 = vector.load %arg16[%swap3A_55, %swap3A_56] : memref<128x1xf32, #tpu.memory_space<vmem>>, vector<128x1xf32>
    tpu.vector_store %arg16[%swap3A_55, %swap3A_56], %rsqrt3A_54 {strides = array<i32>} : memref<128x1xf32, #tpu.memory_space<vmem>>, vector<128x1xf32>,
    %get3A_58 = arith.constant 0 : index
    %get3A_59 = arith.constant 0 : index
    %get3A_60 = vector.load %arg1[%get3A_58, %get3A_59] : memref<128x128xf32, #tpu.memory_space<vmem>>, vector<128x128xf32>
    %mul3A = vector.broadcast %rsqrt3A : vector<128x1xf32> to vector<128x128xf32>
    %mul3A_61 = arith.mulf %get3A_60, %mul3A : vector<128x128xf32>
    %swap3A_62 = arith.constant 0 : index
    %swap3A_63 = arith.constant 0 : index
    %swap3A_64 = vector.load %arg11[%swap3A_62, %swap3A_63] : memref<128x128xf32, #tpu.memory_space<vmem>>, vector<128x128xf32>
    tpu.vector_store %arg11[%swap3A_62, %swap3A_63], %mul3A_61 {strides = array<i32>} : memref<128x128xf32, #tpu.memory_space<vmem>>, vector<128x128xf32>,
    %get3A_65 = arith.constant 0 : index
    %get3A_66 = arith.constant 0 : index
    %get3A_67 = vector.load %arg2[%get3A_65, %get3A_66] : memref<128x128xf32, #tpu.memory_space<vmem>>, vector<128x128xf32>
    %mul3A_68 = vector.broadcast %rsqrt3A_20 : vector<128x1xf32> to vector<128x128xf32>
    %mul3A_69 = arith.mulf %get3A_67, %mul3A_68 : vector<128x128xf32>
    %swap3A_70 = arith.constant 0 : index
    %swap3A_71 = arith.constant 0 : index
    %swap3A_72 = vector.load %arg12[%swap3A_70, %swap3A_71] : memref<128x128xf32, #tpu.memory_space<vmem>>, vector<128x128xf32>
    tpu.vector_store %arg12[%swap3A_70, %swap3A_71], %mul3A_69 {strides = array<i32>} : memref<128x128xf32, #tpu.memory_space<vmem>>, vector<128x128xf32>,
    return
  }
  func.func @transform_0(%arg0: i32) -> (i32, i32) {
    %c0_i32 = arith.constant 0 : i32
    %c0_i32_0 = arith.constant 0 : i32
    return %arg0, %c0_i32 : i32, i32
  }
  func.func @transform_1(%arg0: i32) -> (i32, i32) {
    %c0_i32 = arith.constant 0 : i32
    %c0_i32_0 = arith.constant 0 : i32
    return %arg0, %c0_i32 : i32, i32
  }
  func.func @transform_2(%arg0: i32) -> (i32, i32) {
    %c0_i32 = arith.constant 0 : i32
    %c0_i32_0 = arith.constant 0 : i32
    return %arg0, %c0_i32 : i32, i32
  }
  func.func @transform_3(%arg0: i32) -> (i32, i32) {
    %c0_i32 = arith.constant 0 : i32
    %c0_i32_0 = arith.constant 0 : i32
    return %arg0, %c0_i32 : i32, i32
  }
  func.func @transform_4(%arg0: i32) -> (i32, i32) {
    %c0_i32 = arith.constant 0 : i32
    %c0_i32_0 = arith.constant 0 : i32
    return %arg0, %c0_i32 : i32, i32
  }
  func.func @transform_5(%arg0: i32) -> (i32, i32) {
    %c0_i32 = arith.constant 0 : i32
    %c0_i32_0 = arith.constant 0 : i32
    return %arg0, %c0_i32 : i32, i32
  }
  func.func @transform_6(%arg0: i32) -> (i32, i32) {
    %c0_i32 = arith.constant 0 : i32
    %c0_i32_0 = arith.constant 0 : i32
    return %arg0, %c0_i32 : i32, i32
  }
  func.func @transform_7(%arg0: i32) -> (i32, i32) {
    %c0_i32 = arith.constant 0 : i32
    %c0_i32_0 = arith.constant 0 : i32
    return %arg0, %c0_i32 : i32, i32
  }
  func.func @transform_8(%arg0: i32) -> (i32, i32) {
    %c0_i32 = arith.constant 0 : i32
    %c0_i32_0 = arith.constant 0 : i32
    return %arg0, %c0_i32 : i32, i32
  }
  func.func @transform_9(%arg0: i32) -> (i32, i32) {
    %c0_i32 = arith.constant 0 : i32
    %c0_i32_0 = arith.constant 0 : i32
    return %arg0, %c0_i32 : i32, i32
  }
  func.func @transform_10(%arg0: i32) -> (i32, i32) {
    %c0_i32 = arith.constant 0 : i32
    %c0_i32_0 = arith.constant 0 : i32
    return %arg0, %c0_i32 : i32, i32
  }
  func.func @transform_11(%arg0: i32) -> (i32, i32) {
    %c0_i32 = arith.constant 0 : i32
    %c0_i32_0 = arith.constant 0 : i32
    return %arg0, %c0_i32 : i32, i32
  }
  func.func @transform_12(%arg0: i32) -> (i32, i32) {
    %c0_i32 = arith.constant 0 : i32
    %c0_i32_0 = arith.constant 0 : i32
    return %arg0, %c0_i32 : i32, i32
  }
  func.func @transform_13(%arg0: i32) -> (i32, i32) {
    %c0_i32 = arith.constant 0 : i32
    %c0_i32_0 = arith.constant 0 : i32
    return %arg0, %c0_i32 : i32, i32
  }
  func.func @transform_14(%arg0: i32) -> (i32, i32) {
    %c0_i32 = arith.constant 0 : i32
    %c0_i32_0 = arith.constant 0 : i32
    return %arg0, %c0_i32 : i32, i32
  }
  func.func @transform_15(%arg0: i32) -> (i32, i32) {
    %c0_i32 = arith.constant 0 : i32
    %c0_i32_0 = arith.constant 0 : i32
    return %arg0, %c0_i32 : i32, i32
  }
}

module attributes {stable_mosaic.version = 14 : i64} {
  func.func @_mid_body(%arg0: i32, %arg1: memref<128x128xf32, #tpu.memory_space<vmem>>, %arg2: memref<128x128xf32, #tpu.memory_space<vmem>>, %arg3: memref<128x128xf32, #tpu.memory_space<vmem>>, %arg4: memref<128x128xf32, #tpu.memory_space<vmem>>, %arg5: memref<128x128xf32, #tpu.memory_space<vmem>>, %arg6: memref<128x128xf32, #tpu.memory_space<vmem>>, %arg7: memref<1x128xf32, #tpu.memory_space<vmem>>, %arg8: memref<1x128xf32, #tpu.memory_space<vmem>>, %arg9: memref<1x128xf32, #tpu.memory_space<vmem>>, %arg10: memref<1x128xf32, #tpu.memory_space<vmem>>, %arg11: memref<1x128xf32, #tpu.memory_space<vmem>>, %arg12: memref<1x128xf32, #tpu.memory_space<vmem>>, %arg13: memref<128x1xf32, #tpu.memory_space<vmem>>, %arg14: memref<128x1xf32, #tpu.memory_space<vmem>>, %arg15: memref<128x1xf32, #tpu.memory_space<vmem>>, %arg16: memref<128x1xf32, #tpu.memory_space<vmem>>, %arg17: memref<128x128xf32, #tpu.memory_space<vmem>>, %arg18: memref<128x128xf32, #tpu.memory_space<vmem>>) attributes {dimension_semantics = [#tpu.dimension_semantics<arbitrary>], iteration_bounds = array<i64: 40>, scalar_prefetch = 0 : i64, scratch_operands = 0 : i64, tpu.core_type = #tpu.core_type<tc>, window_params = [{transform_indices = @transform_0, window_bounds = array<i64: 128, 128>}, {transform_indices = @transform_1, window_bounds = array<i64: 128, 128>}, {transform_indices = @transform_2, window_bounds = array<i64: 128, 128>}, {transform_indices = @transform_3, window_bounds = array<i64: 128, 128>}, {pipeline_mode = #tpu.pipeline_mode<synchronous>, transform_indices = @transform_4, window_bounds = array<i64: 128, 128>}, {pipeline_mode = #tpu.pipeline_mode<synchronous>, transform_indices = @transform_5, window_bounds = array<i64: 128, 128>}, {pipeline_mode = #tpu.pipeline_mode<synchronous>, transform_indices = @transform_6, window_bounds = array<i64: 1, 128>}, {pipeline_mode = #tpu.pipeline_mode<synchronous>, transform_indices = @transform_7, window_bounds = array<i64: 1, 128>}, {pipeline_mode = #tpu.pipeline_mode<synchronous>, transform_indices = @transform_8, window_bounds = array<i64: 1, 128>}, {pipeline_mode = #tpu.pipeline_mode<synchronous>, transform_indices = @transform_9, window_bounds = array<i64: 1, 128>}, {pipeline_mode = #tpu.pipeline_mode<synchronous>, transform_indices = @transform_10, window_bounds = array<i64: 1, 128>}, {pipeline_mode = #tpu.pipeline_mode<synchronous>, transform_indices = @transform_11, window_bounds = array<i64: 1, 128>}, {transform_indices = @transform_12, window_bounds = array<i64: 128, 1>}, {transform_indices = @transform_13, window_bounds = array<i64: 128, 1>}, {transform_indices = @transform_14, window_bounds = array<i64: 128, 1>}, {transform_indices = @transform_15, window_bounds = array<i64: 128, 1>}, {transform_indices = @transform_16, window_bounds = array<i64: 128, 128>}, {transform_indices = @transform_17, window_bounds = array<i64: 128, 128>}]} {
    %get3A = arith.constant 0 : index
    %get3A_0 = arith.constant 0 : index
    %get3A_1 = vector.load %arg1[%get3A, %get3A_0] : memref<128x128xf32, #tpu.memory_space<vmem>>, vector<128x128xf32>
    %get3A_2 = arith.constant 0 : index
    %get3A_3 = arith.constant 0 : index
    %get3A_4 = vector.load %arg2[%get3A_2, %get3A_3] : memref<128x128xf32, #tpu.memory_space<vmem>>, vector<128x128xf32>
    %add3A = arith.addf %get3A_1, %get3A_4 : vector<128x128xf32>
    %get3A_5 = arith.constant 0 : index
    %get3A_6 = arith.constant 0 : index
    %get3A_7 = vector.load %arg13[%get3A_5, %get3A_6] : memref<128x1xf32, #tpu.memory_space<vmem>>, vector<128x1xf32>
    %mul3A = vector.broadcast %get3A_7 : vector<128x1xf32> to vector<128x128xf32>
    %mul3A_8 = arith.mulf %add3A, %mul3A : vector<128x128xf32>
    %get3A_9 = arith.constant 0 : index
    %get3A_10 = arith.constant 0 : index
    %get3A_11 = vector.load %arg7[%get3A_9, %get3A_10] : memref<1x128xf32, #tpu.memory_space<vmem>>, vector<1x128xf32>
    %add3A_12 = vector.broadcast %get3A_11 : vector<1x128xf32> to vector<128x128xf32>
    %add3A_13 = arith.addf %mul3A_8, %add3A_12 : vector<128x128xf32>
    %max3A = arith.constant 0.000000e+00 : f32
    %max3A_14 = vector.broadcast %max3A : f32 to vector<128x128xf32>
    %max3A_15 = arith.maximumf %add3A_13, %max3A_14 : vector<128x128xf32>
    %get3A_16 = arith.constant 0 : index
    %get3A_17 = arith.constant 0 : index
    %get3A_18 = vector.load %arg9[%get3A_16, %get3A_17] : memref<1x128xf32, #tpu.memory_space<vmem>>, vector<1x128xf32>
    %get3A_19 = arith.constant 0 : index
    %get3A_20 = arith.constant 0 : index
    %get3A_21 = vector.load %arg10[%get3A_19, %get3A_20] : memref<1x128xf32, #tpu.memory_space<vmem>>, vector<1x128xf32>
    %reduce_sum3A = arith.constant dense<0.000000e+00> : vector<128xf32>
    %reduce_sum3A_22 = vector.multi_reduction <add>, %max3A_15, %reduce_sum3A [1] : vector<128x128xf32> to vector<128xf32>
    %broadcast_in_dim3A = vector.shape_cast %reduce_sum3A_22 : vector<128xf32> to vector<128x1xf32>
    %div3A = arith.constant 1.280000e+02 : f32
    %div3A_23 = vector.broadcast %div3A : f32 to vector<128x1xf32>
    %div3A_24 = arith.divf %broadcast_in_dim3A, %div3A_23 : vector<128x1xf32>
    %jit3A = arith.constant 0 : i32
    %reduce_sum3A_25 = arith.constant dense<0.000000e+00> : vector<128xf32>
    %reduce_sum3A_26 = vector.multi_reduction <add>, %max3A_15, %reduce_sum3A_25 [1] : vector<128x128xf32> to vector<128xf32>
    %broadcast_in_dim3A_27 = vector.shape_cast %reduce_sum3A_26 : vector<128xf32> to vector<128x1xf32>
    %div3A_28 = arith.constant 1.280000e+02 : f32
    %div3A_29 = vector.broadcast %div3A_28 : f32 to vector<128x1xf32>
    %div3A_30 = arith.divf %broadcast_in_dim3A_27, %div3A_29 : vector<128x1xf32>
    %sub3A = vector.broadcast %div3A_30 : vector<128x1xf32> to vector<128x128xf32>
    %sub3A_31 = arith.subf %max3A_15, %sub3A : vector<128x128xf32>
    %square3A = arith.mulf %sub3A_31, %sub3A_31 : vector<128x128xf32>
    %convert_element_type3A = arith.sitofp %jit3A : i32 to f32
    %sub3A_32 = arith.constant 1.280000e+02 : f32
    %sub3A_33 = arith.subf %sub3A_32, %convert_element_type3A : f32
    %reduce_sum3A_34 = arith.constant dense<0.000000e+00> : vector<128xf32>
    %reduce_sum3A_35 = vector.multi_reduction <add>, %square3A, %reduce_sum3A_34 [1] : vector<128x128xf32> to vector<128xf32>
    %broadcast_in_dim3A_36 = vector.shape_cast %reduce_sum3A_35 : vector<128xf32> to vector<128x1xf32>
    %div3A_37 = vector.broadcast %sub3A_33 : f32 to vector<128x1xf32>
    %div3A_38 = arith.divf %broadcast_in_dim3A_36, %div3A_37 : vector<128x1xf32>
    %gt3A = arith.constant 0.000000e+00 : f32
    %gt3A_39 = arith.cmpf ogt, %sub3A_33, %gt3A : f32
    %jit3A_40 = arith.constant 0x7FC00000 : f32
    %broadcast_in_dim3A_41 = vector.broadcast %jit3A_40 : f32 to vector<128x1xf32>
    %select_n3A = arith.select %gt3A_39, %div3A_38, %broadcast_in_dim3A_41 : vector<128x1xf32>
    %sub3A_42 = vector.broadcast %div3A_24 : vector<128x1xf32> to vector<128x128xf32>
    %sub3A_43 = arith.subf %max3A_15, %sub3A_42 : vector<128x128xf32>
    %add3A_44 = arith.constant 9.99999974E-6 : f32
    %add3A_45 = vector.broadcast %add3A_44 : f32 to vector<128x1xf32>
    %add3A_46 = arith.addf %select_n3A, %add3A_45 : vector<128x1xf32>
    %sqrt3A = math.sqrt %add3A_46 : vector<128x1xf32>
    %div3A_47 = vector.broadcast %sqrt3A : vector<128x1xf32> to vector<128x128xf32>
    %div3A_48 = arith.divf %sub3A_43, %div3A_47 : vector<128x128xf32>
    %mul3A_49 = vector.broadcast %get3A_18 : vector<1x128xf32> to vector<128x128xf32>
    %mul3A_50 = arith.mulf %div3A_48, %mul3A_49 : vector<128x128xf32>
    %add3A_51 = vector.broadcast %get3A_21 : vector<1x128xf32> to vector<128x128xf32>
    %add3A_52 = arith.addf %mul3A_50, %add3A_51 : vector<128x128xf32>
    %get3A_53 = arith.constant 0 : index
    %get3A_54 = arith.constant 0 : index
    %get3A_55 = vector.load %arg3[%get3A_53, %get3A_54] : memref<128x128xf32, #tpu.memory_space<vmem>>, vector<128x128xf32>
    %get3A_56 = arith.constant 0 : index
    %get3A_57 = arith.constant 0 : index
    %get3A_58 = vector.load %arg4[%get3A_56, %get3A_57] : memref<128x128xf32, #tpu.memory_space<vmem>>, vector<128x128xf32>
    %add3A_59 = arith.addf %get3A_55, %get3A_58 : vector<128x128xf32>
    %get3A_60 = arith.constant 0 : index
    %get3A_61 = arith.constant 0 : index
    %get3A_62 = vector.load %arg14[%get3A_60, %get3A_61] : memref<128x1xf32, #tpu.memory_space<vmem>>, vector<128x1xf32>
    %mul3A_63 = vector.broadcast %get3A_62 : vector<128x1xf32> to vector<128x128xf32>
    %mul3A_64 = arith.mulf %add3A_59, %mul3A_63 : vector<128x128xf32>
    %get3A_65 = arith.constant 0 : index
    %get3A_66 = arith.constant 0 : index
    %get3A_67 = vector.load %arg8[%get3A_65, %get3A_66] : memref<1x128xf32, #tpu.memory_space<vmem>>, vector<1x128xf32>
    %add3A_68 = vector.broadcast %get3A_67 : vector<1x128xf32> to vector<128x128xf32>
    %add3A_69 = arith.addf %mul3A_64, %add3A_68 : vector<128x128xf32>
    %max3A_70 = arith.constant 0.000000e+00 : f32
    %max3A_71 = vector.broadcast %max3A_70 : f32 to vector<128x128xf32>
    %max3A_72 = arith.maximumf %add3A_69, %max3A_71 : vector<128x128xf32>
    %get3A_73 = arith.constant 0 : index
    %get3A_74 = arith.constant 0 : index
    %get3A_75 = vector.load %arg11[%get3A_73, %get3A_74] : memref<1x128xf32, #tpu.memory_space<vmem>>, vector<1x128xf32>
    %get3A_76 = arith.constant 0 : index
    %get3A_77 = arith.constant 0 : index
    %get3A_78 = vector.load %arg12[%get3A_76, %get3A_77] : memref<1x128xf32, #tpu.memory_space<vmem>>, vector<1x128xf32>
    %reduce_sum3A_79 = arith.constant dense<0.000000e+00> : vector<128xf32>
    %reduce_sum3A_80 = vector.multi_reduction <add>, %max3A_72, %reduce_sum3A_79 [1] : vector<128x128xf32> to vector<128xf32>
    %broadcast_in_dim3A_81 = vector.shape_cast %reduce_sum3A_80 : vector<128xf32> to vector<128x1xf32>
    %div3A_82 = arith.constant 1.280000e+02 : f32
    %div3A_83 = vector.broadcast %div3A_82 : f32 to vector<128x1xf32>
    %div3A_84 = arith.divf %broadcast_in_dim3A_81, %div3A_83 : vector<128x1xf32>
    %jit3A_85 = arith.constant 0 : i32
    %reduce_sum3A_86 = arith.constant dense<0.000000e+00> : vector<128xf32>
    %reduce_sum3A_87 = vector.multi_reduction <add>, %max3A_72, %reduce_sum3A_86 [1] : vector<128x128xf32> to vector<128xf32>
    %broadcast_in_dim3A_88 = vector.shape_cast %reduce_sum3A_87 : vector<128xf32> to vector<128x1xf32>
    %div3A_89 = arith.constant 1.280000e+02 : f32
    %div3A_90 = vector.broadcast %div3A_89 : f32 to vector<128x1xf32>
    %div3A_91 = arith.divf %broadcast_in_dim3A_88, %div3A_90 : vector<128x1xf32>
    %sub3A_92 = vector.broadcast %div3A_91 : vector<128x1xf32> to vector<128x128xf32>
    %sub3A_93 = arith.subf %max3A_72, %sub3A_92 : vector<128x128xf32>
    %square3A_94 = arith.mulf %sub3A_93, %sub3A_93 : vector<128x128xf32>
    %convert_element_type3A_95 = arith.sitofp %jit3A_85 : i32 to f32
    %sub3A_96 = arith.constant 1.280000e+02 : f32
    %sub3A_97 = arith.subf %sub3A_96, %convert_element_type3A_95 : f32
    %reduce_sum3A_98 = arith.constant dense<0.000000e+00> : vector<128xf32>
    %reduce_sum3A_99 = vector.multi_reduction <add>, %square3A_94, %reduce_sum3A_98 [1] : vector<128x128xf32> to vector<128xf32>
    %broadcast_in_dim3A_100 = vector.shape_cast %reduce_sum3A_99 : vector<128xf32> to vector<128x1xf32>
    %div3A_101 = vector.broadcast %sub3A_97 : f32 to vector<128x1xf32>
    %div3A_102 = arith.divf %broadcast_in_dim3A_100, %div3A_101 : vector<128x1xf32>
    %gt3A_103 = arith.constant 0.000000e+00 : f32
    %gt3A_104 = arith.cmpf ogt, %sub3A_97, %gt3A_103 : f32
    %jit3A_105 = arith.constant 0x7FC00000 : f32
    %broadcast_in_dim3A_106 = vector.broadcast %jit3A_105 : f32 to vector<128x1xf32>
    %select_n3A_107 = arith.select %gt3A_104, %div3A_102, %broadcast_in_dim3A_106 : vector<128x1xf32>
    %sub3A_108 = vector.broadcast %div3A_84 : vector<128x1xf32> to vector<128x128xf32>
    %sub3A_109 = arith.subf %max3A_72, %sub3A_108 : vector<128x128xf32>
    %add3A_110 = arith.constant 9.99999974E-6 : f32
    %add3A_111 = vector.broadcast %add3A_110 : f32 to vector<128x1xf32>
    %add3A_112 = arith.addf %select_n3A_107, %add3A_111 : vector<128x1xf32>
    %sqrt3A_113 = math.sqrt %add3A_112 : vector<128x1xf32>
    %div3A_114 = vector.broadcast %sqrt3A_113 : vector<128x1xf32> to vector<128x128xf32>
    %div3A_115 = arith.divf %sub3A_109, %div3A_114 : vector<128x128xf32>
    %mul3A_116 = vector.broadcast %get3A_75 : vector<1x128xf32> to vector<128x128xf32>
    %mul3A_117 = arith.mulf %div3A_115, %mul3A_116 : vector<128x128xf32>
    %add3A_118 = vector.broadcast %get3A_78 : vector<1x128xf32> to vector<128x128xf32>
    %add3A_119 = arith.addf %mul3A_117, %add3A_118 : vector<128x128xf32>
    %get3A_120 = arith.constant 0 : index
    %get3A_121 = arith.constant 0 : index
    %get3A_122 = vector.load %arg15[%get3A_120, %get3A_121] : memref<128x1xf32, #tpu.memory_space<vmem>>, vector<128x1xf32>
    %mul3A_123 = vector.broadcast %get3A_122 : vector<128x1xf32> to vector<128x128xf32>
    %mul3A_124 = arith.mulf %add3A_119, %mul3A_123 : vector<128x128xf32>
    %get3A_125 = arith.constant 0 : index
    %get3A_126 = arith.constant 0 : index
    %get3A_127 = vector.load %arg5[%get3A_125, %get3A_126] : memref<128x128xf32, #tpu.memory_space<vmem>>, vector<128x128xf32>
    %dot_general3A = arith.constant dense<0.000000e+00> : vector<128x128xf32>
    %dot_general3A_128 = tpu.matmul %mul3A_124, %get3A_127, %dot_general3A {dimension_numbers = #tpu.dot_dimension_numbers<[1], [0], [0], [1], [0, 0, 1, 1], [], []>, precision = #tpu.contract_precision<fp32>, transpose_lhs_hint = false} : vector<128x128xf32>, vector<128x128xf32>, vector<128x128xf32> -> vector<128x128xf32>
    %swap3A = arith.constant 0 : index
    %swap3A_129 = arith.constant 0 : index
    %swap3A_130 = vector.load %arg17[%swap3A, %swap3A_129] : memref<128x128xf32, #tpu.memory_space<vmem>>, vector<128x128xf32>
    tpu.vector_store %arg17[%swap3A, %swap3A_129], %dot_general3A_128 {strides = array<i32>} : memref<128x128xf32, #tpu.memory_space<vmem>>, vector<128x128xf32>,
    %get3A_131 = arith.constant 0 : index
    %get3A_132 = arith.constant 0 : index
    %get3A_133 = vector.load %arg16[%get3A_131, %get3A_132] : memref<128x1xf32, #tpu.memory_space<vmem>>, vector<128x1xf32>
    %mul3A_134 = vector.broadcast %get3A_133 : vector<128x1xf32> to vector<128x128xf32>
    %mul3A_135 = arith.mulf %add3A_52, %mul3A_134 : vector<128x128xf32>
    %get3A_136 = arith.constant 0 : index
    %get3A_137 = arith.constant 0 : index
    %get3A_138 = vector.load %arg6[%get3A_136, %get3A_137] : memref<128x128xf32, #tpu.memory_space<vmem>>, vector<128x128xf32>
    %dot_general3A_139 = arith.constant dense<0.000000e+00> : vector<128x128xf32>
    %dot_general3A_140 = tpu.matmul %mul3A_135, %get3A_138, %dot_general3A_139 {dimension_numbers = #tpu.dot_dimension_numbers<[1], [0], [0], [1], [0, 0, 1, 1], [], []>, precision = #tpu.contract_precision<fp32>, transpose_lhs_hint = false} : vector<128x128xf32>, vector<128x128xf32>, vector<128x128xf32> -> vector<128x128xf32>
    %swap3A_141 = arith.constant 0 : index
    %swap3A_142 = arith.constant 0 : index
    %swap3A_143 = vector.load %arg18[%swap3A_141, %swap3A_142] : memref<128x128xf32, #tpu.memory_space<vmem>>, vector<128x128xf32>
    tpu.vector_store %arg18[%swap3A_141, %swap3A_142], %dot_general3A_140 {strides = array<i32>} : memref<128x128xf32, #tpu.memory_space<vmem>>, vector<128x128xf32>,
    return
  }
  func.func @transform_0(%arg0: i32) -> (i32, i32) {
    %c0_i32 = arith.constant 0 : i32
    %c0_i32_0 = arith.constant 0 : i32
    return %arg0, %c0_i32 : i32, i32
  }
  func.func @transform_1(%arg0: i32) -> (i32, i32) {
    %c0_i32 = arith.constant 0 : i32
    %c0_i32_0 = arith.constant 0 : i32
    return %arg0, %c0_i32 : i32, i32
  }
  func.func @transform_2(%arg0: i32) -> (i32, i32) {
    %c0_i32 = arith.constant 0 : i32
    %c0_i32_0 = arith.constant 0 : i32
    return %arg0, %c0_i32 : i32, i32
  }
  func.func @transform_3(%arg0: i32) -> (i32, i32) {
    %c0_i32 = arith.constant 0 : i32
    %c0_i32_0 = arith.constant 0 : i32
    return %arg0, %c0_i32 : i32, i32
  }
  func.func @transform_4(%arg0: i32) -> (i32, i32) {
    %c0_i32 = arith.constant 0 : i32
    %c0_i32_0 = arith.constant 0 : i32
    %c0_i32_1 = arith.constant 0 : i32
    return %c0_i32, %c0_i32_0 : i32, i32
  }
  func.func @transform_5(%arg0: i32) -> (i32, i32) {
    %c0_i32 = arith.constant 0 : i32
    %c0_i32_0 = arith.constant 0 : i32
    %c0_i32_1 = arith.constant 0 : i32
    return %c0_i32, %c0_i32_0 : i32, i32
  }
  func.func @transform_6(%arg0: i32) -> (i32, i32) {
    %c0_i32 = arith.constant 0 : i32
    %c0_i32_0 = arith.constant 0 : i32
    %c0_i32_1 = arith.constant 0 : i32
    return %c0_i32, %c0_i32_0 : i32, i32
  }
  func.func @transform_7(%arg0: i32) -> (i32, i32) {
    %c0_i32 = arith.constant 0 : i32
    %c0_i32_0 = arith.constant 0 : i32
    %c0_i32_1 = arith.constant 0 : i32
    return %c0_i32, %c0_i32_0 : i32, i32
  }
  func.func @transform_8(%arg0: i32) -> (i32, i32) {
    %c0_i32 = arith.constant 0 : i32
    %c0_i32_0 = arith.constant 0 : i32
    %c0_i32_1 = arith.constant 0 : i32
    return %c0_i32, %c0_i32_0 : i32, i32
  }
  func.func @transform_9(%arg0: i32) -> (i32, i32) {
    %c0_i32 = arith.constant 0 : i32
    %c0_i32_0 = arith.constant 0 : i32
    %c0_i32_1 = arith.constant 0 : i32
    return %c0_i32, %c0_i32_0 : i32, i32
  }
  func.func @transform_10(%arg0: i32) -> (i32, i32) {
    %c0_i32 = arith.constant 0 : i32
    %c0_i32_0 = arith.constant 0 : i32
    %c0_i32_1 = arith.constant 0 : i32
    return %c0_i32, %c0_i32_0 : i32, i32
  }
  func.func @transform_11(%arg0: i32) -> (i32, i32) {
    %c0_i32 = arith.constant 0 : i32
    %c0_i32_0 = arith.constant 0 : i32
    %c0_i32_1 = arith.constant 0 : i32
    return %c0_i32, %c0_i32_0 : i32, i32
  }
  func.func @transform_12(%arg0: i32) -> (i32, i32) {
    %c0_i32 = arith.constant 0 : i32
    %c0_i32_0 = arith.constant 0 : i32
    return %arg0, %c0_i32 : i32, i32
  }
  func.func @transform_13(%arg0: i32) -> (i32, i32) {
    %c0_i32 = arith.constant 0 : i32
    %c0_i32_0 = arith.constant 0 : i32
    return %arg0, %c0_i32 : i32, i32
  }
  func.func @transform_14(%arg0: i32) -> (i32, i32) {
    %c0_i32 = arith.constant 0 : i32
    %c0_i32_0 = arith.constant 0 : i32
    return %arg0, %c0_i32 : i32, i32
  }
  func.func @transform_15(%arg0: i32) -> (i32, i32) {
    %c0_i32 = arith.constant 0 : i32
    %c0_i32_0 = arith.constant 0 : i32
    return %arg0, %c0_i32 : i32, i32
  }
  func.func @transform_16(%arg0: i32) -> (i32, i32) {
    %c0_i32 = arith.constant 0 : i32
    %c0_i32_0 = arith.constant 0 : i32
    return %arg0, %c0_i32 : i32, i32
  }
  func.func @transform_17(%arg0: i32) -> (i32, i32) {
    %c0_i32 = arith.constant 0 : i32
    %c0_i32_0 = arith.constant 0 : i32
    return %arg0, %c0_i32 : i32, i32
  }
}

module attributes {stable_mosaic.version = 14 : i64} {
  func.func @_final_body(%arg0: i32, %arg1: memref<128x128xf32, #tpu.memory_space<vmem>>, %arg2: memref<128x128xf32, #tpu.memory_space<vmem>>, %arg3: memref<128x128xf32, #tpu.memory_space<vmem>>, %arg4: memref<128x128xf32, #tpu.memory_space<vmem>>, %arg5: memref<1x128xf32, #tpu.memory_space<vmem>>, %arg6: memref<1x128xf32, #tpu.memory_space<vmem>>, %arg7: memref<1x128xf32, #tpu.memory_space<vmem>>, %arg8: memref<1x128xf32, #tpu.memory_space<vmem>>, %arg9: memref<1x128xf32, #tpu.memory_space<vmem>>, %arg10: memref<1x128xf32, #tpu.memory_space<vmem>>, %arg11: memref<128x1xf32, #tpu.memory_space<vmem>>, %arg12: memref<128x1xf32, #tpu.memory_space<vmem>>, %arg13: memref<128x128xf32, #tpu.memory_space<vmem>>, %arg14: memref<128x128xf32, #tpu.memory_space<vmem>>) attributes {dimension_semantics = [#tpu.dimension_semantics<arbitrary>], iteration_bounds = array<i64: 40>, scalar_prefetch = 0 : i64, scratch_operands = 0 : i64, tpu.core_type = #tpu.core_type<tc>, window_params = [{transform_indices = @transform_0, window_bounds = array<i64: 128, 128>}, {transform_indices = @transform_1, window_bounds = array<i64: 128, 128>}, {transform_indices = @transform_2, window_bounds = array<i64: 128, 128>}, {transform_indices = @transform_3, window_bounds = array<i64: 128, 128>}, {pipeline_mode = #tpu.pipeline_mode<synchronous>, transform_indices = @transform_4, window_bounds = array<i64: 1, 128>}, {pipeline_mode = #tpu.pipeline_mode<synchronous>, transform_indices = @transform_5, window_bounds = array<i64: 1, 128>}, {pipeline_mode = #tpu.pipeline_mode<synchronous>, transform_indices = @transform_6, window_bounds = array<i64: 1, 128>}, {pipeline_mode = #tpu.pipeline_mode<synchronous>, transform_indices = @transform_7, window_bounds = array<i64: 1, 128>}, {pipeline_mode = #tpu.pipeline_mode<synchronous>, transform_indices = @transform_8, window_bounds = array<i64: 1, 128>}, {pipeline_mode = #tpu.pipeline_mode<synchronous>, transform_indices = @transform_9, window_bounds = array<i64: 1, 128>}, {transform_indices = @transform_10, window_bounds = array<i64: 128, 1>}, {transform_indices = @transform_11, window_bounds = array<i64: 128, 1>}, {transform_indices = @transform_12, window_bounds = array<i64: 128, 128>}, {transform_indices = @transform_13, window_bounds = array<i64: 128, 128>}]} {
    %get3A = arith.constant 0 : index
    %get3A_0 = arith.constant 0 : index
    %get3A_1 = vector.load %arg1[%get3A, %get3A_0] : memref<128x128xf32, #tpu.memory_space<vmem>>, vector<128x128xf32>
    %get3A_2 = arith.constant 0 : index
    %get3A_3 = arith.constant 0 : index
    %get3A_4 = vector.load %arg2[%get3A_2, %get3A_3] : memref<128x128xf32, #tpu.memory_space<vmem>>, vector<128x128xf32>
    %add3A = arith.addf %get3A_1, %get3A_4 : vector<128x128xf32>
    %get3A_5 = arith.constant 0 : index
    %get3A_6 = arith.constant 0 : index
    %get3A_7 = vector.load %arg11[%get3A_5, %get3A_6] : memref<128x1xf32, #tpu.memory_space<vmem>>, vector<128x1xf32>
    %mul3A = vector.broadcast %get3A_7 : vector<128x1xf32> to vector<128x128xf32>
    %mul3A_8 = arith.mulf %add3A, %mul3A : vector<128x128xf32>
    %get3A_9 = arith.constant 0 : index
    %get3A_10 = arith.constant 0 : index
    %get3A_11 = vector.load %arg5[%get3A_9, %get3A_10] : memref<1x128xf32, #tpu.memory_space<vmem>>, vector<1x128xf32>
    %add3A_12 = vector.broadcast %get3A_11 : vector<1x128xf32> to vector<128x128xf32>
    %add3A_13 = arith.addf %mul3A_8, %add3A_12 : vector<128x128xf32>
    %get3A_14 = arith.constant 0 : index
    %get3A_15 = arith.constant 0 : index
    %get3A_16 = vector.load %arg7[%get3A_14, %get3A_15] : memref<1x128xf32, #tpu.memory_space<vmem>>, vector<1x128xf32>
    %get3A_17 = arith.constant 0 : index
    %get3A_18 = arith.constant 0 : index
    %get3A_19 = vector.load %arg8[%get3A_17, %get3A_18] : memref<1x128xf32, #tpu.memory_space<vmem>>, vector<1x128xf32>
    %reduce_sum3A = arith.constant dense<0.000000e+00> : vector<128xf32>
    %reduce_sum3A_20 = vector.multi_reduction <add>, %add3A_13, %reduce_sum3A [1] : vector<128x128xf32> to vector<128xf32>
    %broadcast_in_dim3A = vector.shape_cast %reduce_sum3A_20 : vector<128xf32> to vector<128x1xf32>
    %div3A = arith.constant 1.280000e+02 : f32
    %div3A_21 = vector.broadcast %div3A : f32 to vector<128x1xf32>
    %div3A_22 = arith.divf %broadcast_in_dim3A, %div3A_21 : vector<128x1xf32>
    %jit3A = arith.constant 0 : i32
    %reduce_sum3A_23 = arith.constant dense<0.000000e+00> : vector<128xf32>
    %reduce_sum3A_24 = vector.multi_reduction <add>, %add3A_13, %reduce_sum3A_23 [1] : vector<128x128xf32> to vector<128xf32>
    %broadcast_in_dim3A_25 = vector.shape_cast %reduce_sum3A_24 : vector<128xf32> to vector<128x1xf32>
    %div3A_26 = arith.constant 1.280000e+02 : f32
    %div3A_27 = vector.broadcast %div3A_26 : f32 to vector<128x1xf32>
    %div3A_28 = arith.divf %broadcast_in_dim3A_25, %div3A_27 : vector<128x1xf32>
    %sub3A = vector.broadcast %div3A_28 : vector<128x1xf32> to vector<128x128xf32>
    %sub3A_29 = arith.subf %add3A_13, %sub3A : vector<128x128xf32>
    %square3A = arith.mulf %sub3A_29, %sub3A_29 : vector<128x128xf32>
    %convert_element_type3A = arith.sitofp %jit3A : i32 to f32
    %sub3A_30 = arith.constant 1.280000e+02 : f32
    %sub3A_31 = arith.subf %sub3A_30, %convert_element_type3A : f32
    %reduce_sum3A_32 = arith.constant dense<0.000000e+00> : vector<128xf32>
    %reduce_sum3A_33 = vector.multi_reduction <add>, %square3A, %reduce_sum3A_32 [1] : vector<128x128xf32> to vector<128xf32>
    %broadcast_in_dim3A_34 = vector.shape_cast %reduce_sum3A_33 : vector<128xf32> to vector<128x1xf32>
    %div3A_35 = vector.broadcast %sub3A_31 : f32 to vector<128x1xf32>
    %div3A_36 = arith.divf %broadcast_in_dim3A_34, %div3A_35 : vector<128x1xf32>
    %gt3A = arith.constant 0.000000e+00 : f32
    %gt3A_37 = arith.cmpf ogt, %sub3A_31, %gt3A : f32
    %jit3A_38 = arith.constant 0x7FC00000 : f32
    %broadcast_in_dim3A_39 = vector.broadcast %jit3A_38 : f32 to vector<128x1xf32>
    %select_n3A = arith.select %gt3A_37, %div3A_36, %broadcast_in_dim3A_39 : vector<128x1xf32>
    %sub3A_40 = vector.broadcast %div3A_22 : vector<128x1xf32> to vector<128x128xf32>
    %sub3A_41 = arith.subf %add3A_13, %sub3A_40 : vector<128x128xf32>
    %add3A_42 = arith.constant 9.99999974E-6 : f32
    %add3A_43 = vector.broadcast %add3A_42 : f32 to vector<128x1xf32>
    %add3A_44 = arith.addf %select_n3A, %add3A_43 : vector<128x1xf32>
    %sqrt3A = math.sqrt %add3A_44 : vector<128x1xf32>
    %div3A_45 = vector.broadcast %sqrt3A : vector<128x1xf32> to vector<128x128xf32>
    %div3A_46 = arith.divf %sub3A_41, %div3A_45 : vector<128x128xf32>
    %mul3A_47 = vector.broadcast %get3A_16 : vector<1x128xf32> to vector<128x128xf32>
    %mul3A_48 = arith.mulf %div3A_46, %mul3A_47 : vector<128x128xf32>
    %add3A_49 = vector.broadcast %get3A_19 : vector<1x128xf32> to vector<128x128xf32>
    %add3A_50 = arith.addf %mul3A_48, %add3A_49 : vector<128x128xf32>
    %swap3A = arith.constant 0 : index
    %swap3A_51 = arith.constant 0 : index
    %swap3A_52 = vector.load %arg13[%swap3A, %swap3A_51] : memref<128x128xf32, #tpu.memory_space<vmem>>, vector<128x128xf32>
    tpu.vector_store %arg13[%swap3A, %swap3A_51], %add3A_50 {strides = array<i32>} : memref<128x128xf32, #tpu.memory_space<vmem>>, vector<128x128xf32>,
    %get3A_53 = arith.constant 0 : index
    %get3A_54 = arith.constant 0 : index
    %get3A_55 = vector.load %arg3[%get3A_53, %get3A_54] : memref<128x128xf32, #tpu.memory_space<vmem>>, vector<128x128xf32>
    %get3A_56 = arith.constant 0 : index
    %get3A_57 = arith.constant 0 : index
    %get3A_58 = vector.load %arg4[%get3A_56, %get3A_57] : memref<128x128xf32, #tpu.memory_space<vmem>>, vector<128x128xf32>
    %add3A_59 = arith.addf %get3A_55, %get3A_58 : vector<128x128xf32>
    %get3A_60 = arith.constant 0 : index
    %get3A_61 = arith.constant 0 : index
    %get3A_62 = vector.load %arg12[%get3A_60, %get3A_61] : memref<128x1xf32, #tpu.memory_space<vmem>>, vector<128x1xf32>
    %mul3A_63 = vector.broadcast %get3A_62 : vector<128x1xf32> to vector<128x128xf32>
    %mul3A_64 = arith.mulf %add3A_59, %mul3A_63 : vector<128x128xf32>
    %get3A_65 = arith.constant 0 : index
    %get3A_66 = arith.constant 0 : index
    %get3A_67 = vector.load %arg6[%get3A_65, %get3A_66] : memref<1x128xf32, #tpu.memory_space<vmem>>, vector<1x128xf32>
    %add3A_68 = vector.broadcast %get3A_67 : vector<1x128xf32> to vector<128x128xf32>
    %add3A_69 = arith.addf %mul3A_64, %add3A_68 : vector<128x128xf32>
    %get3A_70 = arith.constant 0 : index
    %get3A_71 = arith.constant 0 : index
    %get3A_72 = vector.load %arg9[%get3A_70, %get3A_71] : memref<1x128xf32, #tpu.memory_space<vmem>>, vector<1x128xf32>
    %get3A_73 = arith.constant 0 : index
    %get3A_74 = arith.constant 0 : index
    %get3A_75 = vector.load %arg10[%get3A_73, %get3A_74] : memref<1x128xf32, #tpu.memory_space<vmem>>, vector<1x128xf32>
    %reduce_sum3A_76 = arith.constant dense<0.000000e+00> : vector<128xf32>
    %reduce_sum3A_77 = vector.multi_reduction <add>, %add3A_69, %reduce_sum3A_76 [1] : vector<128x128xf32> to vector<128xf32>
    %broadcast_in_dim3A_78 = vector.shape_cast %reduce_sum3A_77 : vector<128xf32> to vector<128x1xf32>
    %div3A_79 = arith.constant 1.280000e+02 : f32
    %div3A_80 = vector.broadcast %div3A_79 : f32 to vector<128x1xf32>
    %div3A_81 = arith.divf %broadcast_in_dim3A_78, %div3A_80 : vector<128x1xf32>
    %jit3A_82 = arith.constant 0 : i32
    %reduce_sum3A_83 = arith.constant dense<0.000000e+00> : vector<128xf32>
    %reduce_sum3A_84 = vector.multi_reduction <add>, %add3A_69, %reduce_sum3A_83 [1] : vector<128x128xf32> to vector<128xf32>
    %broadcast_in_dim3A_85 = vector.shape_cast %reduce_sum3A_84 : vector<128xf32> to vector<128x1xf32>
    %div3A_86 = arith.constant 1.280000e+02 : f32
    %div3A_87 = vector.broadcast %div3A_86 : f32 to vector<128x1xf32>
    %div3A_88 = arith.divf %broadcast_in_dim3A_85, %div3A_87 : vector<128x1xf32>
    %sub3A_89 = vector.broadcast %div3A_88 : vector<128x1xf32> to vector<128x128xf32>
    %sub3A_90 = arith.subf %add3A_69, %sub3A_89 : vector<128x128xf32>
    %square3A_91 = arith.mulf %sub3A_90, %sub3A_90 : vector<128x128xf32>
    %convert_element_type3A_92 = arith.sitofp %jit3A_82 : i32 to f32
    %sub3A_93 = arith.constant 1.280000e+02 : f32
    %sub3A_94 = arith.subf %sub3A_93, %convert_element_type3A_92 : f32
    %reduce_sum3A_95 = arith.constant dense<0.000000e+00> : vector<128xf32>
    %reduce_sum3A_96 = vector.multi_reduction <add>, %square3A_91, %reduce_sum3A_95 [1] : vector<128x128xf32> to vector<128xf32>
    %broadcast_in_dim3A_97 = vector.shape_cast %reduce_sum3A_96 : vector<128xf32> to vector<128x1xf32>
    %div3A_98 = vector.broadcast %sub3A_94 : f32 to vector<128x1xf32>
    %div3A_99 = arith.divf %broadcast_in_dim3A_97, %div3A_98 : vector<128x1xf32>
    %gt3A_100 = arith.constant 0.000000e+00 : f32
    %gt3A_101 = arith.cmpf ogt, %sub3A_94, %gt3A_100 : f32
    %jit3A_102 = arith.constant 0x7FC00000 : f32
    %broadcast_in_dim3A_103 = vector.broadcast %jit3A_102 : f32 to vector<128x1xf32>
    %select_n3A_104 = arith.select %gt3A_101, %div3A_99, %broadcast_in_dim3A_103 : vector<128x1xf32>
    %sub3A_105 = vector.broadcast %div3A_81 : vector<128x1xf32> to vector<128x128xf32>
    %sub3A_106 = arith.subf %add3A_69, %sub3A_105 : vector<128x128xf32>
    %add3A_107 = arith.constant 9.99999974E-6 : f32
    %add3A_108 = vector.broadcast %add3A_107 : f32 to vector<128x1xf32>
    %add3A_109 = arith.addf %select_n3A_104, %add3A_108 : vector<128x1xf32>
    %sqrt3A_110 = math.sqrt %add3A_109 : vector<128x1xf32>
    %div3A_111 = vector.broadcast %sqrt3A_110 : vector<128x1xf32> to vector<128x128xf32>
    %div3A_112 = arith.divf %sub3A_106, %div3A_111 : vector<128x128xf32>
    %mul3A_113 = vector.broadcast %get3A_72 : vector<1x128xf32> to vector<128x128xf32>
    %mul3A_114 = arith.mulf %div3A_112, %mul3A_113 : vector<128x128xf32>
    %add3A_115 = vector.broadcast %get3A_75 : vector<1x128xf32> to vector<128x128xf32>
    %add3A_116 = arith.addf %mul3A_114, %add3A_115 : vector<128x128xf32>
    %swap3A_117 = arith.constant 0 : index
    %swap3A_118 = arith.constant 0 : index
    %swap3A_119 = vector.load %arg14[%swap3A_117, %swap3A_118] : memref<128x128xf32, #tpu.memory_space<vmem>>, vector<128x128xf32>
    tpu.vector_store %arg14[%swap3A_117, %swap3A_118], %add3A_116 {strides = array<i32>} : memref<128x128xf32, #tpu.memory_space<vmem>>, vector<128x128xf32>,
    return
  }
  func.func @transform_0(%arg0: i32) -> (i32, i32) {
    %c0_i32 = arith.constant 0 : i32
    %c0_i32_0 = arith.constant 0 : i32
    return %arg0, %c0_i32 : i32, i32
  }
  func.func @transform_1(%arg0: i32) -> (i32, i32) {
    %c0_i32 = arith.constant 0 : i32
    %c0_i32_0 = arith.constant 0 : i32
    return %arg0, %c0_i32 : i32, i32
  }
  func.func @transform_2(%arg0: i32) -> (i32, i32) {
    %c0_i32 = arith.constant 0 : i32
    %c0_i32_0 = arith.constant 0 : i32
    return %arg0, %c0_i32 : i32, i32
  }
  func.func @transform_3(%arg0: i32) -> (i32, i32) {
    %c0_i32 = arith.constant 0 : i32
    %c0_i32_0 = arith.constant 0 : i32
    return %arg0, %c0_i32 : i32, i32
  }
  func.func @transform_4(%arg0: i32) -> (i32, i32) {
    %c0_i32 = arith.constant 0 : i32
    %c0_i32_0 = arith.constant 0 : i32
    %c0_i32_1 = arith.constant 0 : i32
    return %c0_i32, %c0_i32_0 : i32, i32
  }
  func.func @transform_5(%arg0: i32) -> (i32, i32) {
    %c0_i32 = arith.constant 0 : i32
    %c0_i32_0 = arith.constant 0 : i32
    %c0_i32_1 = arith.constant 0 : i32
    return %c0_i32, %c0_i32_0 : i32, i32
  }
  func.func @transform_6(%arg0: i32) -> (i32, i32) {
    %c0_i32 = arith.constant 0 : i32
    %c0_i32_0 = arith.constant 0 : i32
    %c0_i32_1 = arith.constant 0 : i32
    return %c0_i32, %c0_i32_0 : i32, i32
  }
  func.func @transform_7(%arg0: i32) -> (i32, i32) {
    %c0_i32 = arith.constant 0 : i32
    %c0_i32_0 = arith.constant 0 : i32
    %c0_i32_1 = arith.constant 0 : i32
    return %c0_i32, %c0_i32_0 : i32, i32
  }
  func.func @transform_8(%arg0: i32) -> (i32, i32) {
    %c0_i32 = arith.constant 0 : i32
    %c0_i32_0 = arith.constant 0 : i32
    %c0_i32_1 = arith.constant 0 : i32
    return %c0_i32, %c0_i32_0 : i32, i32
  }
  func.func @transform_9(%arg0: i32) -> (i32, i32) {
    %c0_i32 = arith.constant 0 : i32
    %c0_i32_0 = arith.constant 0 : i32
    %c0_i32_1 = arith.constant 0 : i32
    return %c0_i32, %c0_i32_0 : i32, i32
  }
  func.func @transform_10(%arg0: i32) -> (i32, i32) {
    %c0_i32 = arith.constant 0 : i32
    %c0_i32_0 = arith.constant 0 : i32
    return %arg0, %c0_i32 : i32, i32
  }
  func.func @transform_11(%arg0: i32) -> (i32, i32) {
    %c0_i32 = arith.constant 0 : i32
    %c0_i32_0 = arith.constant 0 : i32
    return %arg0, %c0_i32 : i32, i32
  }
  func.func @transform_12(%arg0: i32) -> (i32, i32) {
    %c0_i32 = arith.constant 0 : i32
    %c0_i32_0 = arith.constant 0 : i32
    return %arg0, %c0_i32 : i32, i32
  }
  func.func @transform_13(%arg0: i32) -> (i32, i32) {
    %c0_i32 = arith.constant 0 : i32
    %c0_i32_0 = arith.constant 0 : i32
    return %arg0, %c0_i32 : i32, i32
  }
}

</mosaic_0001>

<sc_bundles>
// kernel: kernel.12.cloned.1.call-start
scs
__scs_entry_jumppad:
0x0: {  	(pc) =	sbr.rel $0x88, $3  }
0x1: {  	(tag) =	ssettag $0x0;
	lr =	simm.s32 $0x1  }
0x2: {  	[smem:$0x3F8D] =	sst lr;
	_ =	strace $0xD0000000  }
0x3: {  	_ = 	snop  }
0x4: {  	_ = 	snop  }
0x5: {  	_ = 	snop  }
0x6: {  	_ = 	snop  }
0x7: {  	_ = 	snop  }
__scs_overlays_trampoline_lowered:
0x8: {  	[smem:$0x3F9C] =	sst s0  }
0x9: {  	[smem:$0x3F9D] =	sst s1  }
0xa: {  	[smem:$0x3F9E] =	sst s2  }
0xb: {  	[smem:$0x3F9F] =	sst s3  }
0xc: {  	[smem:$0x3FA0] =	sst s4  }
0xd: {  	[smem:$0x3FA1] =	sst s5  }
0xe: {  	[smem:$0x3FA2] =	sst s6  }
0xf: {  	[smem:$0x3FA3] =	sst s7  }
0x10: {  	[smem:$0x3FA4] =	sst s8  }
0x11: {  	[smem:$0x3FA5] =	sst s9;
	s0 =	simm.s32 @!p0 $0x0  }
0x12: {  	s1 =	sld [smem:$0x3F8B];
	s0 =	simm.s32 @p0 $0x1  }
0x13: {  	[smem:$0x3FA6] =	sst s0;
	s0 =	simm.s32 @!p1 $0x0  }
0x14: {  	s2 =	sld [smem:$0x3F8A];
	s0 =	simm.s32 @p1 $0x1  }
0x15: {  	[smem:$0x3FA7] =	sst s0;
	s0 =	simm.s32 @!p2 $0x0  }
0x16: {  	s3 =	sld [smem:$0x3FDB];
	s0 =	simm.s32 @p2 $0x1  }
0x17: {  	s4 =	simm.s32 $0x1BF5;
	[smem:$0x3FA9] =	sst s0  }
0x18: {  	s0 =	sld [smem:$0x3F8C];
	_ =	swait.ge [sflag:s4], $0x0  }
0x19: {  	s7 =	sld [smem:$0x3F8D]  }
0x1a: {  	s8 =	sadd.s32 $0xFFFFE003, lr  }
0x1b: {  	s9 =	sadd.s32 $0xFFFFFEF7, lr;
	s5 =	simm.s32 $0xFFFFFFFF;
	p2 =	slt.u32 s8, $0xFFFFF086  }
0x1c: {  	p1 =	slt.u32 s9, $0xF7A;
	s5 =	simm.s32 @!p2 $0x0  }
0x1d: {  	s5 =	simm.s32 @p1 $0x1;
	p0 =	seq.s32 s7, s2  }
0x1e: {  	s7 =	smul.u32 @!p0 $0xF7A, s2;
	p2 =	seq.s32 @!p0 s5, $0x0  }
0x1f: {  	s9 =	smul.u32 $0xF7A, s1;
	s8 =	simm.s32 @!p0 $0x1BF5;
	p2 =	por !p2, p0  }
0x20: {  	[sflag:s8] =	ssyncset.s32 @!p0 $0xFFFFF086;
	s6 =	sadd.s32 @!p0 s3, s7;
	s7 =	simm.s32 @!p0 $0x108  }
0x21: {  	s3 =	sadd.s32 s3, s9;
	s6 =	sadd.s32 @!p0 $0x88, s6;
	s7 =	simm.s32 @p2 $0x1082  }
0x22: {  	[simem:s7], [sflag:s8] =	dma.local @!p0 [hbm:s6], $0xF7A  }
0x23: {  	s9 =	sor.u32 $0xD0000000, s2;
	s6 =	simm.s32 $0x108;
	_ =	swait.ge @!p0 [sflag:s8], $0x0  }
0x24: {  	s3 =	sadd.s32 $0x88, s3;
	s6 =	simm.s32 @!p1 $0x1082;
	[sflag:s4] =	ssyncset.s32 $0xFFFFF086  }
0x25: {  	[simem:s6], [sflag:s4] =	dma.local [hbm:s3], $0xF7A  }
0x26: {  	[smem:$0x3F8D] =	sst s1;
	(tag) =	ssettag s2;
	_ =	strace s9  }
0x27: {  	s1 =	sld [smem:$0x3F9D]  }
0x28: {  	s2 =	sld [smem:$0x3F9E]  }
0x29: {  	s4 =	sld [smem:$0x3FA0]  }
0x2a: {  	p0 =	seq.s32 s5, $0x0;
	s5 =	sld [smem:$0x3FA1]  }
0x2b: {  	s6 =	sld [smem:$0x3FA2]  }
0x2c: {  	s7 =	sld [smem:$0x3FA3]  }
0x2d: {  	s3 =	simm.s32 $0x108;
	s8 =	sld [smem:$0x3FA4]  }
0x2e: {  	s3 =	simm.s32 @!p0 $0x1082;
	s9 =	sld [smem:$0x3FA5]  }
0x2f: {  	lr =	sadd.s32 s0, s3;
	s0 =	sld [smem:$0x3F9C]  }
0x30: {  	s3 =	sld [smem:$0x3F9F]  }
0x31: {  	[smem:$0x3FA8] =	sst s10  }
0x32: {  	s10 =	sld [smem:$0x3FA6];
	_ =	sdelay $0x3  }
0x33: {  	p0 =	seq.s32 s10, $0x1;
	s10 =	sld [smem:$0x3FA8];
	_ =	sdelay $0x3  }
0x34: {  	[smem:$0x3FA8] =	sst s10  }
0x35: {  	s10 =	sld [smem:$0x3FA7];
	_ =	sdelay $0x3  }
0x36: {  	p1 =	seq.s32 s10, $0x1;
	s10 =	sld [smem:$0x3FA8];
	_ =	sdelay $0x3  }
0x37: {  	[smem:$0x3FA8] =	sst s10  }
0x38: {  	s10 =	sld [smem:$0x3FA9]  }
0x39: {  	_ = 	snop;
	(pc) =	sbr.ind lr, $3  }
0x3a: {  	_ = 	snop  }
0x3b: {  	_ = 	snop  }
0x3c: {  	p2 =	seq.s32 s10, $0x1;
	s10 =	sld [smem:$0x3FA8]  }
0x3d: {  	_ =	shalt  }
0x3e: {  	_ =	shalt  }
0x3f: {  	_ =	shalt  }
0x40: {  	_ =	shalt  }
0x41: {  	_ =	shalt  }
0x42: {  	_ =	shalt  }
0x43: {  	_ =	shalt  }
0x44: {  	_ =	shalt  }
0x45: {  	_ =	shalt  }
0x46: {  	_ =	shalt  }
0x47: {  	_ =	shalt  }
0x48: {  	_ =	shalt  }
0x49: {  	_ =	shalt  }
0x4a: {  	_ =	shalt  }
0x4b: {  	_ =	shalt  }
0x4c: {  	_ =	shalt  }
0x4d: {  	_ =	shalt  }
0x4e: {  	_ =	shalt  }
0x4f: {  	_ =	shalt  }
0x50: {  	_ =	shalt  }
0x51: {  	_ =	shalt  }
0x52: {  	_ =	shalt  }
0x53: {  	_ =	shalt  }
0x54: {  	_ =	shalt  }
0x55: {  	_ =	shalt  }
0x56: {  	_ =	shalt  }
0x57: {  	_ =	shalt  }
0x58: {  	_ =	shalt  }
0x59: {  	_ =	shalt  }
0x5a: {  	_ =	shalt  }
0x5b: {  	_ =	shalt  }
0x5c: {  	_ =	shalt  }
0x5d: {  	_ =	shalt  }
0x5e: {  	_ =	shalt  }
0x5f: {  	_ =	shalt  }
0x60: {  	_ =	shalt  }
0x61: {  	_ =	shalt  }
0x62: {  	_ =	shalt  }
0x63: {  	_ =	shalt  }
0x64: {  	_ =	shalt  }
0x65: {  	_ =	shalt  }
0x66: {  	_ =	shalt  }
0x67: {  	_ =	shalt  }
0x68: {  	_ =	shalt  }
0x69: {  	_ =	shalt  }
0x6a: {  	_ =	shalt  }
0x6b: {  	_ =	shalt  }
0x6c: {  	_ =	shalt  }
0x6d: {  	_ =	shalt  }
0x6e: {  	_ =	shalt  }
0x6f: {  	_ =	shalt  }
0x70: {  	_ =	shalt  }
0x71: {  	_ =	shalt  }
0x72: {  	_ =	shalt  }
0x73: {  	_ =	shalt  }
0x74: {  	_ =	shalt  }
0x75: {  	_ =	shalt  }
0x76: {  	_ =	shalt  }
0x77: {  	_ =	shalt  }
0x78: {  	_ =	shalt  }
0x79: {  	_ =	shalt  }
0x7a: {  	_ =	shalt  }
0x7b: {  	_ =	shalt  }
0x7c: {  	_ =	shalt  }
0x7d: {  	_ =	shalt  }
0x7e: {  	_ =	shalt  }
0x7f: {  	_ =	shalt  }
0x80: {  	_ =	shalt  }
0x81: {  	_ =	shalt  }
0x82: {  	_ =	shalt  }
0x83: {  	_ =	shalt  }
0x84: {  	_ =	shalt  }
0x85: {  	_ =	shalt  }
0x86: {  	_ =	shalt  }
0x87: {  	_ =	shalt  }
.Lfunc_end0:
.L_simem_size_0:
called_computation.1_lowered:
.L_overlay_start_0:
0x88: {  	s2 =	sld [smem:$0x3FD9]  }
0x89: {  	s3 =	sld [smem:$0x3FFE];
	_ =	sdelay $0x1  }
0x8a: {  	s1 =	srdreg.scid  }
0x8b: {  	s0 =	sand.u32 $0x1, s1  }
0x8c: {  	s14 =	sshll.u32 s0, $0xA;
	s2 =	sadd.s32 s3, s2  }
0x8d: {  	s2 =	sadd.s32 s2, s14  }
0x8e: {  	[smem:$0x3FB4] =	sst s2  }
0x8f: {  	_ = 	snop  }
0x90: {  	s2 =	sld [smem:$0x3FD0];
	_ =	sdelay $0x2  }
0x91: {  	s15 =	simm.s32 $0xA;
	s4 =	simm.s32 $0x10  }
0x92: {  	[smem:s4], [sflag:s15] =	dma.local [hbm:s2], $0x1  }
0x93: {  	_ =	swait.eq [sflag:s15], $0x1  }
0x94: {  	[sflag:s15] =	ssyncset.done $0x0  }
0x95: {  	s16 =	sld [smem:$0x10];
	[sflag:s15] =	ssyncadd.s32 $0xFFFFFFFF  }
0x96: {  	s17 =	sld [smem:$0x11];
	(tm) =	ssettm $0x1  }
0x97: {  	s18 =	sld [smem:$0x3FFB];
	_ =	sdelay $0x3  }
0x98: {  	_ =	strace s18  }
0x99: {  	s4 =	sld [smem:$0x3FFC];
	_ =	sdelay $0x3  }
0x9a: {  	_ =	strace s4  }
0x9b: {  	s4 =	sld [smem:$0x3FFD];
	_ =	sdelay $0x3  }
0x9c: {  	_ =	strace s4  }
0x9d: {  	_ =	strace $0x8FFFFFFF  }
0x9e: {  	s19 =	sld [smem:$0x3FDB];
	_ =	sdelay $0x1  }
0x9f: {  	s5 =	simm.s32 $_scs_section_size  }
0xa0: {  	s6 =	simm.s32 $_size__tile_overlayer_lowered;
	s7 =	simm.s32 $_tile_overlayer_lowered  }
0xa1: {  	s22 =	simm.s32 $0x1BFF;
	s21 =	sshll.u32 s7, $0x1;
	s4 =	sadd.s32 s5, s19  }
0xa2: {  	s8 =	simm.s32 $0x0;
	s20 =	sshll.u32 s6, $0x1;
	s6 =	sadd.s32 s21, s4  }
0xa3: {  	[timem:s8], [sflag:s22] =	dma.local [hbm:s6], s20  }
0xa4: {  	_ =	swait.ge [sflag:s22], s20  }
0xa5: {  	s5 =	ssub.s32 $0x0, s20;
	[sflag:s22] =	ssyncset.done $0x0  }
0xa6: {  	[sflag:s22] =	ssyncadd.s32 s5;
	_ =	sdelay $0x1  }
0xa7: {  	s23 =	simm.s32 $0x1B8B  }
0xa8: {  	_ =	swait.ge [sflag:s23], $0x1  }
0xa9: {  	[sflag:s23] =	ssyncset.done $0x0  }
0xaa: {  	s25 =	simm.s32 $0x1B8E;
	s24 =	sld [smem:$0x3FFE];
	[sflag:s23] =	ssyncadd.s32 $0xFFFFFFFF  }
0xab: {  	s26 =	simm.s32 $execute0_lowered;
	[smem:$0x3FD2] =	sst s25  }
0xac: {  	s6 =	sshll.u32 s26, $0x1;
	_ =	strace $0x80000049;
	[dreg:$0x1] =	wrdreg $0xFFFFFFFF  }
0xad: {  	s28 =	simm.s32 $_size_execute0_lowered;
	s4 =	sadd.s32 s4, s6;
	[dreg:$0x0] =	wrdreg $0x0  }
0xae: {  	s6 =	sshll.u32 s28, $0x1;
	[dreg:$0x2] =	wrdreg s4  }
0xaf: {  	[dreg:$0x3] =	wrdreg s6  }
0xb0: {  	[dreg:$0x4] =	wrdreg $0xC0  }
0xb1: {  	_ =	task [dreg:s8], $0x5FFFF  }
0xb2: {  	[dreg:$0x1] =	wrdreg $0xFFFFFFFF  }
0xb3: {  	[dreg:$0x0] =	wrdreg $0x60  }
0xb4: {  	[dreg:$0x2] =	wrdreg s24  }
0xb5: {  	[dreg:$0x3] =	wrdreg s16  }
0xb6: {  	[dreg:$0x4] =	wrdreg s17  }
0xb7: {  	[dreg:$0x5] =	wrdreg $0x150000  }
0xb8: {  	[dreg:$0x6] =	wrdreg $0x9  }
0xb9: {  	_ =	task.clear_ibuf [dreg:s8], $0x7FFFF;
	_ =	strace $0x90000049  }
0xba: {  	s29 =	simm.s32 $0x9;
	_ =	strace $0x8000004B  }
0xbb: {  	_ =	swait.ge [sflag:s29], $0x1  }
0xbc: {  	[sflag:s29] =	ssyncadd.s32 $0xFFFFFFFF  }
0xbd: {  	_ =	strace $0x9000004B  }
0xbe: {  	_ =	sfence  }
0xbf: {  	s30 =	sld [smem:$0x0];
	_ =	sdelay $0x2  }
0xc0: {  	s31 =	sshll.u32 s1, $0xD;
	s1 =	sshrl.u32 s1, $0x2  }
0xc1: {  	s3 =	sand.u32 $0x4000, s31;
	s1 =	sadd.s32 s1, s30  }
0xc2: {  	s0 =	sor.u32 s3, s0;
	s1 =	sshll.u32 s1, $0x11  }
0xc3: {  	s0 =	sor.u32 s1, s0  }
0xc4: {  	s0 =	sadd.s32 $0x8F2B, s0  }
0xc5: {  	[sflag:s0] =	ssyncadd.remote.s32 $0x1  }
0xc6: {  	_ =	sfence.sel $0xFFFF  }
0xc7: {  	[dreg:$0x0] =	wrdreg $0xFFFFFFFF;
	(pc) =	sbr.abs _section_cstart, $3  }
0xc8: {  	[dreg:$0x1] =	wrdreg $0xFFFFFFFF  }
0xc9: {  	_ =	task.clear_ibuf [dreg:s8], $0x2FFFF;
	_ =	strace $0x9FFFFFFF  }
0xca: {  	(tm) =	ssettm $0x7FFFFFFF  }
0xcb: {  	_ =	shalt  }
tec
execute0_lowered:
.L_overlay_start_1:
0x0: {  	(tag) =	ssettag $0x1  }
0x1: {  	s0 =	srdreg.scid;
	s1 =	rddreg [dreg:$0x0]  }
0x2: {  	s7 =	rddreg [dreg:$0x1];
	s15 =	stileid.u32  }
0x3: {  	s8 =	rddreg [dreg:$0x2];
	s14 =	simm.s32 $0x9;
	s16 =	simm.s32 $0x2800  }
0x4: {  	s17 =	simm.s32 $0x3C00;
	s20 =	simm.s32 $0x80;
	s21 =	simm.s32 $0x5000  }
0x5: {  	s22 =	simm.s32 $0x9000;
	s28 =	simm.s32 $0x11000;
	s29 =	simm.s32 $0x2  }
0x6: {  	s31 =	simm.s32 $0x5;
	s30 =	simm.s32 $0x7;
	s0 =	sand.u32 $0x1, s0  }
0x7: {  	s9 =	smul.u32 $0x140, s15;
	s4 =	sadd.s32 $0x11A00, s1;
	s5 =	sadd.s32 $0x25A00, s1  }
0x8: {  	s13 =	smul.u32 $0x28000, s15;
	s26 =	sshll.u32 s15, $0x6;
	s2 =	sshll.u32 s0, $0x4  }
0x9: {  	s6 =	smul.u32 $0x1400, s0;
	s0 =	ssub.s32 $0x2, s0;
	s18 =	sor.u32 $0x1C09, s26  }
0xa: {  	s26 =	simm.s32 $0x6;
	s3 =	sor.u32 s15, s2;
	s2 =	rddreg [dreg:$0x3]  }
0xb: {  	s12 =	sshrl.u32 s0, $0x1;
	s24 =	sshrl.u32 s13, $0x2;
	s10 =	smul.u32 $0x280, s3  }
0xc: {  	s3 =	simm.s32 $0x0;
	s6 =	sadd.s32 s9, s6;
	s0 =	ssub.s32 s0, s12  }
0xd: {  	[smem:$0x7FF] =	sst s3;
	s9 =	sshll.u32 s6, $0x4;
	s6 =	sadd.s32 $0x10600, s1  }
0xe: {  	s13 =	smax.u32 s0, $0x1;
	s0 =	simm.s32 $0x3;
	_ =	strace $0x8000004A  }
0xf: {  	s11 =	sadd.s32 s10, s1;
	s1 =	sadd.s32 s9, s1;
	s7 =	sadd.s32 s7, s10  }
0x10: {  	s10 =	sadd.s32 s8, s10;
	s23 =	sadd.s32 $0xAE00, s11;
	[dreg:$0x6] =	wrdreg s7  }
0x11: {  	s25 =	sadd.s32 $0x5E00, s11;
	s7 =	sadd.s32 s24, s2;
	s11 =	sadd.s32 $0x61A00, s1  }
0x12: {  	s12 =	sadd.s32 $0x89A00, s1;
	s24 =	simm.s32 $0xD000;
	[dreg:$0x5] =	wrdreg s23  }
0x13: {  	s1 =	simm.s32 $0x4;
	[dreg:$0x7] =	wrdreg s25;
	s19 =	sshrl.u32 s7, $0x3  }
0x14: {  	s25 =	simm.s32 $0x1;
	s23 =	simm.s32 $0x8;
	s7 =	simm.s32 $0x0  }
.LBB2_1:
0x15: {  	s8 =	rddreg [dreg:$0x5]  }
0x16: {  	[tilespmem:s3], [sflag:$0x9] =	stream.linear.gather [hbm4b:s8+s3], $0x1400, $0x38;
	[tilespmem:$0x1F000] =	vst v63  }
0x17: {  	_ =	swait.ge [sflag:s14], $0x1400  }
0x18: {  	[sflag:s14] =	ssyncset.done $0x0  }
0x19: {  	s9 =	simm.s32 $0x1400;
	s15 =	rddreg [dreg:$0x6];
	[sflag:s14] =	ssyncadd.s32 $0xFFFFEC00  }
0x1a: {  	[tilespmem:s9], [sflag:$0x9] =	stream.linear.gather [hbm4b:s15+s3], $0x1400, $0x38;
	[tilespmem:$0x1F000] =	vst v63  }
0x1b: {  	_ =	swait.ge [sflag:s14], $0x1400  }
0x1c: {  	[sflag:s14] =	ssyncset.done $0x0  }
0x1d: {  	s15 =	rddreg [dreg:$0x7];
	[sflag:s14] =	ssyncadd.s32 $0xFFFFEC00  }
0x1e: {  	[tilespmem:s16], [sflag:$0x9] =	stream.linear.gather [hbm4b:s15+s3], $0x1400, $0x38;
	[tilespmem:$0x1F000] =	vst v63  }
0x1f: {  	_ =	swait.ge [sflag:s14], $0x1400  }
0x20: {  	[sflag:s14] =	ssyncset.done $0x0  }
0x21: {  	[sflag:s14] =	ssyncadd.s32 $0xFFFFEC00  }
0x22: {  	[tilespmem:s17], [sflag:$0x9] =	stream.linear.gather [hbm4b:s10+s3], $0x1400, $0x38;
	[tilespmem:$0x1F000] =	vst v63  }
0x23: {  	_ =	swait.ge [sflag:s14], $0x1400  }
0x24: {  	[sflag:s14] =	ssyncset.done $0x0  }
0x25: {  	[sflag:s14] =	ssyncadd.s32 $0xFFFFEC00  }
0x26: {  	[spmem:s19], [sflag:s18] =	dma.local [hbm:s6], $0x1400  }
0x27: {  	_ =	swait.ge [sflag:s14], $0x1400  }
0x28: {  	[sflag:s14] =	ssyncset.done $0x0  }
0x29: {  	[sflag:s14] =	ssyncadd.s32 $0xFFFFEC00  }
0x2a: {  	[bflag:$0x0] =	sbarrier.arrive $0xFFFF  }
0x2b: {  	[tilespmem:s21], [sflag:$0x1] =	stream.indirect.gather [hbm4b:s4+s20], $0x80, s3, s20, $0xb8;
	[tilespmem:$0x1F000] =	vst v63  }
0x2c: {  	_ = 	snop  }
0x2d: {  	[tilespmem:s22], [sflag:$0x2] =	stream.indirect.gather [hbm4b:s4+s20], $0x80, s20, s20, $0xb8;
	[tilespmem:$0x1F000] =	vst v63  }
0x2e: {  	s15 =	simm.s32 $0x100  }
0x2f: {  	[tilespmem:s24], [sflag:$0x3] =	stream.indirect.gather [hbm4b:s4+s20], $0x80, s15, s20, $0xb8;
	[tilespmem:$0x1F000] =	vst v63  }
0x30: {  	_ =	swait.ge [sflag:s25], $0x4000  }
0x31: {  	[sflag:s25] =	ssyncset.done $0x0  }
0x32: {  	[sflag:s25] =	ssyncadd.s32 $0xFFFFC000  }
0x33: {  	[spmem:s2] =	stream.indirect.scatter.add.f32 [tilespmem:s21], [sflag:$0x5], $0x80, s9, s20, $0xb8;
	[tilespmem:$0x1F000] =	vst v63  }
0x34: {  	s15 =	simm.s32 $0x180  }
0x35: {  	[tilespmem:s28], [sflag:$0x4] =	stream.indirect.gather [hbm4b:s4+s20], $0x80, s15, s20, $0xb8;
	[tilespmem:$0x1F000] =	vst v63  }
0x36: {  	_ =	swait.ge [sflag:s29], $0x4000  }
0x37: {  	[sflag:s29] =	ssyncset.done $0x0  }
0x38: {  	s9 =	simm.s32 $0x1480;
	[sflag:s29] =	ssyncadd.s32 $0xFFFFC000  }
0x39: {  	[spmem:s2] =	stream.indirect.scatter.add.f32 [tilespmem:s22], [sflag:$0x6], $0x80, s9, s20, $0xb8;
	[tilespmem:$0x1F000] =	vst v63  }
0x3a: {  	_ =	swait.ge [sflag:s31], $0x4000  }
0x3b: {  	[sflag:s31] =	ssyncset.done $0x0  }
0x3c: {  	s15 =	simm.s32 $0x200;
	[sflag:s31] =	ssyncadd.s32 $0xFFFFC000  }
0x3d: {  	[tilespmem:s21], [sflag:$0x1] =	stream.indirect.gather [hbm4b:s4+s20], $0x80, s15, s20, $0xb8;
	[tilespmem:$0x1F000] =	vst v63  }
0x3e: {  	_ =	swait.ge [sflag:s0], $0x4000  }
0x3f: {  	[sflag:s0] =	ssyncset.done $0x0  }
0x40: {  	s9 =	simm.s32 $0x1500;
	[sflag:s0] =	ssyncadd.s32 $0xFFFFC000  }
0x41: {  	[spmem:s2] =	stream.indirect.scatter.add.f32 [tilespmem:s24], [sflag:$0x7], $0x80, s9, s20, $0xb8;
	[tilespmem:$0x1F000] =	vst v63  }
0x42: {  	_ =	swait.ge [sflag:s26], $0x4000  }
0x43: {  	[sflag:s26] =	ssyncset.done $0x0  }
0x44: {  	s15 =	simm.s32 $0x280;
	[sflag:s26] =	ssyncadd.s32 $0xFFFFC000  }
0x45: {  	[tilespmem:s22], [sflag:$0x2] =	stream.indirect.gather [hbm4b:s4+s20], $0x80, s15, s20, $0xb8;
	[tilespmem:$0x1F000] =	vst v63  }
0x46: {  	_ =	swait.ge [sflag:s1], $0x4000  }
0x47: {  	[sflag:s1] =	ssyncset.done $0x0  }
0x48: {  	s9 =	simm.s32 $0x1580;
	[sflag:s1] =	ssyncadd.s32 $0xFFFFC000  }
0x49: {  	[spmem:s2] =	stream.indirect.scatter.add.f32 [tilespmem:s28], [sflag:$0x8], $0x80, s9, s20, $0xb8;
	[tilespmem:$0x1F000] =	vst v63  }
0x4a: {  	_ =	swait.ge [sflag:s30], $0x4000  }
0x4b: {  	[sflag:s30] =	ssyncset.done $0x0  }
0x4c: {  	s15 =	simm.s32 $0x300;
	[sflag:s30] =	ssyncadd.s32 $0xFFFFC000  }
0x4d: {  	[tilespmem:s24], [sflag:$0x3] =	stream.indirect.gather [hbm4b:s4+s20], $0x80, s15, s20, $0xb8;
	[tilespmem:$0x1F000] =	vst v63  }
0x4e: {  	_ =	swait.ge [sflag:s25], $0x4000  }
0x4f: {  	[sflag:s25] =	ssyncset.done $0x0  }
0x50: {  	s9 =	simm.s32 $0x1600;
	[sflag:s25] =	ssyncadd.s32 $0xFFFFC000  }
0x51: {  	[spmem:s2] =	stream.indirect.scatter.add.f32 [tilespmem:s21], [sflag:$0x5], $0x80, s9, s20, $0xb8;
	[tilespmem:$0x1F000] =	vst v63  }
0x52: {  	_ =	swait.ge [sflag:s23], $0x4000  }
0x53: {  	[sflag:s23] =	ssyncset.done $0x0  }
0x54: {  	s15 =	simm.s32 $0x380;
	[sflag:s23] =	ssyncadd.s32 $0xFFFFC000  }
0x55: {  	[tilespmem:s28], [sflag:$0x4] =	stream.indirect.gather [hbm4b:s4+s20], $0x80, s15, s20, $0xb8;
	[tilespmem:$0x1F000] =	vst v63  }
0x56: {  	_ =	swait.ge [sflag:s29], $0x4000  }
0x57: {  	[sflag:s29] =	ssyncset.done $0x0  }
0x58: {  	s9 =	simm.s32 $0x1680;
	[sflag:s29] =	ssyncadd.s32 $0xFFFFC000  }
0x59: {  	[spmem:s2] =	stream.indirect.scatter.add.f32 [tilespmem:s22], [sflag:$0x6], $0x80, s9, s20, $0xb8;
	[tilespmem:$0x1F000] =	vst v63  }
0x5a: {  	_ =	swait.ge [sflag:s31], $0x4000  }
0x5b: {  	[sflag:s31] =	ssyncset.done $0x0  }
0x5c: {  	s15 =	simm.s32 $0x400;
	[sflag:s31] =	ssyncadd.s32 $0xFFFFC000  }
0x5d: {  	[tilespmem:s21], [sflag:$0x1] =	stream.indirect.gather [hbm4b:s4+s20], $0x80, s15, s20, $0xb8;
	[tilespmem:$0x1F000] =	vst v63  }
0x5e: {  	_ =	swait.ge [sflag:s0], $0x4000  }
0x5f: {  	[sflag:s0] =	ssyncset.done $0x0  }
0x60: {  	s9 =	simm.s32 $0x1700;
	[sflag:s0] =	ssyncadd.s32 $0xFFFFC000  }
0x61: {  	[spmem:s2] =	stream.indirect.scatter.add.f32 [tilespmem:s24], [sflag:$0x7], $0x80, s9, s20, $0xb8;
	[tilespmem:$0x1F000] =	vst v63  }
0x62: {  	_ =	swait.ge [sflag:s26], $0x4000  }
0x63: {  	[sflag:s26] =	ssyncset.done $0x0  }
0x64: {  	s15 =	simm.s32 $0x480;
	[sflag:s26] =	ssyncadd.s32 $0xFFFFC000  }
0x65: {  	[tilespmem:s22], [sflag:$0x2] =	stream.indirect.gather [hbm4b:s4+s20], $0x80, s15, s20, $0xb8;
	[tilespmem:$0x1F000] =	vst v63  }
0x66: {  	_ =	swait.ge [sflag:s1], $0x4000  }
0x67: {  	[sflag:s1] =	ssyncset.done $0x0  }
0x68: {  	s8 =	simm.s32 $0x800;
	s15 =	simm.s32 $0x1780;
	[sflag:s1] =	ssyncadd.s32 $0xFFFFC000  }
.LBB2_2:
0x69: {  	[spmem:s2] =	stream.indirect.scatter.add.f32 [tilespmem:s28], [sflag:$0x8], $0x80, s15, s20, $0xb8;
	[tilespmem:$0x1F000] =	vst v63  }
0x6a: {  	s15 =	smov.u32 s8  }
0x6b: {  	p0 =	sne.s32 s8, $0x3800;
	s8 =	sadd.s32 $0x800, s8;
	_ =	swait.ge [sflag:s30], $0x4000  }
0x6c: {  	s15 =	sshra.s32 s15, $0x2;
	[sflag:s30] =	ssyncset.done $0x0  }
0x6d: {  	s9 =	sadd.s32 $0x300, s15;
	[sflag:s30] =	ssyncadd.s32 $0xFFFFC000  }
0x6e: {  	[tilespmem:s24], [sflag:$0x3] =	stream.indirect.gather [hbm4b:s4+s20], $0x80, s9, s20, $0xb8;
	[tilespmem:$0x1F000] =	vst v63  }
0x6f: {  	_ =	swait.ge [sflag:s25], $0x4000  }
0x70: {  	[sflag:s25] =	ssyncset.done $0x0  }
0x71: {  	s9 =	sadd.s32 $0x1600, s15;
	[sflag:s25] =	ssyncadd.s32 $0xFFFFC000  }
0x72: {  	[spmem:s2] =	stream.indirect.scatter.add.f32 [tilespmem:s21], [sflag:$0x5], $0x80, s9, s20, $0xb8;
	[tilespmem:$0x1F000] =	vst v63  }
0x73: {  	_ =	swait.ge [sflag:s23], $0x4000  }
0x74: {  	[sflag:s23] =	ssyncset.done $0x0  }
0x75: {  	s9 =	sadd.s32 $0x380, s15;
	[sflag:s23] =	ssyncadd.s32 $0xFFFFC000  }
0x76: {  	[tilespmem:s28], [sflag:$0x4] =	stream.indirect.gather [hbm4b:s4+s20], $0x80, s9, s20, $0xb8;
	[tilespmem:$0x1F000] =	vst v63  }
0x77: {  	_ =	swait.ge [sflag:s29], $0x4000  }
0x78: {  	[sflag:s29] =	ssyncset.done $0x0  }
0x79: {  	s9 =	sadd.s32 $0x1680, s15;
	[sflag:s29] =	ssyncadd.s32 $0xFFFFC000  }
0x7a: {  	[spmem:s2] =	stream.indirect.scatter.add.f32 [tilespmem:s22], [sflag:$0x6], $0x80, s9, s20, $0xb8;
	[tilespmem:$0x1F000] =	vst v63  }
0x7b: {  	_ =	swait.ge [sflag:s31], $0x4000  }
0x7c: {  	[sflag:s31] =	ssyncset.done $0x0  }
0x7d: {  	s9 =	sadd.s32 $0x400, s15;
	[sflag:s31] =	ssyncadd.s32 $0xFFFFC000  }
0x7e: {  	[tilespmem:s21], [sflag:$0x1] =	stream.indirect.gather [hbm4b:s4+s20], $0x80, s9, s20, $0xb8;
	[tilespmem:$0x1F000] =	vst v63  }
0x7f: {  	_ =	swait.ge [sflag:s0], $0x4000  }
0x80: {  	[sflag:s0] =	ssyncset.done $0x0  }
0x81: {  	s9 =	sadd.s32 $0x1700, s15;
	[sflag:s0] =	ssyncadd.s32 $0xFFFFC000  }
0x82: {  	[spmem:s2] =	stream.indirect.scatter.add.f32 [tilespmem:s24], [sflag:$0x7], $0x80, s9, s20, $0xb8;
	[tilespmem:$0x1F000] =	vst v63  }
0x83: {  	_ =	swait.ge [sflag:s26], $0x4000  }
0x84: {  	[sflag:s26] =	ssyncset.done $0x0  }
.Ltmp0:
0x85: {  	s9 =	sadd.s32 $0x480, s15;
	[sflag:s26] =	ssyncadd.s32 $0xFFFFC000;
	(pc) =	sbr.rel @p0 .LBB2_2-.Ltmp0, $4  }
0x86: {  	[tilespmem:s22], [sflag:$0x2] =	stream.indirect.gather [hbm4b:s4+s20], $0x80, s9, s20, $0xb8;
	[tilespmem:$0x1F000] =	vst v63  }
0x87: {  	_ =	swait.ge [sflag:s1], $0x4000  }
0x88: {  	[sflag:s1] =	ssyncset.done $0x0  }
0x89: {  	s15 =	sadd.s32 $0x1780, s15;
	[sflag:s1] =	ssyncadd.s32 $0xFFFFC000  }
0x8a: {  	[spmem:s2] =	stream.indirect.scatter.add.f32 [tilespmem:s28], [sflag:$0x8], $0x80, s15, s20, $0xb8;
	[tilespmem:$0x1F000] =	vst v63  }
0x8b: {  	_ =	swait.ge [sflag:s30], $0x4000  }
0x8c: {  	[sflag:s30] =	ssyncset.done $0x0  }
0x8d: {  	s8 =	simm.s32 $0x1300;
	[sflag:s30] =	ssyncadd.s32 $0xFFFFC000  }
0x8e: {  	[tilespmem:s24], [sflag:$0x3] =	stream.indirect.gather [hbm4b:s4+s20], $0x80, s8, s20, $0xb8;
	[tilespmem:$0x1F000] =	vst v63  }
0x8f: {  	_ =	swait.ge [sflag:s25], $0x4000  }
0x90: {  	[sflag:s25] =	ssyncset.done $0x0  }
0x91: {  	s9 =	simm.s32 $0x2600;
	[sflag:s25] =	ssyncadd.s32 $0xFFFFC000  }
0x92: {  	[spmem:s2] =	stream.indirect.scatter.add.f32 [tilespmem:s21], [sflag:$0x5], $0x80, s9, s20, $0xb8;
	[tilespmem:$0x1F000] =	vst v63  }
0x93: {  	_ =	swait.ge [sflag:s23], $0x4000  }
0x94: {  	[sflag:s23] =	ssyncset.done $0x0  }
0x95: {  	s15 =	simm.s32 $0x1380;
	[sflag:s23] =	ssyncadd.s32 $0xFFFFC000  }
0x96: {  	[tilespmem:s28], [sflag:$0x4] =	stream.indirect.gather [hbm4b:s4+s20], $0x80, s15, s20, $0xb8;
	[tilespmem:$0x1F000] =	vst v63  }
0x97: {  	_ =	swait.ge [sflag:s29], $0x4000  }
0x98: {  	[sflag:s29] =	ssyncset.done $0x0  }
0x99: {  	s9 =	simm.s32 $0x2680;
	[sflag:s29] =	ssyncadd.s32 $0xFFFFC000  }
0x9a: {  	[spmem:s2] =	stream.indirect.scatter.add.f32 [tilespmem:s22], [sflag:$0x6], $0x80, s9, s20, $0xb8;
	[tilespmem:$0x1F000] =	vst v63  }
0x9b: {  	_ =	swait.ge [sflag:s31], $0x4000  }
0x9c: {  	[sflag:s31] =	ssyncset.done $0x0  }
0x9d: {  	[sflag:s31] =	ssyncadd.s32 $0xFFFFC000  }
0x9e: {  	_ =	swait.ge [sflag:s0], $0x4000  }
0x9f: {  	[sflag:s0] =	ssyncset.done $0x0  }
0xa0: {  	s15 =	simm.s32 $0x2700;
	[sflag:s0] =	ssyncadd.s32 $0xFFFFC000  }
0xa1: {  	[spmem:s2] =	stream.indirect.scatter.add.f32 [tilespmem:s24], [sflag:$0x7], $0x80, s15, s20, $0xb8;
	[tilespmem:$0x1F000] =	vst v63  }
0xa2: {  	_ =	swait.ge [sflag:s26], $0x4000  }
0xa3: {  	[sflag:s26] =	ssyncset.done $0x0  }
0xa4: {  	[sflag:s26] =	ssyncadd.s32 $0xFFFFC000  }
0xa5: {  	_ =	swait.ge [sflag:s1], $0x4000  }
0xa6: {  	[sflag:s1] =	ssyncset.done $0x0  }
0xa7: {  	s9 =	simm.s32 $0x2780;
	[sflag:s1] =	ssyncadd.s32 $0xFFFFC000  }
0xa8: {  	[spmem:s2] =	stream.indirect.scatter.add.f32 [tilespmem:s28], [sflag:$0x8], $0x80, s9, s20, $0xb8;
	[tilespmem:$0x1F000] =	vst v63  }
0xa9: {  	_ =	swait.ge [sflag:s30], $0x4000  }
0xaa: {  	[sflag:s30] =	ssyncset.done $0x0  }
0xab: {  	[sflag:s30] =	ssyncadd.s32 $0xFFFFC000  }
0xac: {  	_ =	swait.ge [sflag:s23], $0x4000  }
0xad: {  	[sflag:s23] =	ssyncset.done $0x0  }
0xae: {  	[sflag:s23] =	ssyncadd.s32 $0xFFFFC000  }
0xaf: {  	[bflag:$0x0] =	sbarrier.arrive $0xFFFF  }
0xb0: {  	[hbm:s11], [sflag:s18] =	dma.local [spmem:s19], $0x1400  }
0xb1: {  	_ =	swait.ge [sflag:s14], $0x1400  }
0xb2: {  	[sflag:s14] =	ssyncset.done $0x0  }
0xb3: {  	[sflag:s14] =	ssyncadd.s32 $0xFFFFEC00  }
0xb4: {  	[bflag:$0x0] =	sbarrier.arrive $0xFFFF  }
0xb5: {  	[spmem:s19], [sflag:s18] =	dma.local [hbm:s6], $0x1400  }
0xb6: {  	_ =	swait.ge [sflag:s14], $0x1400  }
0xb7: {  	[sflag:s14] =	ssyncset.done $0x0  }
0xb8: {  	[sflag:s14] =	ssyncadd.s32 $0xFFFFEC00  }
0xb9: {  	[bflag:$0x0] =	sbarrier.arrive $0xFFFF  }
0xba: {  	[tilespmem:s21], [sflag:$0x1] =	stream.indirect.gather [hbm4b:s5+s20], $0x80, s16, s20, $0xb8;
	[tilespmem:$0x1F000] =	vst v63  }
0xbb: {  	s15 =	simm.s32 $0x2880  }
0xbc: {  	[tilespmem:s22], [sflag:$0x2] =	stream.indirect.gather [hbm4b:s5+s20], $0x80, s15, s20, $0xb8;
	[tilespmem:$0x1F000] =	vst v63  }
0xbd: {  	s9 =	simm.s32 $0x2900  }
0xbe: {  	[tilespmem:s24], [sflag:$0x3] =	stream.indirect.gather [hbm4b:s5+s20], $0x80, s9, s20, $0xb8;
	[tilespmem:$0x1F000] =	vst v63  }
0xbf: {  	_ =	swait.ge [sflag:s25], $0x4000  }
0xc0: {  	[sflag:s25] =	ssyncset.done $0x0  }
0xc1: {  	[sflag:s25] =	ssyncadd.s32 $0xFFFFC000  }
0xc2: {  	[spmem:s2] =	stream.indirect.scatter.add.f32 [tilespmem:s21], [sflag:$0x5], $0x80, s17, s20, $0xb8;
	[tilespmem:$0x1F000] =	vst v63  }
0xc3: {  	s15 =	simm.s32 $0x2980  }
0xc4: {  	[tilespmem:s28], [sflag:$0x4] =	stream.indirect.gather [hbm4b:s5+s20], $0x80, s15, s20, $0xb8;
	[tilespmem:$0x1F000] =	vst v63  }
0xc5: {  	_ =	swait.ge [sflag:s29], $0x4000  }
0xc6: {  	[sflag:s29] =	ssyncset.done $0x0  }
0xc7: {  	s9 =	simm.s32 $0x3C80;
	[sflag:s29] =	ssyncadd.s32 $0xFFFFC000  }
0xc8: {  	[spmem:s2] =	stream.indirect.scatter.add.f32 [tilespmem:s22], [sflag:$0x6], $0x80, s9, s20, $0xb8;
	[tilespmem:$0x1F000] =	vst v63  }
0xc9: {  	_ =	swait.ge [sflag:s31], $0x4000  }
0xca: {  	[sflag:s31] =	ssyncset.done $0x0  }
0xcb: {  	s15 =	simm.s32 $0x2A00;
	[sflag:s31] =	ssyncadd.s32 $0xFFFFC000  }
0xcc: {  	[tilespmem:s21], [sflag:$0x1] =	stream.indirect.gather [hbm4b:s5+s20], $0x80, s15, s20, $0xb8;
	[tilespmem:$0x1F000] =	vst v63  }
0xcd: {  	_ =	swait.ge [sflag:s0], $0x4000  }
0xce: {  	[sflag:s0] =	ssyncset.done $0x0  }
0xcf: {  	s9 =	simm.s32 $0x3D00;
	[sflag:s0] =	ssyncadd.s32 $0xFFFFC000  }
0xd0: {  	[spmem:s2] =	stream.indirect.scatter.add.f32 [tilespmem:s24], [sflag:$0x7], $0x80, s9, s20, $0xb8;
	[tilespmem:$0x1F000] =	vst v63  }
0xd1: {  	_ =	swait.ge [sflag:s26], $0x4000  }
0xd2: {  	[sflag:s26] =	ssyncset.done $0x0  }
0xd3: {  	s15 =	simm.s32 $0x2A80;
	[sflag:s26] =	ssyncadd.s32 $0xFFFFC000  }
0xd4: {  	[tilespmem:s22], [sflag:$0x2] =	stream.indirect.gather [hbm4b:s5+s20], $0x80, s15, s20, $0xb8;
	[tilespmem:$0x1F000] =	vst v63  }
0xd5: {  	_ =	swait.ge [sflag:s1], $0x4000  }
0xd6: {  	[sflag:s1] =	ssyncset.done $0x0  }
0xd7: {  	s9 =	simm.s32 $0x3D80;
	[sflag:s1] =	ssyncadd.s32 $0xFFFFC000  }
0xd8: {  	[spmem:s2] =	stream.indirect.scatter.add.f32 [tilespmem:s28], [sflag:$0x8], $0x80, s9, s20, $0xb8;
	[tilespmem:$0x1F000] =	vst v63  }
0xd9: {  	_ =	swait.ge [sflag:s30], $0x4000  }
0xda: {  	[sflag:s30] =	ssyncset.done $0x0  }
0xdb: {  	s15 =	simm.s32 $0x2B00;
	[sflag:s30] =	ssyncadd.s32 $0xFFFFC000  }
0xdc: {  	[tilespmem:s24], [sflag:$0x3] =	stream.indirect.gather [hbm4b:s5+s20], $0x80, s15, s20, $0xb8;
	[tilespmem:$0x1F000] =	vst v63  }
0xdd: {  	_ =	swait.ge [sflag:s25], $0x4000  }
0xde: {  	[sflag:s25] =	ssyncset.done $0x0  }
0xdf: {  	s9 =	simm.s32 $0x3E00;
	[sflag:s25] =	ssyncadd.s32 $0xFFFFC000  }
0xe0: {  	[spmem:s2] =	stream.indirect.scatter.add.f32 [tilespmem:s21], [sflag:$0x5], $0x80, s9, s20, $0xb8;
	[tilespmem:$0x1F000] =	vst v63  }
0xe1: {  	_ =	swait.ge [sflag:s23], $0x4000  }
0xe2: {  	[sflag:s23] =	ssyncset.done $0x0  }
0xe3: {  	s15 =	simm.s32 $0x2B80;
	[sflag:s23] =	ssyncadd.s32 $0xFFFFC000  }
0xe4: {  	[tilespmem:s28], [sflag:$0x4] =	stream.indirect.gather [hbm4b:s5+s20], $0x80, s15, s20, $0xb8;
	[tilespmem:$0x1F000] =	vst v63  }
0xe5: {  	_ =	swait.ge [sflag:s29], $0x4000  }
0xe6: {  	[sflag:s29] =	ssyncset.done $0x0  }
0xe7: {  	s9 =	simm.s32 $0x3E80;
	[sflag:s29] =	ssyncadd.s32 $0xFFFFC000  }
0xe8: {  	[spmem:s2] =	stream.indirect.scatter.add.f32 [tilespmem:s22], [sflag:$0x6], $0x80, s9, s20, $0xb8;
	[tilespmem:$0x1F000] =	vst v63  }
0xe9: {  	_ =	swait.ge [sflag:s31], $0x4000  }
0xea: {  	[sflag:s31] =	ssyncset.done $0x0  }
0xeb: {  	s15 =	simm.s32 $0x2C00;
	[sflag:s31] =	ssyncadd.s32 $0xFFFFC000  }
0xec: {  	[tilespmem:s21], [sflag:$0x1] =	stream.indirect.gather [hbm4b:s5+s20], $0x80, s15, s20, $0xb8;
	[tilespmem:$0x1F000] =	vst v63  }
0xed: {  	_ =	swait.ge [sflag:s0], $0x4000  }
0xee: {  	[sflag:s0] =	ssyncset.done $0x0  }
0xef: {  	s9 =	simm.s32 $0x3F00;
	[sflag:s0] =	ssyncadd.s32 $0xFFFFC000  }
0xf0: {  	[spmem:s2] =	stream.indirect.scatter.add.f32 [tilespmem:s24], [sflag:$0x7], $0x80, s9, s20, $0xb8;
	[tilespmem:$0x1F000] =	vst v63  }
0xf1: {  	_ =	swait.ge [sflag:s26], $0x4000  }
0xf2: {  	[sflag:s26] =	ssyncset.done $0x0  }
0xf3: {  	s15 =	simm.s32 $0x2C80;
	[sflag:s26] =	ssyncadd.s32 $0xFFFFC000  }
0xf4: {  	[tilespmem:s22], [sflag:$0x2] =	stream.indirect.gather [hbm4b:s5+s20], $0x80, s15, s20, $0xb8;
	[tilespmem:$0x1F000] =	vst v63  }
0xf5: {  	_ =	swait.ge [sflag:s1], $0x4000  }
0xf6: {  	[sflag:s1] =	ssyncset.done $0x0  }
0xf7: {  	s8 =	simm.s32 $0x800;
	s15 =	simm.s32 $0x3F80;
	[sflag:s1] =	ssyncadd.s32 $0xFFFFC000  }
.LBB2_4:
0xf8: {  	[spmem:s2] =	stream.indirect.scatter.add.f32 [tilespmem:s28], [sflag:$0x8], $0x80, s15, s20, $0xb8;
	[tilespmem:$0x1F000] =	vst v63  }
0xf9: {  	s9 =	smov.u32 s8  }
0xfa: {  	p0 =	sne.s32 s8, $0x3800;
	s8 =	sadd.s32 $0x800, s8;
	_ =	swait.ge [sflag:s30], $0x4000  }
0xfb: {  	s15 =	sshra.s32 s9, $0x2;
	[sflag:s30] =	ssyncset.done $0x0  }
0xfc: {  	s9 =	sadd.s32 $0x2B00, s15;
	[sflag:s30] =	ssyncadd.s32 $0xFFFFC000  }
0xfd: {  	[tilespmem:s24], [sflag:$0x3] =	stream.indirect.gather [hbm4b:s5+s20], $0x80, s9, s20, $0xb8;
	[tilespmem:$0x1F000] =	vst v63  }
0xfe: {  	_ =	swait.ge [sflag:s25], $0x4000  }
0xff: {  	[sflag:s25] =	ssyncset.done $0x0  }
0x100: {  	s9 =	sadd.s32 $0x3E00, s15;
	[sflag:s25] =	ssyncadd.s32 $0xFFFFC000  }
0x101: {  	[spmem:s2] =	stream.indirect.scatter.add.f32 [tilespmem:s21], [sflag:$0x5], $0x80, s9, s20, $0xb8;
	[tilespmem:$0x1F000] =	vst v63  }
0x102: {  	_ =	swait.ge [sflag:s23], $0x4000  }
0x103: {  	[sflag:s23] =	ssyncset.done $0x0  }
0x104: {  	s9 =	sadd.s32 $0x2B80, s15;
	[sflag:s23] =	ssyncadd.s32 $0xFFFFC000  }
0x105: {  	[tilespmem:s28], [sflag:$0x4] =	stream.indirect.gather [hbm4b:s5+s20], $0x80, s9, s20, $0xb8;
	[tilespmem:$0x1F000] =	vst v63  }
0x106: {  	_ =	swait.ge [sflag:s29], $0x4000  }
0x107: {  	[sflag:s29] =	ssyncset.done $0x0  }
0x108: {  	s9 =	sadd.s32 $0x3E80, s15;
	[sflag:s29] =	ssyncadd.s32 $0xFFFFC000  }
0x109: {  	[spmem:s2] =	stream.indirect.scatter.add.f32 [tilespmem:s22], [sflag:$0x6], $0x80, s9, s20, $0xb8;
	[tilespmem:$0x1F000] =	vst v63  }
0x10a: {  	_ =	swait.ge [sflag:s31], $0x4000  }
0x10b: {  	[sflag:s31] =	ssyncset.done $0x0  }
0x10c: {  	s9 =	sadd.s32 $0x2C00, s15;
	[sflag:s31] =	ssyncadd.s32 $0xFFFFC000  }
0x10d: {  	[tilespmem:s21], [sflag:$0x1] =	stream.indirect.gather [hbm4b:s5+s20], $0x80, s9, s20, $0xb8;
	[tilespmem:$0x1F000] =	vst v63  }
0x10e: {  	_ =	swait.ge [sflag:s0], $0x4000  }
0x10f: {  	[sflag:s0] =	ssyncset.done $0x0  }
0x110: {  	s9 =	sadd.s32 $0x3F00, s15;
	[sflag:s0] =	ssyncadd.s32 $0xFFFFC000  }
0x111: {  	[spmem:s2] =	stream.indirect.scatter.add.f32 [tilespmem:s24], [sflag:$0x7], $0x80, s9, s20, $0xb8;
	[tilespmem:$0x1F000] =	vst v63  }
0x112: {  	_ =	swait.ge [sflag:s26], $0x4000  }
0x113: {  	[sflag:s26] =	ssyncset.done $0x0  }
.Ltmp1:
0x114: {  	s9 =	sadd.s32 $0x2C80, s15;
	[sflag:s26] =	ssyncadd.s32 $0xFFFFC000;
	(pc) =	sbr.rel @p0 .LBB2_4-.Ltmp1, $4  }
0x115: {  	[tilespmem:s22], [sflag:$0x2] =	stream.indirect.gather [hbm4b:s5+s20], $0x80, s9, s20, $0xb8;
	[tilespmem:$0x1F000] =	vst v63  }
0x116: {  	_ =	swait.ge [sflag:s1], $0x4000  }
0x117: {  	[sflag:s1] =	ssyncset.done $0x0  }
0x118: {  	s15 =	sadd.s32 $0x3F80, s15;
	[sflag:s1] =	ssyncadd.s32 $0xFFFFC000  }
0x119: {  	[spmem:s2] =	stream.indirect.scatter.add.f32 [tilespmem:s28], [sflag:$0x8], $0x80, s15, s20, $0xb8;
	[tilespmem:$0x1F000] =	vst v63  }
0x11a: {  	_ =	swait.ge [sflag:s30], $0x4000  }
0x11b: {  	[sflag:s30] =	ssyncset.done $0x0  }
0x11c: {  	s8 =	simm.s32 $0x3B00;
	[sflag:s30] =	ssyncadd.s32 $0xFFFFC000  }
0x11d: {  	[tilespmem:s24], [sflag:$0x3] =	stream.indirect.gather [hbm4b:s5+s20], $0x80, s8, s20, $0xb8;
	[tilespmem:$0x1F000] =	vst v63  }
0x11e: {  	_ =	swait.ge [sflag:s25], $0x4000  }
0x11f: {  	[sflag:s25] =	ssyncset.done $0x0  }
0x120: {  	s15 =	simm.s32 $0x4E00;
	[sflag:s25] =	ssyncadd.s32 $0xFFFFC000  }
0x121: {  	[spmem:s2] =	stream.indirect.scatter.add.f32 [tilespmem:s21], [sflag:$0x5], $0x80, s15, s20, $0xb8;
	[tilespmem:$0x1F000] =	vst v63  }
0x122: {  	_ =	swait.ge [sflag:s23], $0x4000  }
0x123: {  	[sflag:s23] =	ssyncset.done $0x0  }
0x124: {  	s9 =	simm.s32 $0x3B80;
	[sflag:s23] =	ssyncadd.s32 $0xFFFFC000  }
0x125: {  	[tilespmem:s28], [sflag:$0x4] =	stream.indirect.gather [hbm4b:s5+s20], $0x80, s9, s20, $0xb8;
	[tilespmem:$0x1F000] =	vst v63  }
0x126: {  	_ =	swait.ge [sflag:s29], $0x4000  }
0x127: {  	[sflag:s29] =	ssyncset.done $0x0  }
0x128: {  	s15 =	simm.s32 $0x4E80;
	[sflag:s29] =	ssyncadd.s32 $0xFFFFC000  }
0x129: {  	[spmem:s2] =	stream.indirect.scatter.add.f32 [tilespmem:s22], [sflag:$0x6], $0x80, s15, s20, $0xb8;
	[tilespmem:$0x1F000] =	vst v63  }
0x12a: {  	_ =	swait.ge [sflag:s31], $0x4000  }
0x12b: {  	[sflag:s31] =	ssyncset.done $0x0  }
0x12c: {  	[sflag:s31] =	ssyncadd.s32 $0xFFFFC000  }
0x12d: {  	_ =	swait.ge [sflag:s0], $0x4000  }
0x12e: {  	[sflag:s0] =	ssyncset.done $0x0  }
0x12f: {  	s9 =	simm.s32 $0x4F00;
	[sflag:s0] =	ssyncadd.s32 $0xFFFFC000  }
0x130: {  	[spmem:s2] =	stream.indirect.scatter.add.f32 [tilespmem:s24], [sflag:$0x7], $0x80, s9, s20, $0xb8;
	[tilespmem:$0x1F000] =	vst v63  }
0x131: {  	_ =	swait.ge [sflag:s26], $0x4000  }
0x132: {  	[sflag:s26] =	ssyncset.done $0x0  }
0x133: {  	[sflag:s26] =	ssyncadd.s32 $0xFFFFC000  }
0x134: {  	_ =	swait.ge [sflag:s1], $0x4000  }
0x135: {  	[sflag:s1] =	ssyncset.done $0x0  }
0x136: {  	s15 =	simm.s32 $0x4F80;
	[sflag:s1] =	ssyncadd.s32 $0xFFFFC000  }
0x137: {  	[spmem:s2] =	stream.indirect.scatter.add.f32 [tilespmem:s28], [sflag:$0x8], $0x80, s15, s20, $0xb8;
	[tilespmem:$0x1F000] =	vst v63  }
0x138: {  	_ =	swait.ge [sflag:s30], $0x4000  }
0x139: {  	[sflag:s30] =	ssyncset.done $0x0  }
0x13a: {  	[sflag:s30] =	ssyncadd.s32 $0xFFFFC000  }
0x13b: {  	_ =	swait.ge [sflag:s23], $0x4000  }
0x13c: {  	[sflag:s23] =	ssyncset.done $0x0  }
0x13d: {  	s7 =	sadd.s32 $0x1, s7;
	[sflag:s23] =	ssyncadd.s32 $0xFFFFC000  }
0x13e: {  	p0 =	sne.s32 s7, s13;
	[bflag:$0x0] =	sbarrier.arrive $0xFFFF  }
0x13f: {  	[hbm:s12], [sflag:s18] =	dma.local [spmem:s19], $0x1400  }
.Ltmp2:
0x140: {  	_ =	swait.ge [sflag:s14], $0x1400;
	(pc) =	sbr.rel @p0 .LBB2_1-.Ltmp2, $3  }
0x141: {  	[sflag:s14] =	ssyncset.done $0x0  }
0x142: {  	[sflag:s14] =	ssyncadd.s32 $0xFFFFEC00  }
0x143: {  	[bflag:$0x0] =	sbarrier.arrive $0xFFFF;
	_ =	sdelay $0x1  }
0x144: {  	_ =	sfence.sel $0x180000  }
0x145: {  	[bflag:$0x0] =	sbarrier.arrive $0xFFFF  }
0x146: {  	_ =	strace $0x9000004A  }
0x147: {  	s0 =	stileid.u32;
	[bflag:$0x2] =	sbarrier.arrive $0xFFFF  }
0x148: {  	p0 =	sne.s32 s0, $0x0;
	s0 =	rddreg [dreg:$0x4]  }
0x149: {  	s0 =	sadd.s32 @!p0 $0x100000, s0  }
0x14a: {  	[sflag:s0] =	ssyncadd.tile.s32 @!p0 $0x1;
	_ =	shalt  }
.Lfunc_end2:
_tile_overlayer_lowered:
.L_overlay_start_2:
0x14b: {  	(tag) =	ssettag $0x2  }
0x14c: {  	s0 =	rddreg [dreg:$0x0];
	s2 =	stileid.u32  }
0x14d: {  	s1 =	rddreg [dreg:$0x1];
	p0 =	sne.s32 s2, $0x0  }
0x14e: {  	s3 =	rddreg [dreg:$0x2];
	[bflag:$0x3] =	sbarrier.arrive $0xFFFF;
	s2 =	simm.s32 @!p0 $0x1C09  }
0x14f: {  	[timem:s3], [sflag:s2] =	dma.local @!p0 [hbm:s0], s1  }
0x150: {  	s0 =	simm.s32 @!p0 $0x9  }
0x151: {  	_ =	swait.ge @!p0 [sflag:s0], s1  }
0x152: {  	s1 =	ssub.s32 @!p0 $0x0, s1;
	[sflag:s0] =	ssyncset.done @!p0 $0x0  }
0x153: {  	[sflag:s0] =	ssyncadd.s32 @!p0 s1  }
0x154: {  	[bflag:$0x3] =	sbarrier.arrive $0xFFFF  }
0x155: {  	_ =	shalt  }

// kernel: kernel.15.cloned.1.call-start
scs
__scs_entry_jumppad:
0x0: {  	(pc) =	sbr.rel $0x88, $3  }
0x1: {  	(tag) =	ssettag $0x0;
	lr =	simm.s32 $0x1  }
0x2: {  	[smem:$0x3F8D] =	sst lr;
	_ =	strace $0xD0000000  }
0x3: {  	_ = 	snop  }
0x4: {  	_ = 	snop  }
0x5: {  	_ = 	snop  }
0x6: {  	_ = 	snop  }
0x7: {  	_ = 	snop  }
__scs_overlays_trampoline_lowered:
0x8: {  	[smem:$0x3F9C] =	sst s0  }
0x9: {  	[smem:$0x3F9D] =	sst s1  }
0xa: {  	[smem:$0x3F9E] =	sst s2  }
0xb: {  	[smem:$0x3F9F] =	sst s3  }
0xc: {  	[smem:$0x3FA0] =	sst s4  }
0xd: {  	[smem:$0x3FA1] =	sst s5  }
0xe: {  	[smem:$0x3FA2] =	sst s6  }
0xf: {  	[smem:$0x3FA3] =	sst s7  }
0x10: {  	[smem:$0x3FA4] =	sst s8  }
0x11: {  	[smem:$0x3FA5] =	sst s9;
	s0 =	simm.s32 @!p0 $0x0  }
0x12: {  	s1 =	sld [smem:$0x3F8B];
	s0 =	simm.s32 @p0 $0x1  }
0x13: {  	[smem:$0x3FA6] =	sst s0;
	s0 =	simm.s32 @!p1 $0x0  }
0x14: {  	s2 =	sld [smem:$0x3F8A];
	s0 =	simm.s32 @p1 $0x1  }
0x15: {  	[smem:$0x3FA7] =	sst s0;
	s0 =	simm.s32 @!p2 $0x0  }
0x16: {  	s3 =	sld [smem:$0x3FDB];
	s0 =	simm.s32 @p2 $0x1  }
0x17: {  	s4 =	simm.s32 $0x1BF5;
	[smem:$0x3FA9] =	sst s0  }
0x18: {  	s0 =	sld [smem:$0x3F8C];
	_ =	swait.ge [sflag:s4], $0x0  }
0x19: {  	s7 =	sld [smem:$0x3F8D]  }
0x1a: {  	s8 =	sadd.s32 $0xFFFFE003, lr  }
0x1b: {  	s9 =	sadd.s32 $0xFFFFFEF7, lr;
	s5 =	simm.s32 $0xFFFFFFFF;
	p2 =	slt.u32 s8, $0xFFFFF086  }
0x1c: {  	p1 =	slt.u32 s9, $0xF7A;
	s5 =	simm.s32 @!p2 $0x0  }
0x1d: {  	s5 =	simm.s32 @p1 $0x1;
	p0 =	seq.s32 s7, s2  }
0x1e: {  	s7 =	smul.u32 @!p0 $0xF7A, s2;
	p2 =	seq.s32 @!p0 s5, $0x0  }
0x1f: {  	s9 =	smul.u32 $0xF7A, s1;
	s8 =	simm.s32 @!p0 $0x1BF5;
	p2 =	por !p2, p0  }
0x20: {  	[sflag:s8] =	ssyncset.s32 @!p0 $0xFFFFF086;
	s6 =	sadd.s32 @!p0 s3, s7;
	s7 =	simm.s32 @!p0 $0x108  }
0x21: {  	s3 =	sadd.s32 s3, s9;
	s6 =	sadd.s32 @!p0 $0x88, s6;
	s7 =	simm.s32 @p2 $0x1082  }
0x22: {  	[simem:s7], [sflag:s8] =	dma.local @!p0 [hbm:s6], $0xF7A  }
0x23: {  	s9 =	sor.u32 $0xD0000000, s2;
	s6 =	simm.s32 $0x108;
	_ =	swait.ge @!p0 [sflag:s8], $0x0  }
0x24: {  	s3 =	sadd.s32 $0x88, s3;
	s6 =	simm.s32 @!p1 $0x1082;
	[sflag:s4] =	ssyncset.s32 $0xFFFFF086  }
0x25: {  	[simem:s6], [sflag:s4] =	dma.local [hbm:s3], $0xF7A  }
0x26: {  	[smem:$0x3F8D] =	sst s1;
	(tag) =	ssettag s2;
	_ =	strace s9  }
0x27: {  	s1 =	sld [smem:$0x3F9D]  }
0x28: {  	s2 =	sld [smem:$0x3F9E]  }
0x29: {  	s4 =	sld [smem:$0x3FA0]  }
0x2a: {  	p0 =	seq.s32 s5, $0x0;
	s5 =	sld [smem:$0x3FA1]  }
0x2b: {  	s6 =	sld [smem:$0x3FA2]  }
0x2c: {  	s7 =	sld [smem:$0x3FA3]  }
0x2d: {  	s3 =	simm.s32 $0x108;
	s8 =	sld [smem:$0x3FA4]  }
0x2e: {  	s3 =	simm.s32 @!p0 $0x1082;
	s9 =	sld [smem:$0x3FA5]  }
0x2f: {  	lr =	sadd.s32 s0, s3;
	s0 =	sld [smem:$0x3F9C]  }
0x30: {  	s3 =	sld [smem:$0x3F9F]  }
0x31: {  	[smem:$0x3FA8] =	sst s10  }
0x32: {  	s10 =	sld [smem:$0x3FA6];
	_ =	sdelay $0x3  }
0x33: {  	p0 =	seq.s32 s10, $0x1;
	s10 =	sld [smem:$0x3FA8];
	_ =	sdelay $0x3  }
0x34: {  	[smem:$0x3FA8] =	sst s10  }
0x35: {  	s10 =	sld [smem:$0x3FA7];
	_ =	sdelay $0x3  }
0x36: {  	p1 =	seq.s32 s10, $0x1;
	s10 =	sld [smem:$0x3FA8];
	_ =	sdelay $0x3  }
0x37: {  	[smem:$0x3FA8] =	sst s10  }
0x38: {  	s10 =	sld [smem:$0x3FA9]  }
0x39: {  	_ = 	snop;
	(pc) =	sbr.ind lr, $3  }
0x3a: {  	_ = 	snop  }
0x3b: {  	_ = 	snop  }
0x3c: {  	p2 =	seq.s32 s10, $0x1;
	s10 =	sld [smem:$0x3FA8]  }
0x3d: {  	_ =	shalt  }
0x3e: {  	_ =	shalt  }
0x3f: {  	_ =	shalt  }
0x40: {  	_ =	shalt  }
0x41: {  	_ =	shalt  }
0x42: {  	_ =	shalt  }
0x43: {  	_ =	shalt  }
0x44: {  	_ =	shalt  }
0x45: {  	_ =	shalt  }
0x46: {  	_ =	shalt  }
0x47: {  	_ =	shalt  }
0x48: {  	_ =	shalt  }
0x49: {  	_ =	shalt  }
0x4a: {  	_ =	shalt  }
0x4b: {  	_ =	shalt  }
0x4c: {  	_ =	shalt  }
0x4d: {  	_ =	shalt  }
0x4e: {  	_ =	shalt  }
0x4f: {  	_ =	shalt  }
0x50: {  	_ =	shalt  }
0x51: {  	_ =	shalt  }
0x52: {  	_ =	shalt  }
0x53: {  	_ =	shalt  }
0x54: {  	_ =	shalt  }
0x55: {  	_ =	shalt  }
0x56: {  	_ =	shalt  }
0x57: {  	_ =	shalt  }
0x58: {  	_ =	shalt  }
0x59: {  	_ =	shalt  }
0x5a: {  	_ =	shalt  }
0x5b: {  	_ =	shalt  }
0x5c: {  	_ =	shalt  }
0x5d: {  	_ =	shalt  }
0x5e: {  	_ =	shalt  }
0x5f: {  	_ =	shalt  }
0x60: {  	_ =	shalt  }
0x61: {  	_ =	shalt  }
0x62: {  	_ =	shalt  }
0x63: {  	_ =	shalt  }
0x64: {  	_ =	shalt  }
0x65: {  	_ =	shalt  }
0x66: {  	_ =	shalt  }
0x67: {  	_ =	shalt  }
0x68: {  	_ =	shalt  }
0x69: {  	_ =	shalt  }
0x6a: {  	_ =	shalt  }
0x6b: {  	_ =	shalt  }
0x6c: {  	_ =	shalt  }
0x6d: {  	_ =	shalt  }
0x6e: {  	_ =	shalt  }
0x6f: {  	_ =	shalt  }
0x70: {  	_ =	shalt  }
0x71: {  	_ =	shalt  }
0x72: {  	_ =	shalt  }
0x73: {  	_ =	shalt  }
0x74: {  	_ =	shalt  }
0x75: {  	_ =	shalt  }
0x76: {  	_ =	shalt  }
0x77: {  	_ =	shalt  }
0x78: {  	_ =	shalt  }
0x79: {  	_ =	shalt  }
0x7a: {  	_ =	shalt  }
0x7b: {  	_ =	shalt  }
0x7c: {  	_ =	shalt  }
0x7d: {  	_ =	shalt  }
0x7e: {  	_ =	shalt  }
0x7f: {  	_ =	shalt  }
0x80: {  	_ =	shalt  }
0x81: {  	_ =	shalt  }
0x82: {  	_ =	shalt  }
0x83: {  	_ =	shalt  }
0x84: {  	_ =	shalt  }
0x85: {  	_ =	shalt  }
0x86: {  	_ =	shalt  }
0x87: {  	_ =	shalt  }
.Lfunc_end0:
.L_simem_size_0:
called_computation.2_lowered:
.L_overlay_start_0:
0x88: {  	s2 =	sld [smem:$0x3FD9]  }
0x89: {  	s3 =	sld [smem:$0x3FFE];
	_ =	sdelay $0x1  }
0x8a: {  	s1 =	srdreg.scid  }
0x8b: {  	s0 =	sand.u32 $0x1, s1  }
0x8c: {  	s14 =	sshll.u32 s0, $0xA;
	s2 =	sadd.s32 s3, s2  }
0x8d: {  	s2 =	sadd.s32 s2, s14  }
0x8e: {  	[smem:$0x3FB4] =	sst s2  }
0x8f: {  	_ = 	snop  }
0x90: {  	s2 =	sld [smem:$0x3FD0];
	_ =	sdelay $0x2  }
0x91: {  	s15 =	simm.s32 $0xA;
	s4 =	simm.s32 $0x10  }
0x92: {  	[smem:s4], [sflag:s15] =	dma.local [hbm:s2], $0x1  }
0x93: {  	_ =	swait.eq [sflag:s15], $0x1  }
0x94: {  	[sflag:s15] =	ssyncset.done $0x0  }
0x95: {  	s16 =	sld [smem:$0x10];
	[sflag:s15] =	ssyncadd.s32 $0xFFFFFFFF  }
0x96: {  	s17 =	sld [smem:$0x11];
	(tm) =	ssettm $0x1  }
0x97: {  	s18 =	sld [smem:$0x3FFB];
	_ =	sdelay $0x3  }
0x98: {  	_ =	strace s18  }
0x99: {  	s4 =	sld [smem:$0x3FFC];
	_ =	sdelay $0x3  }
0x9a: {  	_ =	strace s4  }
0x9b: {  	s4 =	sld [smem:$0x3FFD];
	_ =	sdelay $0x3  }
0x9c: {  	_ =	strace s4  }
0x9d: {  	_ =	strace $0x8FFFFFFF  }
0x9e: {  	s19 =	sld [smem:$0x3FDB];
	_ =	sdelay $0x1  }
0x9f: {  	s5 =	simm.s32 $_scs_section_size  }
0xa0: {  	s6 =	simm.s32 $_size__tile_overlayer_lowered;
	s7 =	simm.s32 $_tile_overlayer_lowered  }
0xa1: {  	s22 =	simm.s32 $0x1BFF;
	s21 =	sshll.u32 s7, $0x1;
	s4 =	sadd.s32 s5, s19  }
0xa2: {  	s8 =	simm.s32 $0x0;
	s20 =	sshll.u32 s6, $0x1;
	s6 =	sadd.s32 s21, s4  }
0xa3: {  	[timem:s8], [sflag:s22] =	dma.local [hbm:s6], s20  }
0xa4: {  	_ =	swait.ge [sflag:s22], s20  }
0xa5: {  	s5 =	ssub.s32 $0x0, s20;
	[sflag:s22] =	ssyncset.done $0x0  }
0xa6: {  	[sflag:s22] =	ssyncadd.s32 s5;
	_ =	sdelay $0x1  }
0xa7: {  	s23 =	simm.s32 $0x1B8B  }
0xa8: {  	_ =	swait.ge [sflag:s23], $0x1  }
0xa9: {  	[sflag:s23] =	ssyncset.done $0x0  }
0xaa: {  	s25 =	simm.s32 $0x1B8E;
	s24 =	sld [smem:$0x3FFE];
	[sflag:s23] =	ssyncadd.s32 $0xFFFFFFFF  }
0xab: {  	s26 =	simm.s32 $execute0_lowered;
	[smem:$0x3FD2] =	sst s25  }
0xac: {  	s6 =	sshll.u32 s26, $0x1;
	_ =	strace $0x8000004C;
	[dreg:$0x1] =	wrdreg $0xFFFFFFFF  }
0xad: {  	s28 =	simm.s32 $_size_execute0_lowered;
	s4 =	sadd.s32 s4, s6;
	[dreg:$0x0] =	wrdreg $0x0  }
0xae: {  	s6 =	sshll.u32 s28, $0x1;
	[dreg:$0x2] =	wrdreg s4  }
0xaf: {  	[dreg:$0x3] =	wrdreg s6  }
0xb0: {  	[dreg:$0x4] =	wrdreg $0xC0  }
0xb1: {  	_ =	task [dreg:s8], $0x5FFFF  }
0xb2: {  	[dreg:$0x1] =	wrdreg $0xFFFFFFFF  }
0xb3: {  	[dreg:$0x0] =	wrdreg $0x60  }
0xb4: {  	[dreg:$0x2] =	wrdreg s24  }
0xb5: {  	[dreg:$0x3] =	wrdreg s16  }
0xb6: {  	[dreg:$0x4] =	wrdreg s17  }
0xb7: {  	[dreg:$0x5] =	wrdreg $0x150000  }
0xb8: {  	[dreg:$0x6] =	wrdreg $0x9  }
0xb9: {  	_ =	task.clear_ibuf [dreg:s8], $0x7FFFF;
	_ =	strace $0x9000004C  }
0xba: {  	s29 =	simm.s32 $0x9;
	_ =	strace $0x8000004E  }
0xbb: {  	_ =	swait.ge [sflag:s29], $0x1  }
0xbc: {  	[sflag:s29] =	ssyncadd.s32 $0xFFFFFFFF  }
0xbd: {  	_ =	strace $0x9000004E  }
0xbe: {  	_ =	sfence  }
0xbf: {  	s30 =	sld [smem:$0x0];
	_ =	sdelay $0x2  }
0xc0: {  	s31 =	sshll.u32 s1, $0xD;
	s1 =	sshrl.u32 s1, $0x2  }
0xc1: {  	s3 =	sand.u32 $0x4000, s31;
	s1 =	sadd.s32 s1, s30  }
0xc2: {  	s0 =	sor.u32 s3, s0;
	s1 =	sshll.u32 s1, $0x11  }
0xc3: {  	s0 =	sor.u32 s1, s0  }
0xc4: {  	s0 =	sadd.s32 $0x8F2B, s0  }
0xc5: {  	[sflag:s0] =	ssyncadd.remote.s32 $0x1  }
0xc6: {  	_ =	sfence.sel $0xFFFF  }
0xc7: {  	[dreg:$0x0] =	wrdreg $0xFFFFFFFF;
	(pc) =	sbr.abs _section_cstart, $3  }
0xc8: {  	[dreg:$0x1] =	wrdreg $0xFFFFFFFF  }
0xc9: {  	_ =	task.clear_ibuf [dreg:s8], $0x2FFFF;
	_ =	strace $0x9FFFFFFF  }
0xca: {  	(tm) =	ssettm $0x7FFFFFFF  }
0xcb: {  	_ =	shalt  }
tec
execute0_lowered:
.L_overlay_start_1:
0x0: {  	(tag) =	ssettag $0x1  }
0x1: {  	s0 =	srdreg.scid;
	s1 =	rddreg [dreg:$0x0]  }
0x2: {  	s7 =	rddreg [dreg:$0x1];
	s15 =	stileid.u32  }
0x3: {  	s8 =	rddreg [dreg:$0x2];
	s14 =	simm.s32 $0x9;
	s16 =	simm.s32 $0x2800  }
0x4: {  	s17 =	simm.s32 $0x3C00;
	s20 =	simm.s32 $0x80;
	s21 =	simm.s32 $0x5000  }
0x5: {  	s22 =	simm.s32 $0x9000;
	s28 =	simm.s32 $0x11000;
	s29 =	simm.s32 $0x2  }
0x6: {  	s31 =	simm.s32 $0x5;
	s30 =	simm.s32 $0x7;
	s0 =	sand.u32 $0x1, s0  }
0x7: {  	s9 =	smul.u32 $0x140, s15;
	s4 =	sadd.s32 $0x11A00, s1;
	s5 =	sadd.s32 $0x25A00, s1  }
0x8: {  	s13 =	smul.u32 $0x28000, s15;
	s26 =	sshll.u32 s15, $0x6;
	s2 =	sshll.u32 s0, $0x4  }
0x9: {  	s6 =	smul.u32 $0x1400, s0;
	s0 =	ssub.s32 $0x2, s0;
	s18 =	sor.u32 $0x1C09, s26  }
0xa: {  	s26 =	simm.s32 $0x6;
	s3 =	sor.u32 s15, s2;
	s2 =	rddreg [dreg:$0x3]  }
0xb: {  	s12 =	sshrl.u32 s0, $0x1;
	s24 =	sshrl.u32 s13, $0x2;
	s10 =	smul.u32 $0x280, s3  }
0xc: {  	s3 =	simm.s32 $0x0;
	s6 =	sadd.s32 s9, s6;
	s0 =	ssub.s32 s0, s12  }
0xd: {  	[smem:$0x7FF] =	sst s3;
	s9 =	sshll.u32 s6, $0x4;
	s6 =	sadd.s32 $0x10600, s1  }
0xe: {  	s13 =	smax.u32 s0, $0x1;
	s0 =	simm.s32 $0x3;
	_ =	strace $0x8000004D  }
0xf: {  	s11 =	sadd.s32 s10, s1;
	s1 =	sadd.s32 s9, s1;
	s7 =	sadd.s32 s7, s10  }
0x10: {  	s10 =	sadd.s32 s8, s10;
	s23 =	sadd.s32 $0xAE00, s11;
	[dreg:$0x6] =	wrdreg s7  }
0x11: {  	s25 =	sadd.s32 $0x5E00, s11;
	s7 =	sadd.s32 s24, s2;
	s11 =	sadd.s32 $0x39A00, s1  }
0x12: {  	s12 =	sadd.s32 $0x61A00, s1;
	s24 =	simm.s32 $0xD000;
	[dreg:$0x5] =	wrdreg s23  }
0x13: {  	s1 =	simm.s32 $0x4;
	[dreg:$0x7] =	wrdreg s25;
	s19 =	sshrl.u32 s7, $0x3  }
0x14: {  	s25 =	simm.s32 $0x1;
	s23 =	simm.s32 $0x8;
	s7 =	simm.s32 $0x0  }
.LBB2_1:
0x15: {  	s8 =	rddreg [dreg:$0x5]  }
0x16: {  	[tilespmem:s3], [sflag:$0x9] =	stream.linear.gather [hbm4b:s8+s3], $0x1400, $0x38;
	[tilespmem:$0x1F000] =	vst v63  }
0x17: {  	_ =	swait.ge [sflag:s14], $0x1400  }
0x18: {  	[sflag:s14] =	ssyncset.done $0x0  }
0x19: {  	s9 =	simm.s32 $0x1400;
	s15 =	rddreg [dreg:$0x6];
	[sflag:s14] =	ssyncadd.s32 $0xFFFFEC00  }
0x1a: {  	[tilespmem:s9], [sflag:$0x9] =	stream.linear.gather [hbm4b:s15+s3], $0x1400, $0x38;
	[tilespmem:$0x1F000] =	vst v63  }
0x1b: {  	_ =	swait.ge [sflag:s14], $0x1400  }
0x1c: {  	[sflag:s14] =	ssyncset.done $0x0  }
0x1d: {  	s15 =	rddreg [dreg:$0x7];
	[sflag:s14] =	ssyncadd.s32 $0xFFFFEC00  }
0x1e: {  	[tilespmem:s16], [sflag:$0x9] =	stream.linear.gather [hbm4b:s15+s3], $0x1400, $0x38;
	[tilespmem:$0x1F000] =	vst v63  }
0x1f: {  	_ =	swait.ge [sflag:s14], $0x1400  }
0x20: {  	[sflag:s14] =	ssyncset.done $0x0  }
0x21: {  	[sflag:s14] =	ssyncadd.s32 $0xFFFFEC00  }
0x22: {  	[tilespmem:s17], [sflag:$0x9] =	stream.linear.gather [hbm4b:s10+s3], $0x1400, $0x38;
	[tilespmem:$0x1F000] =	vst v63  }
0x23: {  	_ =	swait.ge [sflag:s14], $0x1400  }
0x24: {  	[sflag:s14] =	ssyncset.done $0x0  }
0x25: {  	[sflag:s14] =	ssyncadd.s32 $0xFFFFEC00  }
0x26: {  	[spmem:s19], [sflag:s18] =	dma.local [hbm:s6], $0x1400  }
0x27: {  	_ =	swait.ge [sflag:s14], $0x1400  }
0x28: {  	[sflag:s14] =	ssyncset.done $0x0  }
0x29: {  	[sflag:s14] =	ssyncadd.s32 $0xFFFFEC00  }
0x2a: {  	[bflag:$0x0] =	sbarrier.arrive $0xFFFF  }
0x2b: {  	[tilespmem:s21], [sflag:$0x1] =	stream.indirect.gather [hbm4b:s4+s20], $0x80, s3, s20, $0xb8;
	[tilespmem:$0x1F000] =	vst v63  }
0x2c: {  	_ = 	snop  }
0x2d: {  	[tilespmem:s22], [sflag:$0x2] =	stream.indirect.gather [hbm4b:s4+s20], $0x80, s20, s20, $0xb8;
	[tilespmem:$0x1F000] =	vst v63  }
0x2e: {  	s15 =	simm.s32 $0x100  }
0x2f: {  	[tilespmem:s24], [sflag:$0x3] =	stream.indirect.gather [hbm4b:s4+s20], $0x80, s15, s20, $0xb8;
	[tilespmem:$0x1F000] =	vst v63  }
0x30: {  	_ =	swait.ge [sflag:s25], $0x4000  }
0x31: {  	[sflag:s25] =	ssyncset.done $0x0  }
0x32: {  	[sflag:s25] =	ssyncadd.s32 $0xFFFFC000  }
0x33: {  	[spmem:s2] =	stream.indirect.scatter.add.f32 [tilespmem:s21], [sflag:$0x5], $0x80, s9, s20, $0xb8;
	[tilespmem:$0x1F000] =	vst v63  }
0x34: {  	s15 =	simm.s32 $0x180  }
0x35: {  	[tilespmem:s28], [sflag:$0x4] =	stream.indirect.gather [hbm4b:s4+s20], $0x80, s15, s20, $0xb8;
	[tilespmem:$0x1F000] =	vst v63  }
0x36: {  	_ =	swait.ge [sflag:s29], $0x4000  }
0x37: {  	[sflag:s29] =	ssyncset.done $0x0  }
0x38: {  	s9 =	simm.s32 $0x1480;
	[sflag:s29] =	ssyncadd.s32 $0xFFFFC000  }
0x39: {  	[spmem:s2] =	stream.indirect.scatter.add.f32 [tilespmem:s22], [sflag:$0x6], $0x80, s9, s20, $0xb8;
	[tilespmem:$0x1F000] =	vst v63  }
0x3a: {  	_ =	swait.ge [sflag:s31], $0x4000  }
0x3b: {  	[sflag:s31] =	ssyncset.done $0x0  }
0x3c: {  	s15 =	simm.s32 $0x200;
	[sflag:s31] =	ssyncadd.s32 $0xFFFFC000  }
0x3d: {  	[tilespmem:s21], [sflag:$0x1] =	stream.indirect.gather [hbm4b:s4+s20], $0x80, s15, s20, $0xb8;
	[tilespmem:$0x1F000] =	vst v63  }
0x3e: {  	_ =	swait.ge [sflag:s0], $0x4000  }
0x3f: {  	[sflag:s0] =	ssyncset.done $0x0  }
0x40: {  	s9 =	simm.s32 $0x1500;
	[sflag:s0] =	ssyncadd.s32 $0xFFFFC000  }
0x41: {  	[spmem:s2] =	stream.indirect.scatter.add.f32 [tilespmem:s24], [sflag:$0x7], $0x80, s9, s20, $0xb8;
	[tilespmem:$0x1F000] =	vst v63  }
0x42: {  	_ =	swait.ge [sflag:s26], $0x4000  }
0x43: {  	[sflag:s26] =	ssyncset.done $0x0  }
0x44: {  	s15 =	simm.s32 $0x280;
	[sflag:s26] =	ssyncadd.s32 $0xFFFFC000  }
0x45: {  	[tilespmem:s22], [sflag:$0x2] =	stream.indirect.gather [hbm4b:s4+s20], $0x80, s15, s20, $0xb8;
	[tilespmem:$0x1F000] =	vst v63  }
0x46: {  	_ =	swait.ge [sflag:s1], $0x4000  }
0x47: {  	[sflag:s1] =	ssyncset.done $0x0  }
0x48: {  	s9 =	simm.s32 $0x1580;
	[sflag:s1] =	ssyncadd.s32 $0xFFFFC000  }
0x49: {  	[spmem:s2] =	stream.indirect.scatter.add.f32 [tilespmem:s28], [sflag:$0x8], $0x80, s9, s20, $0xb8;
	[tilespmem:$0x1F000] =	vst v63  }
0x4a: {  	_ =	swait.ge [sflag:s30], $0x4000  }
0x4b: {  	[sflag:s30] =	ssyncset.done $0x0  }
0x4c: {  	s15 =	simm.s32 $0x300;
	[sflag:s30] =	ssyncadd.s32 $0xFFFFC000  }
0x4d: {  	[tilespmem:s24], [sflag:$0x3] =	stream.indirect.gather [hbm4b:s4+s20], $0x80, s15, s20, $0xb8;
	[tilespmem:$0x1F000] =	vst v63  }
0x4e: {  	_ =	swait.ge [sflag:s25], $0x4000  }
0x4f: {  	[sflag:s25] =	ssyncset.done $0x0  }
0x50: {  	s9 =	simm.s32 $0x1600;
	[sflag:s25] =	ssyncadd.s32 $0xFFFFC000  }
0x51: {  	[spmem:s2] =	stream.indirect.scatter.add.f32 [tilespmem:s21], [sflag:$0x5], $0x80, s9, s20, $0xb8;
	[tilespmem:$0x1F000] =	vst v63  }
0x52: {  	_ =	swait.ge [sflag:s23], $0x4000  }
0x53: {  	[sflag:s23] =	ssyncset.done $0x0  }
0x54: {  	s15 =	simm.s32 $0x380;
	[sflag:s23] =	ssyncadd.s32 $0xFFFFC000  }
0x55: {  	[tilespmem:s28], [sflag:$0x4] =	stream.indirect.gather [hbm4b:s4+s20], $0x80, s15, s20, $0xb8;
	[tilespmem:$0x1F000] =	vst v63  }
0x56: {  	_ =	swait.ge [sflag:s29], $0x4000  }
0x57: {  	[sflag:s29] =	ssyncset.done $0x0  }
0x58: {  	s9 =	simm.s32 $0x1680;
	[sflag:s29] =	ssyncadd.s32 $0xFFFFC000  }
0x59: {  	[spmem:s2] =	stream.indirect.scatter.add.f32 [tilespmem:s22], [sflag:$0x6], $0x80, s9, s20, $0xb8;
	[tilespmem:$0x1F000] =	vst v63  }
0x5a: {  	_ =	swait.ge [sflag:s31], $0x4000  }
0x5b: {  	[sflag:s31] =	ssyncset.done $0x0  }
0x5c: {  	s15 =	simm.s32 $0x400;
	[sflag:s31] =	ssyncadd.s32 $0xFFFFC000  }
0x5d: {  	[tilespmem:s21], [sflag:$0x1] =	stream.indirect.gather [hbm4b:s4+s20], $0x80, s15, s20, $0xb8;
	[tilespmem:$0x1F000] =	vst v63  }
0x5e: {  	_ =	swait.ge [sflag:s0], $0x4000  }
0x5f: {  	[sflag:s0] =	ssyncset.done $0x0  }
0x60: {  	s9 =	simm.s32 $0x1700;
	[sflag:s0] =	ssyncadd.s32 $0xFFFFC000  }
0x61: {  	[spmem:s2] =	stream.indirect.scatter.add.f32 [tilespmem:s24], [sflag:$0x7], $0x80, s9, s20, $0xb8;
	[tilespmem:$0x1F000] =	vst v63  }
0x62: {  	_ =	swait.ge [sflag:s26], $0x4000  }
0x63: {  	[sflag:s26] =	ssyncset.done $0x0  }
0x64: {  	s15 =	simm.s32 $0x480;
	[sflag:s26] =	ssyncadd.s32 $0xFFFFC000  }
0x65: {  	[tilespmem:s22], [sflag:$0x2] =	stream.indirect.gather [hbm4b:s4+s20], $0x80, s15, s20, $0xb8;
	[tilespmem:$0x1F000] =	vst v63  }
0x66: {  	_ =	swait.ge [sflag:s1], $0x4000  }
0x67: {  	[sflag:s1] =	ssyncset.done $0x0  }
0x68: {  	s8 =	simm.s32 $0x800;
	s15 =	simm.s32 $0x1780;
	[sflag:s1] =	ssyncadd.s32 $0xFFFFC000  }
.LBB2_2:
0x69: {  	[spmem:s2] =	stream.indirect.scatter.add.f32 [tilespmem:s28], [sflag:$0x8], $0x80, s15, s20, $0xb8;
	[tilespmem:$0x1F000] =	vst v63  }
0x6a: {  	s15 =	smov.u32 s8  }
0x6b: {  	p0 =	sne.s32 s8, $0x3800;
	s8 =	sadd.s32 $0x800, s8;
	_ =	swait.ge [sflag:s30], $0x4000  }
0x6c: {  	s15 =	sshra.s32 s15, $0x2;
	[sflag:s30] =	ssyncset.done $0x0  }
0x6d: {  	s9 =	sadd.s32 $0x300, s15;
	[sflag:s30] =	ssyncadd.s32 $0xFFFFC000  }
0x6e: {  	[tilespmem:s24], [sflag:$0x3] =	stream.indirect.gather [hbm4b:s4+s20], $0x80, s9, s20, $0xb8;
	[tilespmem:$0x1F000] =	vst v63  }
0x6f: {  	_ =	swait.ge [sflag:s25], $0x4000  }
0x70: {  	[sflag:s25] =	ssyncset.done $0x0  }
0x71: {  	s9 =	sadd.s32 $0x1600, s15;
	[sflag:s25] =	ssyncadd.s32 $0xFFFFC000  }
0x72: {  	[spmem:s2] =	stream.indirect.scatter.add.f32 [tilespmem:s21], [sflag:$0x5], $0x80, s9, s20, $0xb8;
	[tilespmem:$0x1F000] =	vst v63  }
0x73: {  	_ =	swait.ge [sflag:s23], $0x4000  }
0x74: {  	[sflag:s23] =	ssyncset.done $0x0  }
0x75: {  	s9 =	sadd.s32 $0x380, s15;
	[sflag:s23] =	ssyncadd.s32 $0xFFFFC000  }
0x76: {  	[tilespmem:s28], [sflag:$0x4] =	stream.indirect.gather [hbm4b:s4+s20], $0x80, s9, s20, $0xb8;
	[tilespmem:$0x1F000] =	vst v63  }
0x77: {  	_ =	swait.ge [sflag:s29], $0x4000  }
0x78: {  	[sflag:s29] =	ssyncset.done $0x0  }
0x79: {  	s9 =	sadd.s32 $0x1680, s15;
	[sflag:s29] =	ssyncadd.s32 $0xFFFFC000  }
0x7a: {  	[spmem:s2] =	stream.indirect.scatter.add.f32 [tilespmem:s22], [sflag:$0x6], $0x80, s9, s20, $0xb8;
	[tilespmem:$0x1F000] =	vst v63  }
0x7b: {  	_ =	swait.ge [sflag:s31], $0x4000  }
0x7c: {  	[sflag:s31] =	ssyncset.done $0x0  }
0x7d: {  	s9 =	sadd.s32 $0x400, s15;
	[sflag:s31] =	ssyncadd.s32 $0xFFFFC000  }
0x7e: {  	[tilespmem:s21], [sflag:$0x1] =	stream.indirect.gather [hbm4b:s4+s20], $0x80, s9, s20, $0xb8;
	[tilespmem:$0x1F000] =	vst v63  }
0x7f: {  	_ =	swait.ge [sflag:s0], $0x4000  }
0x80: {  	[sflag:s0] =	ssyncset.done $0x0  }
0x81: {  	s9 =	sadd.s32 $0x1700, s15;
	[sflag:s0] =	ssyncadd.s32 $0xFFFFC000  }
0x82: {  	[spmem:s2] =	stream.indirect.scatter.add.f32 [tilespmem:s24], [sflag:$0x7], $0x80, s9, s20, $0xb8;
	[tilespmem:$0x1F000] =	vst v63  }
0x83: {  	_ =	swait.ge [sflag:s26], $0x4000  }
0x84: {  	[sflag:s26] =	ssyncset.done $0x0  }
.Ltmp0:
0x85: {  	s9 =	sadd.s32 $0x480, s15;
	[sflag:s26] =	ssyncadd.s32 $0xFFFFC000;
	(pc) =	sbr.rel @p0 .LBB2_2-.Ltmp0, $4  }
0x86: {  	[tilespmem:s22], [sflag:$0x2] =	stream.indirect.gather [hbm4b:s4+s20], $0x80, s9, s20, $0xb8;
	[tilespmem:$0x1F000] =	vst v63  }
0x87: {  	_ =	swait.ge [sflag:s1], $0x4000  }
0x88: {  	[sflag:s1] =	ssyncset.done $0x0  }
0x89: {  	s15 =	sadd.s32 $0x1780, s15;
	[sflag:s1] =	ssyncadd.s32 $0xFFFFC000  }
0x8a: {  	[spmem:s2] =	stream.indirect.scatter.add.f32 [tilespmem:s28], [sflag:$0x8], $0x80, s15, s20, $0xb8;
	[tilespmem:$0x1F000] =	vst v63  }
0x8b: {  	_ =	swait.ge [sflag:s30], $0x4000  }
0x8c: {  	[sflag:s30] =	ssyncset.done $0x0  }
0x8d: {  	s8 =	simm.s32 $0x1300;
	[sflag:s30] =	ssyncadd.s32 $0xFFFFC000  }
0x8e: {  	[tilespmem:s24], [sflag:$0x3] =	stream.indirect.gather [hbm4b:s4+s20], $0x80, s8, s20, $0xb8;
	[tilespmem:$0x1F000] =	vst v63  }
0x8f: {  	_ =	swait.ge [sflag:s25], $0x4000  }
0x90: {  	[sflag:s25] =	ssyncset.done $0x0  }
0x91: {  	s9 =	simm.s32 $0x2600;
	[sflag:s25] =	ssyncadd.s32 $0xFFFFC000  }
0x92: {  	[spmem:s2] =	stream.indirect.scatter.add.f32 [tilespmem:s21], [sflag:$0x5], $0x80, s9, s20, $0xb8;
	[tilespmem:$0x1F000] =	vst v63  }
0x93: {  	_ =	swait.ge [sflag:s23], $0x4000  }
0x94: {  	[sflag:s23] =	ssyncset.done $0x0  }
0x95: {  	s15 =	simm.s32 $0x1380;
	[sflag:s23] =	ssyncadd.s32 $0xFFFFC000  }
0x96: {  	[tilespmem:s28], [sflag:$0x4] =	stream.indirect.gather [hbm4b:s4+s20], $0x80, s15, s20, $0xb8;
	[tilespmem:$0x1F000] =	vst v63  }
0x97: {  	_ =	swait.ge [sflag:s29], $0x4000  }
0x98: {  	[sflag:s29] =	ssyncset.done $0x0  }
0x99: {  	s9 =	simm.s32 $0x2680;
	[sflag:s29] =	ssyncadd.s32 $0xFFFFC000  }
0x9a: {  	[spmem:s2] =	stream.indirect.scatter.add.f32 [tilespmem:s22], [sflag:$0x6], $0x80, s9, s20, $0xb8;
	[tilespmem:$0x1F000] =	vst v63  }
0x9b: {  	_ =	swait.ge [sflag:s31], $0x4000  }
0x9c: {  	[sflag:s31] =	ssyncset.done $0x0  }
0x9d: {  	[sflag:s31] =	ssyncadd.s32 $0xFFFFC000  }
0x9e: {  	_ =	swait.ge [sflag:s0], $0x4000  }
0x9f: {  	[sflag:s0] =	ssyncset.done $0x0  }
0xa0: {  	s15 =	simm.s32 $0x2700;
	[sflag:s0] =	ssyncadd.s32 $0xFFFFC000  }
0xa1: {  	[spmem:s2] =	stream.indirect.scatter.add.f32 [tilespmem:s24], [sflag:$0x7], $0x80, s15, s20, $0xb8;
	[tilespmem:$0x1F000] =	vst v63  }
0xa2: {  	_ =	swait.ge [sflag:s26], $0x4000  }
0xa3: {  	[sflag:s26] =	ssyncset.done $0x0  }
0xa4: {  	[sflag:s26] =	ssyncadd.s32 $0xFFFFC000  }
0xa5: {  	_ =	swait.ge [sflag:s1], $0x4000  }
0xa6: {  	[sflag:s1] =	ssyncset.done $0x0  }
0xa7: {  	s9 =	simm.s32 $0x2780;
	[sflag:s1] =	ssyncadd.s32 $0xFFFFC000  }
0xa8: {  	[spmem:s2] =	stream.indirect.scatter.add.f32 [tilespmem:s28], [sflag:$0x8], $0x80, s9, s20, $0xb8;
	[tilespmem:$0x1F000] =	vst v63  }
0xa9: {  	_ =	swait.ge [sflag:s30], $0x4000  }
0xaa: {  	[sflag:s30] =	ssyncset.done $0x0  }
0xab: {  	[sflag:s30] =	ssyncadd.s32 $0xFFFFC000  }
0xac: {  	_ =	swait.ge [sflag:s23], $0x4000  }
0xad: {  	[sflag:s23] =	ssyncset.done $0x0  }
0xae: {  	[sflag:s23] =	ssyncadd.s32 $0xFFFFC000  }
0xaf: {  	[bflag:$0x0] =	sbarrier.arrive $0xFFFF  }
0xb0: {  	[hbm:s11], [sflag:s18] =	dma.local [spmem:s19], $0x1400  }
0xb1: {  	_ =	swait.ge [sflag:s14], $0x1400  }
0xb2: {  	[sflag:s14] =	ssyncset.done $0x0  }
0xb3: {  	[sflag:s14] =	ssyncadd.s32 $0xFFFFEC00  }
0xb4: {  	[bflag:$0x0] =	sbarrier.arrive $0xFFFF  }
0xb5: {  	[spmem:s19], [sflag:s18] =	dma.local [hbm:s6], $0x1400  }
0xb6: {  	_ =	swait.ge [sflag:s14], $0x1400  }
0xb7: {  	[sflag:s14] =	ssyncset.done $0x0  }
0xb8: {  	[sflag:s14] =	ssyncadd.s32 $0xFFFFEC00  }
0xb9: {  	[bflag:$0x0] =	sbarrier.arrive $0xFFFF  }
0xba: {  	[tilespmem:s21], [sflag:$0x1] =	stream.indirect.gather [hbm4b:s5+s20], $0x80, s16, s20, $0xb8;
	[tilespmem:$0x1F000] =	vst v63  }
0xbb: {  	s15 =	simm.s32 $0x2880  }
0xbc: {  	[tilespmem:s22], [sflag:$0x2] =	stream.indirect.gather [hbm4b:s5+s20], $0x80, s15, s20, $0xb8;
	[tilespmem:$0x1F000] =	vst v63  }
0xbd: {  	s9 =	simm.s32 $0x2900  }
0xbe: {  	[tilespmem:s24], [sflag:$0x3] =	stream.indirect.gather [hbm4b:s5+s20], $0x80, s9, s20, $0xb8;
	[tilespmem:$0x1F000] =	vst v63  }
0xbf: {  	_ =	swait.ge [sflag:s25], $0x4000  }
0xc0: {  	[sflag:s25] =	ssyncset.done $0x0  }
0xc1: {  	[sflag:s25] =	ssyncadd.s32 $0xFFFFC000  }
0xc2: {  	[spmem:s2] =	stream.indirect.scatter.add.f32 [tilespmem:s21], [sflag:$0x5], $0x80, s17, s20, $0xb8;
	[tilespmem:$0x1F000] =	vst v63  }
0xc3: {  	s15 =	simm.s32 $0x2980  }
0xc4: {  	[tilespmem:s28], [sflag:$0x4] =	stream.indirect.gather [hbm4b:s5+s20], $0x80, s15, s20, $0xb8;
	[tilespmem:$0x1F000] =	vst v63  }
0xc5: {  	_ =	swait.ge [sflag:s29], $0x4000  }
0xc6: {  	[sflag:s29] =	ssyncset.done $0x0  }
0xc7: {  	s9 =	simm.s32 $0x3C80;
	[sflag:s29] =	ssyncadd.s32 $0xFFFFC000  }
0xc8: {  	[spmem:s2] =	stream.indirect.scatter.add.f32 [tilespmem:s22], [sflag:$0x6], $0x80, s9, s20, $0xb8;
	[tilespmem:$0x1F000] =	vst v63  }
0xc9: {  	_ =	swait.ge [sflag:s31], $0x4000  }
0xca: {  	[sflag:s31] =	ssyncset.done $0x0  }
0xcb: {  	s15 =	simm.s32 $0x2A00;
	[sflag:s31] =	ssyncadd.s32 $0xFFFFC000  }
0xcc: {  	[tilespmem:s21], [sflag:$0x1] =	stream.indirect.gather [hbm4b:s5+s20], $0x80, s15, s20, $0xb8;
	[tilespmem:$0x1F000] =	vst v63  }
0xcd: {  	_ =	swait.ge [sflag:s0], $0x4000  }
0xce: {  	[sflag:s0] =	ssyncset.done $0x0  }
0xcf: {  	s9 =	simm.s32 $0x3D00;
	[sflag:s0] =	ssyncadd.s32 $0xFFFFC000  }
0xd0: {  	[spmem:s2] =	stream.indirect.scatter.add.f32 [tilespmem:s24], [sflag:$0x7], $0x80, s9, s20, $0xb8;
	[tilespmem:$0x1F000] =	vst v63  }
0xd1: {  	_ =	swait.ge [sflag:s26], $0x4000  }
0xd2: {  	[sflag:s26] =	ssyncset.done $0x0  }
0xd3: {  	s15 =	simm.s32 $0x2A80;
	[sflag:s26] =	ssyncadd.s32 $0xFFFFC000  }
0xd4: {  	[tilespmem:s22], [sflag:$0x2] =	stream.indirect.gather [hbm4b:s5+s20], $0x80, s15, s20, $0xb8;
	[tilespmem:$0x1F000] =	vst v63  }
0xd5: {  	_ =	swait.ge [sflag:s1], $0x4000  }
0xd6: {  	[sflag:s1] =	ssyncset.done $0x0  }
0xd7: {  	s9 =	simm.s32 $0x3D80;
	[sflag:s1] =	ssyncadd.s32 $0xFFFFC000  }
0xd8: {  	[spmem:s2] =	stream.indirect.scatter.add.f32 [tilespmem:s28], [sflag:$0x8], $0x80, s9, s20, $0xb8;
	[tilespmem:$0x1F000] =	vst v63  }
0xd9: {  	_ =	swait.ge [sflag:s30], $0x4000  }
0xda: {  	[sflag:s30] =	ssyncset.done $0x0  }
0xdb: {  	s15 =	simm.s32 $0x2B00;
	[sflag:s30] =	ssyncadd.s32 $0xFFFFC000  }
0xdc: {  	[tilespmem:s24], [sflag:$0x3] =	stream.indirect.gather [hbm4b:s5+s20], $0x80, s15, s20, $0xb8;
	[tilespmem:$0x1F000] =	vst v63  }
0xdd: {  	_ =	swait.ge [sflag:s25], $0x4000  }
0xde: {  	[sflag:s25] =	ssyncset.done $0x0  }
0xdf: {  	s9 =	simm.s32 $0x3E00;
	[sflag:s25] =	ssyncadd.s32 $0xFFFFC000  }
0xe0: {  	[spmem:s2] =	stream.indirect.scatter.add.f32 [tilespmem:s21], [sflag:$0x5], $0x80, s9, s20, $0xb8;
	[tilespmem:$0x1F000] =	vst v63  }
0xe1: {  	_ =	swait.ge [sflag:s23], $0x4000  }
0xe2: {  	[sflag:s23] =	ssyncset.done $0x0  }
0xe3: {  	s15 =	simm.s32 $0x2B80;
	[sflag:s23] =	ssyncadd.s32 $0xFFFFC000  }
0xe4: {  	[tilespmem:s28], [sflag:$0x4] =	stream.indirect.gather [hbm4b:s5+s20], $0x80, s15, s20, $0xb8;
	[tilespmem:$0x1F000] =	vst v63  }
0xe5: {  	_ =	swait.ge [sflag:s29], $0x4000  }
0xe6: {  	[sflag:s29] =	ssyncset.done $0x0  }
0xe7: {  	s9 =	simm.s32 $0x3E80;
	[sflag:s29] =	ssyncadd.s32 $0xFFFFC000  }
0xe8: {  	[spmem:s2] =	stream.indirect.scatter.add.f32 [tilespmem:s22], [sflag:$0x6], $0x80, s9, s20, $0xb8;
	[tilespmem:$0x1F000] =	vst v63  }
0xe9: {  	_ =	swait.ge [sflag:s31], $0x4000  }
0xea: {  	[sflag:s31] =	ssyncset.done $0x0  }
0xeb: {  	s15 =	simm.s32 $0x2C00;
	[sflag:s31] =	ssyncadd.s32 $0xFFFFC000  }
0xec: {  	[tilespmem:s21], [sflag:$0x1] =	stream.indirect.gather [hbm4b:s5+s20], $0x80, s15, s20, $0xb8;
	[tilespmem:$0x1F000] =	vst v63  }
0xed: {  	_ =	swait.ge [sflag:s0], $0x4000  }
0xee: {  	[sflag:s0] =	ssyncset.done $0x0  }
0xef: {  	s9 =	simm.s32 $0x3F00;
	[sflag:s0] =	ssyncadd.s32 $0xFFFFC000  }
0xf0: {  	[spmem:s2] =	stream.indirect.scatter.add.f32 [tilespmem:s24], [sflag:$0x7], $0x80, s9, s20, $0xb8;
	[tilespmem:$0x1F000] =	vst v63  }
0xf1: {  	_ =	swait.ge [sflag:s26], $0x4000  }
0xf2: {  	[sflag:s26] =	ssyncset.done $0x0  }
0xf3: {  	s15 =	simm.s32 $0x2C80;
	[sflag:s26] =	ssyncadd.s32 $0xFFFFC000  }
0xf4: {  	[tilespmem:s22], [sflag:$0x2] =	stream.indirect.gather [hbm4b:s5+s20], $0x80, s15, s20, $0xb8;
	[tilespmem:$0x1F000] =	vst v63  }
0xf5: {  	_ =	swait.ge [sflag:s1], $0x4000  }
0xf6: {  	[sflag:s1] =	ssyncset.done $0x0  }
0xf7: {  	s8 =	simm.s32 $0x800;
	s15 =	simm.s32 $0x3F80;
	[sflag:s1] =	ssyncadd.s32 $0xFFFFC000  }
.LBB2_4:
0xf8: {  	[spmem:s2] =	stream.indirect.scatter.add.f32 [tilespmem:s28], [sflag:$0x8], $0x80, s15, s20, $0xb8;
	[tilespmem:$0x1F000] =	vst v63  }
0xf9: {  	s9 =	smov.u32 s8  }
0xfa: {  	p0 =	sne.s32 s8, $0x3800;
	s8 =	sadd.s32 $0x800, s8;
	_ =	swait.ge [sflag:s30], $0x4000  }
0xfb: {  	s15 =	sshra.s32 s9, $0x2;
	[sflag:s30] =	ssyncset.done $0x0  }
0xfc: {  	s9 =	sadd.s32 $0x2B00, s15;
	[sflag:s30] =	ssyncadd.s32 $0xFFFFC000  }
0xfd: {  	[tilespmem:s24], [sflag:$0x3] =	stream.indirect.gather [hbm4b:s5+s20], $0x80, s9, s20, $0xb8;
	[tilespmem:$0x1F000] =	vst v63  }
0xfe: {  	_ =	swait.ge [sflag:s25], $0x4000  }
0xff: {  	[sflag:s25] =	ssyncset.done $0x0  }
0x100: {  	s9 =	sadd.s32 $0x3E00, s15;
	[sflag:s25] =	ssyncadd.s32 $0xFFFFC000  }
0x101: {  	[spmem:s2] =	stream.indirect.scatter.add.f32 [tilespmem:s21], [sflag:$0x5], $0x80, s9, s20, $0xb8;
	[tilespmem:$0x1F000] =	vst v63  }
0x102: {  	_ =	swait.ge [sflag:s23], $0x4000  }
0x103: {  	[sflag:s23] =	ssyncset.done $0x0  }
0x104: {  	s9 =	sadd.s32 $0x2B80, s15;
	[sflag:s23] =	ssyncadd.s32 $0xFFFFC000  }
0x105: {  	[tilespmem:s28], [sflag:$0x4] =	stream.indirect.gather [hbm4b:s5+s20], $0x80, s9, s20, $0xb8;
	[tilespmem:$0x1F000] =	vst v63  }
0x106: {  	_ =	swait.ge [sflag:s29], $0x4000  }
0x107: {  	[sflag:s29] =	ssyncset.done $0x0  }
0x108: {  	s9 =	sadd.s32 $0x3E80, s15;
	[sflag:s29] =	ssyncadd.s32 $0xFFFFC000  }
0x109: {  	[spmem:s2] =	stream.indirect.scatter.add.f32 [tilespmem:s22], [sflag:$0x6], $0x80, s9, s20, $0xb8;
	[tilespmem:$0x1F000] =	vst v63  }
0x10a: {  	_ =	swait.ge [sflag:s31], $0x4000  }
0x10b: {  	[sflag:s31] =	ssyncset.done $0x0  }
0x10c: {  	s9 =	sadd.s32 $0x2C00, s15;
	[sflag:s31] =	ssyncadd.s32 $0xFFFFC000  }
0x10d: {  	[tilespmem:s21], [sflag:$0x1] =	stream.indirect.gather [hbm4b:s5+s20], $0x80, s9, s20, $0xb8;
	[tilespmem:$0x1F000] =	vst v63  }
0x10e: {  	_ =	swait.ge [sflag:s0], $0x4000  }
0x10f: {  	[sflag:s0] =	ssyncset.done $0x0  }
0x110: {  	s9 =	sadd.s32 $0x3F00, s15;
	[sflag:s0] =	ssyncadd.s32 $0xFFFFC000  }
0x111: {  	[spmem:s2] =	stream.indirect.scatter.add.f32 [tilespmem:s24], [sflag:$0x7], $0x80, s9, s20, $0xb8;
	[tilespmem:$0x1F000] =	vst v63  }
0x112: {  	_ =	swait.ge [sflag:s26], $0x4000  }
0x113: {  	[sflag:s26] =	ssyncset.done $0x0  }
.Ltmp1:
0x114: {  	s9 =	sadd.s32 $0x2C80, s15;
	[sflag:s26] =	ssyncadd.s32 $0xFFFFC000;
	(pc) =	sbr.rel @p0 .LBB2_4-.Ltmp1, $4  }
0x115: {  	[tilespmem:s22], [sflag:$0x2] =	stream.indirect.gather [hbm4b:s5+s20], $0x80, s9, s20, $0xb8;
	[tilespmem:$0x1F000] =	vst v63  }
0x116: {  	_ =	swait.ge [sflag:s1], $0x4000  }
0x117: {  	[sflag:s1] =	ssyncset.done $0x0  }
0x118: {  	s15 =	sadd.s32 $0x3F80, s15;
	[sflag:s1] =	ssyncadd.s32 $0xFFFFC000  }
0x119: {  	[spmem:s2] =	stream.indirect.scatter.add.f32 [tilespmem:s28], [sflag:$0x8], $0x80, s15, s20, $0xb8;
	[tilespmem:$0x1F000] =	vst v63  }
0x11a: {  	_ =	swait.ge [sflag:s30], $0x4000  }
0x11b: {  	[sflag:s30] =	ssyncset.done $0x0  }
0x11c: {  	s8 =	simm.s32 $0x3B00;
	[sflag:s30] =	ssyncadd.s32 $0xFFFFC000  }
0x11d: {  	[tilespmem:s24], [sflag:$0x3] =	stream.indirect.gather [hbm4b:s5+s20], $0x80, s8, s20, $0xb8;
	[tilespmem:$0x1F000] =	vst v63  }
0x11e: {  	_ =	swait.ge [sflag:s25], $0x4000  }
0x11f: {  	[sflag:s25] =	ssyncset.done $0x0  }
0x120: {  	s15 =	simm.s32 $0x4E00;
	[sflag:s25] =	ssyncadd.s32 $0xFFFFC000  }
0x121: {  	[spmem:s2] =	stream.indirect.scatter.add.f32 [tilespmem:s21], [sflag:$0x5], $0x80, s15, s20, $0xb8;
	[tilespmem:$0x1F000] =	vst v63  }
0x122: {  	_ =	swait.ge [sflag:s23], $0x4000  }
0x123: {  	[sflag:s23] =	ssyncset.done $0x0  }
0x124: {  	s9 =	simm.s32 $0x3B80;
	[sflag:s23] =	ssyncadd.s32 $0xFFFFC000  }
0x125: {  	[tilespmem:s28], [sflag:$0x4] =	stream.indirect.gather [hbm4b:s5+s20], $0x80, s9, s20, $0xb8;
	[tilespmem:$0x1F000] =	vst v63  }
0x126: {  	_ =	swait.ge [sflag:s29], $0x4000  }
0x127: {  	[sflag:s29] =	ssyncset.done $0x0  }
0x128: {  	s15 =	simm.s32 $0x4E80;
	[sflag:s29] =	ssyncadd.s32 $0xFFFFC000  }
0x129: {  	[spmem:s2] =	stream.indirect.scatter.add.f32 [tilespmem:s22], [sflag:$0x6], $0x80, s15, s20, $0xb8;
	[tilespmem:$0x1F000] =	vst v63  }
0x12a: {  	_ =	swait.ge [sflag:s31], $0x4000  }
0x12b: {  	[sflag:s31] =	ssyncset.done $0x0  }
0x12c: {  	[sflag:s31] =	ssyncadd.s32 $0xFFFFC000  }
0x12d: {  	_ =	swait.ge [sflag:s0], $0x4000  }
0x12e: {  	[sflag:s0] =	ssyncset.done $0x0  }
0x12f: {  	s9 =	simm.s32 $0x4F00;
	[sflag:s0] =	ssyncadd.s32 $0xFFFFC000  }
0x130: {  	[spmem:s2] =	stream.indirect.scatter.add.f32 [tilespmem:s24], [sflag:$0x7], $0x80, s9, s20, $0xb8;
	[tilespmem:$0x1F000] =	vst v63  }
0x131: {  	_ =	swait.ge [sflag:s26], $0x4000  }
0x132: {  	[sflag:s26] =	ssyncset.done $0x0  }
0x133: {  	[sflag:s26] =	ssyncadd.s32 $0xFFFFC000  }
0x134: {  	_ =	swait.ge [sflag:s1], $0x4000  }
0x135: {  	[sflag:s1] =	ssyncset.done $0x0  }
0x136: {  	s15 =	simm.s32 $0x4F80;
	[sflag:s1] =	ssyncadd.s32 $0xFFFFC000  }
0x137: {  	[spmem:s2] =	stream.indirect.scatter.add.f32 [tilespmem:s28], [sflag:$0x8], $0x80, s15, s20, $0xb8;
	[tilespmem:$0x1F000] =	vst v63  }
0x138: {  	_ =	swait.ge [sflag:s30], $0x4000  }
0x139: {  	[sflag:s30] =	ssyncset.done $0x0  }
0x13a: {  	[sflag:s30] =	ssyncadd.s32 $0xFFFFC000  }
0x13b: {  	_ =	swait.ge [sflag:s23], $0x4000  }
0x13c: {  	[sflag:s23] =	ssyncset.done $0x0  }
0x13d: {  	s7 =	sadd.s32 $0x1, s7;
	[sflag:s23] =	ssyncadd.s32 $0xFFFFC000  }
0x13e: {  	p0 =	sne.s32 s7, s13;
	[bflag:$0x0] =	sbarrier.arrive $0xFFFF  }
0x13f: {  	[hbm:s12], [sflag:s18] =	dma.local [spmem:s19], $0x1400  }
.Ltmp2:
0x140: {  	_ =	swait.ge [sflag:s14], $0x1400;
	(pc) =	sbr.rel @p0 .LBB2_1-.Ltmp2, $3  }
0x141: {  	[sflag:s14] =	ssyncset.done $0x0  }
0x142: {  	[sflag:s14] =	ssyncadd.s32 $0xFFFFEC00  }
0x143: {  	[bflag:$0x0] =	sbarrier.arrive $0xFFFF;
	_ =	sdelay $0x1  }
0x144: {  	_ =	sfence.sel $0x180000  }
0x145: {  	[bflag:$0x0] =	sbarrier.arrive $0xFFFF  }
0x146: {  	_ =	strace $0x9000004D  }
0x147: {  	s0 =	stileid.u32;
	[bflag:$0x2] =	sbarrier.arrive $0xFFFF  }
0x148: {  	p0 =	sne.s32 s0, $0x0;
	s0 =	rddreg [dreg:$0x4]  }
0x149: {  	s0 =	sadd.s32 @!p0 $0x100000, s0  }
0x14a: {  	[sflag:s0] =	ssyncadd.tile.s32 @!p0 $0x1;
	_ =	shalt  }
.Lfunc_end2:
_tile_overlayer_lowered:
.L_overlay_start_2:
0x14b: {  	(tag) =	ssettag $0x2  }
0x14c: {  	s0 =	rddreg [dreg:$0x0];
	s2 =	stileid.u32  }
0x14d: {  	s1 =	rddreg [dreg:$0x1];
	p0 =	sne.s32 s2, $0x0  }
0x14e: {  	s3 =	rddreg [dreg:$0x2];
	[bflag:$0x3] =	sbarrier.arrive $0xFFFF;
	s2 =	simm.s32 @!p0 $0x1C09  }
0x14f: {  	[timem:s3], [sflag:s2] =	dma.local @!p0 [hbm:s0], s1  }
0x150: {  	s0 =	simm.s32 @!p0 $0x9  }
0x151: {  	_ =	swait.ge @!p0 [sflag:s0], s1  }
0x152: {  	s1 =	ssub.s32 @!p0 $0x0, s1;
	[sflag:s0] =	ssyncset.done @!p0 $0x0  }
0x153: {  	[sflag:s0] =	ssyncadd.s32 @!p0 s1  }
0x154: {  	[bflag:$0x3] =	sbarrier.arrive $0xFFFF  }
0x155: {  	_ =	shalt  }

// kernel: kernel.9.cloned.1.call-start
scs
__scs_entry_jumppad:
0x0: {  	(pc) =	sbr.rel $0x88, $3  }
0x1: {  	(tag) =	ssettag $0x0;
	lr =	simm.s32 $0x1  }
0x2: {  	[smem:$0x3F8D] =	sst lr;
	_ =	strace $0xD0000000  }
0x3: {  	_ = 	snop  }
0x4: {  	_ = 	snop  }
0x5: {  	_ = 	snop  }
0x6: {  	_ = 	snop  }
0x7: {  	_ = 	snop  }
__scs_overlays_trampoline_lowered:
0x8: {  	[smem:$0x3F9C] =	sst s0  }
0x9: {  	[smem:$0x3F9D] =	sst s1  }
0xa: {  	[smem:$0x3F9E] =	sst s2  }
0xb: {  	[smem:$0x3F9F] =	sst s3  }
0xc: {  	[smem:$0x3FA0] =	sst s4  }
0xd: {  	[smem:$0x3FA1] =	sst s5  }
0xe: {  	[smem:$0x3FA2] =	sst s6  }
0xf: {  	[smem:$0x3FA3] =	sst s7  }
0x10: {  	[smem:$0x3FA4] =	sst s8  }
0x11: {  	[smem:$0x3FA5] =	sst s9;
	s0 =	simm.s32 @!p0 $0x0  }
0x12: {  	s1 =	sld [smem:$0x3F8B];
	s0 =	simm.s32 @p0 $0x1  }
0x13: {  	[smem:$0x3FA6] =	sst s0;
	s0 =	simm.s32 @!p1 $0x0  }
0x14: {  	s2 =	sld [smem:$0x3F8A];
	s0 =	simm.s32 @p1 $0x1  }
0x15: {  	[smem:$0x3FA7] =	sst s0;
	s0 =	simm.s32 @!p2 $0x0  }
0x16: {  	s3 =	sld [smem:$0x3FDB];
	s0 =	simm.s32 @p2 $0x1  }
0x17: {  	s4 =	simm.s32 $0x1BF5;
	[smem:$0x3FA9] =	sst s0  }
0x18: {  	s0 =	sld [smem:$0x3F8C];
	_ =	swait.ge [sflag:s4], $0x0  }
0x19: {  	s7 =	sld [smem:$0x3F8D]  }
0x1a: {  	s8 =	sadd.s32 $0xFFFFE003, lr  }
0x1b: {  	s9 =	sadd.s32 $0xFFFFFEF7, lr;
	s5 =	simm.s32 $0xFFFFFFFF;
	p2 =	slt.u32 s8, $0xFFFFF086  }
0x1c: {  	p1 =	slt.u32 s9, $0xF7A;
	s5 =	simm.s32 @!p2 $0x0  }
0x1d: {  	s5 =	simm.s32 @p1 $0x1;
	p0 =	seq.s32 s7, s2  }
0x1e: {  	s7 =	smul.u32 @!p0 $0xF7A, s2;
	p2 =	seq.s32 @!p0 s5, $0x0  }
0x1f: {  	s9 =	smul.u32 $0xF7A, s1;
	s8 =	simm.s32 @!p0 $0x1BF5;
	p2 =	por !p2, p0  }
0x20: {  	[sflag:s8] =	ssyncset.s32 @!p0 $0xFFFFF086;
	s6 =	sadd.s32 @!p0 s3, s7;
	s7 =	simm.s32 @!p0 $0x108  }
0x21: {  	s3 =	sadd.s32 s3, s9;
	s6 =	sadd.s32 @!p0 $0x88, s6;
	s7 =	simm.s32 @p2 $0x1082  }
0x22: {  	[simem:s7], [sflag:s8] =	dma.local @!p0 [hbm:s6], $0xF7A  }
0x23: {  	s9 =	sor.u32 $0xD0000000, s2;
	s6 =	simm.s32 $0x108;
	_ =	swait.ge @!p0 [sflag:s8], $0x0  }
0x24: {  	s3 =	sadd.s32 $0x88, s3;
	s6 =	simm.s32 @!p1 $0x1082;
	[sflag:s4] =	ssyncset.s32 $0xFFFFF086  }
0x25: {  	[simem:s6], [sflag:s4] =	dma.local [hbm:s3], $0xF7A  }
0x26: {  	[smem:$0x3F8D] =	sst s1;
	(tag) =	ssettag s2;
	_ =	strace s9  }
0x27: {  	s1 =	sld [smem:$0x3F9D]  }
0x28: {  	s2 =	sld [smem:$0x3F9E]  }
0x29: {  	s4 =	sld [smem:$0x3FA0]  }
0x2a: {  	p0 =	seq.s32 s5, $0x0;
	s5 =	sld [smem:$0x3FA1]  }
0x2b: {  	s6 =	sld [smem:$0x3FA2]  }
0x2c: {  	s7 =	sld [smem:$0x3FA3]  }
0x2d: {  	s3 =	simm.s32 $0x108;
	s8 =	sld [smem:$0x3FA4]  }
0x2e: {  	s3 =	simm.s32 @!p0 $0x1082;
	s9 =	sld [smem:$0x3FA5]  }
0x2f: {  	lr =	sadd.s32 s0, s3;
	s0 =	sld [smem:$0x3F9C]  }
0x30: {  	s3 =	sld [smem:$0x3F9F]  }
0x31: {  	[smem:$0x3FA8] =	sst s10  }
0x32: {  	s10 =	sld [smem:$0x3FA6];
	_ =	sdelay $0x3  }
0x33: {  	p0 =	seq.s32 s10, $0x1;
	s10 =	sld [smem:$0x3FA8];
	_ =	sdelay $0x3  }
0x34: {  	[smem:$0x3FA8] =	sst s10  }
0x35: {  	s10 =	sld [smem:$0x3FA7];
	_ =	sdelay $0x3  }
0x36: {  	p1 =	seq.s32 s10, $0x1;
	s10 =	sld [smem:$0x3FA8];
	_ =	sdelay $0x3  }
0x37: {  	[smem:$0x3FA8] =	sst s10  }
0x38: {  	s10 =	sld [smem:$0x3FA9]  }
0x39: {  	_ = 	snop;
	(pc) =	sbr.ind lr, $3  }
0x3a: {  	_ = 	snop  }
0x3b: {  	_ = 	snop  }
0x3c: {  	p2 =	seq.s32 s10, $0x1;
	s10 =	sld [smem:$0x3FA8]  }
0x3d: {  	_ =	shalt  }
0x3e: {  	_ =	shalt  }
0x3f: {  	_ =	shalt  }
0x40: {  	_ =	shalt  }
0x41: {  	_ =	shalt  }
0x42: {  	_ =	shalt  }
0x43: {  	_ =	shalt  }
0x44: {  	_ =	shalt  }
0x45: {  	_ =	shalt  }
0x46: {  	_ =	shalt  }
0x47: {  	_ =	shalt  }
0x48: {  	_ =	shalt  }
0x49: {  	_ =	shalt  }
0x4a: {  	_ =	shalt  }
0x4b: {  	_ =	shalt  }
0x4c: {  	_ =	shalt  }
0x4d: {  	_ =	shalt  }
0x4e: {  	_ =	shalt  }
0x4f: {  	_ =	shalt  }
0x50: {  	_ =	shalt  }
0x51: {  	_ =	shalt  }
0x52: {  	_ =	shalt  }
0x53: {  	_ =	shalt  }
0x54: {  	_ =	shalt  }
0x55: {  	_ =	shalt  }
0x56: {  	_ =	shalt  }
0x57: {  	_ =	shalt  }
0x58: {  	_ =	shalt  }
0x59: {  	_ =	shalt  }
0x5a: {  	_ =	shalt  }
0x5b: {  	_ =	shalt  }
0x5c: {  	_ =	shalt  }
0x5d: {  	_ =	shalt  }
0x5e: {  	_ =	shalt  }
0x5f: {  	_ =	shalt  }
0x60: {  	_ =	shalt  }
0x61: {  	_ =	shalt  }
0x62: {  	_ =	shalt  }
0x63: {  	_ =	shalt  }
0x64: {  	_ =	shalt  }
0x65: {  	_ =	shalt  }
0x66: {  	_ =	shalt  }
0x67: {  	_ =	shalt  }
0x68: {  	_ =	shalt  }
0x69: {  	_ =	shalt  }
0x6a: {  	_ =	shalt  }
0x6b: {  	_ =	shalt  }
0x6c: {  	_ =	shalt  }
0x6d: {  	_ =	shalt  }
0x6e: {  	_ =	shalt  }
0x6f: {  	_ =	shalt  }
0x70: {  	_ =	shalt  }
0x71: {  	_ =	shalt  }
0x72: {  	_ =	shalt  }
0x73: {  	_ =	shalt  }
0x74: {  	_ =	shalt  }
0x75: {  	_ =	shalt  }
0x76: {  	_ =	shalt  }
0x77: {  	_ =	shalt  }
0x78: {  	_ =	shalt  }
0x79: {  	_ =	shalt  }
0x7a: {  	_ =	shalt  }
0x7b: {  	_ =	shalt  }
0x7c: {  	_ =	shalt  }
0x7d: {  	_ =	shalt  }
0x7e: {  	_ =	shalt  }
0x7f: {  	_ =	shalt  }
0x80: {  	_ =	shalt  }
0x81: {  	_ =	shalt  }
0x82: {  	_ =	shalt  }
0x83: {  	_ =	shalt  }
0x84: {  	_ =	shalt  }
0x85: {  	_ =	shalt  }
0x86: {  	_ =	shalt  }
0x87: {  	_ =	shalt  }
.Lfunc_end0:
.L_simem_size_0:
called_computation_lowered:
.L_overlay_start_0:
0x88: {  	s2 =	sld [smem:$0x3FD9]  }
0x89: {  	s3 =	sld [smem:$0x3FFE];
	_ =	sdelay $0x1  }
0x8a: {  	s1 =	srdreg.scid  }
0x8b: {  	s0 =	sand.u32 $0x1, s1  }
0x8c: {  	s14 =	sshll.u32 s0, $0xA;
	s2 =	sadd.s32 s3, s2  }
0x8d: {  	s2 =	sadd.s32 s2, s14  }
0x8e: {  	[smem:$0x3FB4] =	sst s2  }
0x8f: {  	_ = 	snop  }
0x90: {  	s2 =	sld [smem:$0x3FD0];
	_ =	sdelay $0x2  }
0x91: {  	s15 =	simm.s32 $0xA;
	s4 =	simm.s32 $0x10  }
0x92: {  	[smem:s4], [sflag:s15] =	dma.local [hbm:s2], $0x1  }
0x93: {  	_ =	swait.eq [sflag:s15], $0x1  }
0x94: {  	[sflag:s15] =	ssyncset.done $0x0  }
0x95: {  	s16 =	sld [smem:$0x10];
	[sflag:s15] =	ssyncadd.s32 $0xFFFFFFFF  }
0x96: {  	s17 =	sld [smem:$0x11];
	(tm) =	ssettm $0x1  }
0x97: {  	s18 =	sld [smem:$0x3FFB];
	_ =	sdelay $0x3  }
0x98: {  	_ =	strace s18  }
0x99: {  	s4 =	sld [smem:$0x3FFC];
	_ =	sdelay $0x3  }
0x9a: {  	_ =	strace s4  }
0x9b: {  	s4 =	sld [smem:$0x3FFD];
	_ =	sdelay $0x3  }
0x9c: {  	_ =	strace s4  }
0x9d: {  	_ =	strace $0x8FFFFFFF  }
0x9e: {  	s19 =	sld [smem:$0x3FDB];
	_ =	sdelay $0x1  }
0x9f: {  	s5 =	simm.s32 $_scs_section_size  }
0xa0: {  	s6 =	simm.s32 $_size__tile_overlayer_lowered;
	s7 =	simm.s32 $_tile_overlayer_lowered  }
0xa1: {  	s22 =	simm.s32 $0x1BFF;
	s21 =	sshll.u32 s7, $0x1;
	s4 =	sadd.s32 s5, s19  }
0xa2: {  	s8 =	simm.s32 $0x0;
	s20 =	sshll.u32 s6, $0x1;
	s6 =	sadd.s32 s21, s4  }
0xa3: {  	[timem:s8], [sflag:s22] =	dma.local [hbm:s6], s20  }
0xa4: {  	_ =	swait.ge [sflag:s22], s20  }
0xa5: {  	s5 =	ssub.s32 $0x0, s20;
	[sflag:s22] =	ssyncset.done $0x0  }
0xa6: {  	[sflag:s22] =	ssyncadd.s32 s5;
	_ =	sdelay $0x1  }
0xa7: {  	s23 =	simm.s32 $0x1B8B  }
0xa8: {  	_ =	swait.ge [sflag:s23], $0x1  }
0xa9: {  	[sflag:s23] =	ssyncset.done $0x0  }
0xaa: {  	s25 =	simm.s32 $0x1B8E;
	s24 =	sld [smem:$0x3FFE];
	[sflag:s23] =	ssyncadd.s32 $0xFFFFFFFF  }
0xab: {  	s26 =	simm.s32 $execute0_lowered;
	[smem:$0x3FD2] =	sst s25  }
0xac: {  	s6 =	sshll.u32 s26, $0x1;
	_ =	strace $0x80000046;
	[dreg:$0x1] =	wrdreg $0xFFFFFFFF  }
0xad: {  	s28 =	simm.s32 $_size_execute0_lowered;
	s4 =	sadd.s32 s4, s6;
	[dreg:$0x0] =	wrdreg $0x0  }
0xae: {  	s6 =	sshll.u32 s28, $0x1;
	[dreg:$0x2] =	wrdreg s4  }
0xaf: {  	[dreg:$0x3] =	wrdreg s6  }
0xb0: {  	[dreg:$0x4] =	wrdreg $0xC0  }
0xb1: {  	_ =	task [dreg:s8], $0x5FFFF  }
0xb2: {  	[dreg:$0x1] =	wrdreg $0xFFFFFFFF  }
0xb3: {  	[dreg:$0x0] =	wrdreg $0x60  }
0xb4: {  	[dreg:$0x2] =	wrdreg s24  }
0xb5: {  	[dreg:$0x3] =	wrdreg s16  }
0xb6: {  	[dreg:$0x4] =	wrdreg s17  }
0xb7: {  	[dreg:$0x5] =	wrdreg $0x90000  }
0xb8: {  	[dreg:$0x6] =	wrdreg $0x9  }
0xb9: {  	_ =	task.clear_ibuf [dreg:s8], $0x7FFFF;
	_ =	strace $0x90000046  }
0xba: {  	s29 =	simm.s32 $0x9;
	_ =	strace $0x80000048  }
0xbb: {  	_ =	swait.ge [sflag:s29], $0x1  }
0xbc: {  	[sflag:s29] =	ssyncadd.s32 $0xFFFFFFFF  }
0xbd: {  	_ =	strace $0x90000048  }
0xbe: {  	_ =	sfence  }
0xbf: {  	s30 =	sld [smem:$0x0];
	_ =	sdelay $0x2  }
0xc0: {  	s31 =	sshll.u32 s1, $0xD;
	s1 =	sshrl.u32 s1, $0x2  }
0xc1: {  	s3 =	sand.u32 $0x4000, s31;
	s1 =	sadd.s32 s1, s30  }
0xc2: {  	s0 =	sor.u32 s3, s0;
	s1 =	sshll.u32 s1, $0x11  }
0xc3: {  	s0 =	sor.u32 s1, s0  }
0xc4: {  	s0 =	sadd.s32 $0x8F2B, s0  }
0xc5: {  	[sflag:s0] =	ssyncadd.remote.s32 $0x1  }
0xc6: {  	_ =	sfence.sel $0xFFFF  }
0xc7: {  	[dreg:$0x0] =	wrdreg $0xFFFFFFFF;
	(pc) =	sbr.abs _section_cstart, $3  }
0xc8: {  	[dreg:$0x1] =	wrdreg $0xFFFFFFFF  }
0xc9: {  	_ =	task.clear_ibuf [dreg:s8], $0x2FFFF;
	_ =	strace $0x9FFFFFFF  }
0xca: {  	(tm) =	ssettm $0x7FFFFFFF  }
0xcb: {  	_ =	shalt  }
tec
execute0_lowered:
.L_overlay_start_1:
0x0: {  	(tag) =	ssettag $0x1  }
0x1: {  	s6 =	rddreg [dreg:$0x0]  }
0x2: {  	s8 =	rddreg [dreg:$0x1]  }
0x3: {  	s9 =	rddreg [dreg:$0x2]  }
0x4: {  	s0 =	srdreg.scid;
	s2 =	rddreg [dreg:$0x3];
	s3 =	simm.s32 $0x0  }
0x5: {  	s15 =	simm.s32 $0x3;
	s16 =	simm.s32 $0x1400;
	s17 =	simm.s32 $0x2800  }
0x6: {  	s18 =	simm.s32 $0x3C00;
	s19 =	simm.s32 $0x5000;
	s22 =	simm.s32 $0x80  }
0x7: {  	s23 =	simm.s32 $0x1;
	s24 =	simm.s32 $0x2;
	s25 =	simm.s32 $0x1480  }
0x8: {  	s28 =	simm.s32 $0x3C80;
	s7 =	sand.u32 $0x1, s0;
	s0 =	stileid.u32  }
0x9: {  	s29 =	simm.s32 $0x0;
	[smem:$0x7FF] =	sst s3;
	s5 =	smul.u32 $0x140, s0  }
0xa: {  	s4 =	sadd.s32 $0xFE00, s6;
	s1 =	sshll.u32 s7, $0x4;
	s11 =	smul.u32 $0x1400, s7  }
0xb: {  	_ =	strace $0x80000047;
	s7 =	ssub.s32 $0x2, s7;
	s30 =	smul.u32 $0x28000, s0  }
0xc: {  	s20 =	sshll.u32 s0, $0x6;
	s1 =	sor.u32 s0, s1;
	s26 =	sshrl.u32 s7, $0x1  }
0xd: {  	s20 =	sor.u32 $0x1C03, s20;
	s10 =	smul.u32 $0x280, s1;
	s11 =	sadd.s32 s5, s11  }
0xe: {  	s5 =	sadd.s32 $0x10600, s6;
	s14 =	ssub.s32 s7, s26;
	s31 =	sshrl.u32 s30, $0x2  }
0xf: {  	s26 =	simm.s32 $0x2880;
	s11 =	sshll.u32 s11, $0x4;
	s21 =	sadd.s32 s31, s2  }
0x10: {  	s14 =	smax.u32 s14, $0x1;
	s12 =	sadd.s32 s10, s6;
	s13 =	sadd.s32 s11, s6  }
0x11: {  	s7 =	sadd.s32 s8, s10;
	s9 =	sadd.s32 s9, s10;
	s21 =	sshrl.u32 s21, $0x3  }
0x12: {  	s6 =	sadd.s32 $0xAE00, s12;
	s8 =	sadd.s32 $0x5E00, s12;
	s10 =	sadd.s32 $0x11A00, s13  }
0x13: {  	s11 =	sadd.s32 $0x39A00, s13;
	s12 =	sadd.s32 $0x61A00, s13;
	s13 =	sadd.s32 $0x89A00, s13  }
.LBB2_1:
0x14: {  	[tilespmem:s3], [sflag:$0x3] =	stream.linear.gather [hbm4b:s6+s3], $0x1400, $0x38;
	[tilespmem:$0x13000] =	vst v63  }
0x15: {  	_ =	swait.ge [sflag:s15], $0x1400  }
0x16: {  	[sflag:s15] =	ssyncset.done $0x0  }
0x17: {  	[sflag:s15] =	ssyncadd.s32 $0xFFFFEC00  }
0x18: {  	[tilespmem:s16], [sflag:$0x3] =	stream.linear.gather [hbm4b:s7+s3], $0x1400, $0x38;
	[tilespmem:$0x13000] =	vst v63  }
0x19: {  	_ =	swait.ge [sflag:s15], $0x1400  }
0x1a: {  	[sflag:s15] =	ssyncset.done $0x0  }
0x1b: {  	[sflag:s15] =	ssyncadd.s32 $0xFFFFEC00  }
0x1c: {  	[tilespmem:s17], [sflag:$0x3] =	stream.linear.gather [hbm4b:s8+s3], $0x1400, $0x38;
	[tilespmem:$0x13000] =	vst v63  }
0x1d: {  	_ =	swait.ge [sflag:s15], $0x1400  }
0x1e: {  	[sflag:s15] =	ssyncset.done $0x0  }
0x1f: {  	[sflag:s15] =	ssyncadd.s32 $0xFFFFEC00  }
0x20: {  	[tilespmem:s18], [sflag:$0x3] =	stream.linear.gather [hbm4b:s9+s3], $0x1400, $0x38;
	[tilespmem:$0x13000] =	vst v63  }
0x21: {  	_ =	swait.ge [sflag:s15], $0x1400  }
0x22: {  	[sflag:s15] =	ssyncset.done $0x0  }
0x23: {  	[sflag:s15] =	ssyncadd.s32 $0xFFFFEC00  }
0x24: {  	[tilespmem:s19], [sflag:$0x3] =	stream.linear.gather [hbm4b:s4+s3], $0x4000, $0x38;
	[tilespmem:$0x13000] =	vst v63  }
0x25: {  	_ =	swait.ge [sflag:s15], $0x4000  }
0x26: {  	[sflag:s15] =	ssyncset.done $0x0  }
0x27: {  	[sflag:s15] =	ssyncadd.s32 $0xFFFFC000  }
0x28: {  	[spmem:s21], [sflag:s20] =	dma.local [hbm:s5], $0x1400  }
0x29: {  	_ =	swait.ge [sflag:s15], $0x1400  }
0x2a: {  	[sflag:s15] =	ssyncset.done $0x0  }
0x2b: {  	[sflag:s15] =	ssyncadd.s32 $0xFFFFEC00  }
0x2c: {  	[bflag:$0x0] =	sbarrier.arrive $0xFFFF  }
0x2d: {  	[spmem:s2] =	stream.indirect.scatter.add.f32 [tilespmem:s19], [sflag:$0x1], $0x80, s3, s22, $0xb8;
	[tilespmem:$0x13000] =	vst v63  }
0x2e: {  	_ = 	snop  }
0x2f: {  	[spmem:s2] =	stream.indirect.scatter.add.f32 [tilespmem:s19], [sflag:$0x2], $0x80, s22, s22, $0xb8;
	[tilespmem:$0x13000] =	vst v63  }
0x30: {  	_ =	swait.ge [sflag:s23], $0x4000  }
0x31: {  	[sflag:s23] =	ssyncset.done $0x0  }
0x32: {  	s30 =	simm.s32 $0x100;
	[sflag:s23] =	ssyncadd.s32 $0xFFFFC000  }
0x33: {  	[spmem:s2] =	stream.indirect.scatter.add.f32 [tilespmem:s19], [sflag:$0x1], $0x80, s30, s22, $0xb8;
	[tilespmem:$0x13000] =	vst v63  }
0x34: {  	_ =	swait.ge [sflag:s24], $0x4000  }
0x35: {  	[sflag:s24] =	ssyncset.done $0x0  }
0x36: {  	s31 =	simm.s32 $0x180;
	s30 =	simm.s32 $0xFFFFB800;
	[sflag:s24] =	ssyncadd.s32 $0xFFFFC000  }
.LBB2_2:
0x37: {  	[spmem:s2] =	stream.indirect.scatter.add.f32 [tilespmem:s19], [sflag:$0x2], $0x80, s31, s22, $0xb8;
	[tilespmem:$0x13000] =	vst v63  }
0x38: {  	s31 =	smov.u32 s30  }
0x39: {  	p0 =	sne.s32 s30, $0xFFFFFC00;
	s30 =	sadd.s32 $0x400, s30;
	_ =	swait.ge [sflag:s23], $0x4000  }
0x3a: {  	s31 =	sshra.s32 s31, $0x2;
	[sflag:s23] =	ssyncset.done $0x0  }
.Ltmp0:
0x3b: {  	s1 =	sadd.s32 $0x1400, s31;
	[sflag:s23] =	ssyncadd.s32 $0xFFFFC000;
	(pc) =	sbr.rel @p0 .LBB2_2-.Ltmp0, $4  }
0x3c: {  	[spmem:s2] =	stream.indirect.scatter.add.f32 [tilespmem:s19], [sflag:$0x1], $0x80, s1, s22, $0xb8;
	[tilespmem:$0x13000] =	vst v63  }
0x3d: {  	_ =	swait.ge [sflag:s24], $0x4000  }
0x3e: {  	[sflag:s24] =	ssyncset.done $0x0  }
0x3f: {  	s31 =	sadd.s32 $0x1480, s31;
	[sflag:s24] =	ssyncadd.s32 $0xFFFFC000  }
0x40: {  	[spmem:s2] =	stream.indirect.scatter.add.f32 [tilespmem:s19], [sflag:$0x2], $0x80, s31, s22, $0xb8;
	[tilespmem:$0x13000] =	vst v63  }
0x41: {  	_ =	swait.ge [sflag:s23], $0x4000  }
0x42: {  	[sflag:s23] =	ssyncset.done $0x0  }
0x43: {  	[sflag:s23] =	ssyncadd.s32 $0xFFFFC000  }
0x44: {  	_ =	swait.ge [sflag:s24], $0x4000  }
0x45: {  	[sflag:s24] =	ssyncset.done $0x0  }
0x46: {  	[sflag:s24] =	ssyncadd.s32 $0xFFFFC000  }
0x47: {  	[bflag:$0x0] =	sbarrier.arrive $0xFFFF  }
0x48: {  	[hbm:s10], [sflag:s20] =	dma.local [spmem:s21], $0x1400  }
0x49: {  	_ =	swait.ge [sflag:s15], $0x1400  }
0x4a: {  	[sflag:s15] =	ssyncset.done $0x0  }
0x4b: {  	[sflag:s15] =	ssyncadd.s32 $0xFFFFEC00  }
0x4c: {  	[bflag:$0x0] =	sbarrier.arrive $0xFFFF  }
0x4d: {  	[spmem:s21], [sflag:s20] =	dma.local [hbm:s5], $0x1400  }
0x4e: {  	_ =	swait.ge [sflag:s15], $0x1400  }
0x4f: {  	[sflag:s15] =	ssyncset.done $0x0  }
0x50: {  	[sflag:s15] =	ssyncadd.s32 $0xFFFFEC00  }
0x51: {  	[bflag:$0x0] =	sbarrier.arrive $0xFFFF  }
0x52: {  	[spmem:s2] =	stream.indirect.scatter.add.f32 [tilespmem:s19], [sflag:$0x1], $0x80, s16, s22, $0xb8;
	[tilespmem:$0x13000] =	vst v63  }
0x53: {  	_ = 	snop  }
0x54: {  	[spmem:s2] =	stream.indirect.scatter.add.f32 [tilespmem:s19], [sflag:$0x2], $0x80, s25, s22, $0xb8;
	[tilespmem:$0x13000] =	vst v63  }
0x55: {  	_ =	swait.ge [sflag:s23], $0x4000  }
0x56: {  	[sflag:s23] =	ssyncset.done $0x0  }
0x57: {  	s1 =	simm.s32 $0x1500;
	[sflag:s23] =	ssyncadd.s32 $0xFFFFC000  }
0x58: {  	[spmem:s2] =	stream.indirect.scatter.add.f32 [tilespmem:s19], [sflag:$0x1], $0x80, s1, s22, $0xb8;
	[tilespmem:$0x13000] =	vst v63  }
0x59: {  	_ =	swait.ge [sflag:s24], $0x4000  }
0x5a: {  	[sflag:s24] =	ssyncset.done $0x0  }
0x5b: {  	s30 =	simm.s32 $0xFFFFB800;
	s31 =	simm.s32 $0x1580;
	[sflag:s24] =	ssyncadd.s32 $0xFFFFC000  }
.LBB2_4:
0x5c: {  	[spmem:s2] =	stream.indirect.scatter.add.f32 [tilespmem:s19], [sflag:$0x2], $0x80, s31, s22, $0xb8;
	[tilespmem:$0x13000] =	vst v63  }
0x5d: {  	s1 =	smov.u32 s30  }
0x5e: {  	p0 =	sne.s32 s30, $0xFFFFFC00;
	s30 =	sadd.s32 $0x400, s30;
	_ =	swait.ge [sflag:s23], $0x4000  }
0x5f: {  	s1 =	sshra.s32 s1, $0x2;
	[sflag:s23] =	ssyncset.done $0x0  }
.Ltmp1:
0x60: {  	s31 =	sadd.s32 $0x2800, s1;
	[sflag:s23] =	ssyncadd.s32 $0xFFFFC000;
	(pc) =	sbr.rel @p0 .LBB2_4-.Ltmp1, $4  }
0x61: {  	[spmem:s2] =	stream.indirect.scatter.add.f32 [tilespmem:s19], [sflag:$0x1], $0x80, s31, s22, $0xb8;
	[tilespmem:$0x13000] =	vst v63  }
0x62: {  	_ =	swait.ge [sflag:s24], $0x4000  }
0x63: {  	[sflag:s24] =	ssyncset.done $0x0  }
0x64: {  	s31 =	sadd.s32 $0x2880, s1;
	[sflag:s24] =	ssyncadd.s32 $0xFFFFC000  }
0x65: {  	[spmem:s2] =	stream.indirect.scatter.add.f32 [tilespmem:s19], [sflag:$0x2], $0x80, s31, s22, $0xb8;
	[tilespmem:$0x13000] =	vst v63  }
0x66: {  	_ =	swait.ge [sflag:s23], $0x4000  }
0x67: {  	[sflag:s23] =	ssyncset.done $0x0  }
0x68: {  	[sflag:s23] =	ssyncadd.s32 $0xFFFFC000  }
0x69: {  	_ =	swait.ge [sflag:s24], $0x4000  }
0x6a: {  	[sflag:s24] =	ssyncset.done $0x0  }
0x6b: {  	[sflag:s24] =	ssyncadd.s32 $0xFFFFC000  }
0x6c: {  	[bflag:$0x0] =	sbarrier.arrive $0xFFFF  }
0x6d: {  	[hbm:s11], [sflag:s20] =	dma.local [spmem:s21], $0x1400  }
0x6e: {  	_ =	swait.ge [sflag:s15], $0x1400  }
0x6f: {  	[sflag:s15] =	ssyncset.done $0x0  }
0x70: {  	[sflag:s15] =	ssyncadd.s32 $0xFFFFEC00  }
0x71: {  	[bflag:$0x0] =	sbarrier.arrive $0xFFFF  }
0x72: {  	[spmem:s21], [sflag:s20] =	dma.local [hbm:s5], $0x1400  }
0x73: {  	_ =	swait.ge [sflag:s15], $0x1400  }
0x74: {  	[sflag:s15] =	ssyncset.done $0x0  }
0x75: {  	[sflag:s15] =	ssyncadd.s32 $0xFFFFEC00  }
0x76: {  	[bflag:$0x0] =	sbarrier.arrive $0xFFFF  }
0x77: {  	[spmem:s2] =	stream.indirect.scatter.add.f32 [tilespmem:s19], [sflag:$0x1], $0x80, s17, s22, $0xb8;
	[tilespmem:$0x13000] =	vst v63  }
0x78: {  	_ = 	snop  }
0x79: {  	[spmem:s2] =	stream.indirect.scatter.add.f32 [tilespmem:s19], [sflag:$0x2], $0x80, s26, s22, $0xb8;
	[tilespmem:$0x13000] =	vst v63  }
0x7a: {  	_ =	swait.ge [sflag:s23], $0x4000  }
0x7b: {  	[sflag:s23] =	ssyncset.done $0x0  }
0x7c: {  	s1 =	simm.s32 $0x2900;
	[sflag:s23] =	ssyncadd.s32 $0xFFFFC000  }
0x7d: {  	[spmem:s2] =	stream.indirect.scatter.add.f32 [tilespmem:s19], [sflag:$0x1], $0x80, s1, s22, $0xb8;
	[tilespmem:$0x13000] =	vst v63  }
0x7e: {  	_ =	swait.ge [sflag:s24], $0x4000  }
0x7f: {  	[sflag:s24] =	ssyncset.done $0x0  }
0x80: {  	s30 =	simm.s32 $0xFFFFB800;
	s31 =	simm.s32 $0x2980;
	[sflag:s24] =	ssyncadd.s32 $0xFFFFC000  }
.LBB2_6:
0x81: {  	[spmem:s2] =	stream.indirect.scatter.add.f32 [tilespmem:s19], [sflag:$0x2], $0x80, s31, s22, $0xb8;
	[tilespmem:$0x13000] =	vst v63  }
0x82: {  	s1 =	smov.u32 s30  }
0x83: {  	p0 =	sne.s32 s30, $0xFFFFFC00;
	s30 =	sadd.s32 $0x400, s30;
	_ =	swait.ge [sflag:s23], $0x4000  }
0x84: {  	s1 =	sshra.s32 s1, $0x2;
	[sflag:s23] =	ssyncset.done $0x0  }
.Ltmp2:
0x85: {  	s31 =	sadd.s32 $0x3C00, s1;
	[sflag:s23] =	ssyncadd.s32 $0xFFFFC000;
	(pc) =	sbr.rel @p0 .LBB2_6-.Ltmp2, $4  }
0x86: {  	[spmem:s2] =	stream.indirect.scatter.add.f32 [tilespmem:s19], [sflag:$0x1], $0x80, s31, s22, $0xb8;
	[tilespmem:$0x13000] =	vst v63  }
0x87: {  	_ =	swait.ge [sflag:s24], $0x4000  }
0x88: {  	[sflag:s24] =	ssyncset.done $0x0  }
0x89: {  	s31 =	sadd.s32 $0x3C80, s1;
	[sflag:s24] =	ssyncadd.s32 $0xFFFFC000  }
0x8a: {  	[spmem:s2] =	stream.indirect.scatter.add.f32 [tilespmem:s19], [sflag:$0x2], $0x80, s31, s22, $0xb8;
	[tilespmem:$0x13000] =	vst v63  }
0x8b: {  	_ =	swait.ge [sflag:s23], $0x4000  }
0x8c: {  	[sflag:s23] =	ssyncset.done $0x0  }
0x8d: {  	[sflag:s23] =	ssyncadd.s32 $0xFFFFC000  }
0x8e: {  	_ =	swait.ge [sflag:s24], $0x4000  }
0x8f: {  	[sflag:s24] =	ssyncset.done $0x0  }
0x90: {  	[sflag:s24] =	ssyncadd.s32 $0xFFFFC000  }
0x91: {  	[bflag:$0x0] =	sbarrier.arrive $0xFFFF  }
0x92: {  	[hbm:s12], [sflag:s20] =	dma.local [spmem:s21], $0x1400  }
0x93: {  	_ =	swait.ge [sflag:s15], $0x1400  }
0x94: {  	[sflag:s15] =	ssyncset.done $0x0  }
0x95: {  	[sflag:s15] =	ssyncadd.s32 $0xFFFFEC00  }
0x96: {  	[bflag:$0x0] =	sbarrier.arrive $0xFFFF  }
0x97: {  	[spmem:s21], [sflag:s20] =	dma.local [hbm:s5], $0x1400  }
0x98: {  	_ =	swait.ge [sflag:s15], $0x1400  }
0x99: {  	[sflag:s15] =	ssyncset.done $0x0  }
0x9a: {  	[sflag:s15] =	ssyncadd.s32 $0xFFFFEC00  }
0x9b: {  	[bflag:$0x0] =	sbarrier.arrive $0xFFFF  }
0x9c: {  	[spmem:s2] =	stream.indirect.scatter.add.f32 [tilespmem:s19], [sflag:$0x1], $0x80, s18, s22, $0xb8;
	[tilespmem:$0x13000] =	vst v63  }
0x9d: {  	_ = 	snop  }
0x9e: {  	[spmem:s2] =	stream.indirect.scatter.add.f32 [tilespmem:s19], [sflag:$0x2], $0x80, s28, s22, $0xb8;
	[tilespmem:$0x13000] =	vst v63  }
0x9f: {  	_ =	swait.ge [sflag:s23], $0x4000  }
0xa0: {  	[sflag:s23] =	ssyncset.done $0x0  }
0xa1: {  	s1 =	simm.s32 $0x3D00;
	[sflag:s23] =	ssyncadd.s32 $0xFFFFC000  }
0xa2: {  	[spmem:s2] =	stream.indirect.scatter.add.f32 [tilespmem:s19], [sflag:$0x1], $0x80, s1, s22, $0xb8;
	[tilespmem:$0x13000] =	vst v63  }
0xa3: {  	_ =	swait.ge [sflag:s24], $0x4000  }
0xa4: {  	[sflag:s24] =	ssyncset.done $0x0  }
0xa5: {  	s30 =	simm.s32 $0xFFFFB800;
	s31 =	simm.s32 $0x3D80;
	[sflag:s24] =	ssyncadd.s32 $0xFFFFC000  }
.LBB2_8:
0xa6: {  	[spmem:s2] =	stream.indirect.scatter.add.f32 [tilespmem:s19], [sflag:$0x2], $0x80, s31, s22, $0xb8;
	[tilespmem:$0x13000] =	vst v63  }
0xa7: {  	s1 =	smov.u32 s30  }
0xa8: {  	p0 =	sne.s32 s30, $0xFFFFFC00;
	s30 =	sadd.s32 $0x400, s30;
	_ =	swait.ge [sflag:s23], $0x4000  }
0xa9: {  	s1 =	sshra.s32 s1, $0x2;
	[sflag:s23] =	ssyncset.done $0x0  }
.Ltmp3:
0xaa: {  	s31 =	sadd.s32 $0x5000, s1;
	[sflag:s23] =	ssyncadd.s32 $0xFFFFC000;
	(pc) =	sbr.rel @p0 .LBB2_8-.Ltmp3, $4  }
0xab: {  	[spmem:s2] =	stream.indirect.scatter.add.f32 [tilespmem:s19], [sflag:$0x1], $0x80, s31, s22, $0xb8;
	[tilespmem:$0x13000] =	vst v63  }
0xac: {  	_ =	swait.ge [sflag:s24], $0x4000  }
0xad: {  	[sflag:s24] =	ssyncset.done $0x0  }
0xae: {  	s31 =	sadd.s32 $0x5080, s1;
	[sflag:s24] =	ssyncadd.s32 $0xFFFFC000  }
0xaf: {  	[spmem:s2] =	stream.indirect.scatter.add.f32 [tilespmem:s19], [sflag:$0x2], $0x80, s31, s22, $0xb8;
	[tilespmem:$0x13000] =	vst v63  }
0xb0: {  	_ =	swait.ge [sflag:s23], $0x4000  }
0xb1: {  	[sflag:s23] =	ssyncset.done $0x0  }
0xb2: {  	[sflag:s23] =	ssyncadd.s32 $0xFFFFC000  }
0xb3: {  	_ =	swait.ge [sflag:s24], $0x4000  }
0xb4: {  	[sflag:s24] =	ssyncset.done $0x0  }
0xb5: {  	s29 =	sadd.s32 $0x1, s29;
	[sflag:s24] =	ssyncadd.s32 $0xFFFFC000  }
0xb6: {  	p0 =	sne.s32 s29, s14;
	[bflag:$0x0] =	sbarrier.arrive $0xFFFF  }
0xb7: {  	[hbm:s13], [sflag:s20] =	dma.local [spmem:s21], $0x1400  }
.Ltmp4:
0xb8: {  	_ =	swait.ge [sflag:s15], $0x1400;
	(pc) =	sbr.rel @p0 .LBB2_1-.Ltmp4, $3  }
0xb9: {  	[sflag:s15] =	ssyncset.done $0x0  }
0xba: {  	[sflag:s15] =	ssyncadd.s32 $0xFFFFEC00  }
0xbb: {  	[bflag:$0x0] =	sbarrier.arrive $0xFFFF;
	_ =	sdelay $0x1  }
0xbc: {  	_ =	sfence.sel $0x180000  }
0xbd: {  	[bflag:$0x0] =	sbarrier.arrive $0xFFFF  }
0xbe: {  	_ =	strace $0x90000047  }
0xbf: {  	[bflag:$0x2] =	sbarrier.arrive $0xFFFF  }
0xc0: {  	p0 =	sne.s32 s0, $0x0;
	s0 =	rddreg [dreg:$0x4]  }
0xc1: {  	s0 =	sadd.s32 @!p0 $0x100000, s0  }
0xc2: {  	[sflag:s0] =	ssyncadd.tile.s32 @!p0 $0x1;
	_ =	shalt  }
.Lfunc_end2:
_tile_overlayer_lowered:
.L_overlay_start_2:
0xc3: {  	(tag) =	ssettag $0x2  }
0xc4: {  	s0 =	rddreg [dreg:$0x0];
	s2 =	stileid.u32  }
0xc5: {  	s1 =	rddreg [dreg:$0x1];
	p0 =	sne.s32 s2, $0x0  }
0xc6: {  	s3 =	rddreg [dreg:$0x2];
	[bflag:$0x3] =	sbarrier.arrive $0xFFFF;
	s2 =	simm.s32 @!p0 $0x1C03  }
0xc7: {  	[timem:s3], [sflag:s2] =	dma.local @!p0 [hbm:s0], s1  }
0xc8: {  	s0 =	simm.s32 @!p0 $0x3  }
0xc9: {  	_ =	swait.ge @!p0 [sflag:s0], s1  }
0xca: {  	s1 =	ssub.s32 @!p0 $0x0, s1;
	[sflag:s0] =	ssyncset.done @!p0 $0x0  }
0xcb: {  	[sflag:s0] =	ssyncadd.s32 @!p0 s1  }
0xcc: {  	[bflag:$0x3] =	sbarrier.arrive $0xFFFF  }
0xcd: {  	_ =	shalt  }

</sc_bundles>
